<compile_context>
chip_gen: v7x
topology: tpu7x:2x2x1
jax: 0.10.2.dev20260603
libtpu: 0.0.44.dev20260713+nightly
codegen_flags: <defaults>
</compile_context>

<pallas_src>
import functools

import jax
import jax.numpy as jnp
from jax import lax
from jax.experimental import pallas as pl
from jax.experimental.pallas import tpu as pltpu
from jax.experimental.pallas import tpu_sc as plsc

D = 2048
KSEL = 256
B = 8
NPIX = B * 32 * 32
SIGMA = 0.1
A = 128
G = 16
LANES = 16
NW = 32
RPW = NPIX // NW
RB = 16
NBLK = RPW // RB


def _select_body(mu_ref, noise_ref, extra_ref, et_ref, topk_ref, scale_ref):
    z = mu_ref[...] + SIGMA * (noise_ref[...] + 0.25 * extra_ref[...])
    gate = jnp.clip(z + 0.5, 0.0, 1.0)
    bits = lax.bitcast_convert_type(gate, jnp.int32)
    bits = jnp.where(bits < 0, 0, bits)

    def bs_step(i, lo):
        cand = lo | (1 << (30 - i))
        cnt = jnp.sum((bits >= cand).astype(jnp.int32))
        return jnp.where(cnt >= KSEL, cand, lo)

    thresh = lax.fori_loop(0, 31, bs_step, jnp.int32(0))
    maskf = (bits >= thresh).astype(jnp.float32)

    ia = lax.broadcasted_iota(jnp.int32, (A, A), 0)
    ja = lax.broadcasted_iota(jnp.int32, (A, A), 1)
    lower = (ja <= ia).astype(jnp.float32)
    colcs = jnp.dot(lower, maskf, preferred_element_type=jnp.float32)
    coltot = colcs[A - 1:A, :]
    ig = lax.broadcasted_iota(jnp.int32, (G, G), 0)
    jg = lax.broadcasted_iota(jnp.int32, (G, G), 1)
    strict = (ig < jg).astype(jnp.float32)
    prefix = jnp.dot(coltot, strict, preferred_element_type=jnp.float32)
    ranks = (colcs + prefix) * maskf

    jlane = lax.broadcasted_iota(jnp.int32, (A, KSEL), 1).astype(jnp.float32)
    arow = lax.broadcasted_iota(jnp.int32, (A, KSEL), 0).astype(jnp.float32)
    topk_acc = jnp.zeros((1, KSEL), jnp.float32)
    scale_acc = jnp.zeros((1, KSEL), jnp.float32)
    for g in range(G):
        rank_col = jnp.broadcast_to(ranks[:, g:g + 1], (A, KSEL))
        gate_col = jnp.broadcast_to(gate[:, g:g + 1], (A, KSEL))
        hit = rank_col == jlane + 1.0
        et_ref[pl.ds(g * A, A), :] = jnp.where(
            hit, gate_col, 0.0).astype(jnp.bfloat16)
        topk_acc += jnp.sum(
            jnp.where(hit, arow + float(g * A), 0.0), axis=0, keepdims=True)
        scale_acc += jnp.sum(
            jnp.where(hit, gate_col, 0.0), axis=0, keepdims=True)
    topk_ref[...] = topk_acc.astype(jnp.int32)
    scale_ref[...] = scale_acc


def _select(mu, noise, extra):
    grid = lambda a: a.reshape(G, A).T
    return pl.pallas_call(
        _select_body,
        out_shape=(
            jax.ShapeDtypeStruct((D, KSEL), jnp.bfloat16),
            jax.ShapeDtypeStruct((1, KSEL), jnp.int32),
            jax.ShapeDtypeStruct((1, KSEL), jnp.float32),
        ),
    )(grid(mu), grid(noise), grid(extra))


def _sc_lane_gather(x2, topk1d, scale1d):
    mesh = plsc.VectorSubcoreMesh(core_axis_name="c", subcore_axis_name="s")

    @functools.partial(
        pl.kernel,
        out_type=jax.ShapeDtypeStruct((NPIX, KSEL), jnp.float32),
        mesh=mesh,
        compiler_params=pltpu.CompilerParams(needs_layout_passes=False),
        scratch_types=[
            pltpu.VMEM((KSEL,), jnp.int32),
            pltpu.VMEM((KSEL,), jnp.float32),
            pltpu.VMEM((2, RB, D), jnp.float32),
            pltpu.VMEM((2, RB, KSEL), jnp.float32),
            pltpu.SemaphoreType.DMA((2,)),
            pltpu.SemaphoreType.DMA((2,)),
        ],
    )
    def k(x_hbm, topk_hbm, scale_hbm, out_hbm, topk_v, scale_v, inb, outb,
          isem, osem):
        wid = lax.axis_index("s") * 2 + lax.axis_index("c")
        base = wid * RPW
        pltpu.sync_copy(topk_hbm, topk_v)
        pltpu.sync_copy(scale_hbm, scale_v)
        idx_regs = [topk_v[pl.ds(c * LANES, LANES)]
                    for c in range(KSEL // LANES)]
        s_regs = [scale_v[pl.ds(c * LANES, LANES)]
                  for c in range(KSEL // LANES)]

        def in_copy(g, par):
            return pltpu.make_async_copy(
                x_hbm.at[pl.ds(base + g * RB, RB)], inb.at[par], isem.at[par])

        def out_copy(g, par):
            return pltpu.make_async_copy(
                outb.at[par], out_hbm.at[pl.ds(base + g * RB, RB)],
                osem.at[par])

        in_copy(0, 0).start()

        def block(g, _):
            par = lax.rem(g, 2)
            nxt = lax.rem(g + 1, 2)

            @pl.when(g + 1 < NBLK)
            def _():
                in_copy(g + 1, nxt).start()

            in_copy(g, par).wait()

            @pl.when(g >= 2)
            def _():
                out_copy(g - 2, par).wait()

            parv = jnp.full((LANES,), par, jnp.int32)
            for r in range(RB):
                rv = jnp.full((LANES,), r, jnp.int32)
                for c in range(KSEL // LANES):
                    v = plsc.load_gather(inb, [parv, rv, idx_regs[c]])
                    outb[par, r, pl.ds(c * LANES, LANES)] = v * s_regs[c]
            out_copy(g, par).start()
            return 0

        lax.fori_loop(0, NBLK, block, 0)
        out_copy(NBLK - 2, 0).wait()
        out_copy(NBLK - 1, 1).wait()

    return k(x2, topk1d, scale1d)


def kernel(x, mu, noise, extra_noise):
    x2 = x.reshape(B, D, 32, 32).transpose(0, 2, 3, 1).reshape(NPIX, D)
    et, topk, scale = _select(mu, noise, extra_noise)
    out2 = _sc_lane_gather(x2, topk.reshape(KSEL), scale.reshape(KSEL))
    return out2.reshape(B, 32, 32, KSEL).transpose(0, 3, 1, 2)[:, None]

# --- scband reference (transcript-rebuilt; emitter-appended) ---
"""Pipeline reference for scband-feature-selector-71373766525208 (READ-ONLY COPY).

The authoritative reference and input builder live on the scoring server;
editing this copy changes nothing except your own understanding.
"""

import jax, jax.numpy as jnp
import numpy as np

INPUT_DIM = 2048
K = 256
SIGMA = 0.1


def hard_sigmoid(x):
    return jnp.clip(x + 0.5, 0.0, 1.0)


def setup_inputs(seed: int = 0) -> dict:
    key = jax.random.key(seed)
    k1, k2, k3 = jax.random.split(key, 3)
    x = jax.random.normal(k1, (8, 1, INPUT_DIM, 32, 32), dtype=jnp.float32)
    # learned parameter mu, init = 0.001 * randn(input_dim)
    mu = 0.001 * jax.random.normal(k2, (INPUT_DIM,), dtype=jnp.float32)
    # noise buffer (resampled each forward in torch via .normal_(); fixed sample here)
    noise = jax.random.normal(k3, (INPUT_DIM,), dtype=jnp.float32)
    extra_noise = jnp.zeros((INPUT_DIM,), dtype=jnp.float32)
    return {"x": x, "mu": mu, "noise": noise, "extra_noise": extra_noise}


def get_topk_stable(gate, k):
    # torch: topk -> kth value -> all indices >= kth -> (random shuffle) -> first k sorted.
    # With no ties (sigma=0.1 avoids clamp saturation) this equals the sorted top-k indices.
    values, _ = jax.lax.top_k(gate, k)
    kth_value = values[-1]
    idx = jnp.nonzero(gate >= kth_value, size=k, fill_value=0)[0]  # already sorted ascending
    return idx


def reference(x, mu, noise, extra_noise):
    discount = 1.0
    training = 1.0  # module is in training mode by default
    z = mu + discount * SIGMA * (noise + 0.25 * extra_noise) * training
    stochastic_gate = hard_sigmoid(z)
    xs = jnp.squeeze(x)  # [B, D, H, W]
    topk = get_topk_stable(stochastic_gate, K)
    xg = xs[:, topk]  # gather along band axis -> [B, K, H, W]
    xt = jnp.swapaxes(xg, 1, 3)
    xt = xt * stochastic_gate[topk]
    xt = jnp.swapaxes(xt, 1, 3)
    return xt[:, None]  # unsqueeze(1) -> [B, 1, K, H, W]

if __name__ == "__main__":
    import jax
    _d = setup_inputs()
    print(jax.jit(kernel)(*tuple(_d.values())))

</pallas_src>

<mosaic_0001>
#map = affine_map<(d0, d1) -> (0, 0)>
#map1 = affine_map<(d0, d1) -> (0)>
module attributes {stable_mosaic.version = 14 : i64} {
  func.func @k(%arg0: i32, %arg1: i32, %arg2: memref<8192x2048xf32, #tpu.memory_space<hbm>>, %arg3: memref<256xi32, #tpu.memory_space<hbm>>, %arg4: memref<256xf32, #tpu.memory_space<hbm>>, %arg5: memref<8192x256xf32, #tpu.memory_space<hbm>>, %arg6: memref<256xi32, #tpu.memory_space<vmem>>, %arg7: memref<256xf32, #tpu.memory_space<vmem>>, %arg8: memref<2x16x2048xf32, #tpu.memory_space<vmem>>, %arg9: memref<2x16x256xf32, #tpu.memory_space<vmem>>, %arg10: memref<2x!tpu.dma_semaphore, #tpu.memory_space<semaphore_mem>>, %arg11: memref<2x!tpu.dma_semaphore, #tpu.memory_space<semaphore_mem>>) attributes {dimension_semantics = [#tpu.dimension_semantics<core_parallel>, #tpu.dimension_semantics<subcore_parallel>], iteration_bounds = array<i64: 2, 16>, scalar_prefetch = 0 : i64, scratch_operands = 6 : i64, tpu.core_type = #tpu.core_type<sc_vector_subcore>, window_params = [{transform_indices = #map}, {transform_indices = #map1}, {transform_indices = #map1}, {transform_indices = #map}]} {
    %mul3A = arith.constant 2 : i32
    %mul3A_0 = arith.muli %arg1, %mul3A : i32
    %add3A = arith.addi %mul3A_0, %arg0 : i32
    %mul3A_1 = arith.constant 256 : i32
    %mul3A_2 = arith.muli %add3A, %mul3A_1 : i32
    "tpu.region"() ({
      %run_scoped3A = tpu.sem_alloc : memref<!tpu.dma_semaphore, #tpu.memory_space<semaphore_mem>>
      tpu.enqueue_dma source(%arg3 : memref<256xi32, #tpu.memory_space<hbm>>) target(%arg6 : memref<256xi32, #tpu.memory_space<vmem>>) target_semaphore(%run_scoped3A : memref<!tpu.dma_semaphore, #tpu.memory_space<semaphore_mem>>)
      tpu.wait_dma2 semaphore(%run_scoped3A : memref<!tpu.dma_semaphore, #tpu.memory_space<semaphore_mem>>) src(%arg3 : memref<256xi32, #tpu.memory_space<hbm>>) dst(%arg6 : memref<256xi32, #tpu.memory_space<vmem>>)
      tpu.yield
    }) : () -> ()
    "tpu.region"() ({
      %run_scoped3A = tpu.sem_alloc : memref<!tpu.dma_semaphore, #tpu.memory_space<semaphore_mem>>
      tpu.enqueue_dma source(%arg4 : memref<256xf32, #tpu.memory_space<hbm>>) target(%arg7 : memref<256xf32, #tpu.memory_space<vmem>>) target_semaphore(%run_scoped3A : memref<!tpu.dma_semaphore, #tpu.memory_space<semaphore_mem>>)
      tpu.wait_dma2 semaphore(%run_scoped3A : memref<!tpu.dma_semaphore, #tpu.memory_space<semaphore_mem>>) src(%arg4 : memref<256xf32, #tpu.memory_space<hbm>>) dst(%arg7 : memref<256xf32, #tpu.memory_space<vmem>>)
      tpu.yield
    }) : () -> ()
    %get3A = arith.constant 0 : index
    %get3A_3 = tpu.vector_load %arg6[%get3A] {strides = array<i32>} : memref<256xi32, #tpu.memory_space<vmem>>, vector<16xi32>,
    %get3A_4 = arith.constant 16 : index
    %get3A_5 = tpu.vector_load %arg6[%get3A_4] {strides = array<i32>} : memref<256xi32, #tpu.memory_space<vmem>>, vector<16xi32>,
    %get3A_6 = arith.constant 32 : index
    %get3A_7 = tpu.vector_load %arg6[%get3A_6] {strides = array<i32>} : memref<256xi32, #tpu.memory_space<vmem>>, vector<16xi32>,
    %get3A_8 = arith.constant 48 : index
    %get3A_9 = tpu.vector_load %arg6[%get3A_8] {strides = array<i32>} : memref<256xi32, #tpu.memory_space<vmem>>, vector<16xi32>,
    %get3A_10 = arith.constant 64 : index
    %get3A_11 = tpu.vector_load %arg6[%get3A_10] {strides = array<i32>} : memref<256xi32, #tpu.memory_space<vmem>>, vector<16xi32>,
    %get3A_12 = arith.constant 80 : index
    %get3A_13 = tpu.vector_load %arg6[%get3A_12] {strides = array<i32>} : memref<256xi32, #tpu.memory_space<vmem>>, vector<16xi32>,
    %get3A_14 = arith.constant 96 : index
    %get3A_15 = tpu.vector_load %arg6[%get3A_14] {strides = array<i32>} : memref<256xi32, #tpu.memory_space<vmem>>, vector<16xi32>,
    %get3A_16 = arith.constant 112 : index
    %get3A_17 = tpu.vector_load %arg6[%get3A_16] {strides = array<i32>} : memref<256xi32, #tpu.memory_space<vmem>>, vector<16xi32>,
    %get3A_18 = arith.constant 128 : index
    %get3A_19 = tpu.vector_load %arg6[%get3A_18] {strides = array<i32>} : memref<256xi32, #tpu.memory_space<vmem>>, vector<16xi32>,
    %get3A_20 = arith.constant 144 : index
    %get3A_21 = tpu.vector_load %arg6[%get3A_20] {strides = array<i32>} : memref<256xi32, #tpu.memory_space<vmem>>, vector<16xi32>,
    %get3A_22 = arith.constant 160 : index
    %get3A_23 = tpu.vector_load %arg6[%get3A_22] {strides = array<i32>} : memref<256xi32, #tpu.memory_space<vmem>>, vector<16xi32>,
    %get3A_24 = arith.constant 176 : index
    %get3A_25 = tpu.vector_load %arg6[%get3A_24] {strides = array<i32>} : memref<256xi32, #tpu.memory_space<vmem>>, vector<16xi32>,
    %get3A_26 = arith.constant 192 : index
    %get3A_27 = tpu.vector_load %arg6[%get3A_26] {strides = array<i32>} : memref<256xi32, #tpu.memory_space<vmem>>, vector<16xi32>,
    %get3A_28 = arith.constant 208 : index
    %get3A_29 = tpu.vector_load %arg6[%get3A_28] {strides = array<i32>} : memref<256xi32, #tpu.memory_space<vmem>>, vector<16xi32>,
    %get3A_30 = arith.constant 224 : index
    %get3A_31 = tpu.vector_load %arg6[%get3A_30] {strides = array<i32>} : memref<256xi32, #tpu.memory_space<vmem>>, vector<16xi32>,
    %get3A_32 = arith.constant 240 : index
    %get3A_33 = tpu.vector_load %arg6[%get3A_32] {strides = array<i32>} : memref<256xi32, #tpu.memory_space<vmem>>, vector<16xi32>,
    %get3A_34 = arith.constant 0 : index
    %get3A_35 = tpu.vector_load %arg7[%get3A_34] {strides = array<i32>} : memref<256xf32, #tpu.memory_space<vmem>>, vector<16xf32>,
    %get3A_36 = arith.constant 16 : index
    %get3A_37 = tpu.vector_load %arg7[%get3A_36] {strides = array<i32>} : memref<256xf32, #tpu.memory_space<vmem>>, vector<16xf32>,
    %get3A_38 = arith.constant 32 : index
    %get3A_39 = tpu.vector_load %arg7[%get3A_38] {strides = array<i32>} : memref<256xf32, #tpu.memory_space<vmem>>, vector<16xf32>,
    %get3A_40 = arith.constant 48 : index
    %get3A_41 = tpu.vector_load %arg7[%get3A_40] {strides = array<i32>} : memref<256xf32, #tpu.memory_space<vmem>>, vector<16xf32>,
    %get3A_42 = arith.constant 64 : index
    %get3A_43 = tpu.vector_load %arg7[%get3A_42] {strides = array<i32>} : memref<256xf32, #tpu.memory_space<vmem>>, vector<16xf32>,
    %get3A_44 = arith.constant 80 : index
    %get3A_45 = tpu.vector_load %arg7[%get3A_44] {strides = array<i32>} : memref<256xf32, #tpu.memory_space<vmem>>, vector<16xf32>,
    %get3A_46 = arith.constant 96 : index
    %get3A_47 = tpu.vector_load %arg7[%get3A_46] {strides = array<i32>} : memref<256xf32, #tpu.memory_space<vmem>>, vector<16xf32>,
    %get3A_48 = arith.constant 112 : index
    %get3A_49 = tpu.vector_load %arg7[%get3A_48] {strides = array<i32>} : memref<256xf32, #tpu.memory_space<vmem>>, vector<16xf32>,
    %get3A_50 = arith.constant 128 : index
    %get3A_51 = tpu.vector_load %arg7[%get3A_50] {strides = array<i32>} : memref<256xf32, #tpu.memory_space<vmem>>, vector<16xf32>,
    %get3A_52 = arith.constant 144 : index
    %get3A_53 = tpu.vector_load %arg7[%get3A_52] {strides = array<i32>} : memref<256xf32, #tpu.memory_space<vmem>>, vector<16xf32>,
    %get3A_54 = arith.constant 160 : index
    %get3A_55 = tpu.vector_load %arg7[%get3A_54] {strides = array<i32>} : memref<256xf32, #tpu.memory_space<vmem>>, vector<16xf32>,
    %get3A_56 = arith.constant 176 : index
    %get3A_57 = tpu.vector_load %arg7[%get3A_56] {strides = array<i32>} : memref<256xf32, #tpu.memory_space<vmem>>, vector<16xf32>,
    %get3A_58 = arith.constant 192 : index
    %get3A_59 = tpu.vector_load %arg7[%get3A_58] {strides = array<i32>} : memref<256xf32, #tpu.memory_space<vmem>>, vector<16xf32>,
    %get3A_60 = arith.constant 208 : index
    %get3A_61 = tpu.vector_load %arg7[%get3A_60] {strides = array<i32>} : memref<256xf32, #tpu.memory_space<vmem>>, vector<16xf32>,
    %get3A_62 = arith.constant 224 : index
    %get3A_63 = tpu.vector_load %arg7[%get3A_62] {strides = array<i32>} : memref<256xf32, #tpu.memory_space<vmem>>, vector<16xf32>,
    %get3A_64 = arith.constant 240 : index
    %get3A_65 = tpu.vector_load %arg7[%get3A_64] {strides = array<i32>} : memref<256xf32, #tpu.memory_space<vmem>>, vector<16xf32>,
    %add3A_66 = arith.constant 0 : i32
    %add3A_67 = arith.addi %mul3A_2, %add3A_66 : i32
    %dma_start3A = arith.constant 0 : i32
    %dma_start3A_68 = arith.constant 0 : i32
    %dma_start3A_69 = arith.constant 0 : i32
    %dma_start3A_70 = arith.constant 0 : i32
    %dma_start3A_71 = tpu.memref_slice %arg8[%dma_start3A, %dma_start3A_69, %dma_start3A_70] : memref<2x16x2048xf32, #tpu.memory_space<vmem>> -> memref<1x16x2048xf32, #tpu.memory_space<vmem>>
    %dma_start3A_72 = tpu.memref_squeeze %dma_start3A_71 : memref<1x16x2048xf32, #tpu.memory_space<vmem>> -> memref<16x2048xf32, #tpu.memory_space<vmem>>
    %dma_start3A_73 = arith.constant 0 : i32
    %dma_start3A_74 = tpu.memref_slice %arg2[%add3A_67, %dma_start3A_73] : memref<8192x2048xf32, #tpu.memory_space<hbm>> -> memref<16x2048xf32, #tpu.memory_space<hbm>>
    %dma_start3A_75 = tpu.memref_slice %arg10[%dma_start3A_68] : memref<2x!tpu.dma_semaphore, #tpu.memory_space<semaphore_mem>> -> memref<1x!tpu.dma_semaphore, #tpu.memory_space<semaphore_mem>>
    %dma_start3A_76 = tpu.memref_squeeze %dma_start3A_75 : memref<1x!tpu.dma_semaphore, #tpu.memory_space<semaphore_mem>> -> memref<!tpu.dma_semaphore, #tpu.memory_space<semaphore_mem>>
    %dma_start3A_77 = arith.constant 0 : i32
    %dma_start3A_78 = arith.constant 0 : i32
    %dma_start3A_79 = tpu.memref_slice %arg8[%dma_start3A, %dma_start3A_77, %dma_start3A_78] : memref<2x16x2048xf32, #tpu.memory_space<vmem>> -> memref<1x16x2048xf32, #tpu.memory_space<vmem>>
    %dma_start3A_80 = tpu.memref_squeeze %dma_start3A_79 : memref<1x16x2048xf32, #tpu.memory_space<vmem>> -> memref<16x2048xf32, #tpu.memory_space<vmem>>
    %dma_start3A_81 = arith.constant 0 : i32
    %dma_start3A_82 = tpu.memref_slice %arg2[%add3A_67, %dma_start3A_81] : memref<8192x2048xf32, #tpu.memory_space<hbm>> -> memref<16x2048xf32, #tpu.memory_space<hbm>>
    tpu.enqueue_dma source(%dma_start3A_82 : memref<16x2048xf32, #tpu.memory_space<hbm>>) target(%dma_start3A_80 : memref<16x2048xf32, #tpu.memory_space<vmem>>) target_semaphore(%dma_start3A_76 : memref<!tpu.dma_semaphore, #tpu.memory_space<semaphore_mem>>)
    %scan3A = arith.constant 0 : i32
    %scan3A_83 = arith.constant 0 : i32
    %scan3A_84 = arith.constant 16 : i32
    %scan3A_85 = arith.addi %scan3A_83, %scan3A_84 : i32
    %scan3A_86 = arith.constant 1 : i32
    %scan3A_87 = scf.for %scan3A_124 = %scan3A_83 to %scan3A_85 step %scan3A_86 iter_args(%scan3A_125 = %scan3A) -> (i32)  : i32 {
      %rem3A = arith.constant 2 : i32
      %rem3A_126 = arith.remsi %scan3A_124, %rem3A : i32
      %add3A_127 = arith.constant 1 : i32
      %add3A_128 = arith.addi %scan3A_124, %add3A_127 : i32
      %rem3A_129 = arith.constant 2 : i32
      %rem3A_130 = arith.remsi %add3A_128, %rem3A_129 : i32
      %add3A_131 = arith.constant 1 : i32
      %add3A_132 = arith.addi %scan3A_124, %add3A_131 : i32
      %lt3A = arith.constant 16 : i32
      %lt3A_133 = arith.cmpi slt, %add3A_132, %lt3A : i32
      %convert_element_type3A = arith.extui %lt3A_133 : i1 to i32
      %cond3A = arith.constant 0 : i32
      %cond3A_134 = arith.cmpi ne, %convert_element_type3A, %cond3A : i32
      scf.if %cond3A_134 {
        %add3A_1996 = arith.constant 1 : i32
        %add3A_1997 = arith.addi %scan3A_124, %add3A_1996 : i32
        %mul3A_1998 = arith.constant 16 : i32
        %mul3A_1999 = arith.muli %add3A_1997, %mul3A_1998 : i32
        %add3A_2000 = arith.addi %mul3A_2, %mul3A_1999 : i32
        %dma_start3A_2001 = arith.constant 0 : i32
        %dma_start3A_2002 = arith.constant 0 : i32
        %dma_start3A_2003 = tpu.memref_slice %arg8[%rem3A_130, %dma_start3A_2001, %dma_start3A_2002] : memref<2x16x2048xf32, #tpu.memory_space<vmem>> -> memref<1x16x2048xf32, #tpu.memory_space<vmem>>
        %dma_start3A_2004 = tpu.memref_squeeze %dma_start3A_2003 : memref<1x16x2048xf32, #tpu.memory_space<vmem>> -> memref<16x2048xf32, #tpu.memory_space<vmem>>
        %dma_start3A_2005 = arith.constant 0 : i32
        %dma_start3A_2006 = tpu.memref_slice %arg2[%add3A_2000, %dma_start3A_2005] : memref<8192x2048xf32, #tpu.memory_space<hbm>> -> memref<16x2048xf32, #tpu.memory_space<hbm>>
        %dma_start3A_2007 = tpu.memref_slice %arg10[%rem3A_130] : memref<2x!tpu.dma_semaphore, #tpu.memory_space<semaphore_mem>> -> memref<1x!tpu.dma_semaphore, #tpu.memory_space<semaphore_mem>>
        %dma_start3A_2008 = tpu.memref_squeeze %dma_start3A_2007 : memref<1x!tpu.dma_semaphore, #tpu.memory_space<semaphore_mem>> -> memref<!tpu.dma_semaphore, #tpu.memory_space<semaphore_mem>>
        %dma_start3A_2009 = arith.constant 0 : i32
        %dma_start3A_2010 = arith.constant 0 : i32
        %dma_start3A_2011 = tpu.memref_slice %arg8[%rem3A_130, %dma_start3A_2009, %dma_start3A_2010] : memref<2x16x2048xf32, #tpu.memory_space<vmem>> -> memref<1x16x2048xf32, #tpu.memory_space<vmem>>
        %dma_start3A_2012 = tpu.memref_squeeze %dma_start3A_2011 : memref<1x16x2048xf32, #tpu.memory_space<vmem>> -> memref<16x2048xf32, #tpu.memory_space<vmem>>
        %dma_start3A_2013 = arith.constant 0 : i32
        %dma_start3A_2014 = tpu.memref_slice %arg2[%add3A_2000, %dma_start3A_2013] : memref<8192x2048xf32, #tpu.memory_space<hbm>> -> memref<16x2048xf32, #tpu.memory_space<hbm>>
        tpu.enqueue_dma source(%dma_start3A_2014 : memref<16x2048xf32, #tpu.memory_space<hbm>>) target(%dma_start3A_2012 : memref<16x2048xf32, #tpu.memory_space<vmem>>) target_semaphore(%dma_start3A_2008 : memref<!tpu.dma_semaphore, #tpu.memory_space<semaphore_mem>>)
      } else {
      }
      %mul3A_135 = arith.constant 16 : i32
      %mul3A_136 = arith.muli %scan3A_124, %mul3A_135 : i32
      %add3A_137 = arith.addi %mul3A_2, %mul3A_136 : i32
      %dma_wait3A_138 = arith.constant 0 : i32
      %dma_wait3A_139 = arith.constant 0 : i32
      %dma_wait3A_140 = tpu.memref_slice %arg8[%rem3A_126, %dma_wait3A_138, %dma_wait3A_139] : memref<2x16x2048xf32, #tpu.memory_space<vmem>> -> memref<1x16x2048xf32, #tpu.memory_space<vmem>>
      %dma_wait3A_141 = tpu.memref_squeeze %dma_wait3A_140 : memref<1x16x2048xf32, #tpu.memory_space<vmem>> -> memref<16x2048xf32, #tpu.memory_space<vmem>>
      %dma_wait3A_142 = arith.constant 0 : i32
      %dma_wait3A_143 = tpu.memref_slice %arg2[%add3A_137, %dma_wait3A_142] : memref<8192x2048xf32, #tpu.memory_space<hbm>> -> memref<16x2048xf32, #tpu.memory_space<hbm>>
      %dma_wait3A_144 = tpu.memref_slice %arg10[%rem3A_126] : memref<2x!tpu.dma_semaphore, #tpu.memory_space<semaphore_mem>> -> memref<1x!tpu.dma_semaphore, #tpu.memory_space<semaphore_mem>>
      %dma_wait3A_145 = tpu.memref_squeeze %dma_wait3A_144 : memref<1x!tpu.dma_semaphore, #tpu.memory_space<semaphore_mem>> -> memref<!tpu.dma_semaphore, #tpu.memory_space<semaphore_mem>>
      %dma_wait3A_146 = arith.constant 0 : i32
      %dma_wait3A_147 = arith.constant 0 : i32
      %dma_wait3A_148 = tpu.memref_slice %arg8[%rem3A_126, %dma_wait3A_146, %dma_wait3A_147] : memref<2x16x2048xf32, #tpu.memory_space<vmem>> -> memref<1x16x2048xf32, #tpu.memory_space<vmem>>
      %dma_wait3A_149 = tpu.memref_squeeze %dma_wait3A_148 : memref<1x16x2048xf32, #tpu.memory_space<vmem>> -> memref<16x2048xf32, #tpu.memory_space<vmem>>
      %dma_wait3A_150 = arith.constant 0 : i32
      %dma_wait3A_151 = tpu.memref_slice %arg2[%add3A_137, %dma_wait3A_150] : memref<8192x2048xf32, #tpu.memory_space<hbm>> -> memref<16x2048xf32, #tpu.memory_space<hbm>>
      tpu.wait_dma2 semaphore(%dma_wait3A_145 : memref<!tpu.dma_semaphore, #tpu.memory_space<semaphore_mem>>) src(%dma_wait3A_151 : memref<16x2048xf32, #tpu.memory_space<hbm>>) dst(%dma_wait3A_149 : memref<16x2048xf32, #tpu.memory_space<vmem>>)
      %ge3A = arith.constant 2 : i32
      %ge3A_152 = arith.cmpi sge, %scan3A_124, %ge3A : i32
      %convert_element_type3A_153 = arith.extui %ge3A_152 : i1 to i32
      %cond3A_154 = arith.constant 0 : i32
      %cond3A_155 = arith.cmpi ne, %convert_element_type3A_153, %cond3A_154 : i32
      scf.if %cond3A_155 {
        %sub3A = arith.constant 2 : i32
        %sub3A_1996 = arith.subi %scan3A_124, %sub3A : i32
        %mul3A_1997 = arith.constant 16 : i32
        %mul3A_1998 = arith.muli %sub3A_1996, %mul3A_1997 : i32
        %add3A_1999 = arith.addi %mul3A_2, %mul3A_1998 : i32
        %dma_wait3A_2000 = arith.constant 0 : i32
        %dma_wait3A_2001 = arith.constant 0 : i32
        %dma_wait3A_2002 = tpu.memref_slice %arg9[%rem3A_126, %dma_wait3A_2000, %dma_wait3A_2001] : memref<2x16x256xf32, #tpu.memory_space<vmem>> -> memref<1x16x256xf32, #tpu.memory_space<vmem>>
        %dma_wait3A_2003 = tpu.memref_squeeze %dma_wait3A_2002 : memref<1x16x256xf32, #tpu.memory_space<vmem>> -> memref<16x256xf32, #tpu.memory_space<vmem>>
        %dma_wait3A_2004 = arith.constant 0 : i32
        %dma_wait3A_2005 = tpu.memref_slice %arg5[%add3A_1999, %dma_wait3A_2004] : memref<8192x256xf32, #tpu.memory_space<hbm>> -> memref<16x256xf32, #tpu.memory_space<hbm>>
        %dma_wait3A_2006 = tpu.memref_slice %arg11[%rem3A_126] : memref<2x!tpu.dma_semaphore, #tpu.memory_space<semaphore_mem>> -> memref<1x!tpu.dma_semaphore, #tpu.memory_space<semaphore_mem>>
        %dma_wait3A_2007 = tpu.memref_squeeze %dma_wait3A_2006 : memref<1x!tpu.dma_semaphore, #tpu.memory_space<semaphore_mem>> -> memref<!tpu.dma_semaphore, #tpu.memory_space<semaphore_mem>>
        %dma_wait3A_2008 = arith.constant 0 : i32
        %dma_wait3A_2009 = tpu.memref_slice %arg5[%add3A_1999, %dma_wait3A_2008] : memref<8192x256xf32, #tpu.memory_space<hbm>> -> memref<16x256xf32, #tpu.memory_space<hbm>>
        %dma_wait3A_2010 = arith.constant 0 : i32
        %dma_wait3A_2011 = arith.constant 0 : i32
        %dma_wait3A_2012 = tpu.memref_slice %arg9[%rem3A_126, %dma_wait3A_2010, %dma_wait3A_2011] : memref<2x16x256xf32, #tpu.memory_space<vmem>> -> memref<1x16x256xf32, #tpu.memory_space<vmem>>
        %dma_wait3A_2013 = tpu.memref_squeeze %dma_wait3A_2012 : memref<1x16x256xf32, #tpu.memory_space<vmem>> -> memref<16x256xf32, #tpu.memory_space<vmem>>
        tpu.wait_dma2 semaphore(%dma_wait3A_2007 : memref<!tpu.dma_semaphore, #tpu.memory_space<semaphore_mem>>) src(%dma_wait3A_2013 : memref<16x256xf32, #tpu.memory_space<vmem>>) dst(%dma_wait3A_2009 : memref<16x256xf32, #tpu.memory_space<hbm>>)
      } else {
      }
      %broadcast_in_dim3A = vector.broadcast %rem3A_126 : i32 to vector<16xi32>
      %broadcast_in_dim3A_156 = arith.constant 0 : i32
      %broadcast_in_dim3A_157 = vector.broadcast %broadcast_in_dim3A_156 : i32 to vector<16xi32>
      %gather3A = tpu.vector_load_idx %arg8[%broadcast_in_dim3A, %broadcast_in_dim3A_157, %get3A_3] : memref<2x16x2048xf32, #tpu.memory_space<vmem>>[vector<16xi32>, vector<16xi32>, vector<16xi32>], vector<16xf32>,
      %mul3A_158 = arith.mulf %gather3A, %get3A_35 : vector<16xf32>
      %swap3A = arith.constant 0 : i32
      %swap3A_159 = arith.index_cast %rem3A_126 : i32 to index
      %swap3A_160 = arith.index_cast %swap3A : i32 to index
      %swap3A_161 = arith.constant 0 : index
      %swap3A_162 = tpu.vector_load %arg9[%swap3A_159, %swap3A_160, %swap3A_161] {strides = array<i32>} : memref<2x16x256xf32, #tpu.memory_space<vmem>>, vector<16xf32>,
      tpu.vector_store %arg9[%swap3A_159, %swap3A_160, %swap3A_161], %mul3A_158 {strides = array<i32>} : memref<2x16x256xf32, #tpu.memory_space<vmem>>, vector<16xf32>,
      %gather3A_163 = tpu.vector_load_idx %arg8[%broadcast_in_dim3A, %broadcast_in_dim3A_157, %get3A_5] : memref<2x16x2048xf32, #tpu.memory_space<vmem>>[vector<16xi32>, vector<16xi32>, vector<16xi32>], vector<16xf32>,
      %mul3A_164 = arith.mulf %gather3A_163, %get3A_37 : vector<16xf32>
      %swap3A_165 = arith.constant 0 : i32
      %swap3A_166 = arith.index_cast %rem3A_126 : i32 to index
      %swap3A_167 = arith.index_cast %swap3A_165 : i32 to index
      %swap3A_168 = arith.constant 16 : index
      %swap3A_169 = tpu.vector_load %arg9[%swap3A_166, %swap3A_167, %swap3A_168] {strides = array<i32>} : memref<2x16x256xf32, #tpu.memory_space<vmem>>, vector<16xf32>,
      tpu.vector_store %arg9[%swap3A_166, %swap3A_167, %swap3A_168], %mul3A_164 {strides = array<i32>} : memref<2x16x256xf32, #tpu.memory_space<vmem>>, vector<16xf32>,
      %gather3A_170 = tpu.vector_load_idx %arg8[%broadcast_in_dim3A, %broadcast_in_dim3A_157, %get3A_7] : memref<2x16x2048xf32, #tpu.memory_space<vmem>>[vector<16xi32>, vector<16xi32>, vector<16xi32>], vector<16xf32>,
      %mul3A_171 = arith.mulf %gather3A_170, %get3A_39 : vector<16xf32>
      %swap3A_172 = arith.constant 0 : i32
      %swap3A_173 = arith.index_cast %rem3A_126 : i32 to index
      %swap3A_174 = arith.index_cast %swap3A_172 : i32 to index
      %swap3A_175 = arith.constant 32 : index
      %swap3A_176 = tpu.vector_load %arg9[%swap3A_173, %swap3A_174, %swap3A_175] {strides = array<i32>} : memref<2x16x256xf32, #tpu.memory_space<vmem>>, vector<16xf32>,
      tpu.vector_store %arg9[%swap3A_173, %swap3A_174, %swap3A_175], %mul3A_171 {strides = array<i32>} : memref<2x16x256xf32, #tpu.memory_space<vmem>>, vector<16xf32>,
      %gather3A_177 = tpu.vector_load_idx %arg8[%broadcast_in_dim3A, %broadcast_in_dim3A_157, %get3A_9] : memref<2x16x2048xf32, #tpu.memory_space<vmem>>[vector<16xi32>, vector<16xi32>, vector<16xi32>], vector<16xf32>,
      %mul3A_178 = arith.mulf %gather3A_177, %get3A_41 : vector<16xf32>
      %swap3A_179 = arith.constant 0 : i32
      %swap3A_180 = arith.index_cast %rem3A_126 : i32 to index
      %swap3A_181 = arith.index_cast %swap3A_179 : i32 to index
      %swap3A_182 = arith.constant 48 : index
      %swap3A_183 = tpu.vector_load %arg9[%swap3A_180, %swap3A_181, %swap3A_182] {strides = array<i32>} : memref<2x16x256xf32, #tpu.memory_space<vmem>>, vector<16xf32>,
      tpu.vector_store %arg9[%swap3A_180, %swap3A_181, %swap3A_182], %mul3A_178 {strides = array<i32>} : memref<2x16x256xf32, #tpu.memory_space<vmem>>, vector<16xf32>,
      %gather3A_184 = tpu.vector_load_idx %arg8[%broadcast_in_dim3A, %broadcast_in_dim3A_157, %get3A_11] : memref<2x16x2048xf32, #tpu.memory_space<vmem>>[vector<16xi32>, vector<16xi32>, vector<16xi32>], vector<16xf32>,
      %mul3A_185 = arith.mulf %gather3A_184, %get3A_43 : vector<16xf32>
      %swap3A_186 = arith.constant 0 : i32
      %swap3A_187 = arith.index_cast %rem3A_126 : i32 to index
      %swap3A_188 = arith.index_cast %swap3A_186 : i32 to index
      %swap3A_189 = arith.constant 64 : index
      %swap3A_190 = tpu.vector_load %arg9[%swap3A_187, %swap3A_188, %swap3A_189] {strides = array<i32>} : memref<2x16x256xf32, #tpu.memory_space<vmem>>, vector<16xf32>,
      tpu.vector_store %arg9[%swap3A_187, %swap3A_188, %swap3A_189], %mul3A_185 {strides = array<i32>} : memref<2x16x256xf32, #tpu.memory_space<vmem>>, vector<16xf32>,
      %gather3A_191 = tpu.vector_load_idx %arg8[%broadcast_in_dim3A, %broadcast_in_dim3A_157, %get3A_13] : memref<2x16x2048xf32, #tpu.memory_space<vmem>>[vector<16xi32>, vector<16xi32>, vector<16xi32>], vector<16xf32>,
      %mul3A_192 = arith.mulf %gather3A_191, %get3A_45 : vector<16xf32>
      %swap3A_193 = arith.constant 0 : i32
      %swap3A_194 = arith.index_cast %rem3A_126 : i32 to index
      %swap3A_195 = arith.index_cast %swap3A_193 : i32 to index
      %swap3A_196 = arith.constant 80 : index
      %swap3A_197 = tpu.vector_load %arg9[%swap3A_194, %swap3A_195, %swap3A_196] {strides = array<i32>} : memref<2x16x256xf32, #tpu.memory_space<vmem>>, vector<16xf32>,
      tpu.vector_store %arg9[%swap3A_194, %swap3A_195, %swap3A_196], %mul3A_192 {strides = array<i32>} : memref<2x16x256xf32, #tpu.memory_space<vmem>>, vector<16xf32>,
      %gather3A_198 = tpu.vector_load_idx %arg8[%broadcast_in_dim3A, %broadcast_in_dim3A_157, %get3A_15] : memref<2x16x2048xf32, #tpu.memory_space<vmem>>[vector<16xi32>, vector<16xi32>, vector<16xi32>], vector<16xf32>,
      %mul3A_199 = arith.mulf %gather3A_198, %get3A_47 : vector<16xf32>
      %swap3A_200 = arith.constant 0 : i32
      %swap3A_201 = arith.index_cast %rem3A_126 : i32 to index
      %swap3A_202 = arith.index_cast %swap3A_200 : i32 to index
      %swap3A_203 = arith.constant 96 : index
      %swap3A_204 = tpu.vector_load %arg9[%swap3A_201, %swap3A_202, %swap3A_203] {strides = array<i32>} : memref<2x16x256xf32, #tpu.memory_space<vmem>>, vector<16xf32>,
      tpu.vector_store %arg9[%swap3A_201, %swap3A_202, %swap3A_203], %mul3A_199 {strides = array<i32>} : memref<2x16x256xf32, #tpu.memory_space<vmem>>, vector<16xf32>,
      %gather3A_205 = tpu.vector_load_idx %arg8[%broadcast_in_dim3A, %broadcast_in_dim3A_157, %get3A_17] : memref<2x16x2048xf32, #tpu.memory_space<vmem>>[vector<16xi32>, vector<16xi32>, vector<16xi32>], vector<16xf32>,
      %mul3A_206 = arith.mulf %gather3A_205, %get3A_49 : vector<16xf32>
      %swap3A_207 = arith.constant 0 : i32
      %swap3A_208 = arith.index_cast %rem3A_126 : i32 to index
      %swap3A_209 = arith.index_cast %swap3A_207 : i32 to index
      %swap3A_210 = arith.constant 112 : index
      %swap3A_211 = tpu.vector_load %arg9[%swap3A_208, %swap3A_209, %swap3A_210] {strides = array<i32>} : memref<2x16x256xf32, #tpu.memory_space<vmem>>, vector<16xf32>,
      tpu.vector_store %arg9[%swap3A_208, %swap3A_209, %swap3A_210], %mul3A_206 {strides = array<i32>} : memref<2x16x256xf32, #tpu.memory_space<vmem>>, vector<16xf32>,
      %gather3A_212 = tpu.vector_load_idx %arg8[%broadcast_in_dim3A, %broadcast_in_dim3A_157, %get3A_19] : memref<2x16x2048xf32, #tpu.memory_space<vmem>>[vector<16xi32>, vector<16xi32>, vector<16xi32>], vector<16xf32>,
      %mul3A_213 = arith.mulf %gather3A_212, %get3A_51 : vector<16xf32>
      %swap3A_214 = arith.constant 0 : i32
      %swap3A_215 = arith.index_cast %rem3A_126 : i32 to index
      %swap3A_216 = arith.index_cast %swap3A_214 : i32 to index
      %swap3A_217 = arith.constant 128 : index
      %swap3A_218 = tpu.vector_load %arg9[%swap3A_215, %swap3A_216, %swap3A_217] {strides = array<i32>} : memref<2x16x256xf32, #tpu.memory_space<vmem>>, vector<16xf32>,
      tpu.vector_store %arg9[%swap3A_215, %swap3A_216, %swap3A_217], %mul3A_213 {strides = array<i32>} : memref<2x16x256xf32, #tpu.memory_space<vmem>>, vector<16xf32>,
      %gather3A_219 = tpu.vector_load_idx %arg8[%broadcast_in_dim3A, %broadcast_in_dim3A_157, %get3A_21] : memref<2x16x2048xf32, #tpu.memory_space<vmem>>[vector<16xi32>, vector<16xi32>, vector<16xi32>], vector<16xf32>,
      %mul3A_220 = arith.mulf %gather3A_219, %get3A_53 : vector<16xf32>
      %swap3A_221 = arith.constant 0 : i32
      %swap3A_222 = arith.index_cast %rem3A_126 : i32 to index
      %swap3A_223 = arith.index_cast %swap3A_221 : i32 to index
      %swap3A_224 = arith.constant 144 : index
      %swap3A_225 = tpu.vector_load %arg9[%swap3A_222, %swap3A_223, %swap3A_224] {strides = array<i32>} : memref<2x16x256xf32, #tpu.memory_space<vmem>>, vector<16xf32>,
      tpu.vector_store %arg9[%swap3A_222, %swap3A_223, %swap3A_224], %mul3A_220 {strides = array<i32>} : memref<2x16x256xf32, #tpu.memory_space<vmem>>, vector<16xf32>,
      %gather3A_226 = tpu.vector_load_idx %arg8[%broadcast_in_dim3A, %broadcast_in_dim3A_157, %get3A_23] : memref<2x16x2048xf32, #tpu.memory_space<vmem>>[vector<16xi32>, vector<16xi32>, vector<16xi32>], vector<16xf32>,
      %mul3A_227 = arith.mulf %gather3A_226, %get3A_55 : vector<16xf32>
      %swap3A_228 = arith.constant 0 : i32
      %swap3A_229 = arith.index_cast %rem3A_126 : i32 to index
      %swap3A_230 = arith.index_cast %swap3A_228 : i32 to index
      %swap3A_231 = arith.constant 160 : index
      %swap3A_232 = tpu.vector_load %arg9[%swap3A_229, %swap3A_230, %swap3A_231] {strides = array<i32>} : memref<2x16x256xf32, #tpu.memory_space<vmem>>, vector<16xf32>,
      tpu.vector_store %arg9[%swap3A_229, %swap3A_230, %swap3A_231], %mul3A_227 {strides = array<i32>} : memref<2x16x256xf32, #tpu.memory_space<vmem>>, vector<16xf32>,
      %gather3A_233 = tpu.vector_load_idx %arg8[%broadcast_in_dim3A, %broadcast_in_dim3A_157, %get3A_25] : memref<2x16x2048xf32, #tpu.memory_space<vmem>>[vector<16xi32>, vector<16xi32>, vector<16xi32>], vector<16xf32>,
      %mul3A_234 = arith.mulf %gather3A_233, %get3A_57 : vector<16xf32>
      %swap3A_235 = arith.constant 0 : i32
      %swap3A_236 = arith.index_cast %rem3A_126 : i32 to index
      %swap3A_237 = arith.index_cast %swap3A_235 : i32 to index
      %swap3A_238 = arith.constant 176 : index
      %swap3A_239 = tpu.vector_load %arg9[%swap3A_236, %swap3A_237, %swap3A_238] {strides = array<i32>} : memref<2x16x256xf32, #tpu.memory_space<vmem>>, vector<16xf32>,
      tpu.vector_store %arg9[%swap3A_236, %swap3A_237, %swap3A_238], %mul3A_234 {strides = array<i32>} : memref<2x16x256xf32, #tpu.memory_space<vmem>>, vector<16xf32>,
      %gather3A_240 = tpu.vector_load_idx %arg8[%broadcast_in_dim3A, %broadcast_in_dim3A_157, %get3A_27] : memref<2x16x2048xf32, #tpu.memory_space<vmem>>[vector<16xi32>, vector<16xi32>, vector<16xi32>], vector<16xf32>,
      %mul3A_241 = arith.mulf %gather3A_240, %get3A_59 : vector<16xf32>
      %swap3A_242 = arith.constant 0 : i32
      %swap3A_243 = arith.index_cast %rem3A_126 : i32 to index
      %swap3A_244 = arith.index_cast %swap3A_242 : i32 to index
      %swap3A_245 = arith.constant 192 : index
      %swap3A_246 = tpu.vector_load %arg9[%swap3A_243, %swap3A_244, %swap3A_245] {strides = array<i32>} : memref<2x16x256xf32, #tpu.memory_space<vmem>>, vector<16xf32>,
      tpu.vector_store %arg9[%swap3A_243, %swap3A_244, %swap3A_245], %mul3A_241 {strides = array<i32>} : memref<2x16x256xf32, #tpu.memory_space<vmem>>, vector<16xf32>,
      %gather3A_247 = tpu.vector_load_idx %arg8[%broadcast_in_dim3A, %broadcast_in_dim3A_157, %get3A_29] : memref<2x16x2048xf32, #tpu.memory_space<vmem>>[vector<16xi32>, vector<16xi32>, vector<16xi32>], vector<16xf32>,
      %mul3A_248 = arith.mulf %gather3A_247, %get3A_61 : vector<16xf32>
      %swap3A_249 = arith.constant 0 : i32
      %swap3A_250 = arith.index_cast %rem3A_126 : i32 to index
      %swap3A_251 = arith.index_cast %swap3A_249 : i32 to index
      %swap3A_252 = arith.constant 208 : index
      %swap3A_253 = tpu.vector_load %arg9[%swap3A_250, %swap3A_251, %swap3A_252] {strides = array<i32>} : memref<2x16x256xf32, #tpu.memory_space<vmem>>, vector<16xf32>,
      tpu.vector_store %arg9[%swap3A_250, %swap3A_251, %swap3A_252], %mul3A_248 {strides = array<i32>} : memref<2x16x256xf32, #tpu.memory_space<vmem>>, vector<16xf32>,
      %gather3A_254 = tpu.vector_load_idx %arg8[%broadcast_in_dim3A, %broadcast_in_dim3A_157, %get3A_31] : memref<2x16x2048xf32, #tpu.memory_space<vmem>>[vector<16xi32>, vector<16xi32>, vector<16xi32>], vector<16xf32>,
      %mul3A_255 = arith.mulf %gather3A_254, %get3A_63 : vector<16xf32>
      %swap3A_256 = arith.constant 0 : i32
      %swap3A_257 = arith.index_cast %rem3A_126 : i32 to index
      %swap3A_258 = arith.index_cast %swap3A_256 : i32 to index
      %swap3A_259 = arith.constant 224 : index
      %swap3A_260 = tpu.vector_load %arg9[%swap3A_257, %swap3A_258, %swap3A_259] {strides = array<i32>} : memref<2x16x256xf32, #tpu.memory_space<vmem>>, vector<16xf32>,
      tpu.vector_store %arg9[%swap3A_257, %swap3A_258, %swap3A_259], %mul3A_255 {strides = array<i32>} : memref<2x16x256xf32, #tpu.memory_space<vmem>>, vector<16xf32>,
      %gather3A_261 = tpu.vector_load_idx %arg8[%broadcast_in_dim3A, %broadcast_in_dim3A_157, %get3A_33] : memref<2x16x2048xf32, #tpu.memory_space<vmem>>[vector<16xi32>, vector<16xi32>, vector<16xi32>], vector<16xf32>,
      %mul3A_262 = arith.mulf %gather3A_261, %get3A_65 : vector<16xf32>
      %swap3A_263 = arith.constant 0 : i32
      %swap3A_264 = arith.index_cast %rem3A_126 : i32 to index
      %swap3A_265 = arith.index_cast %swap3A_263 : i32 to index
      %swap3A_266 = arith.constant 240 : index
      %swap3A_267 = tpu.vector_load %arg9[%swap3A_264, %swap3A_265, %swap3A_266] {strides = array<i32>} : memref<2x16x256xf32, #tpu.memory_space<vmem>>, vector<16xf32>,
      tpu.vector_store %arg9[%swap3A_264, %swap3A_265, %swap3A_266], %mul3A_262 {strides = array<i32>} : memref<2x16x256xf32, #tpu.memory_space<vmem>>, vector<16xf32>,
      %broadcast_in_dim3A_268 = arith.constant 1 : i32
      %broadcast_in_dim3A_269 = vector.broadcast %broadcast_in_dim3A_268 : i32 to vector<16xi32>
      %gather3A_270 = tpu.vector_load_idx %arg8[%broadcast_in_dim3A, %broadcast_in_dim3A_269, %get3A_3] : memref<2x16x2048xf32, #tpu.memory_space<vmem>>[vector<16xi32>, vector<16xi32>, vector<16xi32>], vector<16xf32>,
      %mul3A_271 = arith.mulf %gather3A_270, %get3A_35 : vector<16xf32>
      %swap3A_272 = arith.constant 1 : i32
      %swap3A_273 = arith.index_cast %rem3A_126 : i32 to index
      %swap3A_274 = arith.index_cast %swap3A_272 : i32 to index
      %swap3A_275 = arith.constant 0 : index
      %swap3A_276 = tpu.vector_load %arg9[%swap3A_273, %swap3A_274, %swap3A_275] {strides = array<i32>} : memref<2x16x256xf32, #tpu.memory_space<vmem>>, vector<16xf32>,
      tpu.vector_store %arg9[%swap3A_273, %swap3A_274, %swap3A_275], %mul3A_271 {strides = array<i32>} : memref<2x16x256xf32, #tpu.memory_space<vmem>>, vector<16xf32>,
      %gather3A_277 = tpu.vector_load_idx %arg8[%broadcast_in_dim3A, %broadcast_in_dim3A_269, %get3A_5] : memref<2x16x2048xf32, #tpu.memory_space<vmem>>[vector<16xi32>, vector<16xi32>, vector<16xi32>], vector<16xf32>,
      %mul3A_278 = arith.mulf %gather3A_277, %get3A_37 : vector<16xf32>
      %swap3A_279 = arith.constant 1 : i32
      %swap3A_280 = arith.index_cast %rem3A_126 : i32 to index
      %swap3A_281 = arith.index_cast %swap3A_279 : i32 to index
      %swap3A_282 = arith.constant 16 : index
      %swap3A_283 = tpu.vector_load %arg9[%swap3A_280, %swap3A_281, %swap3A_282] {strides = array<i32>} : memref<2x16x256xf32, #tpu.memory_space<vmem>>, vector<16xf32>,
      tpu.vector_store %arg9[%swap3A_280, %swap3A_281, %swap3A_282], %mul3A_278 {strides = array<i32>} : memref<2x16x256xf32, #tpu.memory_space<vmem>>, vector<16xf32>,
      %gather3A_284 = tpu.vector_load_idx %arg8[%broadcast_in_dim3A, %broadcast_in_dim3A_269, %get3A_7] : memref<2x16x2048xf32, #tpu.memory_space<vmem>>[vector<16xi32>, vector<16xi32>, vector<16xi32>], vector<16xf32>,
      %mul3A_285 = arith.mulf %gather3A_284, %get3A_39 : vector<16xf32>
      %swap3A_286 = arith.constant 1 : i32
      %swap3A_287 = arith.index_cast %rem3A_126 : i32 to index
      %swap3A_288 = arith.index_cast %swap3A_286 : i32 to index
      %swap3A_289 = arith.constant 32 : index
      %swap3A_290 = tpu.vector_load %arg9[%swap3A_287, %swap3A_288, %swap3A_289] {strides = array<i32>} : memref<2x16x256xf32, #tpu.memory_space<vmem>>, vector<16xf32>,
      tpu.vector_store %arg9[%swap3A_287, %swap3A_288, %swap3A_289], %mul3A_285 {strides = array<i32>} : memref<2x16x256xf32, #tpu.memory_space<vmem>>, vector<16xf32>,
      %gather3A_291 = tpu.vector_load_idx %arg8[%broadcast_in_dim3A, %broadcast_in_dim3A_269, %get3A_9] : memref<2x16x2048xf32, #tpu.memory_space<vmem>>[vector<16xi32>, vector<16xi32>, vector<16xi32>], vector<16xf32>,
      %mul3A_292 = arith.mulf %gather3A_291, %get3A_41 : vector<16xf32>
      %swap3A_293 = arith.constant 1 : i32
      %swap3A_294 = arith.index_cast %rem3A_126 : i32 to index
      %swap3A_295 = arith.index_cast %swap3A_293 : i32 to index
      %swap3A_296 = arith.constant 48 : index
      %swap3A_297 = tpu.vector_load %arg9[%swap3A_294, %swap3A_295, %swap3A_296] {strides = array<i32>} : memref<2x16x256xf32, #tpu.memory_space<vmem>>, vector<16xf32>,
      tpu.vector_store %arg9[%swap3A_294, %swap3A_295, %swap3A_296], %mul3A_292 {strides = array<i32>} : memref<2x16x256xf32, #tpu.memory_space<vmem>>, vector<16xf32>,
      %gather3A_298 = tpu.vector_load_idx %arg8[%broadcast_in_dim3A, %broadcast_in_dim3A_269, %get3A_11] : memref<2x16x2048xf32, #tpu.memory_space<vmem>>[vector<16xi32>, vector<16xi32>, vector<16xi32>], vector<16xf32>,
      %mul3A_299 = arith.mulf %gather3A_298, %get3A_43 : vector<16xf32>
      %swap3A_300 = arith.constant 1 : i32
      %swap3A_301 = arith.index_cast %rem3A_126 : i32 to index
      %swap3A_302 = arith.index_cast %swap3A_300 : i32 to index
      %swap3A_303 = arith.constant 64 : index
      %swap3A_304 = tpu.vector_load %arg9[%swap3A_301, %swap3A_302, %swap3A_303] {strides = array<i32>} : memref<2x16x256xf32, #tpu.memory_space<vmem>>, vector<16xf32>,
      tpu.vector_store %arg9[%swap3A_301, %swap3A_302, %swap3A_303], %mul3A_299 {strides = array<i32>} : memref<2x16x256xf32, #tpu.memory_space<vmem>>, vector<16xf32>,
      %gather3A_305 = tpu.vector_load_idx %arg8[%broadcast_in_dim3A, %broadcast_in_dim3A_269, %get3A_13] : memref<2x16x2048xf32, #tpu.memory_space<vmem>>[vector<16xi32>, vector<16xi32>, vector<16xi32>], vector<16xf32>,
      %mul3A_306 = arith.mulf %gather3A_305, %get3A_45 : vector<16xf32>
      %swap3A_307 = arith.constant 1 : i32
      %swap3A_308 = arith.index_cast %rem3A_126 : i32 to index
      %swap3A_309 = arith.index_cast %swap3A_307 : i32 to index
      %swap3A_310 = arith.constant 80 : index
      %swap3A_311 = tpu.vector_load %arg9[%swap3A_308, %swap3A_309, %swap3A_310] {strides = array<i32>} : memref<2x16x256xf32, #tpu.memory_space<vmem>>, vector<16xf32>,
      tpu.vector_store %arg9[%swap3A_308, %swap3A_309, %swap3A_310], %mul3A_306 {strides = array<i32>} : memref<2x16x256xf32, #tpu.memory_space<vmem>>, vector<16xf32>,
      %gather3A_312 = tpu.vector_load_idx %arg8[%broadcast_in_dim3A, %broadcast_in_dim3A_269, %get3A_15] : memref<2x16x2048xf32, #tpu.memory_space<vmem>>[vector<16xi32>, vector<16xi32>, vector<16xi32>], vector<16xf32>,
      %mul3A_313 = arith.mulf %gather3A_312, %get3A_47 : vector<16xf32>
      %swap3A_314 = arith.constant 1 : i32
      %swap3A_315 = arith.index_cast %rem3A_126 : i32 to index
      %swap3A_316 = arith.index_cast %swap3A_314 : i32 to index
      %swap3A_317 = arith.constant 96 : index
      %swap3A_318 = tpu.vector_load %arg9[%swap3A_315, %swap3A_316, %swap3A_317] {strides = array<i32>} : memref<2x16x256xf32, #tpu.memory_space<vmem>>, vector<16xf32>,
      tpu.vector_store %arg9[%swap3A_315, %swap3A_316, %swap3A_317], %mul3A_313 {strides = array<i32>} : memref<2x16x256xf32, #tpu.memory_space<vmem>>, vector<16xf32>,
      %gather3A_319 = tpu.vector_load_idx %arg8[%broadcast_in_dim3A, %broadcast_in_dim3A_269, %get3A_17] : memref<2x16x2048xf32, #tpu.memory_space<vmem>>[vector<16xi32>, vector<16xi32>, vector<16xi32>], vector<16xf32>,
      %mul3A_320 = arith.mulf %gather3A_319, %get3A_49 : vector<16xf32>
      %swap3A_321 = arith.constant 1 : i32
      %swap3A_322 = arith.index_cast %rem3A_126 : i32 to index
      %swap3A_323 = arith.index_cast %swap3A_321 : i32 to index
      %swap3A_324 = arith.constant 112 : index
      %swap3A_325 = tpu.vector_load %arg9[%swap3A_322, %swap3A_323, %swap3A_324] {strides = array<i32>} : memref<2x16x256xf32, #tpu.memory_space<vmem>>, vector<16xf32>,
      tpu.vector_store %arg9[%swap3A_322, %swap3A_323, %swap3A_324], %mul3A_320 {strides = array<i32>} : memref<2x16x256xf32, #tpu.memory_space<vmem>>, vector<16xf32>,
      %gather3A_326 = tpu.vector_load_idx %arg8[%broadcast_in_dim3A, %broadcast_in_dim3A_269, %get3A_19] : memref<2x16x2048xf32, #tpu.memory_space<vmem>>[vector<16xi32>, vector<16xi32>, vector<16xi32>], vector<16xf32>,
      %mul3A_327 = arith.mulf %gather3A_326, %get3A_51 : vector<16xf32>
      %swap3A_328 = arith.constant 1 : i32
      %swap3A_329 = arith.index_cast %rem3A_126 : i32 to index
      %swap3A_330 = arith.index_cast %swap3A_328 : i32 to index
      %swap3A_331 = arith.constant 128 : index
      %swap3A_332 = tpu.vector_load %arg9[%swap3A_329, %swap3A_330, %swap3A_331] {strides = array<i32>} : memref<2x16x256xf32, #tpu.memory_space<vmem>>, vector<16xf32>,
      tpu.vector_store %arg9[%swap3A_329, %swap3A_330, %swap3A_331], %mul3A_327 {strides = array<i32>} : memref<2x16x256xf32, #tpu.memory_space<vmem>>, vector<16xf32>,
      %gather3A_333 = tpu.vector_load_idx %arg8[%broadcast_in_dim3A, %broadcast_in_dim3A_269, %get3A_21] : memref<2x16x2048xf32, #tpu.memory_space<vmem>>[vector<16xi32>, vector<16xi32>, vector<16xi32>], vector<16xf32>,
      %mul3A_334 = arith.mulf %gather3A_333, %get3A_53 : vector<16xf32>
      %swap3A_335 = arith.constant 1 : i32
      %swap3A_336 = arith.index_cast %rem3A_126 : i32 to index
      %swap3A_337 = arith.index_cast %swap3A_335 : i32 to index
      %swap3A_338 = arith.constant 144 : index
      %swap3A_339 = tpu.vector_load %arg9[%swap3A_336, %swap3A_337, %swap3A_338] {strides = array<i32>} : memref<2x16x256xf32, #tpu.memory_space<vmem>>, vector<16xf32>,
      tpu.vector_store %arg9[%swap3A_336, %swap3A_337, %swap3A_338], %mul3A_334 {strides = array<i32>} : memref<2x16x256xf32, #tpu.memory_space<vmem>>, vector<16xf32>,
      %gather3A_340 = tpu.vector_load_idx %arg8[%broadcast_in_dim3A, %broadcast_in_dim3A_269, %get3A_23] : memref<2x16x2048xf32, #tpu.memory_space<vmem>>[vector<16xi32>, vector<16xi32>, vector<16xi32>], vector<16xf32>,
      %mul3A_341 = arith.mulf %gather3A_340, %get3A_55 : vector<16xf32>
      %swap3A_342 = arith.constant 1 : i32
      %swap3A_343 = arith.index_cast %rem3A_126 : i32 to index
      %swap3A_344 = arith.index_cast %swap3A_342 : i32 to index
      %swap3A_345 = arith.constant 160 : index
      %swap3A_346 = tpu.vector_load %arg9[%swap3A_343, %swap3A_344, %swap3A_345] {strides = array<i32>} : memref<2x16x256xf32, #tpu.memory_space<vmem>>, vector<16xf32>,
      tpu.vector_store %arg9[%swap3A_343, %swap3A_344, %swap3A_345], %mul3A_341 {strides = array<i32>} : memref<2x16x256xf32, #tpu.memory_space<vmem>>, vector<16xf32>,
      %gather3A_347 = tpu.vector_load_idx %arg8[%broadcast_in_dim3A, %broadcast_in_dim3A_269, %get3A_25] : memref<2x16x2048xf32, #tpu.memory_space<vmem>>[vector<16xi32>, vector<16xi32>, vector<16xi32>], vector<16xf32>,
      %mul3A_348 = arith.mulf %gather3A_347, %get3A_57 : vector<16xf32>
      %swap3A_349 = arith.constant 1 : i32
      %swap3A_350 = arith.index_cast %rem3A_126 : i32 to index
      %swap3A_351 = arith.index_cast %swap3A_349 : i32 to index
      %swap3A_352 = arith.constant 176 : index
      %swap3A_353 = tpu.vector_load %arg9[%swap3A_350, %swap3A_351, %swap3A_352] {strides = array<i32>} : memref<2x16x256xf32, #tpu.memory_space<vmem>>, vector<16xf32>,
      tpu.vector_store %arg9[%swap3A_350, %swap3A_351, %swap3A_352], %mul3A_348 {strides = array<i32>} : memref<2x16x256xf32, #tpu.memory_space<vmem>>, vector<16xf32>,
      %gather3A_354 = tpu.vector_load_idx %arg8[%broadcast_in_dim3A, %broadcast_in_dim3A_269, %get3A_27] : memref<2x16x2048xf32, #tpu.memory_space<vmem>>[vector<16xi32>, vector<16xi32>, vector<16xi32>], vector<16xf32>,
      %mul3A_355 = arith.mulf %gather3A_354, %get3A_59 : vector<16xf32>
      %swap3A_356 = arith.constant 1 : i32
      %swap3A_357 = arith.index_cast %rem3A_126 : i32 to index
      %swap3A_358 = arith.index_cast %swap3A_356 : i32 to index
      %swap3A_359 = arith.constant 192 : index
      %swap3A_360 = tpu.vector_load %arg9[%swap3A_357, %swap3A_358, %swap3A_359] {strides = array<i32>} : memref<2x16x256xf32, #tpu.memory_space<vmem>>, vector<16xf32>,
      tpu.vector_store %arg9[%swap3A_357, %swap3A_358, %swap3A_359], %mul3A_355 {strides = array<i32>} : memref<2x16x256xf32, #tpu.memory_space<vmem>>, vector<16xf32>,
      %gather3A_361 = tpu.vector_load_idx %arg8[%broadcast_in_dim3A, %broadcast_in_dim3A_269, %get3A_29] : memref<2x16x2048xf32, #tpu.memory_space<vmem>>[vector<16xi32>, vector<16xi32>, vector<16xi32>], vector<16xf32>,
      %mul3A_362 = arith.mulf %gather3A_361, %get3A_61 : vector<16xf32>
      %swap3A_363 = arith.constant 1 : i32
      %swap3A_364 = arith.index_cast %rem3A_126 : i32 to index
      %swap3A_365 = arith.index_cast %swap3A_363 : i32 to index
      %swap3A_366 = arith.constant 208 : index
      %swap3A_367 = tpu.vector_load %arg9[%swap3A_364, %swap3A_365, %swap3A_366] {strides = array<i32>} : memref<2x16x256xf32, #tpu.memory_space<vmem>>, vector<16xf32>,
      tpu.vector_store %arg9[%swap3A_364, %swap3A_365, %swap3A_366], %mul3A_362 {strides = array<i32>} : memref<2x16x256xf32, #tpu.memory_space<vmem>>, vector<16xf32>,
      %gather3A_368 = tpu.vector_load_idx %arg8[%broadcast_in_dim3A, %broadcast_in_dim3A_269, %get3A_31] : memref<2x16x2048xf32, #tpu.memory_space<vmem>>[vector<16xi32>, vector<16xi32>, vector<16xi32>], vector<16xf32>,
      %mul3A_369 = arith.mulf %gather3A_368, %get3A_63 : vector<16xf32>
      %swap3A_370 = arith.constant 1 : i32
      %swap3A_371 = arith.index_cast %rem3A_126 : i32 to index
      %swap3A_372 = arith.index_cast %swap3A_370 : i32 to index
      %swap3A_373 = arith.constant 224 : index
      %swap3A_374 = tpu.vector_load %arg9[%swap3A_371, %swap3A_372, %swap3A_373] {strides = array<i32>} : memref<2x16x256xf32, #tpu.memory_space<vmem>>, vector<16xf32>,
      tpu.vector_store %arg9[%swap3A_371, %swap3A_372, %swap3A_373], %mul3A_369 {strides = array<i32>} : memref<2x16x256xf32, #tpu.memory_space<vmem>>, vector<16xf32>,
      %gather3A_375 = tpu.vector_load_idx %arg8[%broadcast_in_dim3A, %broadcast_in_dim3A_269, %get3A_33] : memref<2x16x2048xf32, #tpu.memory_space<vmem>>[vector<16xi32>, vector<16xi32>, vector<16xi32>], vector<16xf32>,
      %mul3A_376 = arith.mulf %gather3A_375, %get3A_65 : vector<16xf32>
      %swap3A_377 = arith.constant 1 : i32
      %swap3A_378 = arith.index_cast %rem3A_126 : i32 to index
      %swap3A_379 = arith.index_cast %swap3A_377 : i32 to index
      %swap3A_380 = arith.constant 240 : index
      %swap3A_381 = tpu.vector_load %arg9[%swap3A_378, %swap3A_379, %swap3A_380] {strides = array<i32>} : memref<2x16x256xf32, #tpu.memory_space<vmem>>, vector<16xf32>,
      tpu.vector_store %arg9[%swap3A_378, %swap3A_379, %swap3A_380], %mul3A_376 {strides = array<i32>} : memref<2x16x256xf32, #tpu.memory_space<vmem>>, vector<16xf32>,
      %broadcast_in_dim3A_382 = arith.constant 2 : i32
      %broadcast_in_dim3A_383 = vector.broadcast %broadcast_in_dim3A_382 : i32 to vector<16xi32>
      %gather3A_384 = tpu.vector_load_idx %arg8[%broadcast_in_dim3A, %broadcast_in_dim3A_383, %get3A_3] : memref<2x16x2048xf32, #tpu.memory_space<vmem>>[vector<16xi32>, vector<16xi32>, vector<16xi32>], vector<16xf32>,
      %mul3A_385 = arith.mulf %gather3A_384, %get3A_35 : vector<16xf32>
      %swap3A_386 = arith.constant 2 : i32
      %swap3A_387 = arith.index_cast %rem3A_126 : i32 to index
      %swap3A_388 = arith.index_cast %swap3A_386 : i32 to index
      %swap3A_389 = arith.constant 0 : index
      %swap3A_390 = tpu.vector_load %arg9[%swap3A_387, %swap3A_388, %swap3A_389] {strides = array<i32>} : memref<2x16x256xf32, #tpu.memory_space<vmem>>, vector<16xf32>,
      tpu.vector_store %arg9[%swap3A_387, %swap3A_388, %swap3A_389], %mul3A_385 {strides = array<i32>} : memref<2x16x256xf32, #tpu.memory_space<vmem>>, vector<16xf32>,
      %gather3A_391 = tpu.vector_load_idx %arg8[%broadcast_in_dim3A, %broadcast_in_dim3A_383, %get3A_5] : memref<2x16x2048xf32, #tpu.memory_space<vmem>>[vector<16xi32>, vector<16xi32>, vector<16xi32>], vector<16xf32>,
      %mul3A_392 = arith.mulf %gather3A_391, %get3A_37 : vector<16xf32>
      %swap3A_393 = arith.constant 2 : i32
      %swap3A_394 = arith.index_cast %rem3A_126 : i32 to index
      %swap3A_395 = arith.index_cast %swap3A_393 : i32 to index
      %swap3A_396 = arith.constant 16 : index
      %swap3A_397 = tpu.vector_load %arg9[%swap3A_394, %swap3A_395, %swap3A_396] {strides = array<i32>} : memref<2x16x256xf32, #tpu.memory_space<vmem>>, vector<16xf32>,
      tpu.vector_store %arg9[%swap3A_394, %swap3A_395, %swap3A_396], %mul3A_392 {strides = array<i32>} : memref<2x16x256xf32, #tpu.memory_space<vmem>>, vector<16xf32>,
      %gather3A_398 = tpu.vector_load_idx %arg8[%broadcast_in_dim3A, %broadcast_in_dim3A_383, %get3A_7] : memref<2x16x2048xf32, #tpu.memory_space<vmem>>[vector<16xi32>, vector<16xi32>, vector<16xi32>], vector<16xf32>,
      %mul3A_399 = arith.mulf %gather3A_398, %get3A_39 : vector<16xf32>
      %swap3A_400 = arith.constant 2 : i32
      %swap3A_401 = arith.index_cast %rem3A_126 : i32 to index
      %swap3A_402 = arith.index_cast %swap3A_400 : i32 to index
      %swap3A_403 = arith.constant 32 : index
      %swap3A_404 = tpu.vector_load %arg9[%swap3A_401, %swap3A_402, %swap3A_403] {strides = array<i32>} : memref<2x16x256xf32, #tpu.memory_space<vmem>>, vector<16xf32>,
      tpu.vector_store %arg9[%swap3A_401, %swap3A_402, %swap3A_403], %mul3A_399 {strides = array<i32>} : memref<2x16x256xf32, #tpu.memory_space<vmem>>, vector<16xf32>,
      %gather3A_405 = tpu.vector_load_idx %arg8[%broadcast_in_dim3A, %broadcast_in_dim3A_383, %get3A_9] : memref<2x16x2048xf32, #tpu.memory_space<vmem>>[vector<16xi32>, vector<16xi32>, vector<16xi32>], vector<16xf32>,
      %mul3A_406 = arith.mulf %gather3A_405, %get3A_41 : vector<16xf32>
      %swap3A_407 = arith.constant 2 : i32
      %swap3A_408 = arith.index_cast %rem3A_126 : i32 to index
      %swap3A_409 = arith.index_cast %swap3A_407 : i32 to index
      %swap3A_410 = arith.constant 48 : index
      %swap3A_411 = tpu.vector_load %arg9[%swap3A_408, %swap3A_409, %swap3A_410] {strides = array<i32>} : memref<2x16x256xf32, #tpu.memory_space<vmem>>, vector<16xf32>,
      tpu.vector_store %arg9[%swap3A_408, %swap3A_409, %swap3A_410], %mul3A_406 {strides = array<i32>} : memref<2x16x256xf32, #tpu.memory_space<vmem>>, vector<16xf32>,
      %gather3A_412 = tpu.vector_load_idx %arg8[%broadcast_in_dim3A, %broadcast_in_dim3A_383, %get3A_11] : memref<2x16x2048xf32, #tpu.memory_space<vmem>>[vector<16xi32>, vector<16xi32>, vector<16xi32>], vector<16xf32>,
      %mul3A_413 = arith.mulf %gather3A_412, %get3A_43 : vector<16xf32>
      %swap3A_414 = arith.constant 2 : i32
      %swap3A_415 = arith.index_cast %rem3A_126 : i32 to index
      %swap3A_416 = arith.index_cast %swap3A_414 : i32 to index
      %swap3A_417 = arith.constant 64 : index
      %swap3A_418 = tpu.vector_load %arg9[%swap3A_415, %swap3A_416, %swap3A_417] {strides = array<i32>} : memref<2x16x256xf32, #tpu.memory_space<vmem>>, vector<16xf32>,
      tpu.vector_store %arg9[%swap3A_415, %swap3A_416, %swap3A_417], %mul3A_413 {strides = array<i32>} : memref<2x16x256xf32, #tpu.memory_space<vmem>>, vector<16xf32>,
      %gather3A_419 = tpu.vector_load_idx %arg8[%broadcast_in_dim3A, %broadcast_in_dim3A_383, %get3A_13] : memref<2x16x2048xf32, #tpu.memory_space<vmem>>[vector<16xi32>, vector<16xi32>, vector<16xi32>], vector<16xf32>,
      %mul3A_420 = arith.mulf %gather3A_419, %get3A_45 : vector<16xf32>
      %swap3A_421 = arith.constant 2 : i32
      %swap3A_422 = arith.index_cast %rem3A_126 : i32 to index
      %swap3A_423 = arith.index_cast %swap3A_421 : i32 to index
      %swap3A_424 = arith.constant 80 : index
      %swap3A_425 = tpu.vector_load %arg9[%swap3A_422, %swap3A_423, %swap3A_424] {strides = array<i32>} : memref<2x16x256xf32, #tpu.memory_space<vmem>>, vector<16xf32>,
      tpu.vector_store %arg9[%swap3A_422, %swap3A_423, %swap3A_424], %mul3A_420 {strides = array<i32>} : memref<2x16x256xf32, #tpu.memory_space<vmem>>, vector<16xf32>,
      %gather3A_426 = tpu.vector_load_idx %arg8[%broadcast_in_dim3A, %broadcast_in_dim3A_383, %get3A_15] : memref<2x16x2048xf32, #tpu.memory_space<vmem>>[vector<16xi32>, vector<16xi32>, vector<16xi32>], vector<16xf32>,
      %mul3A_427 = arith.mulf %gather3A_426, %get3A_47 : vector<16xf32>
      %swap3A_428 = arith.constant 2 : i32
      %swap3A_429 = arith.index_cast %rem3A_126 : i32 to index
      %swap3A_430 = arith.index_cast %swap3A_428 : i32 to index
      %swap3A_431 = arith.constant 96 : index
      %swap3A_432 = tpu.vector_load %arg9[%swap3A_429, %swap3A_430, %swap3A_431] {strides = array<i32>} : memref<2x16x256xf32, #tpu.memory_space<vmem>>, vector<16xf32>,
      tpu.vector_store %arg9[%swap3A_429, %swap3A_430, %swap3A_431], %mul3A_427 {strides = array<i32>} : memref<2x16x256xf32, #tpu.memory_space<vmem>>, vector<16xf32>,
      %gather3A_433 = tpu.vector_load_idx %arg8[%broadcast_in_dim3A, %broadcast_in_dim3A_383, %get3A_17] : memref<2x16x2048xf32, #tpu.memory_space<vmem>>[vector<16xi32>, vector<16xi32>, vector<16xi32>], vector<16xf32>,
      %mul3A_434 = arith.mulf %gather3A_433, %get3A_49 : vector<16xf32>
      %swap3A_435 = arith.constant 2 : i32
      %swap3A_436 = arith.index_cast %rem3A_126 : i32 to index
      %swap3A_437 = arith.index_cast %swap3A_435 : i32 to index
      %swap3A_438 = arith.constant 112 : index
      %swap3A_439 = tpu.vector_load %arg9[%swap3A_436, %swap3A_437, %swap3A_438] {strides = array<i32>} : memref<2x16x256xf32, #tpu.memory_space<vmem>>, vector<16xf32>,
      tpu.vector_store %arg9[%swap3A_436, %swap3A_437, %swap3A_438], %mul3A_434 {strides = array<i32>} : memref<2x16x256xf32, #tpu.memory_space<vmem>>, vector<16xf32>,
      %gather3A_440 = tpu.vector_load_idx %arg8[%broadcast_in_dim3A, %broadcast_in_dim3A_383, %get3A_19] : memref<2x16x2048xf32, #tpu.memory_space<vmem>>[vector<16xi32>, vector<16xi32>, vector<16xi32>], vector<16xf32>,
      %mul3A_441 = arith.mulf %gather3A_440, %get3A_51 : vector<16xf32>
      %swap3A_442 = arith.constant 2 : i32
      %swap3A_443 = arith.index_cast %rem3A_126 : i32 to index
      %swap3A_444 = arith.index_cast %swap3A_442 : i32 to index
      %swap3A_445 = arith.constant 128 : index
      %swap3A_446 = tpu.vector_load %arg9[%swap3A_443, %swap3A_444, %swap3A_445] {strides = array<i32>} : memref<2x16x256xf32, #tpu.memory_space<vmem>>, vector<16xf32>,
      tpu.vector_store %arg9[%swap3A_443, %swap3A_444, %swap3A_445], %mul3A_441 {strides = array<i32>} : memref<2x16x256xf32, #tpu.memory_space<vmem>>, vector<16xf32>,
      %gather3A_447 = tpu.vector_load_idx %arg8[%broadcast_in_dim3A, %broadcast_in_dim3A_383, %get3A_21] : memref<2x16x2048xf32, #tpu.memory_space<vmem>>[vector<16xi32>, vector<16xi32>, vector<16xi32>], vector<16xf32>,
      %mul3A_448 = arith.mulf %gather3A_447, %get3A_53 : vector<16xf32>
      %swap3A_449 = arith.constant 2 : i32
      %swap3A_450 = arith.index_cast %rem3A_126 : i32 to index
      %swap3A_451 = arith.index_cast %swap3A_449 : i32 to index
      %swap3A_452 = arith.constant 144 : index
      %swap3A_453 = tpu.vector_load %arg9[%swap3A_450, %swap3A_451, %swap3A_452] {strides = array<i32>} : memref<2x16x256xf32, #tpu.memory_space<vmem>>, vector<16xf32>,
      tpu.vector_store %arg9[%swap3A_450, %swap3A_451, %swap3A_452], %mul3A_448 {strides = array<i32>} : memref<2x16x256xf32, #tpu.memory_space<vmem>>, vector<16xf32>,
      %gather3A_454 = tpu.vector_load_idx %arg8[%broadcast_in_dim3A, %broadcast_in_dim3A_383, %get3A_23] : memref<2x16x2048xf32, #tpu.memory_space<vmem>>[vector<16xi32>, vector<16xi32>, vector<16xi32>], vector<16xf32>,
      %mul3A_455 = arith.mulf %gather3A_454, %get3A_55 : vector<16xf32>
      %swap3A_456 = arith.constant 2 : i32
      %swap3A_457 = arith.index_cast %rem3A_126 : i32 to index
      %swap3A_458 = arith.index_cast %swap3A_456 : i32 to index
      %swap3A_459 = arith.constant 160 : index
      %swap3A_460 = tpu.vector_load %arg9[%swap3A_457, %swap3A_458, %swap3A_459] {strides = array<i32>} : memref<2x16x256xf32, #tpu.memory_space<vmem>>, vector<16xf32>,
      tpu.vector_store %arg9[%swap3A_457, %swap3A_458, %swap3A_459], %mul3A_455 {strides = array<i32>} : memref<2x16x256xf32, #tpu.memory_space<vmem>>, vector<16xf32>,
      %gather3A_461 = tpu.vector_load_idx %arg8[%broadcast_in_dim3A, %broadcast_in_dim3A_383, %get3A_25] : memref<2x16x2048xf32, #tpu.memory_space<vmem>>[vector<16xi32>, vector<16xi32>, vector<16xi32>], vector<16xf32>,
      %mul3A_462 = arith.mulf %gather3A_461, %get3A_57 : vector<16xf32>
      %swap3A_463 = arith.constant 2 : i32
      %swap3A_464 = arith.index_cast %rem3A_126 : i32 to index
      %swap3A_465 = arith.index_cast %swap3A_463 : i32 to index
      %swap3A_466 = arith.constant 176 : index
      %swap3A_467 = tpu.vector_load %arg9[%swap3A_464, %swap3A_465, %swap3A_466] {strides = array<i32>} : memref<2x16x256xf32, #tpu.memory_space<vmem>>, vector<16xf32>,
      tpu.vector_store %arg9[%swap3A_464, %swap3A_465, %swap3A_466], %mul3A_462 {strides = array<i32>} : memref<2x16x256xf32, #tpu.memory_space<vmem>>, vector<16xf32>,
      %gather3A_468 = tpu.vector_load_idx %arg8[%broadcast_in_dim3A, %broadcast_in_dim3A_383, %get3A_27] : memref<2x16x2048xf32, #tpu.memory_space<vmem>>[vector<16xi32>, vector<16xi32>, vector<16xi32>], vector<16xf32>,
      %mul3A_469 = arith.mulf %gather3A_468, %get3A_59 : vector<16xf32>
      %swap3A_470 = arith.constant 2 : i32
      %swap3A_471 = arith.index_cast %rem3A_126 : i32 to index
      %swap3A_472 = arith.index_cast %swap3A_470 : i32 to index
      %swap3A_473 = arith.constant 192 : index
      %swap3A_474 = tpu.vector_load %arg9[%swap3A_471, %swap3A_472, %swap3A_473] {strides = array<i32>} : memref<2x16x256xf32, #tpu.memory_space<vmem>>, vector<16xf32>,
      tpu.vector_store %arg9[%swap3A_471, %swap3A_472, %swap3A_473], %mul3A_469 {strides = array<i32>} : memref<2x16x256xf32, #tpu.memory_space<vmem>>, vector<16xf32>,
      %gather3A_475 = tpu.vector_load_idx %arg8[%broadcast_in_dim3A, %broadcast_in_dim3A_383, %get3A_29] : memref<2x16x2048xf32, #tpu.memory_space<vmem>>[vector<16xi32>, vector<16xi32>, vector<16xi32>], vector<16xf32>,
      %mul3A_476 = arith.mulf %gather3A_475, %get3A_61 : vector<16xf32>
      %swap3A_477 = arith.constant 2 : i32
      %swap3A_478 = arith.index_cast %rem3A_126 : i32 to index
      %swap3A_479 = arith.index_cast %swap3A_477 : i32 to index
      %swap3A_480 = arith.constant 208 : index
      %swap3A_481 = tpu.vector_load %arg9[%swap3A_478, %swap3A_479, %swap3A_480] {strides = array<i32>} : memref<2x16x256xf32, #tpu.memory_space<vmem>>, vector<16xf32>,
      tpu.vector_store %arg9[%swap3A_478, %swap3A_479, %swap3A_480], %mul3A_476 {strides = array<i32>} : memref<2x16x256xf32, #tpu.memory_space<vmem>>, vector<16xf32>,
      %gather3A_482 = tpu.vector_load_idx %arg8[%broadcast_in_dim3A, %broadcast_in_dim3A_383, %get3A_31] : memref<2x16x2048xf32, #tpu.memory_space<vmem>>[vector<16xi32>, vector<16xi32>, vector<16xi32>], vector<16xf32>,
      %mul3A_483 = arith.mulf %gather3A_482, %get3A_63 : vector<16xf32>
      %swap3A_484 = arith.constant 2 : i32
      %swap3A_485 = arith.index_cast %rem3A_126 : i32 to index
      %swap3A_486 = arith.index_cast %swap3A_484 : i32 to index
      %swap3A_487 = arith.constant 224 : index
      %swap3A_488 = tpu.vector_load %arg9[%swap3A_485, %swap3A_486, %swap3A_487] {strides = array<i32>} : memref<2x16x256xf32, #tpu.memory_space<vmem>>, vector<16xf32>,
      tpu.vector_store %arg9[%swap3A_485, %swap3A_486, %swap3A_487], %mul3A_483 {strides = array<i32>} : memref<2x16x256xf32, #tpu.memory_space<vmem>>, vector<16xf32>,
      %gather3A_489 = tpu.vector_load_idx %arg8[%broadcast_in_dim3A, %broadcast_in_dim3A_383, %get3A_33] : memref<2x16x2048xf32, #tpu.memory_space<vmem>>[vector<16xi32>, vector<16xi32>, vector<16xi32>], vector<16xf32>,
      %mul3A_490 = arith.mulf %gather3A_489, %get3A_65 : vector<16xf32>
      %swap3A_491 = arith.constant 2 : i32
      %swap3A_492 = arith.index_cast %rem3A_126 : i32 to index
      %swap3A_493 = arith.index_cast %swap3A_491 : i32 to index
      %swap3A_494 = arith.constant 240 : index
      %swap3A_495 = tpu.vector_load %arg9[%swap3A_492, %swap3A_493, %swap3A_494] {strides = array<i32>} : memref<2x16x256xf32, #tpu.memory_space<vmem>>, vector<16xf32>,
      tpu.vector_store %arg9[%swap3A_492, %swap3A_493, %swap3A_494], %mul3A_490 {strides = array<i32>} : memref<2x16x256xf32, #tpu.memory_space<vmem>>, vector<16xf32>,
      %broadcast_in_dim3A_496 = arith.constant 3 : i32
      %broadcast_in_dim3A_497 = vector.broadcast %broadcast_in_dim3A_496 : i32 to vector<16xi32>
      %gather3A_498 = tpu.vector_load_idx %arg8[%broadcast_in_dim3A, %broadcast_in_dim3A_497, %get3A_3] : memref<2x16x2048xf32, #tpu.memory_space<vmem>>[vector<16xi32>, vector<16xi32>, vector<16xi32>], vector<16xf32>,
      %mul3A_499 = arith.mulf %gather3A_498, %get3A_35 : vector<16xf32>
      %swap3A_500 = arith.constant 3 : i32
      %swap3A_501 = arith.index_cast %rem3A_126 : i32 to index
      %swap3A_502 = arith.index_cast %swap3A_500 : i32 to index
      %swap3A_503 = arith.constant 0 : index
      %swap3A_504 = tpu.vector_load %arg9[%swap3A_501, %swap3A_502, %swap3A_503] {strides = array<i32>} : memref<2x16x256xf32, #tpu.memory_space<vmem>>, vector<16xf32>,
      tpu.vector_store %arg9[%swap3A_501, %swap3A_502, %swap3A_503], %mul3A_499 {strides = array<i32>} : memref<2x16x256xf32, #tpu.memory_space<vmem>>, vector<16xf32>,
      %gather3A_505 = tpu.vector_load_idx %arg8[%broadcast_in_dim3A, %broadcast_in_dim3A_497, %get3A_5] : memref<2x16x2048xf32, #tpu.memory_space<vmem>>[vector<16xi32>, vector<16xi32>, vector<16xi32>], vector<16xf32>,
      %mul3A_506 = arith.mulf %gather3A_505, %get3A_37 : vector<16xf32>
      %swap3A_507 = arith.constant 3 : i32
      %swap3A_508 = arith.index_cast %rem3A_126 : i32 to index
      %swap3A_509 = arith.index_cast %swap3A_507 : i32 to index
      %swap3A_510 = arith.constant 16 : index
      %swap3A_511 = tpu.vector_load %arg9[%swap3A_508, %swap3A_509, %swap3A_510] {strides = array<i32>} : memref<2x16x256xf32, #tpu.memory_space<vmem>>, vector<16xf32>,
      tpu.vector_store %arg9[%swap3A_508, %swap3A_509, %swap3A_510], %mul3A_506 {strides = array<i32>} : memref<2x16x256xf32, #tpu.memory_space<vmem>>, vector<16xf32>,
      %gather3A_512 = tpu.vector_load_idx %arg8[%broadcast_in_dim3A, %broadcast_in_dim3A_497, %get3A_7] : memref<2x16x2048xf32, #tpu.memory_space<vmem>>[vector<16xi32>, vector<16xi32>, vector<16xi32>], vector<16xf32>,
      %mul3A_513 = arith.mulf %gather3A_512, %get3A_39 : vector<16xf32>
      %swap3A_514 = arith.constant 3 : i32
      %swap3A_515 = arith.index_cast %rem3A_126 : i32 to index
      %swap3A_516 = arith.index_cast %swap3A_514 : i32 to index
      %swap3A_517 = arith.constant 32 : index
      %swap3A_518 = tpu.vector_load %arg9[%swap3A_515, %swap3A_516, %swap3A_517] {strides = array<i32>} : memref<2x16x256xf32, #tpu.memory_space<vmem>>, vector<16xf32>,
      tpu.vector_store %arg9[%swap3A_515, %swap3A_516, %swap3A_517], %mul3A_513 {strides = array<i32>} : memref<2x16x256xf32, #tpu.memory_space<vmem>>, vector<16xf32>,
      %gather3A_519 = tpu.vector_load_idx %arg8[%broadcast_in_dim3A, %broadcast_in_dim3A_497, %get3A_9] : memref<2x16x2048xf32, #tpu.memory_space<vmem>>[vector<16xi32>, vector<16xi32>, vector<16xi32>], vector<16xf32>,
      %mul3A_520 = arith.mulf %gather3A_519, %get3A_41 : vector<16xf32>
      %swap3A_521 = arith.constant 3 : i32
      %swap3A_522 = arith.index_cast %rem3A_126 : i32 to index
      %swap3A_523 = arith.index_cast %swap3A_521 : i32 to index
      %swap3A_524 = arith.constant 48 : index
      %swap3A_525 = tpu.vector_load %arg9[%swap3A_522, %swap3A_523, %swap3A_524] {strides = array<i32>} : memref<2x16x256xf32, #tpu.memory_space<vmem>>, vector<16xf32>,
      tpu.vector_store %arg9[%swap3A_522, %swap3A_523, %swap3A_524], %mul3A_520 {strides = array<i32>} : memref<2x16x256xf32, #tpu.memory_space<vmem>>, vector<16xf32>,
      %gather3A_526 = tpu.vector_load_idx %arg8[%broadcast_in_dim3A, %broadcast_in_dim3A_497, %get3A_11] : memref<2x16x2048xf32, #tpu.memory_space<vmem>>[vector<16xi32>, vector<16xi32>, vector<16xi32>], vector<16xf32>,
      %mul3A_527 = arith.mulf %gather3A_526, %get3A_43 : vector<16xf32>
      %swap3A_528 = arith.constant 3 : i32
      %swap3A_529 = arith.index_cast %rem3A_126 : i32 to index
      %swap3A_530 = arith.index_cast %swap3A_528 : i32 to index
      %swap3A_531 = arith.constant 64 : index
      %swap3A_532 = tpu.vector_load %arg9[%swap3A_529, %swap3A_530, %swap3A_531] {strides = array<i32>} : memref<2x16x256xf32, #tpu.memory_space<vmem>>, vector<16xf32>,
      tpu.vector_store %arg9[%swap3A_529, %swap3A_530, %swap3A_531], %mul3A_527 {strides = array<i32>} : memref<2x16x256xf32, #tpu.memory_space<vmem>>, vector<16xf32>,
      %gather3A_533 = tpu.vector_load_idx %arg8[%broadcast_in_dim3A, %broadcast_in_dim3A_497, %get3A_13] : memref<2x16x2048xf32, #tpu.memory_space<vmem>>[vector<16xi32>, vector<16xi32>, vector<16xi32>], vector<16xf32>,
      %mul3A_534 = arith.mulf %gather3A_533, %get3A_45 : vector<16xf32>
      %swap3A_535 = arith.constant 3 : i32
      %swap3A_536 = arith.index_cast %rem3A_126 : i32 to index
      %swap3A_537 = arith.index_cast %swap3A_535 : i32 to index
      %swap3A_538 = arith.constant 80 : index
      %swap3A_539 = tpu.vector_load %arg9[%swap3A_536, %swap3A_537, %swap3A_538] {strides = array<i32>} : memref<2x16x256xf32, #tpu.memory_space<vmem>>, vector<16xf32>,
      tpu.vector_store %arg9[%swap3A_536, %swap3A_537, %swap3A_538], %mul3A_534 {strides = array<i32>} : memref<2x16x256xf32, #tpu.memory_space<vmem>>, vector<16xf32>,
      %gather3A_540 = tpu.vector_load_idx %arg8[%broadcast_in_dim3A, %broadcast_in_dim3A_497, %get3A_15] : memref<2x16x2048xf32, #tpu.memory_space<vmem>>[vector<16xi32>, vector<16xi32>, vector<16xi32>], vector<16xf32>,
      %mul3A_541 = arith.mulf %gather3A_540, %get3A_47 : vector<16xf32>
      %swap3A_542 = arith.constant 3 : i32
      %swap3A_543 = arith.index_cast %rem3A_126 : i32 to index
      %swap3A_544 = arith.index_cast %swap3A_542 : i32 to index
      %swap3A_545 = arith.constant 96 : index
      %swap3A_546 = tpu.vector_load %arg9[%swap3A_543, %swap3A_544, %swap3A_545] {strides = array<i32>} : memref<2x16x256xf32, #tpu.memory_space<vmem>>, vector<16xf32>,
      tpu.vector_store %arg9[%swap3A_543, %swap3A_544, %swap3A_545], %mul3A_541 {strides = array<i32>} : memref<2x16x256xf32, #tpu.memory_space<vmem>>, vector<16xf32>,
      %gather3A_547 = tpu.vector_load_idx %arg8[%broadcast_in_dim3A, %broadcast_in_dim3A_497, %get3A_17] : memref<2x16x2048xf32, #tpu.memory_space<vmem>>[vector<16xi32>, vector<16xi32>, vector<16xi32>], vector<16xf32>,
      %mul3A_548 = arith.mulf %gather3A_547, %get3A_49 : vector<16xf32>
      %swap3A_549 = arith.constant 3 : i32
      %swap3A_550 = arith.index_cast %rem3A_126 : i32 to index
      %swap3A_551 = arith.index_cast %swap3A_549 : i32 to index
      %swap3A_552 = arith.constant 112 : index
      %swap3A_553 = tpu.vector_load %arg9[%swap3A_550, %swap3A_551, %swap3A_552] {strides = array<i32>} : memref<2x16x256xf32, #tpu.memory_space<vmem>>, vector<16xf32>,
      tpu.vector_store %arg9[%swap3A_550, %swap3A_551, %swap3A_552], %mul3A_548 {strides = array<i32>} : memref<2x16x256xf32, #tpu.memory_space<vmem>>, vector<16xf32>,
      %gather3A_554 = tpu.vector_load_idx %arg8[%broadcast_in_dim3A, %broadcast_in_dim3A_497, %get3A_19] : memref<2x16x2048xf32, #tpu.memory_space<vmem>>[vector<16xi32>, vector<16xi32>, vector<16xi32>], vector<16xf32>,
      %mul3A_555 = arith.mulf %gather3A_554, %get3A_51 : vector<16xf32>
      %swap3A_556 = arith.constant 3 : i32
      %swap3A_557 = arith.index_cast %rem3A_126 : i32 to index
      %swap3A_558 = arith.index_cast %swap3A_556 : i32 to index
      %swap3A_559 = arith.constant 128 : index
      %swap3A_560 = tpu.vector_load %arg9[%swap3A_557, %swap3A_558, %swap3A_559] {strides = array<i32>} : memref<2x16x256xf32, #tpu.memory_space<vmem>>, vector<16xf32>,
      tpu.vector_store %arg9[%swap3A_557, %swap3A_558, %swap3A_559], %mul3A_555 {strides = array<i32>} : memref<2x16x256xf32, #tpu.memory_space<vmem>>, vector<16xf32>,
      %gather3A_561 = tpu.vector_load_idx %arg8[%broadcast_in_dim3A, %broadcast_in_dim3A_497, %get3A_21] : memref<2x16x2048xf32, #tpu.memory_space<vmem>>[vector<16xi32>, vector<16xi32>, vector<16xi32>], vector<16xf32>,
      %mul3A_562 = arith.mulf %gather3A_561, %get3A_53 : vector<16xf32>
      %swap3A_563 = arith.constant 3 : i32
      %swap3A_564 = arith.index_cast %rem3A_126 : i32 to index
      %swap3A_565 = arith.index_cast %swap3A_563 : i32 to index
      %swap3A_566 = arith.constant 144 : index
      %swap3A_567 = tpu.vector_load %arg9[%swap3A_564, %swap3A_565, %swap3A_566] {strides = array<i32>} : memref<2x16x256xf32, #tpu.memory_space<vmem>>, vector<16xf32>,
      tpu.vector_store %arg9[%swap3A_564, %swap3A_565, %swap3A_566], %mul3A_562 {strides = array<i32>} : memref<2x16x256xf32, #tpu.memory_space<vmem>>, vector<16xf32>,
      %gather3A_568 = tpu.vector_load_idx %arg8[%broadcast_in_dim3A, %broadcast_in_dim3A_497, %get3A_23] : memref<2x16x2048xf32, #tpu.memory_space<vmem>>[vector<16xi32>, vector<16xi32>, vector<16xi32>], vector<16xf32>,
      %mul3A_569 = arith.mulf %gather3A_568, %get3A_55 : vector<16xf32>
      %swap3A_570 = arith.constant 3 : i32
      %swap3A_571 = arith.index_cast %rem3A_126 : i32 to index
      %swap3A_572 = arith.index_cast %swap3A_570 : i32 to index
      %swap3A_573 = arith.constant 160 : index
      %swap3A_574 = tpu.vector_load %arg9[%swap3A_571, %swap3A_572, %swap3A_573] {strides = array<i32>} : memref<2x16x256xf32, #tpu.memory_space<vmem>>, vector<16xf32>,
      tpu.vector_store %arg9[%swap3A_571, %swap3A_572, %swap3A_573], %mul3A_569 {strides = array<i32>} : memref<2x16x256xf32, #tpu.memory_space<vmem>>, vector<16xf32>,
      %gather3A_575 = tpu.vector_load_idx %arg8[%broadcast_in_dim3A, %broadcast_in_dim3A_497, %get3A_25] : memref<2x16x2048xf32, #tpu.memory_space<vmem>>[vector<16xi32>, vector<16xi32>, vector<16xi32>], vector<16xf32>,
      %mul3A_576 = arith.mulf %gather3A_575, %get3A_57 : vector<16xf32>
      %swap3A_577 = arith.constant 3 : i32
      %swap3A_578 = arith.index_cast %rem3A_126 : i32 to index
      %swap3A_579 = arith.index_cast %swap3A_577 : i32 to index
      %swap3A_580 = arith.constant 176 : index
      %swap3A_581 = tpu.vector_load %arg9[%swap3A_578, %swap3A_579, %swap3A_580] {strides = array<i32>} : memref<2x16x256xf32, #tpu.memory_space<vmem>>, vector<16xf32>,
      tpu.vector_store %arg9[%swap3A_578, %swap3A_579, %swap3A_580], %mul3A_576 {strides = array<i32>} : memref<2x16x256xf32, #tpu.memory_space<vmem>>, vector<16xf32>,
      %gather3A_582 = tpu.vector_load_idx %arg8[%broadcast_in_dim3A, %broadcast_in_dim3A_497, %get3A_27] : memref<2x16x2048xf32, #tpu.memory_space<vmem>>[vector<16xi32>, vector<16xi32>, vector<16xi32>], vector<16xf32>,
      %mul3A_583 = arith.mulf %gather3A_582, %get3A_59 : vector<16xf32>
      %swap3A_584 = arith.constant 3 : i32
      %swap3A_585 = arith.index_cast %rem3A_126 : i32 to index
      %swap3A_586 = arith.index_cast %swap3A_584 : i32 to index
      %swap3A_587 = arith.constant 192 : index
      %swap3A_588 = tpu.vector_load %arg9[%swap3A_585, %swap3A_586, %swap3A_587] {strides = array<i32>} : memref<2x16x256xf32, #tpu.memory_space<vmem>>, vector<16xf32>,
      tpu.vector_store %arg9[%swap3A_585, %swap3A_586, %swap3A_587], %mul3A_583 {strides = array<i32>} : memref<2x16x256xf32, #tpu.memory_space<vmem>>, vector<16xf32>,
      %gather3A_589 = tpu.vector_load_idx %arg8[%broadcast_in_dim3A, %broadcast_in_dim3A_497, %get3A_29] : memref<2x16x2048xf32, #tpu.memory_space<vmem>>[vector<16xi32>, vector<16xi32>, vector<16xi32>], vector<16xf32>,
      %mul3A_590 = arith.mulf %gather3A_589, %get3A_61 : vector<16xf32>
      %swap3A_591 = arith.constant 3 : i32
      %swap3A_592 = arith.index_cast %rem3A_126 : i32 to index
      %swap3A_593 = arith.index_cast %swap3A_591 : i32 to index
      %swap3A_594 = arith.constant 208 : index
      %swap3A_595 = tpu.vector_load %arg9[%swap3A_592, %swap3A_593, %swap3A_594] {strides = array<i32>} : memref<2x16x256xf32, #tpu.memory_space<vmem>>, vector<16xf32>,
      tpu.vector_store %arg9[%swap3A_592, %swap3A_593, %swap3A_594], %mul3A_590 {strides = array<i32>} : memref<2x16x256xf32, #tpu.memory_space<vmem>>, vector<16xf32>,
      %gather3A_596 = tpu.vector_load_idx %arg8[%broadcast_in_dim3A, %broadcast_in_dim3A_497, %get3A_31] : memref<2x16x2048xf32, #tpu.memory_space<vmem>>[vector<16xi32>, vector<16xi32>, vector<16xi32>], vector<16xf32>,
      %mul3A_597 = arith.mulf %gather3A_596, %get3A_63 : vector<16xf32>
      %swap3A_598 = arith.constant 3 : i32
      %swap3A_599 = arith.index_cast %rem3A_126 : i32 to index
      %swap3A_600 = arith.index_cast %swap3A_598 : i32 to index
      %swap3A_601 = arith.constant 224 : index
      %swap3A_602 = tpu.vector_load %arg9[%swap3A_599, %swap3A_600, %swap3A_601] {strides = array<i32>} : memref<2x16x256xf32, #tpu.memory_space<vmem>>, vector<16xf32>,
      tpu.vector_store %arg9[%swap3A_599, %swap3A_600, %swap3A_601], %mul3A_597 {strides = array<i32>} : memref<2x16x256xf32, #tpu.memory_space<vmem>>, vector<16xf32>,
      %gather3A_603 = tpu.vector_load_idx %arg8[%broadcast_in_dim3A, %broadcast_in_dim3A_497, %get3A_33] : memref<2x16x2048xf32, #tpu.memory_space<vmem>>[vector<16xi32>, vector<16xi32>, vector<16xi32>], vector<16xf32>,
      %mul3A_604 = arith.mulf %gather3A_603, %get3A_65 : vector<16xf32>
      %swap3A_605 = arith.constant 3 : i32
      %swap3A_606 = arith.index_cast %rem3A_126 : i32 to index
      %swap3A_607 = arith.index_cast %swap3A_605 : i32 to index
      %swap3A_608 = arith.constant 240 : index
      %swap3A_609 = tpu.vector_load %arg9[%swap3A_606, %swap3A_607, %swap3A_608] {strides = array<i32>} : memref<2x16x256xf32, #tpu.memory_space<vmem>>, vector<16xf32>,
      tpu.vector_store %arg9[%swap3A_606, %swap3A_607, %swap3A_608], %mul3A_604 {strides = array<i32>} : memref<2x16x256xf32, #tpu.memory_space<vmem>>, vector<16xf32>,
      %broadcast_in_dim3A_610 = arith.constant 4 : i32
      %broadcast_in_dim3A_611 = vector.broadcast %broadcast_in_dim3A_610 : i32 to vector<16xi32>
      %gather3A_612 = tpu.vector_load_idx %arg8[%broadcast_in_dim3A, %broadcast_in_dim3A_611, %get3A_3] : memref<2x16x2048xf32, #tpu.memory_space<vmem>>[vector<16xi32>, vector<16xi32>, vector<16xi32>], vector<16xf32>,
      %mul3A_613 = arith.mulf %gather3A_612, %get3A_35 : vector<16xf32>
      %swap3A_614 = arith.constant 4 : i32
      %swap3A_615 = arith.index_cast %rem3A_126 : i32 to index
      %swap3A_616 = arith.index_cast %swap3A_614 : i32 to index
      %swap3A_617 = arith.constant 0 : index
      %swap3A_618 = tpu.vector_load %arg9[%swap3A_615, %swap3A_616, %swap3A_617] {strides = array<i32>} : memref<2x16x256xf32, #tpu.memory_space<vmem>>, vector<16xf32>,
      tpu.vector_store %arg9[%swap3A_615, %swap3A_616, %swap3A_617], %mul3A_613 {strides = array<i32>} : memref<2x16x256xf32, #tpu.memory_space<vmem>>, vector<16xf32>,
      %gather3A_619 = tpu.vector_load_idx %arg8[%broadcast_in_dim3A, %broadcast_in_dim3A_611, %get3A_5] : memref<2x16x2048xf32, #tpu.memory_space<vmem>>[vector<16xi32>, vector<16xi32>, vector<16xi32>], vector<16xf32>,
      %mul3A_620 = arith.mulf %gather3A_619, %get3A_37 : vector<16xf32>
      %swap3A_621 = arith.constant 4 : i32
      %swap3A_622 = arith.index_cast %rem3A_126 : i32 to index
      %swap3A_623 = arith.index_cast %swap3A_621 : i32 to index
      %swap3A_624 = arith.constant 16 : index
      %swap3A_625 = tpu.vector_load %arg9[%swap3A_622, %swap3A_623, %swap3A_624] {strides = array<i32>} : memref<2x16x256xf32, #tpu.memory_space<vmem>>, vector<16xf32>,
      tpu.vector_store %arg9[%swap3A_622, %swap3A_623, %swap3A_624], %mul3A_620 {strides = array<i32>} : memref<2x16x256xf32, #tpu.memory_space<vmem>>, vector<16xf32>,
      %gather3A_626 = tpu.vector_load_idx %arg8[%broadcast_in_dim3A, %broadcast_in_dim3A_611, %get3A_7] : memref<2x16x2048xf32, #tpu.memory_space<vmem>>[vector<16xi32>, vector<16xi32>, vector<16xi32>], vector<16xf32>,
      %mul3A_627 = arith.mulf %gather3A_626, %get3A_39 : vector<16xf32>
      %swap3A_628 = arith.constant 4 : i32
      %swap3A_629 = arith.index_cast %rem3A_126 : i32 to index
      %swap3A_630 = arith.index_cast %swap3A_628 : i32 to index
      %swap3A_631 = arith.constant 32 : index
      %swap3A_632 = tpu.vector_load %arg9[%swap3A_629, %swap3A_630, %swap3A_631] {strides = array<i32>} : memref<2x16x256xf32, #tpu.memory_space<vmem>>, vector<16xf32>,
      tpu.vector_store %arg9[%swap3A_629, %swap3A_630, %swap3A_631], %mul3A_627 {strides = array<i32>} : memref<2x16x256xf32, #tpu.memory_space<vmem>>, vector<16xf32>,
      %gather3A_633 = tpu.vector_load_idx %arg8[%broadcast_in_dim3A, %broadcast_in_dim3A_611, %get3A_9] : memref<2x16x2048xf32, #tpu.memory_space<vmem>>[vector<16xi32>, vector<16xi32>, vector<16xi32>], vector<16xf32>,
      %mul3A_634 = arith.mulf %gather3A_633, %get3A_41 : vector<16xf32>
      %swap3A_635 = arith.constant 4 : i32
      %swap3A_636 = arith.index_cast %rem3A_126 : i32 to index
      %swap3A_637 = arith.index_cast %swap3A_635 : i32 to index
      %swap3A_638 = arith.constant 48 : index
      %swap3A_639 = tpu.vector_load %arg9[%swap3A_636, %swap3A_637, %swap3A_638] {strides = array<i32>} : memref<2x16x256xf32, #tpu.memory_space<vmem>>, vector<16xf32>,
      tpu.vector_store %arg9[%swap3A_636, %swap3A_637, %swap3A_638], %mul3A_634 {strides = array<i32>} : memref<2x16x256xf32, #tpu.memory_space<vmem>>, vector<16xf32>,
      %gather3A_640 = tpu.vector_load_idx %arg8[%broadcast_in_dim3A, %broadcast_in_dim3A_611, %get3A_11] : memref<2x16x2048xf32, #tpu.memory_space<vmem>>[vector<16xi32>, vector<16xi32>, vector<16xi32>], vector<16xf32>,
      %mul3A_641 = arith.mulf %gather3A_640, %get3A_43 : vector<16xf32>
      %swap3A_642 = arith.constant 4 : i32
      %swap3A_643 = arith.index_cast %rem3A_126 : i32 to index
      %swap3A_644 = arith.index_cast %swap3A_642 : i32 to index
      %swap3A_645 = arith.constant 64 : index
      %swap3A_646 = tpu.vector_load %arg9[%swap3A_643, %swap3A_644, %swap3A_645] {strides = array<i32>} : memref<2x16x256xf32, #tpu.memory_space<vmem>>, vector<16xf32>,
      tpu.vector_store %arg9[%swap3A_643, %swap3A_644, %swap3A_645], %mul3A_641 {strides = array<i32>} : memref<2x16x256xf32, #tpu.memory_space<vmem>>, vector<16xf32>,
      %gather3A_647 = tpu.vector_load_idx %arg8[%broadcast_in_dim3A, %broadcast_in_dim3A_611, %get3A_13] : memref<2x16x2048xf32, #tpu.memory_space<vmem>>[vector<16xi32>, vector<16xi32>, vector<16xi32>], vector<16xf32>,
      %mul3A_648 = arith.mulf %gather3A_647, %get3A_45 : vector<16xf32>
      %swap3A_649 = arith.constant 4 : i32
      %swap3A_650 = arith.index_cast %rem3A_126 : i32 to index
      %swap3A_651 = arith.index_cast %swap3A_649 : i32 to index
      %swap3A_652 = arith.constant 80 : index
      %swap3A_653 = tpu.vector_load %arg9[%swap3A_650, %swap3A_651, %swap3A_652] {strides = array<i32>} : memref<2x16x256xf32, #tpu.memory_space<vmem>>, vector<16xf32>,
      tpu.vector_store %arg9[%swap3A_650, %swap3A_651, %swap3A_652], %mul3A_648 {strides = array<i32>} : memref<2x16x256xf32, #tpu.memory_space<vmem>>, vector<16xf32>,
      %gather3A_654 = tpu.vector_load_idx %arg8[%broadcast_in_dim3A, %broadcast_in_dim3A_611, %get3A_15] : memref<2x16x2048xf32, #tpu.memory_space<vmem>>[vector<16xi32>, vector<16xi32>, vector<16xi32>], vector<16xf32>,
      %mul3A_655 = arith.mulf %gather3A_654, %get3A_47 : vector<16xf32>
      %swap3A_656 = arith.constant 4 : i32
      %swap3A_657 = arith.index_cast %rem3A_126 : i32 to index
      %swap3A_658 = arith.index_cast %swap3A_656 : i32 to index
      %swap3A_659 = arith.constant 96 : index
      %swap3A_660 = tpu.vector_load %arg9[%swap3A_657, %swap3A_658, %swap3A_659] {strides = array<i32>} : memref<2x16x256xf32, #tpu.memory_space<vmem>>, vector<16xf32>,
      tpu.vector_store %arg9[%swap3A_657, %swap3A_658, %swap3A_659], %mul3A_655 {strides = array<i32>} : memref<2x16x256xf32, #tpu.memory_space<vmem>>, vector<16xf32>,
      %gather3A_661 = tpu.vector_load_idx %arg8[%broadcast_in_dim3A, %broadcast_in_dim3A_611, %get3A_17] : memref<2x16x2048xf32, #tpu.memory_space<vmem>>[vector<16xi32>, vector<16xi32>, vector<16xi32>], vector<16xf32>,
      %mul3A_662 = arith.mulf %gather3A_661, %get3A_49 : vector<16xf32>
      %swap3A_663 = arith.constant 4 : i32
      %swap3A_664 = arith.index_cast %rem3A_126 : i32 to index
      %swap3A_665 = arith.index_cast %swap3A_663 : i32 to index
      %swap3A_666 = arith.constant 112 : index
      %swap3A_667 = tpu.vector_load %arg9[%swap3A_664, %swap3A_665, %swap3A_666] {strides = array<i32>} : memref<2x16x256xf32, #tpu.memory_space<vmem>>, vector<16xf32>,
      tpu.vector_store %arg9[%swap3A_664, %swap3A_665, %swap3A_666], %mul3A_662 {strides = array<i32>} : memref<2x16x256xf32, #tpu.memory_space<vmem>>, vector<16xf32>,
      %gather3A_668 = tpu.vector_load_idx %arg8[%broadcast_in_dim3A, %broadcast_in_dim3A_611, %get3A_19] : memref<2x16x2048xf32, #tpu.memory_space<vmem>>[vector<16xi32>, vector<16xi32>, vector<16xi32>], vector<16xf32>,
      %mul3A_669 = arith.mulf %gather3A_668, %get3A_51 : vector<16xf32>
      %swap3A_670 = arith.constant 4 : i32
      %swap3A_671 = arith.index_cast %rem3A_126 : i32 to index
      %swap3A_672 = arith.index_cast %swap3A_670 : i32 to index
      %swap3A_673 = arith.constant 128 : index
      %swap3A_674 = tpu.vector_load %arg9[%swap3A_671, %swap3A_672, %swap3A_673] {strides = array<i32>} : memref<2x16x256xf32, #tpu.memory_space<vmem>>, vector<16xf32>,
      tpu.vector_store %arg9[%swap3A_671, %swap3A_672, %swap3A_673], %mul3A_669 {strides = array<i32>} : memref<2x16x256xf32, #tpu.memory_space<vmem>>, vector<16xf32>,
      %gather3A_675 = tpu.vector_load_idx %arg8[%broadcast_in_dim3A, %broadcast_in_dim3A_611, %get3A_21] : memref<2x16x2048xf32, #tpu.memory_space<vmem>>[vector<16xi32>, vector<16xi32>, vector<16xi32>], vector<16xf32>,
      %mul3A_676 = arith.mulf %gather3A_675, %get3A_53 : vector<16xf32>
      %swap3A_677 = arith.constant 4 : i32
      %swap3A_678 = arith.index_cast %rem3A_126 : i32 to index
      %swap3A_679 = arith.index_cast %swap3A_677 : i32 to index
      %swap3A_680 = arith.constant 144 : index
      %swap3A_681 = tpu.vector_load %arg9[%swap3A_678, %swap3A_679, %swap3A_680] {strides = array<i32>} : memref<2x16x256xf32, #tpu.memory_space<vmem>>, vector<16xf32>,
      tpu.vector_store %arg9[%swap3A_678, %swap3A_679, %swap3A_680], %mul3A_676 {strides = array<i32>} : memref<2x16x256xf32, #tpu.memory_space<vmem>>, vector<16xf32>,
      %gather3A_682 = tpu.vector_load_idx %arg8[%broadcast_in_dim3A, %broadcast_in_dim3A_611, %get3A_23] : memref<2x16x2048xf32, #tpu.memory_space<vmem>>[vector<16xi32>, vector<16xi32>, vector<16xi32>], vector<16xf32>,
      %mul3A_683 = arith.mulf %gather3A_682, %get3A_55 : vector<16xf32>
      %swap3A_684 = arith.constant 4 : i32
      %swap3A_685 = arith.index_cast %rem3A_126 : i32 to index
      %swap3A_686 = arith.index_cast %swap3A_684 : i32 to index
      %swap3A_687 = arith.constant 160 : index
      %swap3A_688 = tpu.vector_load %arg9[%swap3A_685, %swap3A_686, %swap3A_687] {strides = array<i32>} : memref<2x16x256xf32, #tpu.memory_space<vmem>>, vector<16xf32>,
      tpu.vector_store %arg9[%swap3A_685, %swap3A_686, %swap3A_687], %mul3A_683 {strides = array<i32>} : memref<2x16x256xf32, #tpu.memory_space<vmem>>, vector<16xf32>,
      %gather3A_689 = tpu.vector_load_idx %arg8[%broadcast_in_dim3A, %broadcast_in_dim3A_611, %get3A_25] : memref<2x16x2048xf32, #tpu.memory_space<vmem>>[vector<16xi32>, vector<16xi32>, vector<16xi32>], vector<16xf32>,
      %mul3A_690 = arith.mulf %gather3A_689, %get3A_57 : vector<16xf32>
      %swap3A_691 = arith.constant 4 : i32
      %swap3A_692 = arith.index_cast %rem3A_126 : i32 to index
      %swap3A_693 = arith.index_cast %swap3A_691 : i32 to index
      %swap3A_694 = arith.constant 176 : index
      %swap3A_695 = tpu.vector_load %arg9[%swap3A_692, %swap3A_693, %swap3A_694] {strides = array<i32>} : memref<2x16x256xf32, #tpu.memory_space<vmem>>, vector<16xf32>,
      tpu.vector_store %arg9[%swap3A_692, %swap3A_693, %swap3A_694], %mul3A_690 {strides = array<i32>} : memref<2x16x256xf32, #tpu.memory_space<vmem>>, vector<16xf32>,
      %gather3A_696 = tpu.vector_load_idx %arg8[%broadcast_in_dim3A, %broadcast_in_dim3A_611, %get3A_27] : memref<2x16x2048xf32, #tpu.memory_space<vmem>>[vector<16xi32>, vector<16xi32>, vector<16xi32>], vector<16xf32>,
      %mul3A_697 = arith.mulf %gather3A_696, %get3A_59 : vector<16xf32>
      %swap3A_698 = arith.constant 4 : i32
      %swap3A_699 = arith.index_cast %rem3A_126 : i32 to index
      %swap3A_700 = arith.index_cast %swap3A_698 : i32 to index
      %swap3A_701 = arith.constant 192 : index
      %swap3A_702 = tpu.vector_load %arg9[%swap3A_699, %swap3A_700, %swap3A_701] {strides = array<i32>} : memref<2x16x256xf32, #tpu.memory_space<vmem>>, vector<16xf32>,
      tpu.vector_store %arg9[%swap3A_699, %swap3A_700, %swap3A_701], %mul3A_697 {strides = array<i32>} : memref<2x16x256xf32, #tpu.memory_space<vmem>>, vector<16xf32>,
      %gather3A_703 = tpu.vector_load_idx %arg8[%broadcast_in_dim3A, %broadcast_in_dim3A_611, %get3A_29] : memref<2x16x2048xf32, #tpu.memory_space<vmem>>[vector<16xi32>, vector<16xi32>, vector<16xi32>], vector<16xf32>,
      %mul3A_704 = arith.mulf %gather3A_703, %get3A_61 : vector<16xf32>
      %swap3A_705 = arith.constant 4 : i32
      %swap3A_706 = arith.index_cast %rem3A_126 : i32 to index
      %swap3A_707 = arith.index_cast %swap3A_705 : i32 to index
      %swap3A_708 = arith.constant 208 : index
      %swap3A_709 = tpu.vector_load %arg9[%swap3A_706, %swap3A_707, %swap3A_708] {strides = array<i32>} : memref<2x16x256xf32, #tpu.memory_space<vmem>>, vector<16xf32>,
      tpu.vector_store %arg9[%swap3A_706, %swap3A_707, %swap3A_708], %mul3A_704 {strides = array<i32>} : memref<2x16x256xf32, #tpu.memory_space<vmem>>, vector<16xf32>,
      %gather3A_710 = tpu.vector_load_idx %arg8[%broadcast_in_dim3A, %broadcast_in_dim3A_611, %get3A_31] : memref<2x16x2048xf32, #tpu.memory_space<vmem>>[vector<16xi32>, vector<16xi32>, vector<16xi32>], vector<16xf32>,
      %mul3A_711 = arith.mulf %gather3A_710, %get3A_63 : vector<16xf32>
      %swap3A_712 = arith.constant 4 : i32
      %swap3A_713 = arith.index_cast %rem3A_126 : i32 to index
      %swap3A_714 = arith.index_cast %swap3A_712 : i32 to index
      %swap3A_715 = arith.constant 224 : index
      %swap3A_716 = tpu.vector_load %arg9[%swap3A_713, %swap3A_714, %swap3A_715] {strides = array<i32>} : memref<2x16x256xf32, #tpu.memory_space<vmem>>, vector<16xf32>,
      tpu.vector_store %arg9[%swap3A_713, %swap3A_714, %swap3A_715], %mul3A_711 {strides = array<i32>} : memref<2x16x256xf32, #tpu.memory_space<vmem>>, vector<16xf32>,
      %gather3A_717 = tpu.vector_load_idx %arg8[%broadcast_in_dim3A, %broadcast_in_dim3A_611, %get3A_33] : memref<2x16x2048xf32, #tpu.memory_space<vmem>>[vector<16xi32>, vector<16xi32>, vector<16xi32>], vector<16xf32>,
      %mul3A_718 = arith.mulf %gather3A_717, %get3A_65 : vector<16xf32>
      %swap3A_719 = arith.constant 4 : i32
      %swap3A_720 = arith.index_cast %rem3A_126 : i32 to index
      %swap3A_721 = arith.index_cast %swap3A_719 : i32 to index
      %swap3A_722 = arith.constant 240 : index
      %swap3A_723 = tpu.vector_load %arg9[%swap3A_720, %swap3A_721, %swap3A_722] {strides = array<i32>} : memref<2x16x256xf32, #tpu.memory_space<vmem>>, vector<16xf32>,
      tpu.vector_store %arg9[%swap3A_720, %swap3A_721, %swap3A_722], %mul3A_718 {strides = array<i32>} : memref<2x16x256xf32, #tpu.memory_space<vmem>>, vector<16xf32>,
      %broadcast_in_dim3A_724 = arith.constant 5 : i32
      %broadcast_in_dim3A_725 = vector.broadcast %broadcast_in_dim3A_724 : i32 to vector<16xi32>
      %gather3A_726 = tpu.vector_load_idx %arg8[%broadcast_in_dim3A, %broadcast_in_dim3A_725, %get3A_3] : memref<2x16x2048xf32, #tpu.memory_space<vmem>>[vector<16xi32>, vector<16xi32>, vector<16xi32>], vector<16xf32>,
      %mul3A_727 = arith.mulf %gather3A_726, %get3A_35 : vector<16xf32>
      %swap3A_728 = arith.constant 5 : i32
      %swap3A_729 = arith.index_cast %rem3A_126 : i32 to index
      %swap3A_730 = arith.index_cast %swap3A_728 : i32 to index
      %swap3A_731 = arith.constant 0 : index
      %swap3A_732 = tpu.vector_load %arg9[%swap3A_729, %swap3A_730, %swap3A_731] {strides = array<i32>} : memref<2x16x256xf32, #tpu.memory_space<vmem>>, vector<16xf32>,
      tpu.vector_store %arg9[%swap3A_729, %swap3A_730, %swap3A_731], %mul3A_727 {strides = array<i32>} : memref<2x16x256xf32, #tpu.memory_space<vmem>>, vector<16xf32>,
      %gather3A_733 = tpu.vector_load_idx %arg8[%broadcast_in_dim3A, %broadcast_in_dim3A_725, %get3A_5] : memref<2x16x2048xf32, #tpu.memory_space<vmem>>[vector<16xi32>, vector<16xi32>, vector<16xi32>], vector<16xf32>,
      %mul3A_734 = arith.mulf %gather3A_733, %get3A_37 : vector<16xf32>
      %swap3A_735 = arith.constant 5 : i32
      %swap3A_736 = arith.index_cast %rem3A_126 : i32 to index
      %swap3A_737 = arith.index_cast %swap3A_735 : i32 to index
      %swap3A_738 = arith.constant 16 : index
      %swap3A_739 = tpu.vector_load %arg9[%swap3A_736, %swap3A_737, %swap3A_738] {strides = array<i32>} : memref<2x16x256xf32, #tpu.memory_space<vmem>>, vector<16xf32>,
      tpu.vector_store %arg9[%swap3A_736, %swap3A_737, %swap3A_738], %mul3A_734 {strides = array<i32>} : memref<2x16x256xf32, #tpu.memory_space<vmem>>, vector<16xf32>,
      %gather3A_740 = tpu.vector_load_idx %arg8[%broadcast_in_dim3A, %broadcast_in_dim3A_725, %get3A_7] : memref<2x16x2048xf32, #tpu.memory_space<vmem>>[vector<16xi32>, vector<16xi32>, vector<16xi32>], vector<16xf32>,
      %mul3A_741 = arith.mulf %gather3A_740, %get3A_39 : vector<16xf32>
      %swap3A_742 = arith.constant 5 : i32
      %swap3A_743 = arith.index_cast %rem3A_126 : i32 to index
      %swap3A_744 = arith.index_cast %swap3A_742 : i32 to index
      %swap3A_745 = arith.constant 32 : index
      %swap3A_746 = tpu.vector_load %arg9[%swap3A_743, %swap3A_744, %swap3A_745] {strides = array<i32>} : memref<2x16x256xf32, #tpu.memory_space<vmem>>, vector<16xf32>,
      tpu.vector_store %arg9[%swap3A_743, %swap3A_744, %swap3A_745], %mul3A_741 {strides = array<i32>} : memref<2x16x256xf32, #tpu.memory_space<vmem>>, vector<16xf32>,
      %gather3A_747 = tpu.vector_load_idx %arg8[%broadcast_in_dim3A, %broadcast_in_dim3A_725, %get3A_9] : memref<2x16x2048xf32, #tpu.memory_space<vmem>>[vector<16xi32>, vector<16xi32>, vector<16xi32>], vector<16xf32>,
      %mul3A_748 = arith.mulf %gather3A_747, %get3A_41 : vector<16xf32>
      %swap3A_749 = arith.constant 5 : i32
      %swap3A_750 = arith.index_cast %rem3A_126 : i32 to index
      %swap3A_751 = arith.index_cast %swap3A_749 : i32 to index
      %swap3A_752 = arith.constant 48 : index
      %swap3A_753 = tpu.vector_load %arg9[%swap3A_750, %swap3A_751, %swap3A_752] {strides = array<i32>} : memref<2x16x256xf32, #tpu.memory_space<vmem>>, vector<16xf32>,
      tpu.vector_store %arg9[%swap3A_750, %swap3A_751, %swap3A_752], %mul3A_748 {strides = array<i32>} : memref<2x16x256xf32, #tpu.memory_space<vmem>>, vector<16xf32>,
      %gather3A_754 = tpu.vector_load_idx %arg8[%broadcast_in_dim3A, %broadcast_in_dim3A_725, %get3A_11] : memref<2x16x2048xf32, #tpu.memory_space<vmem>>[vector<16xi32>, vector<16xi32>, vector<16xi32>], vector<16xf32>,
      %mul3A_755 = arith.mulf %gather3A_754, %get3A_43 : vector<16xf32>
      %swap3A_756 = arith.constant 5 : i32
      %swap3A_757 = arith.index_cast %rem3A_126 : i32 to index
      %swap3A_758 = arith.index_cast %swap3A_756 : i32 to index
      %swap3A_759 = arith.constant 64 : index
      %swap3A_760 = tpu.vector_load %arg9[%swap3A_757, %swap3A_758, %swap3A_759] {strides = array<i32>} : memref<2x16x256xf32, #tpu.memory_space<vmem>>, vector<16xf32>,
      tpu.vector_store %arg9[%swap3A_757, %swap3A_758, %swap3A_759], %mul3A_755 {strides = array<i32>} : memref<2x16x256xf32, #tpu.memory_space<vmem>>, vector<16xf32>,
      %gather3A_761 = tpu.vector_load_idx %arg8[%broadcast_in_dim3A, %broadcast_in_dim3A_725, %get3A_13] : memref<2x16x2048xf32, #tpu.memory_space<vmem>>[vector<16xi32>, vector<16xi32>, vector<16xi32>], vector<16xf32>,
      %mul3A_762 = arith.mulf %gather3A_761, %get3A_45 : vector<16xf32>
      %swap3A_763 = arith.constant 5 : i32
      %swap3A_764 = arith.index_cast %rem3A_126 : i32 to index
      %swap3A_765 = arith.index_cast %swap3A_763 : i32 to index
      %swap3A_766 = arith.constant 80 : index
      %swap3A_767 = tpu.vector_load %arg9[%swap3A_764, %swap3A_765, %swap3A_766] {strides = array<i32>} : memref<2x16x256xf32, #tpu.memory_space<vmem>>, vector<16xf32>,
      tpu.vector_store %arg9[%swap3A_764, %swap3A_765, %swap3A_766], %mul3A_762 {strides = array<i32>} : memref<2x16x256xf32, #tpu.memory_space<vmem>>, vector<16xf32>,
      %gather3A_768 = tpu.vector_load_idx %arg8[%broadcast_in_dim3A, %broadcast_in_dim3A_725, %get3A_15] : memref<2x16x2048xf32, #tpu.memory_space<vmem>>[vector<16xi32>, vector<16xi32>, vector<16xi32>], vector<16xf32>,
      %mul3A_769 = arith.mulf %gather3A_768, %get3A_47 : vector<16xf32>
      %swap3A_770 = arith.constant 5 : i32
      %swap3A_771 = arith.index_cast %rem3A_126 : i32 to index
      %swap3A_772 = arith.index_cast %swap3A_770 : i32 to index
      %swap3A_773 = arith.constant 96 : index
      %swap3A_774 = tpu.vector_load %arg9[%swap3A_771, %swap3A_772, %swap3A_773] {strides = array<i32>} : memref<2x16x256xf32, #tpu.memory_space<vmem>>, vector<16xf32>,
      tpu.vector_store %arg9[%swap3A_771, %swap3A_772, %swap3A_773], %mul3A_769 {strides = array<i32>} : memref<2x16x256xf32, #tpu.memory_space<vmem>>, vector<16xf32>,
      %gather3A_775 = tpu.vector_load_idx %arg8[%broadcast_in_dim3A, %broadcast_in_dim3A_725, %get3A_17] : memref<2x16x2048xf32, #tpu.memory_space<vmem>>[vector<16xi32>, vector<16xi32>, vector<16xi32>], vector<16xf32>,
      %mul3A_776 = arith.mulf %gather3A_775, %get3A_49 : vector<16xf32>
      %swap3A_777 = arith.constant 5 : i32
      %swap3A_778 = arith.index_cast %rem3A_126 : i32 to index
      %swap3A_779 = arith.index_cast %swap3A_777 : i32 to index
      %swap3A_780 = arith.constant 112 : index
      %swap3A_781 = tpu.vector_load %arg9[%swap3A_778, %swap3A_779, %swap3A_780] {strides = array<i32>} : memref<2x16x256xf32, #tpu.memory_space<vmem>>, vector<16xf32>,
      tpu.vector_store %arg9[%swap3A_778, %swap3A_779, %swap3A_780], %mul3A_776 {strides = array<i32>} : memref<2x16x256xf32, #tpu.memory_space<vmem>>, vector<16xf32>,
      %gather3A_782 = tpu.vector_load_idx %arg8[%broadcast_in_dim3A, %broadcast_in_dim3A_725, %get3A_19] : memref<2x16x2048xf32, #tpu.memory_space<vmem>>[vector<16xi32>, vector<16xi32>, vector<16xi32>], vector<16xf32>,
      %mul3A_783 = arith.mulf %gather3A_782, %get3A_51 : vector<16xf32>
      %swap3A_784 = arith.constant 5 : i32
      %swap3A_785 = arith.index_cast %rem3A_126 : i32 to index
      %swap3A_786 = arith.index_cast %swap3A_784 : i32 to index
      %swap3A_787 = arith.constant 128 : index
      %swap3A_788 = tpu.vector_load %arg9[%swap3A_785, %swap3A_786, %swap3A_787] {strides = array<i32>} : memref<2x16x256xf32, #tpu.memory_space<vmem>>, vector<16xf32>,
      tpu.vector_store %arg9[%swap3A_785, %swap3A_786, %swap3A_787], %mul3A_783 {strides = array<i32>} : memref<2x16x256xf32, #tpu.memory_space<vmem>>, vector<16xf32>,
      %gather3A_789 = tpu.vector_load_idx %arg8[%broadcast_in_dim3A, %broadcast_in_dim3A_725, %get3A_21] : memref<2x16x2048xf32, #tpu.memory_space<vmem>>[vector<16xi32>, vector<16xi32>, vector<16xi32>], vector<16xf32>,
      %mul3A_790 = arith.mulf %gather3A_789, %get3A_53 : vector<16xf32>
      %swap3A_791 = arith.constant 5 : i32
      %swap3A_792 = arith.index_cast %rem3A_126 : i32 to index
      %swap3A_793 = arith.index_cast %swap3A_791 : i32 to index
      %swap3A_794 = arith.constant 144 : index
      %swap3A_795 = tpu.vector_load %arg9[%swap3A_792, %swap3A_793, %swap3A_794] {strides = array<i32>} : memref<2x16x256xf32, #tpu.memory_space<vmem>>, vector<16xf32>,
      tpu.vector_store %arg9[%swap3A_792, %swap3A_793, %swap3A_794], %mul3A_790 {strides = array<i32>} : memref<2x16x256xf32, #tpu.memory_space<vmem>>, vector<16xf32>,
      %gather3A_796 = tpu.vector_load_idx %arg8[%broadcast_in_dim3A, %broadcast_in_dim3A_725, %get3A_23] : memref<2x16x2048xf32, #tpu.memory_space<vmem>>[vector<16xi32>, vector<16xi32>, vector<16xi32>], vector<16xf32>,
      %mul3A_797 = arith.mulf %gather3A_796, %get3A_55 : vector<16xf32>
      %swap3A_798 = arith.constant 5 : i32
      %swap3A_799 = arith.index_cast %rem3A_126 : i32 to index
      %swap3A_800 = arith.index_cast %swap3A_798 : i32 to index
      %swap3A_801 = arith.constant 160 : index
      %swap3A_802 = tpu.vector_load %arg9[%swap3A_799, %swap3A_800, %swap3A_801] {strides = array<i32>} : memref<2x16x256xf32, #tpu.memory_space<vmem>>, vector<16xf32>,
      tpu.vector_store %arg9[%swap3A_799, %swap3A_800, %swap3A_801], %mul3A_797 {strides = array<i32>} : memref<2x16x256xf32, #tpu.memory_space<vmem>>, vector<16xf32>,
      %gather3A_803 = tpu.vector_load_idx %arg8[%broadcast_in_dim3A, %broadcast_in_dim3A_725, %get3A_25] : memref<2x16x2048xf32, #tpu.memory_space<vmem>>[vector<16xi32>, vector<16xi32>, vector<16xi32>], vector<16xf32>,
      %mul3A_804 = arith.mulf %gather3A_803, %get3A_57 : vector<16xf32>
      %swap3A_805 = arith.constant 5 : i32
      %swap3A_806 = arith.index_cast %rem3A_126 : i32 to index
      %swap3A_807 = arith.index_cast %swap3A_805 : i32 to index
      %swap3A_808 = arith.constant 176 : index
      %swap3A_809 = tpu.vector_load %arg9[%swap3A_806, %swap3A_807, %swap3A_808] {strides = array<i32>} : memref<2x16x256xf32, #tpu.memory_space<vmem>>, vector<16xf32>,
      tpu.vector_store %arg9[%swap3A_806, %swap3A_807, %swap3A_808], %mul3A_804 {strides = array<i32>} : memref<2x16x256xf32, #tpu.memory_space<vmem>>, vector<16xf32>,
      %gather3A_810 = tpu.vector_load_idx %arg8[%broadcast_in_dim3A, %broadcast_in_dim3A_725, %get3A_27] : memref<2x16x2048xf32, #tpu.memory_space<vmem>>[vector<16xi32>, vector<16xi32>, vector<16xi32>], vector<16xf32>,
      %mul3A_811 = arith.mulf %gather3A_810, %get3A_59 : vector<16xf32>
      %swap3A_812 = arith.constant 5 : i32
      %swap3A_813 = arith.index_cast %rem3A_126 : i32 to index
      %swap3A_814 = arith.index_cast %swap3A_812 : i32 to index
      %swap3A_815 = arith.constant 192 : index
      %swap3A_816 = tpu.vector_load %arg9[%swap3A_813, %swap3A_814, %swap3A_815] {strides = array<i32>} : memref<2x16x256xf32, #tpu.memory_space<vmem>>, vector<16xf32>,
      tpu.vector_store %arg9[%swap3A_813, %swap3A_814, %swap3A_815], %mul3A_811 {strides = array<i32>} : memref<2x16x256xf32, #tpu.memory_space<vmem>>, vector<16xf32>,
      %gather3A_817 = tpu.vector_load_idx %arg8[%broadcast_in_dim3A, %broadcast_in_dim3A_725, %get3A_29] : memref<2x16x2048xf32, #tpu.memory_space<vmem>>[vector<16xi32>, vector<16xi32>, vector<16xi32>], vector<16xf32>,
      %mul3A_818 = arith.mulf %gather3A_817, %get3A_61 : vector<16xf32>
      %swap3A_819 = arith.constant 5 : i32
      %swap3A_820 = arith.index_cast %rem3A_126 : i32 to index
      %swap3A_821 = arith.index_cast %swap3A_819 : i32 to index
      %swap3A_822 = arith.constant 208 : index
      %swap3A_823 = tpu.vector_load %arg9[%swap3A_820, %swap3A_821, %swap3A_822] {strides = array<i32>} : memref<2x16x256xf32, #tpu.memory_space<vmem>>, vector<16xf32>,
      tpu.vector_store %arg9[%swap3A_820, %swap3A_821, %swap3A_822], %mul3A_818 {strides = array<i32>} : memref<2x16x256xf32, #tpu.memory_space<vmem>>, vector<16xf32>,
      %gather3A_824 = tpu.vector_load_idx %arg8[%broadcast_in_dim3A, %broadcast_in_dim3A_725, %get3A_31] : memref<2x16x2048xf32, #tpu.memory_space<vmem>>[vector<16xi32>, vector<16xi32>, vector<16xi32>], vector<16xf32>,
      %mul3A_825 = arith.mulf %gather3A_824, %get3A_63 : vector<16xf32>
      %swap3A_826 = arith.constant 5 : i32
      %swap3A_827 = arith.index_cast %rem3A_126 : i32 to index
      %swap3A_828 = arith.index_cast %swap3A_826 : i32 to index
      %swap3A_829 = arith.constant 224 : index
      %swap3A_830 = tpu.vector_load %arg9[%swap3A_827, %swap3A_828, %swap3A_829] {strides = array<i32>} : memref<2x16x256xf32, #tpu.memory_space<vmem>>, vector<16xf32>,
      tpu.vector_store %arg9[%swap3A_827, %swap3A_828, %swap3A_829], %mul3A_825 {strides = array<i32>} : memref<2x16x256xf32, #tpu.memory_space<vmem>>, vector<16xf32>,
      %gather3A_831 = tpu.vector_load_idx %arg8[%broadcast_in_dim3A, %broadcast_in_dim3A_725, %get3A_33] : memref<2x16x2048xf32, #tpu.memory_space<vmem>>[vector<16xi32>, vector<16xi32>, vector<16xi32>], vector<16xf32>,
      %mul3A_832 = arith.mulf %gather3A_831, %get3A_65 : vector<16xf32>
      %swap3A_833 = arith.constant 5 : i32
      %swap3A_834 = arith.index_cast %rem3A_126 : i32 to index
      %swap3A_835 = arith.index_cast %swap3A_833 : i32 to index
      %swap3A_836 = arith.constant 240 : index
      %swap3A_837 = tpu.vector_load %arg9[%swap3A_834, %swap3A_835, %swap3A_836] {strides = array<i32>} : memref<2x16x256xf32, #tpu.memory_space<vmem>>, vector<16xf32>,
      tpu.vector_store %arg9[%swap3A_834, %swap3A_835, %swap3A_836], %mul3A_832 {strides = array<i32>} : memref<2x16x256xf32, #tpu.memory_space<vmem>>, vector<16xf32>,
      %broadcast_in_dim3A_838 = arith.constant 6 : i32
      %broadcast_in_dim3A_839 = vector.broadcast %broadcast_in_dim3A_838 : i32 to vector<16xi32>
      %gather3A_840 = tpu.vector_load_idx %arg8[%broadcast_in_dim3A, %broadcast_in_dim3A_839, %get3A_3] : memref<2x16x2048xf32, #tpu.memory_space<vmem>>[vector<16xi32>, vector<16xi32>, vector<16xi32>], vector<16xf32>,
      %mul3A_841 = arith.mulf %gather3A_840, %get3A_35 : vector<16xf32>
      %swap3A_842 = arith.constant 6 : i32
      %swap3A_843 = arith.index_cast %rem3A_126 : i32 to index
      %swap3A_844 = arith.index_cast %swap3A_842 : i32 to index
      %swap3A_845 = arith.constant 0 : index
      %swap3A_846 = tpu.vector_load %arg9[%swap3A_843, %swap3A_844, %swap3A_845] {strides = array<i32>} : memref<2x16x256xf32, #tpu.memory_space<vmem>>, vector<16xf32>,
      tpu.vector_store %arg9[%swap3A_843, %swap3A_844, %swap3A_845], %mul3A_841 {strides = array<i32>} : memref<2x16x256xf32, #tpu.memory_space<vmem>>, vector<16xf32>,
      %gather3A_847 = tpu.vector_load_idx %arg8[%broadcast_in_dim3A, %broadcast_in_dim3A_839, %get3A_5] : memref<2x16x2048xf32, #tpu.memory_space<vmem>>[vector<16xi32>, vector<16xi32>, vector<16xi32>], vector<16xf32>,
      %mul3A_848 = arith.mulf %gather3A_847, %get3A_37 : vector<16xf32>
      %swap3A_849 = arith.constant 6 : i32
      %swap3A_850 = arith.index_cast %rem3A_126 : i32 to index
      %swap3A_851 = arith.index_cast %swap3A_849 : i32 to index
      %swap3A_852 = arith.constant 16 : index
      %swap3A_853 = tpu.vector_load %arg9[%swap3A_850, %swap3A_851, %swap3A_852] {strides = array<i32>} : memref<2x16x256xf32, #tpu.memory_space<vmem>>, vector<16xf32>,
      tpu.vector_store %arg9[%swap3A_850, %swap3A_851, %swap3A_852], %mul3A_848 {strides = array<i32>} : memref<2x16x256xf32, #tpu.memory_space<vmem>>, vector<16xf32>,
      %gather3A_854 = tpu.vector_load_idx %arg8[%broadcast_in_dim3A, %broadcast_in_dim3A_839, %get3A_7] : memref<2x16x2048xf32, #tpu.memory_space<vmem>>[vector<16xi32>, vector<16xi32>, vector<16xi32>], vector<16xf32>,
      %mul3A_855 = arith.mulf %gather3A_854, %get3A_39 : vector<16xf32>
      %swap3A_856 = arith.constant 6 : i32
      %swap3A_857 = arith.index_cast %rem3A_126 : i32 to index
      %swap3A_858 = arith.index_cast %swap3A_856 : i32 to index
      %swap3A_859 = arith.constant 32 : index
      %swap3A_860 = tpu.vector_load %arg9[%swap3A_857, %swap3A_858, %swap3A_859] {strides = array<i32>} : memref<2x16x256xf32, #tpu.memory_space<vmem>>, vector<16xf32>,
      tpu.vector_store %arg9[%swap3A_857, %swap3A_858, %swap3A_859], %mul3A_855 {strides = array<i32>} : memref<2x16x256xf32, #tpu.memory_space<vmem>>, vector<16xf32>,
      %gather3A_861 = tpu.vector_load_idx %arg8[%broadcast_in_dim3A, %broadcast_in_dim3A_839, %get3A_9] : memref<2x16x2048xf32, #tpu.memory_space<vmem>>[vector<16xi32>, vector<16xi32>, vector<16xi32>], vector<16xf32>,
      %mul3A_862 = arith.mulf %gather3A_861, %get3A_41 : vector<16xf32>
      %swap3A_863 = arith.constant 6 : i32
      %swap3A_864 = arith.index_cast %rem3A_126 : i32 to index
      %swap3A_865 = arith.index_cast %swap3A_863 : i32 to index
      %swap3A_866 = arith.constant 48 : index
      %swap3A_867 = tpu.vector_load %arg9[%swap3A_864, %swap3A_865, %swap3A_866] {strides = array<i32>} : memref<2x16x256xf32, #tpu.memory_space<vmem>>, vector<16xf32>,
      tpu.vector_store %arg9[%swap3A_864, %swap3A_865, %swap3A_866], %mul3A_862 {strides = array<i32>} : memref<2x16x256xf32, #tpu.memory_space<vmem>>, vector<16xf32>,
      %gather3A_868 = tpu.vector_load_idx %arg8[%broadcast_in_dim3A, %broadcast_in_dim3A_839, %get3A_11] : memref<2x16x2048xf32, #tpu.memory_space<vmem>>[vector<16xi32>, vector<16xi32>, vector<16xi32>], vector<16xf32>,
      %mul3A_869 = arith.mulf %gather3A_868, %get3A_43 : vector<16xf32>
      %swap3A_870 = arith.constant 6 : i32
      %swap3A_871 = arith.index_cast %rem3A_126 : i32 to index
      %swap3A_872 = arith.index_cast %swap3A_870 : i32 to index
      %swap3A_873 = arith.constant 64 : index
      %swap3A_874 = tpu.vector_load %arg9[%swap3A_871, %swap3A_872, %swap3A_873] {strides = array<i32>} : memref<2x16x256xf32, #tpu.memory_space<vmem>>, vector<16xf32>,
      tpu.vector_store %arg9[%swap3A_871, %swap3A_872, %swap3A_873], %mul3A_869 {strides = array<i32>} : memref<2x16x256xf32, #tpu.memory_space<vmem>>, vector<16xf32>,
      %gather3A_875 = tpu.vector_load_idx %arg8[%broadcast_in_dim3A, %broadcast_in_dim3A_839, %get3A_13] : memref<2x16x2048xf32, #tpu.memory_space<vmem>>[vector<16xi32>, vector<16xi32>, vector<16xi32>], vector<16xf32>,
      %mul3A_876 = arith.mulf %gather3A_875, %get3A_45 : vector<16xf32>
      %swap3A_877 = arith.constant 6 : i32
      %swap3A_878 = arith.index_cast %rem3A_126 : i32 to index
      %swap3A_879 = arith.index_cast %swap3A_877 : i32 to index
      %swap3A_880 = arith.constant 80 : index
      %swap3A_881 = tpu.vector_load %arg9[%swap3A_878, %swap3A_879, %swap3A_880] {strides = array<i32>} : memref<2x16x256xf32, #tpu.memory_space<vmem>>, vector<16xf32>,
      tpu.vector_store %arg9[%swap3A_878, %swap3A_879, %swap3A_880], %mul3A_876 {strides = array<i32>} : memref<2x16x256xf32, #tpu.memory_space<vmem>>, vector<16xf32>,
      %gather3A_882 = tpu.vector_load_idx %arg8[%broadcast_in_dim3A, %broadcast_in_dim3A_839, %get3A_15] : memref<2x16x2048xf32, #tpu.memory_space<vmem>>[vector<16xi32>, vector<16xi32>, vector<16xi32>], vector<16xf32>,
      %mul3A_883 = arith.mulf %gather3A_882, %get3A_47 : vector<16xf32>
      %swap3A_884 = arith.constant 6 : i32
      %swap3A_885 = arith.index_cast %rem3A_126 : i32 to index
      %swap3A_886 = arith.index_cast %swap3A_884 : i32 to index
      %swap3A_887 = arith.constant 96 : index
      %swap3A_888 = tpu.vector_load %arg9[%swap3A_885, %swap3A_886, %swap3A_887] {strides = array<i32>} : memref<2x16x256xf32, #tpu.memory_space<vmem>>, vector<16xf32>,
      tpu.vector_store %arg9[%swap3A_885, %swap3A_886, %swap3A_887], %mul3A_883 {strides = array<i32>} : memref<2x16x256xf32, #tpu.memory_space<vmem>>, vector<16xf32>,
      %gather3A_889 = tpu.vector_load_idx %arg8[%broadcast_in_dim3A, %broadcast_in_dim3A_839, %get3A_17] : memref<2x16x2048xf32, #tpu.memory_space<vmem>>[vector<16xi32>, vector<16xi32>, vector<16xi32>], vector<16xf32>,
      %mul3A_890 = arith.mulf %gather3A_889, %get3A_49 : vector<16xf32>
      %swap3A_891 = arith.constant 6 : i32
      %swap3A_892 = arith.index_cast %rem3A_126 : i32 to index
      %swap3A_893 = arith.index_cast %swap3A_891 : i32 to index
      %swap3A_894 = arith.constant 112 : index
      %swap3A_895 = tpu.vector_load %arg9[%swap3A_892, %swap3A_893, %swap3A_894] {strides = array<i32>} : memref<2x16x256xf32, #tpu.memory_space<vmem>>, vector<16xf32>,
      tpu.vector_store %arg9[%swap3A_892, %swap3A_893, %swap3A_894], %mul3A_890 {strides = array<i32>} : memref<2x16x256xf32, #tpu.memory_space<vmem>>, vector<16xf32>,
      %gather3A_896 = tpu.vector_load_idx %arg8[%broadcast_in_dim3A, %broadcast_in_dim3A_839, %get3A_19] : memref<2x16x2048xf32, #tpu.memory_space<vmem>>[vector<16xi32>, vector<16xi32>, vector<16xi32>], vector<16xf32>,
      %mul3A_897 = arith.mulf %gather3A_896, %get3A_51 : vector<16xf32>
      %swap3A_898 = arith.constant 6 : i32
      %swap3A_899 = arith.index_cast %rem3A_126 : i32 to index
      %swap3A_900 = arith.index_cast %swap3A_898 : i32 to index
      %swap3A_901 = arith.constant 128 : index
      %swap3A_902 = tpu.vector_load %arg9[%swap3A_899, %swap3A_900, %swap3A_901] {strides = array<i32>} : memref<2x16x256xf32, #tpu.memory_space<vmem>>, vector<16xf32>,
      tpu.vector_store %arg9[%swap3A_899, %swap3A_900, %swap3A_901], %mul3A_897 {strides = array<i32>} : memref<2x16x256xf32, #tpu.memory_space<vmem>>, vector<16xf32>,
      %gather3A_903 = tpu.vector_load_idx %arg8[%broadcast_in_dim3A, %broadcast_in_dim3A_839, %get3A_21] : memref<2x16x2048xf32, #tpu.memory_space<vmem>>[vector<16xi32>, vector<16xi32>, vector<16xi32>], vector<16xf32>,
      %mul3A_904 = arith.mulf %gather3A_903, %get3A_53 : vector<16xf32>
      %swap3A_905 = arith.constant 6 : i32
      %swap3A_906 = arith.index_cast %rem3A_126 : i32 to index
      %swap3A_907 = arith.index_cast %swap3A_905 : i32 to index
      %swap3A_908 = arith.constant 144 : index
      %swap3A_909 = tpu.vector_load %arg9[%swap3A_906, %swap3A_907, %swap3A_908] {strides = array<i32>} : memref<2x16x256xf32, #tpu.memory_space<vmem>>, vector<16xf32>,
      tpu.vector_store %arg9[%swap3A_906, %swap3A_907, %swap3A_908], %mul3A_904 {strides = array<i32>} : memref<2x16x256xf32, #tpu.memory_space<vmem>>, vector<16xf32>,
      %gather3A_910 = tpu.vector_load_idx %arg8[%broadcast_in_dim3A, %broadcast_in_dim3A_839, %get3A_23] : memref<2x16x2048xf32, #tpu.memory_space<vmem>>[vector<16xi32>, vector<16xi32>, vector<16xi32>], vector<16xf32>,
      %mul3A_911 = arith.mulf %gather3A_910, %get3A_55 : vector<16xf32>
      %swap3A_912 = arith.constant 6 : i32
      %swap3A_913 = arith.index_cast %rem3A_126 : i32 to index
      %swap3A_914 = arith.index_cast %swap3A_912 : i32 to index
      %swap3A_915 = arith.constant 160 : index
      %swap3A_916 = tpu.vector_load %arg9[%swap3A_913, %swap3A_914, %swap3A_915] {strides = array<i32>} : memref<2x16x256xf32, #tpu.memory_space<vmem>>, vector<16xf32>,
      tpu.vector_store %arg9[%swap3A_913, %swap3A_914, %swap3A_915], %mul3A_911 {strides = array<i32>} : memref<2x16x256xf32, #tpu.memory_space<vmem>>, vector<16xf32>,
      %gather3A_917 = tpu.vector_load_idx %arg8[%broadcast_in_dim3A, %broadcast_in_dim3A_839, %get3A_25] : memref<2x16x2048xf32, #tpu.memory_space<vmem>>[vector<16xi32>, vector<16xi32>, vector<16xi32>], vector<16xf32>,
      %mul3A_918 = arith.mulf %gather3A_917, %get3A_57 : vector<16xf32>
      %swap3A_919 = arith.constant 6 : i32
      %swap3A_920 = arith.index_cast %rem3A_126 : i32 to index
      %swap3A_921 = arith.index_cast %swap3A_919 : i32 to index
      %swap3A_922 = arith.constant 176 : index
      %swap3A_923 = tpu.vector_load %arg9[%swap3A_920, %swap3A_921, %swap3A_922] {strides = array<i32>} : memref<2x16x256xf32, #tpu.memory_space<vmem>>, vector<16xf32>,
      tpu.vector_store %arg9[%swap3A_920, %swap3A_921, %swap3A_922], %mul3A_918 {strides = array<i32>} : memref<2x16x256xf32, #tpu.memory_space<vmem>>, vector<16xf32>,
      %gather3A_924 = tpu.vector_load_idx %arg8[%broadcast_in_dim3A, %broadcast_in_dim3A_839, %get3A_27] : memref<2x16x2048xf32, #tpu.memory_space<vmem>>[vector<16xi32>, vector<16xi32>, vector<16xi32>], vector<16xf32>,
      %mul3A_925 = arith.mulf %gather3A_924, %get3A_59 : vector<16xf32>
      %swap3A_926 = arith.constant 6 : i32
      %swap3A_927 = arith.index_cast %rem3A_126 : i32 to index
      %swap3A_928 = arith.index_cast %swap3A_926 : i32 to index
      %swap3A_929 = arith.constant 192 : index
      %swap3A_930 = tpu.vector_load %arg9[%swap3A_927, %swap3A_928, %swap3A_929] {strides = array<i32>} : memref<2x16x256xf32, #tpu.memory_space<vmem>>, vector<16xf32>,
      tpu.vector_store %arg9[%swap3A_927, %swap3A_928, %swap3A_929], %mul3A_925 {strides = array<i32>} : memref<2x16x256xf32, #tpu.memory_space<vmem>>, vector<16xf32>,
      %gather3A_931 = tpu.vector_load_idx %arg8[%broadcast_in_dim3A, %broadcast_in_dim3A_839, %get3A_29] : memref<2x16x2048xf32, #tpu.memory_space<vmem>>[vector<16xi32>, vector<16xi32>, vector<16xi32>], vector<16xf32>,
      %mul3A_932 = arith.mulf %gather3A_931, %get3A_61 : vector<16xf32>
      %swap3A_933 = arith.constant 6 : i32
      %swap3A_934 = arith.index_cast %rem3A_126 : i32 to index
      %swap3A_935 = arith.index_cast %swap3A_933 : i32 to index
      %swap3A_936 = arith.constant 208 : index
      %swap3A_937 = tpu.vector_load %arg9[%swap3A_934, %swap3A_935, %swap3A_936] {strides = array<i32>} : memref<2x16x256xf32, #tpu.memory_space<vmem>>, vector<16xf32>,
      tpu.vector_store %arg9[%swap3A_934, %swap3A_935, %swap3A_936], %mul3A_932 {strides = array<i32>} : memref<2x16x256xf32, #tpu.memory_space<vmem>>, vector<16xf32>,
      %gather3A_938 = tpu.vector_load_idx %arg8[%broadcast_in_dim3A, %broadcast_in_dim3A_839, %get3A_31] : memref<2x16x2048xf32, #tpu.memory_space<vmem>>[vector<16xi32>, vector<16xi32>, vector<16xi32>], vector<16xf32>,
      %mul3A_939 = arith.mulf %gather3A_938, %get3A_63 : vector<16xf32>
      %swap3A_940 = arith.constant 6 : i32
      %swap3A_941 = arith.index_cast %rem3A_126 : i32 to index
      %swap3A_942 = arith.index_cast %swap3A_940 : i32 to index
      %swap3A_943 = arith.constant 224 : index
      %swap3A_944 = tpu.vector_load %arg9[%swap3A_941, %swap3A_942, %swap3A_943] {strides = array<i32>} : memref<2x16x256xf32, #tpu.memory_space<vmem>>, vector<16xf32>,
      tpu.vector_store %arg9[%swap3A_941, %swap3A_942, %swap3A_943], %mul3A_939 {strides = array<i32>} : memref<2x16x256xf32, #tpu.memory_space<vmem>>, vector<16xf32>,
      %gather3A_945 = tpu.vector_load_idx %arg8[%broadcast_in_dim3A, %broadcast_in_dim3A_839, %get3A_33] : memref<2x16x2048xf32, #tpu.memory_space<vmem>>[vector<16xi32>, vector<16xi32>, vector<16xi32>], vector<16xf32>,
      %mul3A_946 = arith.mulf %gather3A_945, %get3A_65 : vector<16xf32>
      %swap3A_947 = arith.constant 6 : i32
      %swap3A_948 = arith.index_cast %rem3A_126 : i32 to index
      %swap3A_949 = arith.index_cast %swap3A_947 : i32 to index
      %swap3A_950 = arith.constant 240 : index
      %swap3A_951 = tpu.vector_load %arg9[%swap3A_948, %swap3A_949, %swap3A_950] {strides = array<i32>} : memref<2x16x256xf32, #tpu.memory_space<vmem>>, vector<16xf32>,
      tpu.vector_store %arg9[%swap3A_948, %swap3A_949, %swap3A_950], %mul3A_946 {strides = array<i32>} : memref<2x16x256xf32, #tpu.memory_space<vmem>>, vector<16xf32>,
      %broadcast_in_dim3A_952 = arith.constant 7 : i32
      %broadcast_in_dim3A_953 = vector.broadcast %broadcast_in_dim3A_952 : i32 to vector<16xi32>
      %gather3A_954 = tpu.vector_load_idx %arg8[%broadcast_in_dim3A, %broadcast_in_dim3A_953, %get3A_3] : memref<2x16x2048xf32, #tpu.memory_space<vmem>>[vector<16xi32>, vector<16xi32>, vector<16xi32>], vector<16xf32>,
      %mul3A_955 = arith.mulf %gather3A_954, %get3A_35 : vector<16xf32>
      %swap3A_956 = arith.constant 7 : i32
      %swap3A_957 = arith.index_cast %rem3A_126 : i32 to index
      %swap3A_958 = arith.index_cast %swap3A_956 : i32 to index
      %swap3A_959 = arith.constant 0 : index
      %swap3A_960 = tpu.vector_load %arg9[%swap3A_957, %swap3A_958, %swap3A_959] {strides = array<i32>} : memref<2x16x256xf32, #tpu.memory_space<vmem>>, vector<16xf32>,
      tpu.vector_store %arg9[%swap3A_957, %swap3A_958, %swap3A_959], %mul3A_955 {strides = array<i32>} : memref<2x16x256xf32, #tpu.memory_space<vmem>>, vector<16xf32>,
      %gather3A_961 = tpu.vector_load_idx %arg8[%broadcast_in_dim3A, %broadcast_in_dim3A_953, %get3A_5] : memref<2x16x2048xf32, #tpu.memory_space<vmem>>[vector<16xi32>, vector<16xi32>, vector<16xi32>], vector<16xf32>,
      %mul3A_962 = arith.mulf %gather3A_961, %get3A_37 : vector<16xf32>
      %swap3A_963 = arith.constant 7 : i32
      %swap3A_964 = arith.index_cast %rem3A_126 : i32 to index
      %swap3A_965 = arith.index_cast %swap3A_963 : i32 to index
      %swap3A_966 = arith.constant 16 : index
      %swap3A_967 = tpu.vector_load %arg9[%swap3A_964, %swap3A_965, %swap3A_966] {strides = array<i32>} : memref<2x16x256xf32, #tpu.memory_space<vmem>>, vector<16xf32>,
      tpu.vector_store %arg9[%swap3A_964, %swap3A_965, %swap3A_966], %mul3A_962 {strides = array<i32>} : memref<2x16x256xf32, #tpu.memory_space<vmem>>, vector<16xf32>,
      %gather3A_968 = tpu.vector_load_idx %arg8[%broadcast_in_dim3A, %broadcast_in_dim3A_953, %get3A_7] : memref<2x16x2048xf32, #tpu.memory_space<vmem>>[vector<16xi32>, vector<16xi32>, vector<16xi32>], vector<16xf32>,
      %mul3A_969 = arith.mulf %gather3A_968, %get3A_39 : vector<16xf32>
      %swap3A_970 = arith.constant 7 : i32
      %swap3A_971 = arith.index_cast %rem3A_126 : i32 to index
      %swap3A_972 = arith.index_cast %swap3A_970 : i32 to index
      %swap3A_973 = arith.constant 32 : index
      %swap3A_974 = tpu.vector_load %arg9[%swap3A_971, %swap3A_972, %swap3A_973] {strides = array<i32>} : memref<2x16x256xf32, #tpu.memory_space<vmem>>, vector<16xf32>,
      tpu.vector_store %arg9[%swap3A_971, %swap3A_972, %swap3A_973], %mul3A_969 {strides = array<i32>} : memref<2x16x256xf32, #tpu.memory_space<vmem>>, vector<16xf32>,
      %gather3A_975 = tpu.vector_load_idx %arg8[%broadcast_in_dim3A, %broadcast_in_dim3A_953, %get3A_9] : memref<2x16x2048xf32, #tpu.memory_space<vmem>>[vector<16xi32>, vector<16xi32>, vector<16xi32>], vector<16xf32>,
      %mul3A_976 = arith.mulf %gather3A_975, %get3A_41 : vector<16xf32>
      %swap3A_977 = arith.constant 7 : i32
      %swap3A_978 = arith.index_cast %rem3A_126 : i32 to index
      %swap3A_979 = arith.index_cast %swap3A_977 : i32 to index
      %swap3A_980 = arith.constant 48 : index
      %swap3A_981 = tpu.vector_load %arg9[%swap3A_978, %swap3A_979, %swap3A_980] {strides = array<i32>} : memref<2x16x256xf32, #tpu.memory_space<vmem>>, vector<16xf32>,
      tpu.vector_store %arg9[%swap3A_978, %swap3A_979, %swap3A_980], %mul3A_976 {strides = array<i32>} : memref<2x16x256xf32, #tpu.memory_space<vmem>>, vector<16xf32>,
      %gather3A_982 = tpu.vector_load_idx %arg8[%broadcast_in_dim3A, %broadcast_in_dim3A_953, %get3A_11] : memref<2x16x2048xf32, #tpu.memory_space<vmem>>[vector<16xi32>, vector<16xi32>, vector<16xi32>], vector<16xf32>,
      %mul3A_983 = arith.mulf %gather3A_982, %get3A_43 : vector<16xf32>
      %swap3A_984 = arith.constant 7 : i32
      %swap3A_985 = arith.index_cast %rem3A_126 : i32 to index
      %swap3A_986 = arith.index_cast %swap3A_984 : i32 to index
      %swap3A_987 = arith.constant 64 : index
      %swap3A_988 = tpu.vector_load %arg9[%swap3A_985, %swap3A_986, %swap3A_987] {strides = array<i32>} : memref<2x16x256xf32, #tpu.memory_space<vmem>>, vector<16xf32>,
      tpu.vector_store %arg9[%swap3A_985, %swap3A_986, %swap3A_987], %mul3A_983 {strides = array<i32>} : memref<2x16x256xf32, #tpu.memory_space<vmem>>, vector<16xf32>,
      %gather3A_989 = tpu.vector_load_idx %arg8[%broadcast_in_dim3A, %broadcast_in_dim3A_953, %get3A_13] : memref<2x16x2048xf32, #tpu.memory_space<vmem>>[vector<16xi32>, vector<16xi32>, vector<16xi32>], vector<16xf32>,
      %mul3A_990 = arith.mulf %gather3A_989, %get3A_45 : vector<16xf32>
      %swap3A_991 = arith.constant 7 : i32
      %swap3A_992 = arith.index_cast %rem3A_126 : i32 to index
      %swap3A_993 = arith.index_cast %swap3A_991 : i32 to index
      %swap3A_994 = arith.constant 80 : index
      %swap3A_995 = tpu.vector_load %arg9[%swap3A_992, %swap3A_993, %swap3A_994] {strides = array<i32>} : memref<2x16x256xf32, #tpu.memory_space<vmem>>, vector<16xf32>,
      tpu.vector_store %arg9[%swap3A_992, %swap3A_993, %swap3A_994], %mul3A_990 {strides = array<i32>} : memref<2x16x256xf32, #tpu.memory_space<vmem>>, vector<16xf32>,
      %gather3A_996 = tpu.vector_load_idx %arg8[%broadcast_in_dim3A, %broadcast_in_dim3A_953, %get3A_15] : memref<2x16x2048xf32, #tpu.memory_space<vmem>>[vector<16xi32>, vector<16xi32>, vector<16xi32>], vector<16xf32>,
      %mul3A_997 = arith.mulf %gather3A_996, %get3A_47 : vector<16xf32>
      %swap3A_998 = arith.constant 7 : i32
      %swap3A_999 = arith.index_cast %rem3A_126 : i32 to index
      %swap3A_1000 = arith.index_cast %swap3A_998 : i32 to index
      %swap3A_1001 = arith.constant 96 : index
      %swap3A_1002 = tpu.vector_load %arg9[%swap3A_999, %swap3A_1000, %swap3A_1001] {strides = array<i32>} : memref<2x16x256xf32, #tpu.memory_space<vmem>>, vector<16xf32>,
      tpu.vector_store %arg9[%swap3A_999, %swap3A_1000, %swap3A_1001], %mul3A_997 {strides = array<i32>} : memref<2x16x256xf32, #tpu.memory_space<vmem>>, vector<16xf32>,
      %gather3A_1003 = tpu.vector_load_idx %arg8[%broadcast_in_dim3A, %broadcast_in_dim3A_953, %get3A_17] : memref<2x16x2048xf32, #tpu.memory_space<vmem>>[vector<16xi32>, vector<16xi32>, vector<16xi32>], vector<16xf32>,
      %mul3A_1004 = arith.mulf %gather3A_1003, %get3A_49 : vector<16xf32>
      %swap3A_1005 = arith.constant 7 : i32
      %swap3A_1006 = arith.index_cast %rem3A_126 : i32 to index
      %swap3A_1007 = arith.index_cast %swap3A_1005 : i32 to index
      %swap3A_1008 = arith.constant 112 : index
      %swap3A_1009 = tpu.vector_load %arg9[%swap3A_1006, %swap3A_1007, %swap3A_1008] {strides = array<i32>} : memref<2x16x256xf32, #tpu.memory_space<vmem>>, vector<16xf32>,
      tpu.vector_store %arg9[%swap3A_1006, %swap3A_1007, %swap3A_1008], %mul3A_1004 {strides = array<i32>} : memref<2x16x256xf32, #tpu.memory_space<vmem>>, vector<16xf32>,
      %gather3A_1010 = tpu.vector_load_idx %arg8[%broadcast_in_dim3A, %broadcast_in_dim3A_953, %get3A_19] : memref<2x16x2048xf32, #tpu.memory_space<vmem>>[vector<16xi32>, vector<16xi32>, vector<16xi32>], vector<16xf32>,
      %mul3A_1011 = arith.mulf %gather3A_1010, %get3A_51 : vector<16xf32>
      %swap3A_1012 = arith.constant 7 : i32
      %swap3A_1013 = arith.index_cast %rem3A_126 : i32 to index
      %swap3A_1014 = arith.index_cast %swap3A_1012 : i32 to index
      %swap3A_1015 = arith.constant 128 : index
      %swap3A_1016 = tpu.vector_load %arg9[%swap3A_1013, %swap3A_1014, %swap3A_1015] {strides = array<i32>} : memref<2x16x256xf32, #tpu.memory_space<vmem>>, vector<16xf32>,
      tpu.vector_store %arg9[%swap3A_1013, %swap3A_1014, %swap3A_1015], %mul3A_1011 {strides = array<i32>} : memref<2x16x256xf32, #tpu.memory_space<vmem>>, vector<16xf32>,
      %gather3A_1017 = tpu.vector_load_idx %arg8[%broadcast_in_dim3A, %broadcast_in_dim3A_953, %get3A_21] : memref<2x16x2048xf32, #tpu.memory_space<vmem>>[vector<16xi32>, vector<16xi32>, vector<16xi32>], vector<16xf32>,
      %mul3A_1018 = arith.mulf %gather3A_1017, %get3A_53 : vector<16xf32>
      %swap3A_1019 = arith.constant 7 : i32
      %swap3A_1020 = arith.index_cast %rem3A_126 : i32 to index
      %swap3A_1021 = arith.index_cast %swap3A_1019 : i32 to index
      %swap3A_1022 = arith.constant 144 : index
      %swap3A_1023 = tpu.vector_load %arg9[%swap3A_1020, %swap3A_1021, %swap3A_1022] {strides = array<i32>} : memref<2x16x256xf32, #tpu.memory_space<vmem>>, vector<16xf32>,
      tpu.vector_store %arg9[%swap3A_1020, %swap3A_1021, %swap3A_1022], %mul3A_1018 {strides = array<i32>} : memref<2x16x256xf32, #tpu.memory_space<vmem>>, vector<16xf32>,
      %gather3A_1024 = tpu.vector_load_idx %arg8[%broadcast_in_dim3A, %broadcast_in_dim3A_953, %get3A_23] : memref<2x16x2048xf32, #tpu.memory_space<vmem>>[vector<16xi32>, vector<16xi32>, vector<16xi32>], vector<16xf32>,
      %mul3A_1025 = arith.mulf %gather3A_1024, %get3A_55 : vector<16xf32>
      %swap3A_1026 = arith.constant 7 : i32
      %swap3A_1027 = arith.index_cast %rem3A_126 : i32 to index
      %swap3A_1028 = arith.index_cast %swap3A_1026 : i32 to index
      %swap3A_1029 = arith.constant 160 : index
      %swap3A_1030 = tpu.vector_load %arg9[%swap3A_1027, %swap3A_1028, %swap3A_1029] {strides = array<i32>} : memref<2x16x256xf32, #tpu.memory_space<vmem>>, vector<16xf32>,
      tpu.vector_store %arg9[%swap3A_1027, %swap3A_1028, %swap3A_1029], %mul3A_1025 {strides = array<i32>} : memref<2x16x256xf32, #tpu.memory_space<vmem>>, vector<16xf32>,
      %gather3A_1031 = tpu.vector_load_idx %arg8[%broadcast_in_dim3A, %broadcast_in_dim3A_953, %get3A_25] : memref<2x16x2048xf32, #tpu.memory_space<vmem>>[vector<16xi32>, vector<16xi32>, vector<16xi32>], vector<16xf32>,
      %mul3A_1032 = arith.mulf %gather3A_1031, %get3A_57 : vector<16xf32>
      %swap3A_1033 = arith.constant 7 : i32
      %swap3A_1034 = arith.index_cast %rem3A_126 : i32 to index
      %swap3A_1035 = arith.index_cast %swap3A_1033 : i32 to index
      %swap3A_1036 = arith.constant 176 : index
      %swap3A_1037 = tpu.vector_load %arg9[%swap3A_1034, %swap3A_1035, %swap3A_1036] {strides = array<i32>} : memref<2x16x256xf32, #tpu.memory_space<vmem>>, vector<16xf32>,
      tpu.vector_store %arg9[%swap3A_1034, %swap3A_1035, %swap3A_1036], %mul3A_1032 {strides = array<i32>} : memref<2x16x256xf32, #tpu.memory_space<vmem>>, vector<16xf32>,
      %gather3A_1038 = tpu.vector_load_idx %arg8[%broadcast_in_dim3A, %broadcast_in_dim3A_953, %get3A_27] : memref<2x16x2048xf32, #tpu.memory_space<vmem>>[vector<16xi32>, vector<16xi32>, vector<16xi32>], vector<16xf32>,
      %mul3A_1039 = arith.mulf %gather3A_1038, %get3A_59 : vector<16xf32>
      %swap3A_1040 = arith.constant 7 : i32
      %swap3A_1041 = arith.index_cast %rem3A_126 : i32 to index
      %swap3A_1042 = arith.index_cast %swap3A_1040 : i32 to index
      %swap3A_1043 = arith.constant 192 : index
      %swap3A_1044 = tpu.vector_load %arg9[%swap3A_1041, %swap3A_1042, %swap3A_1043] {strides = array<i32>} : memref<2x16x256xf32, #tpu.memory_space<vmem>>, vector<16xf32>,
      tpu.vector_store %arg9[%swap3A_1041, %swap3A_1042, %swap3A_1043], %mul3A_1039 {strides = array<i32>} : memref<2x16x256xf32, #tpu.memory_space<vmem>>, vector<16xf32>,
      %gather3A_1045 = tpu.vector_load_idx %arg8[%broadcast_in_dim3A, %broadcast_in_dim3A_953, %get3A_29] : memref<2x16x2048xf32, #tpu.memory_space<vmem>>[vector<16xi32>, vector<16xi32>, vector<16xi32>], vector<16xf32>,
      %mul3A_1046 = arith.mulf %gather3A_1045, %get3A_61 : vector<16xf32>
      %swap3A_1047 = arith.constant 7 : i32
      %swap3A_1048 = arith.index_cast %rem3A_126 : i32 to index
      %swap3A_1049 = arith.index_cast %swap3A_1047 : i32 to index
      %swap3A_1050 = arith.constant 208 : index
      %swap3A_1051 = tpu.vector_load %arg9[%swap3A_1048, %swap3A_1049, %swap3A_1050] {strides = array<i32>} : memref<2x16x256xf32, #tpu.memory_space<vmem>>, vector<16xf32>,
      tpu.vector_store %arg9[%swap3A_1048, %swap3A_1049, %swap3A_1050], %mul3A_1046 {strides = array<i32>} : memref<2x16x256xf32, #tpu.memory_space<vmem>>, vector<16xf32>,
      %gather3A_1052 = tpu.vector_load_idx %arg8[%broadcast_in_dim3A, %broadcast_in_dim3A_953, %get3A_31] : memref<2x16x2048xf32, #tpu.memory_space<vmem>>[vector<16xi32>, vector<16xi32>, vector<16xi32>], vector<16xf32>,
      %mul3A_1053 = arith.mulf %gather3A_1052, %get3A_63 : vector<16xf32>
      %swap3A_1054 = arith.constant 7 : i32
      %swap3A_1055 = arith.index_cast %rem3A_126 : i32 to index
      %swap3A_1056 = arith.index_cast %swap3A_1054 : i32 to index
      %swap3A_1057 = arith.constant 224 : index
      %swap3A_1058 = tpu.vector_load %arg9[%swap3A_1055, %swap3A_1056, %swap3A_1057] {strides = array<i32>} : memref<2x16x256xf32, #tpu.memory_space<vmem>>, vector<16xf32>,
      tpu.vector_store %arg9[%swap3A_1055, %swap3A_1056, %swap3A_1057], %mul3A_1053 {strides = array<i32>} : memref<2x16x256xf32, #tpu.memory_space<vmem>>, vector<16xf32>,
      %gather3A_1059 = tpu.vector_load_idx %arg8[%broadcast_in_dim3A, %broadcast_in_dim3A_953, %get3A_33] : memref<2x16x2048xf32, #tpu.memory_space<vmem>>[vector<16xi32>, vector<16xi32>, vector<16xi32>], vector<16xf32>,
      %mul3A_1060 = arith.mulf %gather3A_1059, %get3A_65 : vector<16xf32>
      %swap3A_1061 = arith.constant 7 : i32
      %swap3A_1062 = arith.index_cast %rem3A_126 : i32 to index
      %swap3A_1063 = arith.index_cast %swap3A_1061 : i32 to index
      %swap3A_1064 = arith.constant 240 : index
      %swap3A_1065 = tpu.vector_load %arg9[%swap3A_1062, %swap3A_1063, %swap3A_1064] {strides = array<i32>} : memref<2x16x256xf32, #tpu.memory_space<vmem>>, vector<16xf32>,
      tpu.vector_store %arg9[%swap3A_1062, %swap3A_1063, %swap3A_1064], %mul3A_1060 {strides = array<i32>} : memref<2x16x256xf32, #tpu.memory_space<vmem>>, vector<16xf32>,
      %broadcast_in_dim3A_1066 = arith.constant 8 : i32
      %broadcast_in_dim3A_1067 = vector.broadcast %broadcast_in_dim3A_1066 : i32 to vector<16xi32>
      %gather3A_1068 = tpu.vector_load_idx %arg8[%broadcast_in_dim3A, %broadcast_in_dim3A_1067, %get3A_3] : memref<2x16x2048xf32, #tpu.memory_space<vmem>>[vector<16xi32>, vector<16xi32>, vector<16xi32>], vector<16xf32>,
      %mul3A_1069 = arith.mulf %gather3A_1068, %get3A_35 : vector<16xf32>
      %swap3A_1070 = arith.constant 8 : i32
      %swap3A_1071 = arith.index_cast %rem3A_126 : i32 to index
      %swap3A_1072 = arith.index_cast %swap3A_1070 : i32 to index
      %swap3A_1073 = arith.constant 0 : index
      %swap3A_1074 = tpu.vector_load %arg9[%swap3A_1071, %swap3A_1072, %swap3A_1073] {strides = array<i32>} : memref<2x16x256xf32, #tpu.memory_space<vmem>>, vector<16xf32>,
      tpu.vector_store %arg9[%swap3A_1071, %swap3A_1072, %swap3A_1073], %mul3A_1069 {strides = array<i32>} : memref<2x16x256xf32, #tpu.memory_space<vmem>>, vector<16xf32>,
      %gather3A_1075 = tpu.vector_load_idx %arg8[%broadcast_in_dim3A, %broadcast_in_dim3A_1067, %get3A_5] : memref<2x16x2048xf32, #tpu.memory_space<vmem>>[vector<16xi32>, vector<16xi32>, vector<16xi32>], vector<16xf32>,
      %mul3A_1076 = arith.mulf %gather3A_1075, %get3A_37 : vector<16xf32>
      %swap3A_1077 = arith.constant 8 : i32
      %swap3A_1078 = arith.index_cast %rem3A_126 : i32 to index
      %swap3A_1079 = arith.index_cast %swap3A_1077 : i32 to index
      %swap3A_1080 = arith.constant 16 : index
      %swap3A_1081 = tpu.vector_load %arg9[%swap3A_1078, %swap3A_1079, %swap3A_1080] {strides = array<i32>} : memref<2x16x256xf32, #tpu.memory_space<vmem>>, vector<16xf32>,
      tpu.vector_store %arg9[%swap3A_1078, %swap3A_1079, %swap3A_1080], %mul3A_1076 {strides = array<i32>} : memref<2x16x256xf32, #tpu.memory_space<vmem>>, vector<16xf32>,
      %gather3A_1082 = tpu.vector_load_idx %arg8[%broadcast_in_dim3A, %broadcast_in_dim3A_1067, %get3A_7] : memref<2x16x2048xf32, #tpu.memory_space<vmem>>[vector<16xi32>, vector<16xi32>, vector<16xi32>], vector<16xf32>,
      %mul3A_1083 = arith.mulf %gather3A_1082, %get3A_39 : vector<16xf32>
      %swap3A_1084 = arith.constant 8 : i32
      %swap3A_1085 = arith.index_cast %rem3A_126 : i32 to index
      %swap3A_1086 = arith.index_cast %swap3A_1084 : i32 to index
      %swap3A_1087 = arith.constant 32 : index
      %swap3A_1088 = tpu.vector_load %arg9[%swap3A_1085, %swap3A_1086, %swap3A_1087] {strides = array<i32>} : memref<2x16x256xf32, #tpu.memory_space<vmem>>, vector<16xf32>,
      tpu.vector_store %arg9[%swap3A_1085, %swap3A_1086, %swap3A_1087], %mul3A_1083 {strides = array<i32>} : memref<2x16x256xf32, #tpu.memory_space<vmem>>, vector<16xf32>,
      %gather3A_1089 = tpu.vector_load_idx %arg8[%broadcast_in_dim3A, %broadcast_in_dim3A_1067, %get3A_9] : memref<2x16x2048xf32, #tpu.memory_space<vmem>>[vector<16xi32>, vector<16xi32>, vector<16xi32>], vector<16xf32>,
      %mul3A_1090 = arith.mulf %gather3A_1089, %get3A_41 : vector<16xf32>
      %swap3A_1091 = arith.constant 8 : i32
      %swap3A_1092 = arith.index_cast %rem3A_126 : i32 to index
      %swap3A_1093 = arith.index_cast %swap3A_1091 : i32 to index
      %swap3A_1094 = arith.constant 48 : index
      %swap3A_1095 = tpu.vector_load %arg9[%swap3A_1092, %swap3A_1093, %swap3A_1094] {strides = array<i32>} : memref<2x16x256xf32, #tpu.memory_space<vmem>>, vector<16xf32>,
      tpu.vector_store %arg9[%swap3A_1092, %swap3A_1093, %swap3A_1094], %mul3A_1090 {strides = array<i32>} : memref<2x16x256xf32, #tpu.memory_space<vmem>>, vector<16xf32>,
      %gather3A_1096 = tpu.vector_load_idx %arg8[%broadcast_in_dim3A, %broadcast_in_dim3A_1067, %get3A_11] : memref<2x16x2048xf32, #tpu.memory_space<vmem>>[vector<16xi32>, vector<16xi32>, vector<16xi32>], vector<16xf32>,
      %mul3A_1097 = arith.mulf %gather3A_1096, %get3A_43 : vector<16xf32>
      %swap3A_1098 = arith.constant 8 : i32
      %swap3A_1099 = arith.index_cast %rem3A_126 : i32 to index
      %swap3A_1100 = arith.index_cast %swap3A_1098 : i32 to index
      %swap3A_1101 = arith.constant 64 : index
      %swap3A_1102 = tpu.vector_load %arg9[%swap3A_1099, %swap3A_1100, %swap3A_1101] {strides = array<i32>} : memref<2x16x256xf32, #tpu.memory_space<vmem>>, vector<16xf32>,
      tpu.vector_store %arg9[%swap3A_1099, %swap3A_1100, %swap3A_1101], %mul3A_1097 {strides = array<i32>} : memref<2x16x256xf32, #tpu.memory_space<vmem>>, vector<16xf32>,
      %gather3A_1103 = tpu.vector_load_idx %arg8[%broadcast_in_dim3A, %broadcast_in_dim3A_1067, %get3A_13] : memref<2x16x2048xf32, #tpu.memory_space<vmem>>[vector<16xi32>, vector<16xi32>, vector<16xi32>], vector<16xf32>,
      %mul3A_1104 = arith.mulf %gather3A_1103, %get3A_45 : vector<16xf32>
      %swap3A_1105 = arith.constant 8 : i32
      %swap3A_1106 = arith.index_cast %rem3A_126 : i32 to index
      %swap3A_1107 = arith.index_cast %swap3A_1105 : i32 to index
      %swap3A_1108 = arith.constant 80 : index
      %swap3A_1109 = tpu.vector_load %arg9[%swap3A_1106, %swap3A_1107, %swap3A_1108] {strides = array<i32>} : memref<2x16x256xf32, #tpu.memory_space<vmem>>, vector<16xf32>,
      tpu.vector_store %arg9[%swap3A_1106, %swap3A_1107, %swap3A_1108], %mul3A_1104 {strides = array<i32>} : memref<2x16x256xf32, #tpu.memory_space<vmem>>, vector<16xf32>,
      %gather3A_1110 = tpu.vector_load_idx %arg8[%broadcast_in_dim3A, %broadcast_in_dim3A_1067, %get3A_15] : memref<2x16x2048xf32, #tpu.memory_space<vmem>>[vector<16xi32>, vector<16xi32>, vector<16xi32>], vector<16xf32>,
      %mul3A_1111 = arith.mulf %gather3A_1110, %get3A_47 : vector<16xf32>
      %swap3A_1112 = arith.constant 8 : i32
      %swap3A_1113 = arith.index_cast %rem3A_126 : i32 to index
      %swap3A_1114 = arith.index_cast %swap3A_1112 : i32 to index
      %swap3A_1115 = arith.constant 96 : index
      %swap3A_1116 = tpu.vector_load %arg9[%swap3A_1113, %swap3A_1114, %swap3A_1115] {strides = array<i32>} : memref<2x16x256xf32, #tpu.memory_space<vmem>>, vector<16xf32>,
      tpu.vector_store %arg9[%swap3A_1113, %swap3A_1114, %swap3A_1115], %mul3A_1111 {strides = array<i32>} : memref<2x16x256xf32, #tpu.memory_space<vmem>>, vector<16xf32>,
      %gather3A_1117 = tpu.vector_load_idx %arg8[%broadcast_in_dim3A, %broadcast_in_dim3A_1067, %get3A_17] : memref<2x16x2048xf32, #tpu.memory_space<vmem>>[vector<16xi32>, vector<16xi32>, vector<16xi32>], vector<16xf32>,
      %mul3A_1118 = arith.mulf %gather3A_1117, %get3A_49 : vector<16xf32>
      %swap3A_1119 = arith.constant 8 : i32
      %swap3A_1120 = arith.index_cast %rem3A_126 : i32 to index
      %swap3A_1121 = arith.index_cast %swap3A_1119 : i32 to index
      %swap3A_1122 = arith.constant 112 : index
      %swap3A_1123 = tpu.vector_load %arg9[%swap3A_1120, %swap3A_1121, %swap3A_1122] {strides = array<i32>} : memref<2x16x256xf32, #tpu.memory_space<vmem>>, vector<16xf32>,
      tpu.vector_store %arg9[%swap3A_1120, %swap3A_1121, %swap3A_1122], %mul3A_1118 {strides = array<i32>} : memref<2x16x256xf32, #tpu.memory_space<vmem>>, vector<16xf32>,
      %gather3A_1124 = tpu.vector_load_idx %arg8[%broadcast_in_dim3A, %broadcast_in_dim3A_1067, %get3A_19] : memref<2x16x2048xf32, #tpu.memory_space<vmem>>[vector<16xi32>, vector<16xi32>, vector<16xi32>], vector<16xf32>,
      %mul3A_1125 = arith.mulf %gather3A_1124, %get3A_51 : vector<16xf32>
      %swap3A_1126 = arith.constant 8 : i32
      %swap3A_1127 = arith.index_cast %rem3A_126 : i32 to index
      %swap3A_1128 = arith.index_cast %swap3A_1126 : i32 to index
      %swap3A_1129 = arith.constant 128 : index
      %swap3A_1130 = tpu.vector_load %arg9[%swap3A_1127, %swap3A_1128, %swap3A_1129] {strides = array<i32>} : memref<2x16x256xf32, #tpu.memory_space<vmem>>, vector<16xf32>,
      tpu.vector_store %arg9[%swap3A_1127, %swap3A_1128, %swap3A_1129], %mul3A_1125 {strides = array<i32>} : memref<2x16x256xf32, #tpu.memory_space<vmem>>, vector<16xf32>,
      %gather3A_1131 = tpu.vector_load_idx %arg8[%broadcast_in_dim3A, %broadcast_in_dim3A_1067, %get3A_21] : memref<2x16x2048xf32, #tpu.memory_space<vmem>>[vector<16xi32>, vector<16xi32>, vector<16xi32>], vector<16xf32>,
      %mul3A_1132 = arith.mulf %gather3A_1131, %get3A_53 : vector<16xf32>
      %swap3A_1133 = arith.constant 8 : i32
      %swap3A_1134 = arith.index_cast %rem3A_126 : i32 to index
      %swap3A_1135 = arith.index_cast %swap3A_1133 : i32 to index
      %swap3A_1136 = arith.constant 144 : index
      %swap3A_1137 = tpu.vector_load %arg9[%swap3A_1134, %swap3A_1135, %swap3A_1136] {strides = array<i32>} : memref<2x16x256xf32, #tpu.memory_space<vmem>>, vector<16xf32>,
      tpu.vector_store %arg9[%swap3A_1134, %swap3A_1135, %swap3A_1136], %mul3A_1132 {strides = array<i32>} : memref<2x16x256xf32, #tpu.memory_space<vmem>>, vector<16xf32>,
      %gather3A_1138 = tpu.vector_load_idx %arg8[%broadcast_in_dim3A, %broadcast_in_dim3A_1067, %get3A_23] : memref<2x16x2048xf32, #tpu.memory_space<vmem>>[vector<16xi32>, vector<16xi32>, vector<16xi32>], vector<16xf32>,
      %mul3A_1139 = arith.mulf %gather3A_1138, %get3A_55 : vector<16xf32>
      %swap3A_1140 = arith.constant 8 : i32
      %swap3A_1141 = arith.index_cast %rem3A_126 : i32 to index
      %swap3A_1142 = arith.index_cast %swap3A_1140 : i32 to index
      %swap3A_1143 = arith.constant 160 : index
      %swap3A_1144 = tpu.vector_load %arg9[%swap3A_1141, %swap3A_1142, %swap3A_1143] {strides = array<i32>} : memref<2x16x256xf32, #tpu.memory_space<vmem>>, vector<16xf32>,
      tpu.vector_store %arg9[%swap3A_1141, %swap3A_1142, %swap3A_1143], %mul3A_1139 {strides = array<i32>} : memref<2x16x256xf32, #tpu.memory_space<vmem>>, vector<16xf32>,
      %gather3A_1145 = tpu.vector_load_idx %arg8[%broadcast_in_dim3A, %broadcast_in_dim3A_1067, %get3A_25] : memref<2x16x2048xf32, #tpu.memory_space<vmem>>[vector<16xi32>, vector<16xi32>, vector<16xi32>], vector<16xf32>,
      %mul3A_1146 = arith.mulf %gather3A_1145, %get3A_57 : vector<16xf32>
      %swap3A_1147 = arith.constant 8 : i32
      %swap3A_1148 = arith.index_cast %rem3A_126 : i32 to index
      %swap3A_1149 = arith.index_cast %swap3A_1147 : i32 to index
      %swap3A_1150 = arith.constant 176 : index
      %swap3A_1151 = tpu.vector_load %arg9[%swap3A_1148, %swap3A_1149, %swap3A_1150] {strides = array<i32>} : memref<2x16x256xf32, #tpu.memory_space<vmem>>, vector<16xf32>,
      tpu.vector_store %arg9[%swap3A_1148, %swap3A_1149, %swap3A_1150], %mul3A_1146 {strides = array<i32>} : memref<2x16x256xf32, #tpu.memory_space<vmem>>, vector<16xf32>,
      %gather3A_1152 = tpu.vector_load_idx %arg8[%broadcast_in_dim3A, %broadcast_in_dim3A_1067, %get3A_27] : memref<2x16x2048xf32, #tpu.memory_space<vmem>>[vector<16xi32>, vector<16xi32>, vector<16xi32>], vector<16xf32>,
      %mul3A_1153 = arith.mulf %gather3A_1152, %get3A_59 : vector<16xf32>
      %swap3A_1154 = arith.constant 8 : i32
      %swap3A_1155 = arith.index_cast %rem3A_126 : i32 to index
      %swap3A_1156 = arith.index_cast %swap3A_1154 : i32 to index
      %swap3A_1157 = arith.constant 192 : index
      %swap3A_1158 = tpu.vector_load %arg9[%swap3A_1155, %swap3A_1156, %swap3A_1157] {strides = array<i32>} : memref<2x16x256xf32, #tpu.memory_space<vmem>>, vector<16xf32>,
      tpu.vector_store %arg9[%swap3A_1155, %swap3A_1156, %swap3A_1157], %mul3A_1153 {strides = array<i32>} : memref<2x16x256xf32, #tpu.memory_space<vmem>>, vector<16xf32>,
      %gather3A_1159 = tpu.vector_load_idx %arg8[%broadcast_in_dim3A, %broadcast_in_dim3A_1067, %get3A_29] : memref<2x16x2048xf32, #tpu.memory_space<vmem>>[vector<16xi32>, vector<16xi32>, vector<16xi32>], vector<16xf32>,
      %mul3A_1160 = arith.mulf %gather3A_1159, %get3A_61 : vector<16xf32>
      %swap3A_1161 = arith.constant 8 : i32
      %swap3A_1162 = arith.index_cast %rem3A_126 : i32 to index
      %swap3A_1163 = arith.index_cast %swap3A_1161 : i32 to index
      %swap3A_1164 = arith.constant 208 : index
      %swap3A_1165 = tpu.vector_load %arg9[%swap3A_1162, %swap3A_1163, %swap3A_1164] {strides = array<i32>} : memref<2x16x256xf32, #tpu.memory_space<vmem>>, vector<16xf32>,
      tpu.vector_store %arg9[%swap3A_1162, %swap3A_1163, %swap3A_1164], %mul3A_1160 {strides = array<i32>} : memref<2x16x256xf32, #tpu.memory_space<vmem>>, vector<16xf32>,
      %gather3A_1166 = tpu.vector_load_idx %arg8[%broadcast_in_dim3A, %broadcast_in_dim3A_1067, %get3A_31] : memref<2x16x2048xf32, #tpu.memory_space<vmem>>[vector<16xi32>, vector<16xi32>, vector<16xi32>], vector<16xf32>,
      %mul3A_1167 = arith.mulf %gather3A_1166, %get3A_63 : vector<16xf32>
      %swap3A_1168 = arith.constant 8 : i32
      %swap3A_1169 = arith.index_cast %rem3A_126 : i32 to index
      %swap3A_1170 = arith.index_cast %swap3A_1168 : i32 to index
      %swap3A_1171 = arith.constant 224 : index
      %swap3A_1172 = tpu.vector_load %arg9[%swap3A_1169, %swap3A_1170, %swap3A_1171] {strides = array<i32>} : memref<2x16x256xf32, #tpu.memory_space<vmem>>, vector<16xf32>,
      tpu.vector_store %arg9[%swap3A_1169, %swap3A_1170, %swap3A_1171], %mul3A_1167 {strides = array<i32>} : memref<2x16x256xf32, #tpu.memory_space<vmem>>, vector<16xf32>,
      %gather3A_1173 = tpu.vector_load_idx %arg8[%broadcast_in_dim3A, %broadcast_in_dim3A_1067, %get3A_33] : memref<2x16x2048xf32, #tpu.memory_space<vmem>>[vector<16xi32>, vector<16xi32>, vector<16xi32>], vector<16xf32>,
      %mul3A_1174 = arith.mulf %gather3A_1173, %get3A_65 : vector<16xf32>
      %swap3A_1175 = arith.constant 8 : i32
      %swap3A_1176 = arith.index_cast %rem3A_126 : i32 to index
      %swap3A_1177 = arith.index_cast %swap3A_1175 : i32 to index
      %swap3A_1178 = arith.constant 240 : index
      %swap3A_1179 = tpu.vector_load %arg9[%swap3A_1176, %swap3A_1177, %swap3A_1178] {strides = array<i32>} : memref<2x16x256xf32, #tpu.memory_space<vmem>>, vector<16xf32>,
      tpu.vector_store %arg9[%swap3A_1176, %swap3A_1177, %swap3A_1178], %mul3A_1174 {strides = array<i32>} : memref<2x16x256xf32, #tpu.memory_space<vmem>>, vector<16xf32>,
      %broadcast_in_dim3A_1180 = arith.constant 9 : i32
      %broadcast_in_dim3A_1181 = vector.broadcast %broadcast_in_dim3A_1180 : i32 to vector<16xi32>
      %gather3A_1182 = tpu.vector_load_idx %arg8[%broadcast_in_dim3A, %broadcast_in_dim3A_1181, %get3A_3] : memref<2x16x2048xf32, #tpu.memory_space<vmem>>[vector<16xi32>, vector<16xi32>, vector<16xi32>], vector<16xf32>,
      %mul3A_1183 = arith.mulf %gather3A_1182, %get3A_35 : vector<16xf32>
      %swap3A_1184 = arith.constant 9 : i32
      %swap3A_1185 = arith.index_cast %rem3A_126 : i32 to index
      %swap3A_1186 = arith.index_cast %swap3A_1184 : i32 to index
      %swap3A_1187 = arith.constant 0 : index
      %swap3A_1188 = tpu.vector_load %arg9[%swap3A_1185, %swap3A_1186, %swap3A_1187] {strides = array<i32>} : memref<2x16x256xf32, #tpu.memory_space<vmem>>, vector<16xf32>,
      tpu.vector_store %arg9[%swap3A_1185, %swap3A_1186, %swap3A_1187], %mul3A_1183 {strides = array<i32>} : memref<2x16x256xf32, #tpu.memory_space<vmem>>, vector<16xf32>,
      %gather3A_1189 = tpu.vector_load_idx %arg8[%broadcast_in_dim3A, %broadcast_in_dim3A_1181, %get3A_5] : memref<2x16x2048xf32, #tpu.memory_space<vmem>>[vector<16xi32>, vector<16xi32>, vector<16xi32>], vector<16xf32>,
      %mul3A_1190 = arith.mulf %gather3A_1189, %get3A_37 : vector<16xf32>
      %swap3A_1191 = arith.constant 9 : i32
      %swap3A_1192 = arith.index_cast %rem3A_126 : i32 to index
      %swap3A_1193 = arith.index_cast %swap3A_1191 : i32 to index
      %swap3A_1194 = arith.constant 16 : index
      %swap3A_1195 = tpu.vector_load %arg9[%swap3A_1192, %swap3A_1193, %swap3A_1194] {strides = array<i32>} : memref<2x16x256xf32, #tpu.memory_space<vmem>>, vector<16xf32>,
      tpu.vector_store %arg9[%swap3A_1192, %swap3A_1193, %swap3A_1194], %mul3A_1190 {strides = array<i32>} : memref<2x16x256xf32, #tpu.memory_space<vmem>>, vector<16xf32>,
      %gather3A_1196 = tpu.vector_load_idx %arg8[%broadcast_in_dim3A, %broadcast_in_dim3A_1181, %get3A_7] : memref<2x16x2048xf32, #tpu.memory_space<vmem>>[vector<16xi32>, vector<16xi32>, vector<16xi32>], vector<16xf32>,
      %mul3A_1197 = arith.mulf %gather3A_1196, %get3A_39 : vector<16xf32>
      %swap3A_1198 = arith.constant 9 : i32
      %swap3A_1199 = arith.index_cast %rem3A_126 : i32 to index
      %swap3A_1200 = arith.index_cast %swap3A_1198 : i32 to index
      %swap3A_1201 = arith.constant 32 : index
      %swap3A_1202 = tpu.vector_load %arg9[%swap3A_1199, %swap3A_1200, %swap3A_1201] {strides = array<i32>} : memref<2x16x256xf32, #tpu.memory_space<vmem>>, vector<16xf32>,
      tpu.vector_store %arg9[%swap3A_1199, %swap3A_1200, %swap3A_1201], %mul3A_1197 {strides = array<i32>} : memref<2x16x256xf32, #tpu.memory_space<vmem>>, vector<16xf32>,
      %gather3A_1203 = tpu.vector_load_idx %arg8[%broadcast_in_dim3A, %broadcast_in_dim3A_1181, %get3A_9] : memref<2x16x2048xf32, #tpu.memory_space<vmem>>[vector<16xi32>, vector<16xi32>, vector<16xi32>], vector<16xf32>,
      %mul3A_1204 = arith.mulf %gather3A_1203, %get3A_41 : vector<16xf32>
      %swap3A_1205 = arith.constant 9 : i32
      %swap3A_1206 = arith.index_cast %rem3A_126 : i32 to index
      %swap3A_1207 = arith.index_cast %swap3A_1205 : i32 to index
      %swap3A_1208 = arith.constant 48 : index
      %swap3A_1209 = tpu.vector_load %arg9[%swap3A_1206, %swap3A_1207, %swap3A_1208] {strides = array<i32>} : memref<2x16x256xf32, #tpu.memory_space<vmem>>, vector<16xf32>,
      tpu.vector_store %arg9[%swap3A_1206, %swap3A_1207, %swap3A_1208], %mul3A_1204 {strides = array<i32>} : memref<2x16x256xf32, #tpu.memory_space<vmem>>, vector<16xf32>,
      %gather3A_1210 = tpu.vector_load_idx %arg8[%broadcast_in_dim3A, %broadcast_in_dim3A_1181, %get3A_11] : memref<2x16x2048xf32, #tpu.memory_space<vmem>>[vector<16xi32>, vector<16xi32>, vector<16xi32>], vector<16xf32>,
      %mul3A_1211 = arith.mulf %gather3A_1210, %get3A_43 : vector<16xf32>
      %swap3A_1212 = arith.constant 9 : i32
      %swap3A_1213 = arith.index_cast %rem3A_126 : i32 to index
      %swap3A_1214 = arith.index_cast %swap3A_1212 : i32 to index
      %swap3A_1215 = arith.constant 64 : index
      %swap3A_1216 = tpu.vector_load %arg9[%swap3A_1213, %swap3A_1214, %swap3A_1215] {strides = array<i32>} : memref<2x16x256xf32, #tpu.memory_space<vmem>>, vector<16xf32>,
      tpu.vector_store %arg9[%swap3A_1213, %swap3A_1214, %swap3A_1215], %mul3A_1211 {strides = array<i32>} : memref<2x16x256xf32, #tpu.memory_space<vmem>>, vector<16xf32>,
      %gather3A_1217 = tpu.vector_load_idx %arg8[%broadcast_in_dim3A, %broadcast_in_dim3A_1181, %get3A_13] : memref<2x16x2048xf32, #tpu.memory_space<vmem>>[vector<16xi32>, vector<16xi32>, vector<16xi32>], vector<16xf32>,
      %mul3A_1218 = arith.mulf %gather3A_1217, %get3A_45 : vector<16xf32>
      %swap3A_1219 = arith.constant 9 : i32
      %swap3A_1220 = arith.index_cast %rem3A_126 : i32 to index
      %swap3A_1221 = arith.index_cast %swap3A_1219 : i32 to index
      %swap3A_1222 = arith.constant 80 : index
      %swap3A_1223 = tpu.vector_load %arg9[%swap3A_1220, %swap3A_1221, %swap3A_1222] {strides = array<i32>} : memref<2x16x256xf32, #tpu.memory_space<vmem>>, vector<16xf32>,
      tpu.vector_store %arg9[%swap3A_1220, %swap3A_1221, %swap3A_1222], %mul3A_1218 {strides = array<i32>} : memref<2x16x256xf32, #tpu.memory_space<vmem>>, vector<16xf32>,
      %gather3A_1224 = tpu.vector_load_idx %arg8[%broadcast_in_dim3A, %broadcast_in_dim3A_1181, %get3A_15] : memref<2x16x2048xf32, #tpu.memory_space<vmem>>[vector<16xi32>, vector<16xi32>, vector<16xi32>], vector<16xf32>,
      %mul3A_1225 = arith.mulf %gather3A_1224, %get3A_47 : vector<16xf32>
      %swap3A_1226 = arith.constant 9 : i32
      %swap3A_1227 = arith.index_cast %rem3A_126 : i32 to index
      %swap3A_1228 = arith.index_cast %swap3A_1226 : i32 to index
      %swap3A_1229 = arith.constant 96 : index
      %swap3A_1230 = tpu.vector_load %arg9[%swap3A_1227, %swap3A_1228, %swap3A_1229] {strides = array<i32>} : memref<2x16x256xf32, #tpu.memory_space<vmem>>, vector<16xf32>,
      tpu.vector_store %arg9[%swap3A_1227, %swap3A_1228, %swap3A_1229], %mul3A_1225 {strides = array<i32>} : memref<2x16x256xf32, #tpu.memory_space<vmem>>, vector<16xf32>,
      %gather3A_1231 = tpu.vector_load_idx %arg8[%broadcast_in_dim3A, %broadcast_in_dim3A_1181, %get3A_17] : memref<2x16x2048xf32, #tpu.memory_space<vmem>>[vector<16xi32>, vector<16xi32>, vector<16xi32>], vector<16xf32>,
      %mul3A_1232 = arith.mulf %gather3A_1231, %get3A_49 : vector<16xf32>
      %swap3A_1233 = arith.constant 9 : i32
      %swap3A_1234 = arith.index_cast %rem3A_126 : i32 to index
      %swap3A_1235 = arith.index_cast %swap3A_1233 : i32 to index
      %swap3A_1236 = arith.constant 112 : index
      %swap3A_1237 = tpu.vector_load %arg9[%swap3A_1234, %swap3A_1235, %swap3A_1236] {strides = array<i32>} : memref<2x16x256xf32, #tpu.memory_space<vmem>>, vector<16xf32>,
      tpu.vector_store %arg9[%swap3A_1234, %swap3A_1235, %swap3A_1236], %mul3A_1232 {strides = array<i32>} : memref<2x16x256xf32, #tpu.memory_space<vmem>>, vector<16xf32>,
      %gather3A_1238 = tpu.vector_load_idx %arg8[%broadcast_in_dim3A, %broadcast_in_dim3A_1181, %get3A_19] : memref<2x16x2048xf32, #tpu.memory_space<vmem>>[vector<16xi32>, vector<16xi32>, vector<16xi32>], vector<16xf32>,
      %mul3A_1239 = arith.mulf %gather3A_1238, %get3A_51 : vector<16xf32>
      %swap3A_1240 = arith.constant 9 : i32
      %swap3A_1241 = arith.index_cast %rem3A_126 : i32 to index
      %swap3A_1242 = arith.index_cast %swap3A_1240 : i32 to index
      %swap3A_1243 = arith.constant 128 : index
      %swap3A_1244 = tpu.vector_load %arg9[%swap3A_1241, %swap3A_1242, %swap3A_1243] {strides = array<i32>} : memref<2x16x256xf32, #tpu.memory_space<vmem>>, vector<16xf32>,
      tpu.vector_store %arg9[%swap3A_1241, %swap3A_1242, %swap3A_1243], %mul3A_1239 {strides = array<i32>} : memref<2x16x256xf32, #tpu.memory_space<vmem>>, vector<16xf32>,
      %gather3A_1245 = tpu.vector_load_idx %arg8[%broadcast_in_dim3A, %broadcast_in_dim3A_1181, %get3A_21] : memref<2x16x2048xf32, #tpu.memory_space<vmem>>[vector<16xi32>, vector<16xi32>, vector<16xi32>], vector<16xf32>,
      %mul3A_1246 = arith.mulf %gather3A_1245, %get3A_53 : vector<16xf32>
      %swap3A_1247 = arith.constant 9 : i32
      %swap3A_1248 = arith.index_cast %rem3A_126 : i32 to index
      %swap3A_1249 = arith.index_cast %swap3A_1247 : i32 to index
      %swap3A_1250 = arith.constant 144 : index
      %swap3A_1251 = tpu.vector_load %arg9[%swap3A_1248, %swap3A_1249, %swap3A_1250] {strides = array<i32>} : memref<2x16x256xf32, #tpu.memory_space<vmem>>, vector<16xf32>,
      tpu.vector_store %arg9[%swap3A_1248, %swap3A_1249, %swap3A_1250], %mul3A_1246 {strides = array<i32>} : memref<2x16x256xf32, #tpu.memory_space<vmem>>, vector<16xf32>,
      %gather3A_1252 = tpu.vector_load_idx %arg8[%broadcast_in_dim3A, %broadcast_in_dim3A_1181, %get3A_23] : memref<2x16x2048xf32, #tpu.memory_space<vmem>>[vector<16xi32>, vector<16xi32>, vector<16xi32>], vector<16xf32>,
      %mul3A_1253 = arith.mulf %gather3A_1252, %get3A_55 : vector<16xf32>
      %swap3A_1254 = arith.constant 9 : i32
      %swap3A_1255 = arith.index_cast %rem3A_126 : i32 to index
      %swap3A_1256 = arith.index_cast %swap3A_1254 : i32 to index
      %swap3A_1257 = arith.constant 160 : index
      %swap3A_1258 = tpu.vector_load %arg9[%swap3A_1255, %swap3A_1256, %swap3A_1257] {strides = array<i32>} : memref<2x16x256xf32, #tpu.memory_space<vmem>>, vector<16xf32>,
      tpu.vector_store %arg9[%swap3A_1255, %swap3A_1256, %swap3A_1257], %mul3A_1253 {strides = array<i32>} : memref<2x16x256xf32, #tpu.memory_space<vmem>>, vector<16xf32>,
      %gather3A_1259 = tpu.vector_load_idx %arg8[%broadcast_in_dim3A, %broadcast_in_dim3A_1181, %get3A_25] : memref<2x16x2048xf32, #tpu.memory_space<vmem>>[vector<16xi32>, vector<16xi32>, vector<16xi32>], vector<16xf32>,
      %mul3A_1260 = arith.mulf %gather3A_1259, %get3A_57 : vector<16xf32>
      %swap3A_1261 = arith.constant 9 : i32
      %swap3A_1262 = arith.index_cast %rem3A_126 : i32 to index
      %swap3A_1263 = arith.index_cast %swap3A_1261 : i32 to index
      %swap3A_1264 = arith.constant 176 : index
      %swap3A_1265 = tpu.vector_load %arg9[%swap3A_1262, %swap3A_1263, %swap3A_1264] {strides = array<i32>} : memref<2x16x256xf32, #tpu.memory_space<vmem>>, vector<16xf32>,
      tpu.vector_store %arg9[%swap3A_1262, %swap3A_1263, %swap3A_1264], %mul3A_1260 {strides = array<i32>} : memref<2x16x256xf32, #tpu.memory_space<vmem>>, vector<16xf32>,
      %gather3A_1266 = tpu.vector_load_idx %arg8[%broadcast_in_dim3A, %broadcast_in_dim3A_1181, %get3A_27] : memref<2x16x2048xf32, #tpu.memory_space<vmem>>[vector<16xi32>, vector<16xi32>, vector<16xi32>], vector<16xf32>,
      %mul3A_1267 = arith.mulf %gather3A_1266, %get3A_59 : vector<16xf32>
      %swap3A_1268 = arith.constant 9 : i32
      %swap3A_1269 = arith.index_cast %rem3A_126 : i32 to index
      %swap3A_1270 = arith.index_cast %swap3A_1268 : i32 to index
      %swap3A_1271 = arith.constant 192 : index
      %swap3A_1272 = tpu.vector_load %arg9[%swap3A_1269, %swap3A_1270, %swap3A_1271] {strides = array<i32>} : memref<2x16x256xf32, #tpu.memory_space<vmem>>, vector<16xf32>,
      tpu.vector_store %arg9[%swap3A_1269, %swap3A_1270, %swap3A_1271], %mul3A_1267 {strides = array<i32>} : memref<2x16x256xf32, #tpu.memory_space<vmem>>, vector<16xf32>,
      %gather3A_1273 = tpu.vector_load_idx %arg8[%broadcast_in_dim3A, %broadcast_in_dim3A_1181, %get3A_29] : memref<2x16x2048xf32, #tpu.memory_space<vmem>>[vector<16xi32>, vector<16xi32>, vector<16xi32>], vector<16xf32>,
      %mul3A_1274 = arith.mulf %gather3A_1273, %get3A_61 : vector<16xf32>
      %swap3A_1275 = arith.constant 9 : i32
      %swap3A_1276 = arith.index_cast %rem3A_126 : i32 to index
      %swap3A_1277 = arith.index_cast %swap3A_1275 : i32 to index
      %swap3A_1278 = arith.constant 208 : index
      %swap3A_1279 = tpu.vector_load %arg9[%swap3A_1276, %swap3A_1277, %swap3A_1278] {strides = array<i32>} : memref<2x16x256xf32, #tpu.memory_space<vmem>>, vector<16xf32>,
      tpu.vector_store %arg9[%swap3A_1276, %swap3A_1277, %swap3A_1278], %mul3A_1274 {strides = array<i32>} : memref<2x16x256xf32, #tpu.memory_space<vmem>>, vector<16xf32>,
      %gather3A_1280 = tpu.vector_load_idx %arg8[%broadcast_in_dim3A, %broadcast_in_dim3A_1181, %get3A_31] : memref<2x16x2048xf32, #tpu.memory_space<vmem>>[vector<16xi32>, vector<16xi32>, vector<16xi32>], vector<16xf32>,
      %mul3A_1281 = arith.mulf %gather3A_1280, %get3A_63 : vector<16xf32>
      %swap3A_1282 = arith.constant 9 : i32
      %swap3A_1283 = arith.index_cast %rem3A_126 : i32 to index
      %swap3A_1284 = arith.index_cast %swap3A_1282 : i32 to index
      %swap3A_1285 = arith.constant 224 : index
      %swap3A_1286 = tpu.vector_load %arg9[%swap3A_1283, %swap3A_1284, %swap3A_1285] {strides = array<i32>} : memref<2x16x256xf32, #tpu.memory_space<vmem>>, vector<16xf32>,
      tpu.vector_store %arg9[%swap3A_1283, %swap3A_1284, %swap3A_1285], %mul3A_1281 {strides = array<i32>} : memref<2x16x256xf32, #tpu.memory_space<vmem>>, vector<16xf32>,
      %gather3A_1287 = tpu.vector_load_idx %arg8[%broadcast_in_dim3A, %broadcast_in_dim3A_1181, %get3A_33] : memref<2x16x2048xf32, #tpu.memory_space<vmem>>[vector<16xi32>, vector<16xi32>, vector<16xi32>], vector<16xf32>,
      %mul3A_1288 = arith.mulf %gather3A_1287, %get3A_65 : vector<16xf32>
      %swap3A_1289 = arith.constant 9 : i32
      %swap3A_1290 = arith.index_cast %rem3A_126 : i32 to index
      %swap3A_1291 = arith.index_cast %swap3A_1289 : i32 to index
      %swap3A_1292 = arith.constant 240 : index
      %swap3A_1293 = tpu.vector_load %arg9[%swap3A_1290, %swap3A_1291, %swap3A_1292] {strides = array<i32>} : memref<2x16x256xf32, #tpu.memory_space<vmem>>, vector<16xf32>,
      tpu.vector_store %arg9[%swap3A_1290, %swap3A_1291, %swap3A_1292], %mul3A_1288 {strides = array<i32>} : memref<2x16x256xf32, #tpu.memory_space<vmem>>, vector<16xf32>,
      %broadcast_in_dim3A_1294 = arith.constant 10 : i32
      %broadcast_in_dim3A_1295 = vector.broadcast %broadcast_in_dim3A_1294 : i32 to vector<16xi32>
      %gather3A_1296 = tpu.vector_load_idx %arg8[%broadcast_in_dim3A, %broadcast_in_dim3A_1295, %get3A_3] : memref<2x16x2048xf32, #tpu.memory_space<vmem>>[vector<16xi32>, vector<16xi32>, vector<16xi32>], vector<16xf32>,
      %mul3A_1297 = arith.mulf %gather3A_1296, %get3A_35 : vector<16xf32>
      %swap3A_1298 = arith.constant 10 : i32
      %swap3A_1299 = arith.index_cast %rem3A_126 : i32 to index
      %swap3A_1300 = arith.index_cast %swap3A_1298 : i32 to index
      %swap3A_1301 = arith.constant 0 : index
      %swap3A_1302 = tpu.vector_load %arg9[%swap3A_1299, %swap3A_1300, %swap3A_1301] {strides = array<i32>} : memref<2x16x256xf32, #tpu.memory_space<vmem>>, vector<16xf32>,
      tpu.vector_store %arg9[%swap3A_1299, %swap3A_1300, %swap3A_1301], %mul3A_1297 {strides = array<i32>} : memref<2x16x256xf32, #tpu.memory_space<vmem>>, vector<16xf32>,
      %gather3A_1303 = tpu.vector_load_idx %arg8[%broadcast_in_dim3A, %broadcast_in_dim3A_1295, %get3A_5] : memref<2x16x2048xf32, #tpu.memory_space<vmem>>[vector<16xi32>, vector<16xi32>, vector<16xi32>], vector<16xf32>,
      %mul3A_1304 = arith.mulf %gather3A_1303, %get3A_37 : vector<16xf32>
      %swap3A_1305 = arith.constant 10 : i32
      %swap3A_1306 = arith.index_cast %rem3A_126 : i32 to index
      %swap3A_1307 = arith.index_cast %swap3A_1305 : i32 to index
      %swap3A_1308 = arith.constant 16 : index
      %swap3A_1309 = tpu.vector_load %arg9[%swap3A_1306, %swap3A_1307, %swap3A_1308] {strides = array<i32>} : memref<2x16x256xf32, #tpu.memory_space<vmem>>, vector<16xf32>,
      tpu.vector_store %arg9[%swap3A_1306, %swap3A_1307, %swap3A_1308], %mul3A_1304 {strides = array<i32>} : memref<2x16x256xf32, #tpu.memory_space<vmem>>, vector<16xf32>,
      %gather3A_1310 = tpu.vector_load_idx %arg8[%broadcast_in_dim3A, %broadcast_in_dim3A_1295, %get3A_7] : memref<2x16x2048xf32, #tpu.memory_space<vmem>>[vector<16xi32>, vector<16xi32>, vector<16xi32>], vector<16xf32>,
      %mul3A_1311 = arith.mulf %gather3A_1310, %get3A_39 : vector<16xf32>
      %swap3A_1312 = arith.constant 10 : i32
      %swap3A_1313 = arith.index_cast %rem3A_126 : i32 to index
      %swap3A_1314 = arith.index_cast %swap3A_1312 : i32 to index
      %swap3A_1315 = arith.constant 32 : index
      %swap3A_1316 = tpu.vector_load %arg9[%swap3A_1313, %swap3A_1314, %swap3A_1315] {strides = array<i32>} : memref<2x16x256xf32, #tpu.memory_space<vmem>>, vector<16xf32>,
      tpu.vector_store %arg9[%swap3A_1313, %swap3A_1314, %swap3A_1315], %mul3A_1311 {strides = array<i32>} : memref<2x16x256xf32, #tpu.memory_space<vmem>>, vector<16xf32>,
      %gather3A_1317 = tpu.vector_load_idx %arg8[%broadcast_in_dim3A, %broadcast_in_dim3A_1295, %get3A_9] : memref<2x16x2048xf32, #tpu.memory_space<vmem>>[vector<16xi32>, vector<16xi32>, vector<16xi32>], vector<16xf32>,
      %mul3A_1318 = arith.mulf %gather3A_1317, %get3A_41 : vector<16xf32>
      %swap3A_1319 = arith.constant 10 : i32
      %swap3A_1320 = arith.index_cast %rem3A_126 : i32 to index
      %swap3A_1321 = arith.index_cast %swap3A_1319 : i32 to index
      %swap3A_1322 = arith.constant 48 : index
      %swap3A_1323 = tpu.vector_load %arg9[%swap3A_1320, %swap3A_1321, %swap3A_1322] {strides = array<i32>} : memref<2x16x256xf32, #tpu.memory_space<vmem>>, vector<16xf32>,
      tpu.vector_store %arg9[%swap3A_1320, %swap3A_1321, %swap3A_1322], %mul3A_1318 {strides = array<i32>} : memref<2x16x256xf32, #tpu.memory_space<vmem>>, vector<16xf32>,
      %gather3A_1324 = tpu.vector_load_idx %arg8[%broadcast_in_dim3A, %broadcast_in_dim3A_1295, %get3A_11] : memref<2x16x2048xf32, #tpu.memory_space<vmem>>[vector<16xi32>, vector<16xi32>, vector<16xi32>], vector<16xf32>,
      %mul3A_1325 = arith.mulf %gather3A_1324, %get3A_43 : vector<16xf32>
      %swap3A_1326 = arith.constant 10 : i32
      %swap3A_1327 = arith.index_cast %rem3A_126 : i32 to index
      %swap3A_1328 = arith.index_cast %swap3A_1326 : i32 to index
      %swap3A_1329 = arith.constant 64 : index
      %swap3A_1330 = tpu.vector_load %arg9[%swap3A_1327, %swap3A_1328, %swap3A_1329] {strides = array<i32>} : memref<2x16x256xf32, #tpu.memory_space<vmem>>, vector<16xf32>,
      tpu.vector_store %arg9[%swap3A_1327, %swap3A_1328, %swap3A_1329], %mul3A_1325 {strides = array<i32>} : memref<2x16x256xf32, #tpu.memory_space<vmem>>, vector<16xf32>,
      %gather3A_1331 = tpu.vector_load_idx %arg8[%broadcast_in_dim3A, %broadcast_in_dim3A_1295, %get3A_13] : memref<2x16x2048xf32, #tpu.memory_space<vmem>>[vector<16xi32>, vector<16xi32>, vector<16xi32>], vector<16xf32>,
      %mul3A_1332 = arith.mulf %gather3A_1331, %get3A_45 : vector<16xf32>
      %swap3A_1333 = arith.constant 10 : i32
      %swap3A_1334 = arith.index_cast %rem3A_126 : i32 to index
      %swap3A_1335 = arith.index_cast %swap3A_1333 : i32 to index
      %swap3A_1336 = arith.constant 80 : index
      %swap3A_1337 = tpu.vector_load %arg9[%swap3A_1334, %swap3A_1335, %swap3A_1336] {strides = array<i32>} : memref<2x16x256xf32, #tpu.memory_space<vmem>>, vector<16xf32>,
      tpu.vector_store %arg9[%swap3A_1334, %swap3A_1335, %swap3A_1336], %mul3A_1332 {strides = array<i32>} : memref<2x16x256xf32, #tpu.memory_space<vmem>>, vector<16xf32>,
      %gather3A_1338 = tpu.vector_load_idx %arg8[%broadcast_in_dim3A, %broadcast_in_dim3A_1295, %get3A_15] : memref<2x16x2048xf32, #tpu.memory_space<vmem>>[vector<16xi32>, vector<16xi32>, vector<16xi32>], vector<16xf32>,
      %mul3A_1339 = arith.mulf %gather3A_1338, %get3A_47 : vector<16xf32>
      %swap3A_1340 = arith.constant 10 : i32
      %swap3A_1341 = arith.index_cast %rem3A_126 : i32 to index
      %swap3A_1342 = arith.index_cast %swap3A_1340 : i32 to index
      %swap3A_1343 = arith.constant 96 : index
      %swap3A_1344 = tpu.vector_load %arg9[%swap3A_1341, %swap3A_1342, %swap3A_1343] {strides = array<i32>} : memref<2x16x256xf32, #tpu.memory_space<vmem>>, vector<16xf32>,
      tpu.vector_store %arg9[%swap3A_1341, %swap3A_1342, %swap3A_1343], %mul3A_1339 {strides = array<i32>} : memref<2x16x256xf32, #tpu.memory_space<vmem>>, vector<16xf32>,
      %gather3A_1345 = tpu.vector_load_idx %arg8[%broadcast_in_dim3A, %broadcast_in_dim3A_1295, %get3A_17] : memref<2x16x2048xf32, #tpu.memory_space<vmem>>[vector<16xi32>, vector<16xi32>, vector<16xi32>], vector<16xf32>,
      %mul3A_1346 = arith.mulf %gather3A_1345, %get3A_49 : vector<16xf32>
      %swap3A_1347 = arith.constant 10 : i32
      %swap3A_1348 = arith.index_cast %rem3A_126 : i32 to index
      %swap3A_1349 = arith.index_cast %swap3A_1347 : i32 to index
      %swap3A_1350 = arith.constant 112 : index
      %swap3A_1351 = tpu.vector_load %arg9[%swap3A_1348, %swap3A_1349, %swap3A_1350] {strides = array<i32>} : memref<2x16x256xf32, #tpu.memory_space<vmem>>, vector<16xf32>,
      tpu.vector_store %arg9[%swap3A_1348, %swap3A_1349, %swap3A_1350], %mul3A_1346 {strides = array<i32>} : memref<2x16x256xf32, #tpu.memory_space<vmem>>, vector<16xf32>,
      %gather3A_1352 = tpu.vector_load_idx %arg8[%broadcast_in_dim3A, %broadcast_in_dim3A_1295, %get3A_19] : memref<2x16x2048xf32, #tpu.memory_space<vmem>>[vector<16xi32>, vector<16xi32>, vector<16xi32>], vector<16xf32>,
      %mul3A_1353 = arith.mulf %gather3A_1352, %get3A_51 : vector<16xf32>
      %swap3A_1354 = arith.constant 10 : i32
      %swap3A_1355 = arith.index_cast %rem3A_126 : i32 to index
      %swap3A_1356 = arith.index_cast %swap3A_1354 : i32 to index
      %swap3A_1357 = arith.constant 128 : index
      %swap3A_1358 = tpu.vector_load %arg9[%swap3A_1355, %swap3A_1356, %swap3A_1357] {strides = array<i32>} : memref<2x16x256xf32, #tpu.memory_space<vmem>>, vector<16xf32>,
      tpu.vector_store %arg9[%swap3A_1355, %swap3A_1356, %swap3A_1357], %mul3A_1353 {strides = array<i32>} : memref<2x16x256xf32, #tpu.memory_space<vmem>>, vector<16xf32>,
      %gather3A_1359 = tpu.vector_load_idx %arg8[%broadcast_in_dim3A, %broadcast_in_dim3A_1295, %get3A_21] : memref<2x16x2048xf32, #tpu.memory_space<vmem>>[vector<16xi32>, vector<16xi32>, vector<16xi32>], vector<16xf32>,
      %mul3A_1360 = arith.mulf %gather3A_1359, %get3A_53 : vector<16xf32>
      %swap3A_1361 = arith.constant 10 : i32
      %swap3A_1362 = arith.index_cast %rem3A_126 : i32 to index
      %swap3A_1363 = arith.index_cast %swap3A_1361 : i32 to index
      %swap3A_1364 = arith.constant 144 : index
      %swap3A_1365 = tpu.vector_load %arg9[%swap3A_1362, %swap3A_1363, %swap3A_1364] {strides = array<i32>} : memref<2x16x256xf32, #tpu.memory_space<vmem>>, vector<16xf32>,
      tpu.vector_store %arg9[%swap3A_1362, %swap3A_1363, %swap3A_1364], %mul3A_1360 {strides = array<i32>} : memref<2x16x256xf32, #tpu.memory_space<vmem>>, vector<16xf32>,
      %gather3A_1366 = tpu.vector_load_idx %arg8[%broadcast_in_dim3A, %broadcast_in_dim3A_1295, %get3A_23] : memref<2x16x2048xf32, #tpu.memory_space<vmem>>[vector<16xi32>, vector<16xi32>, vector<16xi32>], vector<16xf32>,
      %mul3A_1367 = arith.mulf %gather3A_1366, %get3A_55 : vector<16xf32>
      %swap3A_1368 = arith.constant 10 : i32
      %swap3A_1369 = arith.index_cast %rem3A_126 : i32 to index
      %swap3A_1370 = arith.index_cast %swap3A_1368 : i32 to index
      %swap3A_1371 = arith.constant 160 : index
      %swap3A_1372 = tpu.vector_load %arg9[%swap3A_1369, %swap3A_1370, %swap3A_1371] {strides = array<i32>} : memref<2x16x256xf32, #tpu.memory_space<vmem>>, vector<16xf32>,
      tpu.vector_store %arg9[%swap3A_1369, %swap3A_1370, %swap3A_1371], %mul3A_1367 {strides = array<i32>} : memref<2x16x256xf32, #tpu.memory_space<vmem>>, vector<16xf32>,
      %gather3A_1373 = tpu.vector_load_idx %arg8[%broadcast_in_dim3A, %broadcast_in_dim3A_1295, %get3A_25] : memref<2x16x2048xf32, #tpu.memory_space<vmem>>[vector<16xi32>, vector<16xi32>, vector<16xi32>], vector<16xf32>,
      %mul3A_1374 = arith.mulf %gather3A_1373, %get3A_57 : vector<16xf32>
      %swap3A_1375 = arith.constant 10 : i32
      %swap3A_1376 = arith.index_cast %rem3A_126 : i32 to index
      %swap3A_1377 = arith.index_cast %swap3A_1375 : i32 to index
      %swap3A_1378 = arith.constant 176 : index
      %swap3A_1379 = tpu.vector_load %arg9[%swap3A_1376, %swap3A_1377, %swap3A_1378] {strides = array<i32>} : memref<2x16x256xf32, #tpu.memory_space<vmem>>, vector<16xf32>,
      tpu.vector_store %arg9[%swap3A_1376, %swap3A_1377, %swap3A_1378], %mul3A_1374 {strides = array<i32>} : memref<2x16x256xf32, #tpu.memory_space<vmem>>, vector<16xf32>,
      %gather3A_1380 = tpu.vector_load_idx %arg8[%broadcast_in_dim3A, %broadcast_in_dim3A_1295, %get3A_27] : memref<2x16x2048xf32, #tpu.memory_space<vmem>>[vector<16xi32>, vector<16xi32>, vector<16xi32>], vector<16xf32>,
      %mul3A_1381 = arith.mulf %gather3A_1380, %get3A_59 : vector<16xf32>
      %swap3A_1382 = arith.constant 10 : i32
      %swap3A_1383 = arith.index_cast %rem3A_126 : i32 to index
      %swap3A_1384 = arith.index_cast %swap3A_1382 : i32 to index
      %swap3A_1385 = arith.constant 192 : index
      %swap3A_1386 = tpu.vector_load %arg9[%swap3A_1383, %swap3A_1384, %swap3A_1385] {strides = array<i32>} : memref<2x16x256xf32, #tpu.memory_space<vmem>>, vector<16xf32>,
      tpu.vector_store %arg9[%swap3A_1383, %swap3A_1384, %swap3A_1385], %mul3A_1381 {strides = array<i32>} : memref<2x16x256xf32, #tpu.memory_space<vmem>>, vector<16xf32>,
      %gather3A_1387 = tpu.vector_load_idx %arg8[%broadcast_in_dim3A, %broadcast_in_dim3A_1295, %get3A_29] : memref<2x16x2048xf32, #tpu.memory_space<vmem>>[vector<16xi32>, vector<16xi32>, vector<16xi32>], vector<16xf32>,
      %mul3A_1388 = arith.mulf %gather3A_1387, %get3A_61 : vector<16xf32>
      %swap3A_1389 = arith.constant 10 : i32
      %swap3A_1390 = arith.index_cast %rem3A_126 : i32 to index
      %swap3A_1391 = arith.index_cast %swap3A_1389 : i32 to index
      %swap3A_1392 = arith.constant 208 : index
      %swap3A_1393 = tpu.vector_load %arg9[%swap3A_1390, %swap3A_1391, %swap3A_1392] {strides = array<i32>} : memref<2x16x256xf32, #tpu.memory_space<vmem>>, vector<16xf32>,
      tpu.vector_store %arg9[%swap3A_1390, %swap3A_1391, %swap3A_1392], %mul3A_1388 {strides = array<i32>} : memref<2x16x256xf32, #tpu.memory_space<vmem>>, vector<16xf32>,
      %gather3A_1394 = tpu.vector_load_idx %arg8[%broadcast_in_dim3A, %broadcast_in_dim3A_1295, %get3A_31] : memref<2x16x2048xf32, #tpu.memory_space<vmem>>[vector<16xi32>, vector<16xi32>, vector<16xi32>], vector<16xf32>,
      %mul3A_1395 = arith.mulf %gather3A_1394, %get3A_63 : vector<16xf32>
      %swap3A_1396 = arith.constant 10 : i32
      %swap3A_1397 = arith.index_cast %rem3A_126 : i32 to index
      %swap3A_1398 = arith.index_cast %swap3A_1396 : i32 to index
      %swap3A_1399 = arith.constant 224 : index
      %swap3A_1400 = tpu.vector_load %arg9[%swap3A_1397, %swap3A_1398, %swap3A_1399] {strides = array<i32>} : memref<2x16x256xf32, #tpu.memory_space<vmem>>, vector<16xf32>,
      tpu.vector_store %arg9[%swap3A_1397, %swap3A_1398, %swap3A_1399], %mul3A_1395 {strides = array<i32>} : memref<2x16x256xf32, #tpu.memory_space<vmem>>, vector<16xf32>,
      %gather3A_1401 = tpu.vector_load_idx %arg8[%broadcast_in_dim3A, %broadcast_in_dim3A_1295, %get3A_33] : memref<2x16x2048xf32, #tpu.memory_space<vmem>>[vector<16xi32>, vector<16xi32>, vector<16xi32>], vector<16xf32>,
      %mul3A_1402 = arith.mulf %gather3A_1401, %get3A_65 : vector<16xf32>
      %swap3A_1403 = arith.constant 10 : i32
      %swap3A_1404 = arith.index_cast %rem3A_126 : i32 to index
      %swap3A_1405 = arith.index_cast %swap3A_1403 : i32 to index
      %swap3A_1406 = arith.constant 240 : index
      %swap3A_1407 = tpu.vector_load %arg9[%swap3A_1404, %swap3A_1405, %swap3A_1406] {strides = array<i32>} : memref<2x16x256xf32, #tpu.memory_space<vmem>>, vector<16xf32>,
      tpu.vector_store %arg9[%swap3A_1404, %swap3A_1405, %swap3A_1406], %mul3A_1402 {strides = array<i32>} : memref<2x16x256xf32, #tpu.memory_space<vmem>>, vector<16xf32>,
      %broadcast_in_dim3A_1408 = arith.constant 11 : i32
      %broadcast_in_dim3A_1409 = vector.broadcast %broadcast_in_dim3A_1408 : i32 to vector<16xi32>
      %gather3A_1410 = tpu.vector_load_idx %arg8[%broadcast_in_dim3A, %broadcast_in_dim3A_1409, %get3A_3] : memref<2x16x2048xf32, #tpu.memory_space<vmem>>[vector<16xi32>, vector<16xi32>, vector<16xi32>], vector<16xf32>,
      %mul3A_1411 = arith.mulf %gather3A_1410, %get3A_35 : vector<16xf32>
      %swap3A_1412 = arith.constant 11 : i32
      %swap3A_1413 = arith.index_cast %rem3A_126 : i32 to index
      %swap3A_1414 = arith.index_cast %swap3A_1412 : i32 to index
      %swap3A_1415 = arith.constant 0 : index
      %swap3A_1416 = tpu.vector_load %arg9[%swap3A_1413, %swap3A_1414, %swap3A_1415] {strides = array<i32>} : memref<2x16x256xf32, #tpu.memory_space<vmem>>, vector<16xf32>,
      tpu.vector_store %arg9[%swap3A_1413, %swap3A_1414, %swap3A_1415], %mul3A_1411 {strides = array<i32>} : memref<2x16x256xf32, #tpu.memory_space<vmem>>, vector<16xf32>,
      %gather3A_1417 = tpu.vector_load_idx %arg8[%broadcast_in_dim3A, %broadcast_in_dim3A_1409, %get3A_5] : memref<2x16x2048xf32, #tpu.memory_space<vmem>>[vector<16xi32>, vector<16xi32>, vector<16xi32>], vector<16xf32>,
      %mul3A_1418 = arith.mulf %gather3A_1417, %get3A_37 : vector<16xf32>
      %swap3A_1419 = arith.constant 11 : i32
      %swap3A_1420 = arith.index_cast %rem3A_126 : i32 to index
      %swap3A_1421 = arith.index_cast %swap3A_1419 : i32 to index
      %swap3A_1422 = arith.constant 16 : index
      %swap3A_1423 = tpu.vector_load %arg9[%swap3A_1420, %swap3A_1421, %swap3A_1422] {strides = array<i32>} : memref<2x16x256xf32, #tpu.memory_space<vmem>>, vector<16xf32>,
      tpu.vector_store %arg9[%swap3A_1420, %swap3A_1421, %swap3A_1422], %mul3A_1418 {strides = array<i32>} : memref<2x16x256xf32, #tpu.memory_space<vmem>>, vector<16xf32>,
      %gather3A_1424 = tpu.vector_load_idx %arg8[%broadcast_in_dim3A, %broadcast_in_dim3A_1409, %get3A_7] : memref<2x16x2048xf32, #tpu.memory_space<vmem>>[vector<16xi32>, vector<16xi32>, vector<16xi32>], vector<16xf32>,
      %mul3A_1425 = arith.mulf %gather3A_1424, %get3A_39 : vector<16xf32>
      %swap3A_1426 = arith.constant 11 : i32
      %swap3A_1427 = arith.index_cast %rem3A_126 : i32 to index
      %swap3A_1428 = arith.index_cast %swap3A_1426 : i32 to index
      %swap3A_1429 = arith.constant 32 : index
      %swap3A_1430 = tpu.vector_load %arg9[%swap3A_1427, %swap3A_1428, %swap3A_1429] {strides = array<i32>} : memref<2x16x256xf32, #tpu.memory_space<vmem>>, vector<16xf32>,
      tpu.vector_store %arg9[%swap3A_1427, %swap3A_1428, %swap3A_1429], %mul3A_1425 {strides = array<i32>} : memref<2x16x256xf32, #tpu.memory_space<vmem>>, vector<16xf32>,
      %gather3A_1431 = tpu.vector_load_idx %arg8[%broadcast_in_dim3A, %broadcast_in_dim3A_1409, %get3A_9] : memref<2x16x2048xf32, #tpu.memory_space<vmem>>[vector<16xi32>, vector<16xi32>, vector<16xi32>], vector<16xf32>,
      %mul3A_1432 = arith.mulf %gather3A_1431, %get3A_41 : vector<16xf32>
      %swap3A_1433 = arith.constant 11 : i32
      %swap3A_1434 = arith.index_cast %rem3A_126 : i32 to index
      %swap3A_1435 = arith.index_cast %swap3A_1433 : i32 to index
      %swap3A_1436 = arith.constant 48 : index
      %swap3A_1437 = tpu.vector_load %arg9[%swap3A_1434, %swap3A_1435, %swap3A_1436] {strides = array<i32>} : memref<2x16x256xf32, #tpu.memory_space<vmem>>, vector<16xf32>,
      tpu.vector_store %arg9[%swap3A_1434, %swap3A_1435, %swap3A_1436], %mul3A_1432 {strides = array<i32>} : memref<2x16x256xf32, #tpu.memory_space<vmem>>, vector<16xf32>,
      %gather3A_1438 = tpu.vector_load_idx %arg8[%broadcast_in_dim3A, %broadcast_in_dim3A_1409, %get3A_11] : memref<2x16x2048xf32, #tpu.memory_space<vmem>>[vector<16xi32>, vector<16xi32>, vector<16xi32>], vector<16xf32>,
      %mul3A_1439 = arith.mulf %gather3A_1438, %get3A_43 : vector<16xf32>
      %swap3A_1440 = arith.constant 11 : i32
      %swap3A_1441 = arith.index_cast %rem3A_126 : i32 to index
      %swap3A_1442 = arith.index_cast %swap3A_1440 : i32 to index
      %swap3A_1443 = arith.constant 64 : index
      %swap3A_1444 = tpu.vector_load %arg9[%swap3A_1441, %swap3A_1442, %swap3A_1443] {strides = array<i32>} : memref<2x16x256xf32, #tpu.memory_space<vmem>>, vector<16xf32>,
      tpu.vector_store %arg9[%swap3A_1441, %swap3A_1442, %swap3A_1443], %mul3A_1439 {strides = array<i32>} : memref<2x16x256xf32, #tpu.memory_space<vmem>>, vector<16xf32>,
      %gather3A_1445 = tpu.vector_load_idx %arg8[%broadcast_in_dim3A, %broadcast_in_dim3A_1409, %get3A_13] : memref<2x16x2048xf32, #tpu.memory_space<vmem>>[vector<16xi32>, vector<16xi32>, vector<16xi32>], vector<16xf32>,
      %mul3A_1446 = arith.mulf %gather3A_1445, %get3A_45 : vector<16xf32>
      %swap3A_1447 = arith.constant 11 : i32
      %swap3A_1448 = arith.index_cast %rem3A_126 : i32 to index
      %swap3A_1449 = arith.index_cast %swap3A_1447 : i32 to index
      %swap3A_1450 = arith.constant 80 : index
      %swap3A_1451 = tpu.vector_load %arg9[%swap3A_1448, %swap3A_1449, %swap3A_1450] {strides = array<i32>} : memref<2x16x256xf32, #tpu.memory_space<vmem>>, vector<16xf32>,
      tpu.vector_store %arg9[%swap3A_1448, %swap3A_1449, %swap3A_1450], %mul3A_1446 {strides = array<i32>} : memref<2x16x256xf32, #tpu.memory_space<vmem>>, vector<16xf32>,
      %gather3A_1452 = tpu.vector_load_idx %arg8[%broadcast_in_dim3A, %broadcast_in_dim3A_1409, %get3A_15] : memref<2x16x2048xf32, #tpu.memory_space<vmem>>[vector<16xi32>, vector<16xi32>, vector<16xi32>], vector<16xf32>,
      %mul3A_1453 = arith.mulf %gather3A_1452, %get3A_47 : vector<16xf32>
      %swap3A_1454 = arith.constant 11 : i32
      %swap3A_1455 = arith.index_cast %rem3A_126 : i32 to index
      %swap3A_1456 = arith.index_cast %swap3A_1454 : i32 to index
      %swap3A_1457 = arith.constant 96 : index
      %swap3A_1458 = tpu.vector_load %arg9[%swap3A_1455, %swap3A_1456, %swap3A_1457] {strides = array<i32>} : memref<2x16x256xf32, #tpu.memory_space<vmem>>, vector<16xf32>,
      tpu.vector_store %arg9[%swap3A_1455, %swap3A_1456, %swap3A_1457], %mul3A_1453 {strides = array<i32>} : memref<2x16x256xf32, #tpu.memory_space<vmem>>, vector<16xf32>,
      %gather3A_1459 = tpu.vector_load_idx %arg8[%broadcast_in_dim3A, %broadcast_in_dim3A_1409, %get3A_17] : memref<2x16x2048xf32, #tpu.memory_space<vmem>>[vector<16xi32>, vector<16xi32>, vector<16xi32>], vector<16xf32>,
      %mul3A_1460 = arith.mulf %gather3A_1459, %get3A_49 : vector<16xf32>
      %swap3A_1461 = arith.constant 11 : i32
      %swap3A_1462 = arith.index_cast %rem3A_126 : i32 to index
      %swap3A_1463 = arith.index_cast %swap3A_1461 : i32 to index
      %swap3A_1464 = arith.constant 112 : index
      %swap3A_1465 = tpu.vector_load %arg9[%swap3A_1462, %swap3A_1463, %swap3A_1464] {strides = array<i32>} : memref<2x16x256xf32, #tpu.memory_space<vmem>>, vector<16xf32>,
      tpu.vector_store %arg9[%swap3A_1462, %swap3A_1463, %swap3A_1464], %mul3A_1460 {strides = array<i32>} : memref<2x16x256xf32, #tpu.memory_space<vmem>>, vector<16xf32>,
      %gather3A_1466 = tpu.vector_load_idx %arg8[%broadcast_in_dim3A, %broadcast_in_dim3A_1409, %get3A_19] : memref<2x16x2048xf32, #tpu.memory_space<vmem>>[vector<16xi32>, vector<16xi32>, vector<16xi32>], vector<16xf32>,
      %mul3A_1467 = arith.mulf %gather3A_1466, %get3A_51 : vector<16xf32>
      %swap3A_1468 = arith.constant 11 : i32
      %swap3A_1469 = arith.index_cast %rem3A_126 : i32 to index
      %swap3A_1470 = arith.index_cast %swap3A_1468 : i32 to index
      %swap3A_1471 = arith.constant 128 : index
      %swap3A_1472 = tpu.vector_load %arg9[%swap3A_1469, %swap3A_1470, %swap3A_1471] {strides = array<i32>} : memref<2x16x256xf32, #tpu.memory_space<vmem>>, vector<16xf32>,
      tpu.vector_store %arg9[%swap3A_1469, %swap3A_1470, %swap3A_1471], %mul3A_1467 {strides = array<i32>} : memref<2x16x256xf32, #tpu.memory_space<vmem>>, vector<16xf32>,
      %gather3A_1473 = tpu.vector_load_idx %arg8[%broadcast_in_dim3A, %broadcast_in_dim3A_1409, %get3A_21] : memref<2x16x2048xf32, #tpu.memory_space<vmem>>[vector<16xi32>, vector<16xi32>, vector<16xi32>], vector<16xf32>,
      %mul3A_1474 = arith.mulf %gather3A_1473, %get3A_53 : vector<16xf32>
      %swap3A_1475 = arith.constant 11 : i32
      %swap3A_1476 = arith.index_cast %rem3A_126 : i32 to index
      %swap3A_1477 = arith.index_cast %swap3A_1475 : i32 to index
      %swap3A_1478 = arith.constant 144 : index
      %swap3A_1479 = tpu.vector_load %arg9[%swap3A_1476, %swap3A_1477, %swap3A_1478] {strides = array<i32>} : memref<2x16x256xf32, #tpu.memory_space<vmem>>, vector<16xf32>,
      tpu.vector_store %arg9[%swap3A_1476, %swap3A_1477, %swap3A_1478], %mul3A_1474 {strides = array<i32>} : memref<2x16x256xf32, #tpu.memory_space<vmem>>, vector<16xf32>,
      %gather3A_1480 = tpu.vector_load_idx %arg8[%broadcast_in_dim3A, %broadcast_in_dim3A_1409, %get3A_23] : memref<2x16x2048xf32, #tpu.memory_space<vmem>>[vector<16xi32>, vector<16xi32>, vector<16xi32>], vector<16xf32>,
      %mul3A_1481 = arith.mulf %gather3A_1480, %get3A_55 : vector<16xf32>
      %swap3A_1482 = arith.constant 11 : i32
      %swap3A_1483 = arith.index_cast %rem3A_126 : i32 to index
      %swap3A_1484 = arith.index_cast %swap3A_1482 : i32 to index
      %swap3A_1485 = arith.constant 160 : index
      %swap3A_1486 = tpu.vector_load %arg9[%swap3A_1483, %swap3A_1484, %swap3A_1485] {strides = array<i32>} : memref<2x16x256xf32, #tpu.memory_space<vmem>>, vector<16xf32>,
      tpu.vector_store %arg9[%swap3A_1483, %swap3A_1484, %swap3A_1485], %mul3A_1481 {strides = array<i32>} : memref<2x16x256xf32, #tpu.memory_space<vmem>>, vector<16xf32>,
      %gather3A_1487 = tpu.vector_load_idx %arg8[%broadcast_in_dim3A, %broadcast_in_dim3A_1409, %get3A_25] : memref<2x16x2048xf32, #tpu.memory_space<vmem>>[vector<16xi32>, vector<16xi32>, vector<16xi32>], vector<16xf32>,
      %mul3A_1488 = arith.mulf %gather3A_1487, %get3A_57 : vector<16xf32>
      %swap3A_1489 = arith.constant 11 : i32
      %swap3A_1490 = arith.index_cast %rem3A_126 : i32 to index
      %swap3A_1491 = arith.index_cast %swap3A_1489 : i32 to index
      %swap3A_1492 = arith.constant 176 : index
      %swap3A_1493 = tpu.vector_load %arg9[%swap3A_1490, %swap3A_1491, %swap3A_1492] {strides = array<i32>} : memref<2x16x256xf32, #tpu.memory_space<vmem>>, vector<16xf32>,
      tpu.vector_store %arg9[%swap3A_1490, %swap3A_1491, %swap3A_1492], %mul3A_1488 {strides = array<i32>} : memref<2x16x256xf32, #tpu.memory_space<vmem>>, vector<16xf32>,
      %gather3A_1494 = tpu.vector_load_idx %arg8[%broadcast_in_dim3A, %broadcast_in_dim3A_1409, %get3A_27] : memref<2x16x2048xf32, #tpu.memory_space<vmem>>[vector<16xi32>, vector<16xi32>, vector<16xi32>], vector<16xf32>,
      %mul3A_1495 = arith.mulf %gather3A_1494, %get3A_59 : vector<16xf32>
      %swap3A_1496 = arith.constant 11 : i32
      %swap3A_1497 = arith.index_cast %rem3A_126 : i32 to index
      %swap3A_1498 = arith.index_cast %swap3A_1496 : i32 to index
      %swap3A_1499 = arith.constant 192 : index
      %swap3A_1500 = tpu.vector_load %arg9[%swap3A_1497, %swap3A_1498, %swap3A_1499] {strides = array<i32>} : memref<2x16x256xf32, #tpu.memory_space<vmem>>, vector<16xf32>,
      tpu.vector_store %arg9[%swap3A_1497, %swap3A_1498, %swap3A_1499], %mul3A_1495 {strides = array<i32>} : memref<2x16x256xf32, #tpu.memory_space<vmem>>, vector<16xf32>,
      %gather3A_1501 = tpu.vector_load_idx %arg8[%broadcast_in_dim3A, %broadcast_in_dim3A_1409, %get3A_29] : memref<2x16x2048xf32, #tpu.memory_space<vmem>>[vector<16xi32>, vector<16xi32>, vector<16xi32>], vector<16xf32>,
      %mul3A_1502 = arith.mulf %gather3A_1501, %get3A_61 : vector<16xf32>
      %swap3A_1503 = arith.constant 11 : i32
      %swap3A_1504 = arith.index_cast %rem3A_126 : i32 to index
      %swap3A_1505 = arith.index_cast %swap3A_1503 : i32 to index
      %swap3A_1506 = arith.constant 208 : index
      %swap3A_1507 = tpu.vector_load %arg9[%swap3A_1504, %swap3A_1505, %swap3A_1506] {strides = array<i32>} : memref<2x16x256xf32, #tpu.memory_space<vmem>>, vector<16xf32>,
      tpu.vector_store %arg9[%swap3A_1504, %swap3A_1505, %swap3A_1506], %mul3A_1502 {strides = array<i32>} : memref<2x16x256xf32, #tpu.memory_space<vmem>>, vector<16xf32>,
      %gather3A_1508 = tpu.vector_load_idx %arg8[%broadcast_in_dim3A, %broadcast_in_dim3A_1409, %get3A_31] : memref<2x16x2048xf32, #tpu.memory_space<vmem>>[vector<16xi32>, vector<16xi32>, vector<16xi32>], vector<16xf32>,
      %mul3A_1509 = arith.mulf %gather3A_1508, %get3A_63 : vector<16xf32>
      %swap3A_1510 = arith.constant 11 : i32
      %swap3A_1511 = arith.index_cast %rem3A_126 : i32 to index
      %swap3A_1512 = arith.index_cast %swap3A_1510 : i32 to index
      %swap3A_1513 = arith.constant 224 : index
      %swap3A_1514 = tpu.vector_load %arg9[%swap3A_1511, %swap3A_1512, %swap3A_1513] {strides = array<i32>} : memref<2x16x256xf32, #tpu.memory_space<vmem>>, vector<16xf32>,
      tpu.vector_store %arg9[%swap3A_1511, %swap3A_1512, %swap3A_1513], %mul3A_1509 {strides = array<i32>} : memref<2x16x256xf32, #tpu.memory_space<vmem>>, vector<16xf32>,
      %gather3A_1515 = tpu.vector_load_idx %arg8[%broadcast_in_dim3A, %broadcast_in_dim3A_1409, %get3A_33] : memref<2x16x2048xf32, #tpu.memory_space<vmem>>[vector<16xi32>, vector<16xi32>, vector<16xi32>], vector<16xf32>,
      %mul3A_1516 = arith.mulf %gather3A_1515, %get3A_65 : vector<16xf32>
      %swap3A_1517 = arith.constant 11 : i32
      %swap3A_1518 = arith.index_cast %rem3A_126 : i32 to index
      %swap3A_1519 = arith.index_cast %swap3A_1517 : i32 to index
      %swap3A_1520 = arith.constant 240 : index
      %swap3A_1521 = tpu.vector_load %arg9[%swap3A_1518, %swap3A_1519, %swap3A_1520] {strides = array<i32>} : memref<2x16x256xf32, #tpu.memory_space<vmem>>, vector<16xf32>,
      tpu.vector_store %arg9[%swap3A_1518, %swap3A_1519, %swap3A_1520], %mul3A_1516 {strides = array<i32>} : memref<2x16x256xf32, #tpu.memory_space<vmem>>, vector<16xf32>,
      %broadcast_in_dim3A_1522 = arith.constant 12 : i32
      %broadcast_in_dim3A_1523 = vector.broadcast %broadcast_in_dim3A_1522 : i32 to vector<16xi32>
      %gather3A_1524 = tpu.vector_load_idx %arg8[%broadcast_in_dim3A, %broadcast_in_dim3A_1523, %get3A_3] : memref<2x16x2048xf32, #tpu.memory_space<vmem>>[vector<16xi32>, vector<16xi32>, vector<16xi32>], vector<16xf32>,
      %mul3A_1525 = arith.mulf %gather3A_1524, %get3A_35 : vector<16xf32>
      %swap3A_1526 = arith.constant 12 : i32
      %swap3A_1527 = arith.index_cast %rem3A_126 : i32 to index
      %swap3A_1528 = arith.index_cast %swap3A_1526 : i32 to index
      %swap3A_1529 = arith.constant 0 : index
      %swap3A_1530 = tpu.vector_load %arg9[%swap3A_1527, %swap3A_1528, %swap3A_1529] {strides = array<i32>} : memref<2x16x256xf32, #tpu.memory_space<vmem>>, vector<16xf32>,
      tpu.vector_store %arg9[%swap3A_1527, %swap3A_1528, %swap3A_1529], %mul3A_1525 {strides = array<i32>} : memref<2x16x256xf32, #tpu.memory_space<vmem>>, vector<16xf32>,
      %gather3A_1531 = tpu.vector_load_idx %arg8[%broadcast_in_dim3A, %broadcast_in_dim3A_1523, %get3A_5] : memref<2x16x2048xf32, #tpu.memory_space<vmem>>[vector<16xi32>, vector<16xi32>, vector<16xi32>], vector<16xf32>,
      %mul3A_1532 = arith.mulf %gather3A_1531, %get3A_37 : vector<16xf32>
      %swap3A_1533 = arith.constant 12 : i32
      %swap3A_1534 = arith.index_cast %rem3A_126 : i32 to index
      %swap3A_1535 = arith.index_cast %swap3A_1533 : i32 to index
      %swap3A_1536 = arith.constant 16 : index
      %swap3A_1537 = tpu.vector_load %arg9[%swap3A_1534, %swap3A_1535, %swap3A_1536] {strides = array<i32>} : memref<2x16x256xf32, #tpu.memory_space<vmem>>, vector<16xf32>,
      tpu.vector_store %arg9[%swap3A_1534, %swap3A_1535, %swap3A_1536], %mul3A_1532 {strides = array<i32>} : memref<2x16x256xf32, #tpu.memory_space<vmem>>, vector<16xf32>,
      %gather3A_1538 = tpu.vector_load_idx %arg8[%broadcast_in_dim3A, %broadcast_in_dim3A_1523, %get3A_7] : memref<2x16x2048xf32, #tpu.memory_space<vmem>>[vector<16xi32>, vector<16xi32>, vector<16xi32>], vector<16xf32>,
      %mul3A_1539 = arith.mulf %gather3A_1538, %get3A_39 : vector<16xf32>
      %swap3A_1540 = arith.constant 12 : i32
      %swap3A_1541 = arith.index_cast %rem3A_126 : i32 to index
      %swap3A_1542 = arith.index_cast %swap3A_1540 : i32 to index
      %swap3A_1543 = arith.constant 32 : index
      %swap3A_1544 = tpu.vector_load %arg9[%swap3A_1541, %swap3A_1542, %swap3A_1543] {strides = array<i32>} : memref<2x16x256xf32, #tpu.memory_space<vmem>>, vector<16xf32>,
      tpu.vector_store %arg9[%swap3A_1541, %swap3A_1542, %swap3A_1543], %mul3A_1539 {strides = array<i32>} : memref<2x16x256xf32, #tpu.memory_space<vmem>>, vector<16xf32>,
      %gather3A_1545 = tpu.vector_load_idx %arg8[%broadcast_in_dim3A, %broadcast_in_dim3A_1523, %get3A_9] : memref<2x16x2048xf32, #tpu.memory_space<vmem>>[vector<16xi32>, vector<16xi32>, vector<16xi32>], vector<16xf32>,
      %mul3A_1546 = arith.mulf %gather3A_1545, %get3A_41 : vector<16xf32>
      %swap3A_1547 = arith.constant 12 : i32
      %swap3A_1548 = arith.index_cast %rem3A_126 : i32 to index
      %swap3A_1549 = arith.index_cast %swap3A_1547 : i32 to index
      %swap3A_1550 = arith.constant 48 : index
      %swap3A_1551 = tpu.vector_load %arg9[%swap3A_1548, %swap3A_1549, %swap3A_1550] {strides = array<i32>} : memref<2x16x256xf32, #tpu.memory_space<vmem>>, vector<16xf32>,
      tpu.vector_store %arg9[%swap3A_1548, %swap3A_1549, %swap3A_1550], %mul3A_1546 {strides = array<i32>} : memref<2x16x256xf32, #tpu.memory_space<vmem>>, vector<16xf32>,
      %gather3A_1552 = tpu.vector_load_idx %arg8[%broadcast_in_dim3A, %broadcast_in_dim3A_1523, %get3A_11] : memref<2x16x2048xf32, #tpu.memory_space<vmem>>[vector<16xi32>, vector<16xi32>, vector<16xi32>], vector<16xf32>,
      %mul3A_1553 = arith.mulf %gather3A_1552, %get3A_43 : vector<16xf32>
      %swap3A_1554 = arith.constant 12 : i32
      %swap3A_1555 = arith.index_cast %rem3A_126 : i32 to index
      %swap3A_1556 = arith.index_cast %swap3A_1554 : i32 to index
      %swap3A_1557 = arith.constant 64 : index
      %swap3A_1558 = tpu.vector_load %arg9[%swap3A_1555, %swap3A_1556, %swap3A_1557] {strides = array<i32>} : memref<2x16x256xf32, #tpu.memory_space<vmem>>, vector<16xf32>,
      tpu.vector_store %arg9[%swap3A_1555, %swap3A_1556, %swap3A_1557], %mul3A_1553 {strides = array<i32>} : memref<2x16x256xf32, #tpu.memory_space<vmem>>, vector<16xf32>,
      %gather3A_1559 = tpu.vector_load_idx %arg8[%broadcast_in_dim3A, %broadcast_in_dim3A_1523, %get3A_13] : memref<2x16x2048xf32, #tpu.memory_space<vmem>>[vector<16xi32>, vector<16xi32>, vector<16xi32>], vector<16xf32>,
      %mul3A_1560 = arith.mulf %gather3A_1559, %get3A_45 : vector<16xf32>
      %swap3A_1561 = arith.constant 12 : i32
      %swap3A_1562 = arith.index_cast %rem3A_126 : i32 to index
      %swap3A_1563 = arith.index_cast %swap3A_1561 : i32 to index
      %swap3A_1564 = arith.constant 80 : index
      %swap3A_1565 = tpu.vector_load %arg9[%swap3A_1562, %swap3A_1563, %swap3A_1564] {strides = array<i32>} : memref<2x16x256xf32, #tpu.memory_space<vmem>>, vector<16xf32>,
      tpu.vector_store %arg9[%swap3A_1562, %swap3A_1563, %swap3A_1564], %mul3A_1560 {strides = array<i32>} : memref<2x16x256xf32, #tpu.memory_space<vmem>>, vector<16xf32>,
      %gather3A_1566 = tpu.vector_load_idx %arg8[%broadcast_in_dim3A, %broadcast_in_dim3A_1523, %get3A_15] : memref<2x16x2048xf32, #tpu.memory_space<vmem>>[vector<16xi32>, vector<16xi32>, vector<16xi32>], vector<16xf32>,
      %mul3A_1567 = arith.mulf %gather3A_1566, %get3A_47 : vector<16xf32>
      %swap3A_1568 = arith.constant 12 : i32
      %swap3A_1569 = arith.index_cast %rem3A_126 : i32 to index
      %swap3A_1570 = arith.index_cast %swap3A_1568 : i32 to index
      %swap3A_1571 = arith.constant 96 : index
      %swap3A_1572 = tpu.vector_load %arg9[%swap3A_1569, %swap3A_1570, %swap3A_1571] {strides = array<i32>} : memref<2x16x256xf32, #tpu.memory_space<vmem>>, vector<16xf32>,
      tpu.vector_store %arg9[%swap3A_1569, %swap3A_1570, %swap3A_1571], %mul3A_1567 {strides = array<i32>} : memref<2x16x256xf32, #tpu.memory_space<vmem>>, vector<16xf32>,
      %gather3A_1573 = tpu.vector_load_idx %arg8[%broadcast_in_dim3A, %broadcast_in_dim3A_1523, %get3A_17] : memref<2x16x2048xf32, #tpu.memory_space<vmem>>[vector<16xi32>, vector<16xi32>, vector<16xi32>], vector<16xf32>,
      %mul3A_1574 = arith.mulf %gather3A_1573, %get3A_49 : vector<16xf32>
      %swap3A_1575 = arith.constant 12 : i32
      %swap3A_1576 = arith.index_cast %rem3A_126 : i32 to index
      %swap3A_1577 = arith.index_cast %swap3A_1575 : i32 to index
      %swap3A_1578 = arith.constant 112 : index
      %swap3A_1579 = tpu.vector_load %arg9[%swap3A_1576, %swap3A_1577, %swap3A_1578] {strides = array<i32>} : memref<2x16x256xf32, #tpu.memory_space<vmem>>, vector<16xf32>,
      tpu.vector_store %arg9[%swap3A_1576, %swap3A_1577, %swap3A_1578], %mul3A_1574 {strides = array<i32>} : memref<2x16x256xf32, #tpu.memory_space<vmem>>, vector<16xf32>,
      %gather3A_1580 = tpu.vector_load_idx %arg8[%broadcast_in_dim3A, %broadcast_in_dim3A_1523, %get3A_19] : memref<2x16x2048xf32, #tpu.memory_space<vmem>>[vector<16xi32>, vector<16xi32>, vector<16xi32>], vector<16xf32>,
      %mul3A_1581 = arith.mulf %gather3A_1580, %get3A_51 : vector<16xf32>
      %swap3A_1582 = arith.constant 12 : i32
      %swap3A_1583 = arith.index_cast %rem3A_126 : i32 to index
      %swap3A_1584 = arith.index_cast %swap3A_1582 : i32 to index
      %swap3A_1585 = arith.constant 128 : index
      %swap3A_1586 = tpu.vector_load %arg9[%swap3A_1583, %swap3A_1584, %swap3A_1585] {strides = array<i32>} : memref<2x16x256xf32, #tpu.memory_space<vmem>>, vector<16xf32>,
      tpu.vector_store %arg9[%swap3A_1583, %swap3A_1584, %swap3A_1585], %mul3A_1581 {strides = array<i32>} : memref<2x16x256xf32, #tpu.memory_space<vmem>>, vector<16xf32>,
      %gather3A_1587 = tpu.vector_load_idx %arg8[%broadcast_in_dim3A, %broadcast_in_dim3A_1523, %get3A_21] : memref<2x16x2048xf32, #tpu.memory_space<vmem>>[vector<16xi32>, vector<16xi32>, vector<16xi32>], vector<16xf32>,
      %mul3A_1588 = arith.mulf %gather3A_1587, %get3A_53 : vector<16xf32>
      %swap3A_1589 = arith.constant 12 : i32
      %swap3A_1590 = arith.index_cast %rem3A_126 : i32 to index
      %swap3A_1591 = arith.index_cast %swap3A_1589 : i32 to index
      %swap3A_1592 = arith.constant 144 : index
      %swap3A_1593 = tpu.vector_load %arg9[%swap3A_1590, %swap3A_1591, %swap3A_1592] {strides = array<i32>} : memref<2x16x256xf32, #tpu.memory_space<vmem>>, vector<16xf32>,
      tpu.vector_store %arg9[%swap3A_1590, %swap3A_1591, %swap3A_1592], %mul3A_1588 {strides = array<i32>} : memref<2x16x256xf32, #tpu.memory_space<vmem>>, vector<16xf32>,
      %gather3A_1594 = tpu.vector_load_idx %arg8[%broadcast_in_dim3A, %broadcast_in_dim3A_1523, %get3A_23] : memref<2x16x2048xf32, #tpu.memory_space<vmem>>[vector<16xi32>, vector<16xi32>, vector<16xi32>], vector<16xf32>,
      %mul3A_1595 = arith.mulf %gather3A_1594, %get3A_55 : vector<16xf32>
      %swap3A_1596 = arith.constant 12 : i32
      %swap3A_1597 = arith.index_cast %rem3A_126 : i32 to index
      %swap3A_1598 = arith.index_cast %swap3A_1596 : i32 to index
      %swap3A_1599 = arith.constant 160 : index
      %swap3A_1600 = tpu.vector_load %arg9[%swap3A_1597, %swap3A_1598, %swap3A_1599] {strides = array<i32>} : memref<2x16x256xf32, #tpu.memory_space<vmem>>, vector<16xf32>,
      tpu.vector_store %arg9[%swap3A_1597, %swap3A_1598, %swap3A_1599], %mul3A_1595 {strides = array<i32>} : memref<2x16x256xf32, #tpu.memory_space<vmem>>, vector<16xf32>,
      %gather3A_1601 = tpu.vector_load_idx %arg8[%broadcast_in_dim3A, %broadcast_in_dim3A_1523, %get3A_25] : memref<2x16x2048xf32, #tpu.memory_space<vmem>>[vector<16xi32>, vector<16xi32>, vector<16xi32>], vector<16xf32>,
      %mul3A_1602 = arith.mulf %gather3A_1601, %get3A_57 : vector<16xf32>
      %swap3A_1603 = arith.constant 12 : i32
      %swap3A_1604 = arith.index_cast %rem3A_126 : i32 to index
      %swap3A_1605 = arith.index_cast %swap3A_1603 : i32 to index
      %swap3A_1606 = arith.constant 176 : index
      %swap3A_1607 = tpu.vector_load %arg9[%swap3A_1604, %swap3A_1605, %swap3A_1606] {strides = array<i32>} : memref<2x16x256xf32, #tpu.memory_space<vmem>>, vector<16xf32>,
      tpu.vector_store %arg9[%swap3A_1604, %swap3A_1605, %swap3A_1606], %mul3A_1602 {strides = array<i32>} : memref<2x16x256xf32, #tpu.memory_space<vmem>>, vector<16xf32>,
      %gather3A_1608 = tpu.vector_load_idx %arg8[%broadcast_in_dim3A, %broadcast_in_dim3A_1523, %get3A_27] : memref<2x16x2048xf32, #tpu.memory_space<vmem>>[vector<16xi32>, vector<16xi32>, vector<16xi32>], vector<16xf32>,
      %mul3A_1609 = arith.mulf %gather3A_1608, %get3A_59 : vector<16xf32>
      %swap3A_1610 = arith.constant 12 : i32
      %swap3A_1611 = arith.index_cast %rem3A_126 : i32 to index
      %swap3A_1612 = arith.index_cast %swap3A_1610 : i32 to index
      %swap3A_1613 = arith.constant 192 : index
      %swap3A_1614 = tpu.vector_load %arg9[%swap3A_1611, %swap3A_1612, %swap3A_1613] {strides = array<i32>} : memref<2x16x256xf32, #tpu.memory_space<vmem>>, vector<16xf32>,
      tpu.vector_store %arg9[%swap3A_1611, %swap3A_1612, %swap3A_1613], %mul3A_1609 {strides = array<i32>} : memref<2x16x256xf32, #tpu.memory_space<vmem>>, vector<16xf32>,
      %gather3A_1615 = tpu.vector_load_idx %arg8[%broadcast_in_dim3A, %broadcast_in_dim3A_1523, %get3A_29] : memref<2x16x2048xf32, #tpu.memory_space<vmem>>[vector<16xi32>, vector<16xi32>, vector<16xi32>], vector<16xf32>,
      %mul3A_1616 = arith.mulf %gather3A_1615, %get3A_61 : vector<16xf32>
      %swap3A_1617 = arith.constant 12 : i32
      %swap3A_1618 = arith.index_cast %rem3A_126 : i32 to index
      %swap3A_1619 = arith.index_cast %swap3A_1617 : i32 to index
      %swap3A_1620 = arith.constant 208 : index
      %swap3A_1621 = tpu.vector_load %arg9[%swap3A_1618, %swap3A_1619, %swap3A_1620] {strides = array<i32>} : memref<2x16x256xf32, #tpu.memory_space<vmem>>, vector<16xf32>,
      tpu.vector_store %arg9[%swap3A_1618, %swap3A_1619, %swap3A_1620], %mul3A_1616 {strides = array<i32>} : memref<2x16x256xf32, #tpu.memory_space<vmem>>, vector<16xf32>,
      %gather3A_1622 = tpu.vector_load_idx %arg8[%broadcast_in_dim3A, %broadcast_in_dim3A_1523, %get3A_31] : memref<2x16x2048xf32, #tpu.memory_space<vmem>>[vector<16xi32>, vector<16xi32>, vector<16xi32>], vector<16xf32>,
      %mul3A_1623 = arith.mulf %gather3A_1622, %get3A_63 : vector<16xf32>
      %swap3A_1624 = arith.constant 12 : i32
      %swap3A_1625 = arith.index_cast %rem3A_126 : i32 to index
      %swap3A_1626 = arith.index_cast %swap3A_1624 : i32 to index
      %swap3A_1627 = arith.constant 224 : index
      %swap3A_1628 = tpu.vector_load %arg9[%swap3A_1625, %swap3A_1626, %swap3A_1627] {strides = array<i32>} : memref<2x16x256xf32, #tpu.memory_space<vmem>>, vector<16xf32>,
      tpu.vector_store %arg9[%swap3A_1625, %swap3A_1626, %swap3A_1627], %mul3A_1623 {strides = array<i32>} : memref<2x16x256xf32, #tpu.memory_space<vmem>>, vector<16xf32>,
      %gather3A_1629 = tpu.vector_load_idx %arg8[%broadcast_in_dim3A, %broadcast_in_dim3A_1523, %get3A_33] : memref<2x16x2048xf32, #tpu.memory_space<vmem>>[vector<16xi32>, vector<16xi32>, vector<16xi32>], vector<16xf32>,
      %mul3A_1630 = arith.mulf %gather3A_1629, %get3A_65 : vector<16xf32>
      %swap3A_1631 = arith.constant 12 : i32
      %swap3A_1632 = arith.index_cast %rem3A_126 : i32 to index
      %swap3A_1633 = arith.index_cast %swap3A_1631 : i32 to index
      %swap3A_1634 = arith.constant 240 : index
      %swap3A_1635 = tpu.vector_load %arg9[%swap3A_1632, %swap3A_1633, %swap3A_1634] {strides = array<i32>} : memref<2x16x256xf32, #tpu.memory_space<vmem>>, vector<16xf32>,
      tpu.vector_store %arg9[%swap3A_1632, %swap3A_1633, %swap3A_1634], %mul3A_1630 {strides = array<i32>} : memref<2x16x256xf32, #tpu.memory_space<vmem>>, vector<16xf32>,
      %broadcast_in_dim3A_1636 = arith.constant 13 : i32
      %broadcast_in_dim3A_1637 = vector.broadcast %broadcast_in_dim3A_1636 : i32 to vector<16xi32>
      %gather3A_1638 = tpu.vector_load_idx %arg8[%broadcast_in_dim3A, %broadcast_in_dim3A_1637, %get3A_3] : memref<2x16x2048xf32, #tpu.memory_space<vmem>>[vector<16xi32>, vector<16xi32>, vector<16xi32>], vector<16xf32>,
      %mul3A_1639 = arith.mulf %gather3A_1638, %get3A_35 : vector<16xf32>
      %swap3A_1640 = arith.constant 13 : i32
      %swap3A_1641 = arith.index_cast %rem3A_126 : i32 to index
      %swap3A_1642 = arith.index_cast %swap3A_1640 : i32 to index
      %swap3A_1643 = arith.constant 0 : index
      %swap3A_1644 = tpu.vector_load %arg9[%swap3A_1641, %swap3A_1642, %swap3A_1643] {strides = array<i32>} : memref<2x16x256xf32, #tpu.memory_space<vmem>>, vector<16xf32>,
      tpu.vector_store %arg9[%swap3A_1641, %swap3A_1642, %swap3A_1643], %mul3A_1639 {strides = array<i32>} : memref<2x16x256xf32, #tpu.memory_space<vmem>>, vector<16xf32>,
      %gather3A_1645 = tpu.vector_load_idx %arg8[%broadcast_in_dim3A, %broadcast_in_dim3A_1637, %get3A_5] : memref<2x16x2048xf32, #tpu.memory_space<vmem>>[vector<16xi32>, vector<16xi32>, vector<16xi32>], vector<16xf32>,
      %mul3A_1646 = arith.mulf %gather3A_1645, %get3A_37 : vector<16xf32>
      %swap3A_1647 = arith.constant 13 : i32
      %swap3A_1648 = arith.index_cast %rem3A_126 : i32 to index
      %swap3A_1649 = arith.index_cast %swap3A_1647 : i32 to index
      %swap3A_1650 = arith.constant 16 : index
      %swap3A_1651 = tpu.vector_load %arg9[%swap3A_1648, %swap3A_1649, %swap3A_1650] {strides = array<i32>} : memref<2x16x256xf32, #tpu.memory_space<vmem>>, vector<16xf32>,
      tpu.vector_store %arg9[%swap3A_1648, %swap3A_1649, %swap3A_1650], %mul3A_1646 {strides = array<i32>} : memref<2x16x256xf32, #tpu.memory_space<vmem>>, vector<16xf32>,
      %gather3A_1652 = tpu.vector_load_idx %arg8[%broadcast_in_dim3A, %broadcast_in_dim3A_1637, %get3A_7] : memref<2x16x2048xf32, #tpu.memory_space<vmem>>[vector<16xi32>, vector<16xi32>, vector<16xi32>], vector<16xf32>,
      %mul3A_1653 = arith.mulf %gather3A_1652, %get3A_39 : vector<16xf32>
      %swap3A_1654 = arith.constant 13 : i32
      %swap3A_1655 = arith.index_cast %rem3A_126 : i32 to index
      %swap3A_1656 = arith.index_cast %swap3A_1654 : i32 to index
      %swap3A_1657 = arith.constant 32 : index
      %swap3A_1658 = tpu.vector_load %arg9[%swap3A_1655, %swap3A_1656, %swap3A_1657] {strides = array<i32>} : memref<2x16x256xf32, #tpu.memory_space<vmem>>, vector<16xf32>,
      tpu.vector_store %arg9[%swap3A_1655, %swap3A_1656, %swap3A_1657], %mul3A_1653 {strides = array<i32>} : memref<2x16x256xf32, #tpu.memory_space<vmem>>, vector<16xf32>,
      %gather3A_1659 = tpu.vector_load_idx %arg8[%broadcast_in_dim3A, %broadcast_in_dim3A_1637, %get3A_9] : memref<2x16x2048xf32, #tpu.memory_space<vmem>>[vector<16xi32>, vector<16xi32>, vector<16xi32>], vector<16xf32>,
      %mul3A_1660 = arith.mulf %gather3A_1659, %get3A_41 : vector<16xf32>
      %swap3A_1661 = arith.constant 13 : i32
      %swap3A_1662 = arith.index_cast %rem3A_126 : i32 to index
      %swap3A_1663 = arith.index_cast %swap3A_1661 : i32 to index
      %swap3A_1664 = arith.constant 48 : index
      %swap3A_1665 = tpu.vector_load %arg9[%swap3A_1662, %swap3A_1663, %swap3A_1664] {strides = array<i32>} : memref<2x16x256xf32, #tpu.memory_space<vmem>>, vector<16xf32>,
      tpu.vector_store %arg9[%swap3A_1662, %swap3A_1663, %swap3A_1664], %mul3A_1660 {strides = array<i32>} : memref<2x16x256xf32, #tpu.memory_space<vmem>>, vector<16xf32>,
      %gather3A_1666 = tpu.vector_load_idx %arg8[%broadcast_in_dim3A, %broadcast_in_dim3A_1637, %get3A_11] : memref<2x16x2048xf32, #tpu.memory_space<vmem>>[vector<16xi32>, vector<16xi32>, vector<16xi32>], vector<16xf32>,
      %mul3A_1667 = arith.mulf %gather3A_1666, %get3A_43 : vector<16xf32>
      %swap3A_1668 = arith.constant 13 : i32
      %swap3A_1669 = arith.index_cast %rem3A_126 : i32 to index
      %swap3A_1670 = arith.index_cast %swap3A_1668 : i32 to index
      %swap3A_1671 = arith.constant 64 : index
      %swap3A_1672 = tpu.vector_load %arg9[%swap3A_1669, %swap3A_1670, %swap3A_1671] {strides = array<i32>} : memref<2x16x256xf32, #tpu.memory_space<vmem>>, vector<16xf32>,
      tpu.vector_store %arg9[%swap3A_1669, %swap3A_1670, %swap3A_1671], %mul3A_1667 {strides = array<i32>} : memref<2x16x256xf32, #tpu.memory_space<vmem>>, vector<16xf32>,
      %gather3A_1673 = tpu.vector_load_idx %arg8[%broadcast_in_dim3A, %broadcast_in_dim3A_1637, %get3A_13] : memref<2x16x2048xf32, #tpu.memory_space<vmem>>[vector<16xi32>, vector<16xi32>, vector<16xi32>], vector<16xf32>,
      %mul3A_1674 = arith.mulf %gather3A_1673, %get3A_45 : vector<16xf32>
      %swap3A_1675 = arith.constant 13 : i32
      %swap3A_1676 = arith.index_cast %rem3A_126 : i32 to index
      %swap3A_1677 = arith.index_cast %swap3A_1675 : i32 to index
      %swap3A_1678 = arith.constant 80 : index
      %swap3A_1679 = tpu.vector_load %arg9[%swap3A_1676, %swap3A_1677, %swap3A_1678] {strides = array<i32>} : memref<2x16x256xf32, #tpu.memory_space<vmem>>, vector<16xf32>,
      tpu.vector_store %arg9[%swap3A_1676, %swap3A_1677, %swap3A_1678], %mul3A_1674 {strides = array<i32>} : memref<2x16x256xf32, #tpu.memory_space<vmem>>, vector<16xf32>,
      %gather3A_1680 = tpu.vector_load_idx %arg8[%broadcast_in_dim3A, %broadcast_in_dim3A_1637, %get3A_15] : memref<2x16x2048xf32, #tpu.memory_space<vmem>>[vector<16xi32>, vector<16xi32>, vector<16xi32>], vector<16xf32>,
      %mul3A_1681 = arith.mulf %gather3A_1680, %get3A_47 : vector<16xf32>
      %swap3A_1682 = arith.constant 13 : i32
      %swap3A_1683 = arith.index_cast %rem3A_126 : i32 to index
      %swap3A_1684 = arith.index_cast %swap3A_1682 : i32 to index
      %swap3A_1685 = arith.constant 96 : index
      %swap3A_1686 = tpu.vector_load %arg9[%swap3A_1683, %swap3A_1684, %swap3A_1685] {strides = array<i32>} : memref<2x16x256xf32, #tpu.memory_space<vmem>>, vector<16xf32>,
      tpu.vector_store %arg9[%swap3A_1683, %swap3A_1684, %swap3A_1685], %mul3A_1681 {strides = array<i32>} : memref<2x16x256xf32, #tpu.memory_space<vmem>>, vector<16xf32>,
      %gather3A_1687 = tpu.vector_load_idx %arg8[%broadcast_in_dim3A, %broadcast_in_dim3A_1637, %get3A_17] : memref<2x16x2048xf32, #tpu.memory_space<vmem>>[vector<16xi32>, vector<16xi32>, vector<16xi32>], vector<16xf32>,
      %mul3A_1688 = arith.mulf %gather3A_1687, %get3A_49 : vector<16xf32>
      %swap3A_1689 = arith.constant 13 : i32
      %swap3A_1690 = arith.index_cast %rem3A_126 : i32 to index
      %swap3A_1691 = arith.index_cast %swap3A_1689 : i32 to index
      %swap3A_1692 = arith.constant 112 : index
      %swap3A_1693 = tpu.vector_load %arg9[%swap3A_1690, %swap3A_1691, %swap3A_1692] {strides = array<i32>} : memref<2x16x256xf32, #tpu.memory_space<vmem>>, vector<16xf32>,
      tpu.vector_store %arg9[%swap3A_1690, %swap3A_1691, %swap3A_1692], %mul3A_1688 {strides = array<i32>} : memref<2x16x256xf32, #tpu.memory_space<vmem>>, vector<16xf32>,
      %gather3A_1694 = tpu.vector_load_idx %arg8[%broadcast_in_dim3A, %broadcast_in_dim3A_1637, %get3A_19] : memref<2x16x2048xf32, #tpu.memory_space<vmem>>[vector<16xi32>, vector<16xi32>, vector<16xi32>], vector<16xf32>,
      %mul3A_1695 = arith.mulf %gather3A_1694, %get3A_51 : vector<16xf32>
      %swap3A_1696 = arith.constant 13 : i32
      %swap3A_1697 = arith.index_cast %rem3A_126 : i32 to index
      %swap3A_1698 = arith.index_cast %swap3A_1696 : i32 to index
      %swap3A_1699 = arith.constant 128 : index
      %swap3A_1700 = tpu.vector_load %arg9[%swap3A_1697, %swap3A_1698, %swap3A_1699] {strides = array<i32>} : memref<2x16x256xf32, #tpu.memory_space<vmem>>, vector<16xf32>,
      tpu.vector_store %arg9[%swap3A_1697, %swap3A_1698, %swap3A_1699], %mul3A_1695 {strides = array<i32>} : memref<2x16x256xf32, #tpu.memory_space<vmem>>, vector<16xf32>,
      %gather3A_1701 = tpu.vector_load_idx %arg8[%broadcast_in_dim3A, %broadcast_in_dim3A_1637, %get3A_21] : memref<2x16x2048xf32, #tpu.memory_space<vmem>>[vector<16xi32>, vector<16xi32>, vector<16xi32>], vector<16xf32>,
      %mul3A_1702 = arith.mulf %gather3A_1701, %get3A_53 : vector<16xf32>
      %swap3A_1703 = arith.constant 13 : i32
      %swap3A_1704 = arith.index_cast %rem3A_126 : i32 to index
      %swap3A_1705 = arith.index_cast %swap3A_1703 : i32 to index
      %swap3A_1706 = arith.constant 144 : index
      %swap3A_1707 = tpu.vector_load %arg9[%swap3A_1704, %swap3A_1705, %swap3A_1706] {strides = array<i32>} : memref<2x16x256xf32, #tpu.memory_space<vmem>>, vector<16xf32>,
      tpu.vector_store %arg9[%swap3A_1704, %swap3A_1705, %swap3A_1706], %mul3A_1702 {strides = array<i32>} : memref<2x16x256xf32, #tpu.memory_space<vmem>>, vector<16xf32>,
      %gather3A_1708 = tpu.vector_load_idx %arg8[%broadcast_in_dim3A, %broadcast_in_dim3A_1637, %get3A_23] : memref<2x16x2048xf32, #tpu.memory_space<vmem>>[vector<16xi32>, vector<16xi32>, vector<16xi32>], vector<16xf32>,
      %mul3A_1709 = arith.mulf %gather3A_1708, %get3A_55 : vector<16xf32>
      %swap3A_1710 = arith.constant 13 : i32
      %swap3A_1711 = arith.index_cast %rem3A_126 : i32 to index
      %swap3A_1712 = arith.index_cast %swap3A_1710 : i32 to index
      %swap3A_1713 = arith.constant 160 : index
      %swap3A_1714 = tpu.vector_load %arg9[%swap3A_1711, %swap3A_1712, %swap3A_1713] {strides = array<i32>} : memref<2x16x256xf32, #tpu.memory_space<vmem>>, vector<16xf32>,
      tpu.vector_store %arg9[%swap3A_1711, %swap3A_1712, %swap3A_1713], %mul3A_1709 {strides = array<i32>} : memref<2x16x256xf32, #tpu.memory_space<vmem>>, vector<16xf32>,
      %gather3A_1715 = tpu.vector_load_idx %arg8[%broadcast_in_dim3A, %broadcast_in_dim3A_1637, %get3A_25] : memref<2x16x2048xf32, #tpu.memory_space<vmem>>[vector<16xi32>, vector<16xi32>, vector<16xi32>], vector<16xf32>,
      %mul3A_1716 = arith.mulf %gather3A_1715, %get3A_57 : vector<16xf32>
      %swap3A_1717 = arith.constant 13 : i32
      %swap3A_1718 = arith.index_cast %rem3A_126 : i32 to index
      %swap3A_1719 = arith.index_cast %swap3A_1717 : i32 to index
      %swap3A_1720 = arith.constant 176 : index
      %swap3A_1721 = tpu.vector_load %arg9[%swap3A_1718, %swap3A_1719, %swap3A_1720] {strides = array<i32>} : memref<2x16x256xf32, #tpu.memory_space<vmem>>, vector<16xf32>,
      tpu.vector_store %arg9[%swap3A_1718, %swap3A_1719, %swap3A_1720], %mul3A_1716 {strides = array<i32>} : memref<2x16x256xf32, #tpu.memory_space<vmem>>, vector<16xf32>,
      %gather3A_1722 = tpu.vector_load_idx %arg8[%broadcast_in_dim3A, %broadcast_in_dim3A_1637, %get3A_27] : memref<2x16x2048xf32, #tpu.memory_space<vmem>>[vector<16xi32>, vector<16xi32>, vector<16xi32>], vector<16xf32>,
      %mul3A_1723 = arith.mulf %gather3A_1722, %get3A_59 : vector<16xf32>
      %swap3A_1724 = arith.constant 13 : i32
      %swap3A_1725 = arith.index_cast %rem3A_126 : i32 to index
      %swap3A_1726 = arith.index_cast %swap3A_1724 : i32 to index
      %swap3A_1727 = arith.constant 192 : index
      %swap3A_1728 = tpu.vector_load %arg9[%swap3A_1725, %swap3A_1726, %swap3A_1727] {strides = array<i32>} : memref<2x16x256xf32, #tpu.memory_space<vmem>>, vector<16xf32>,
      tpu.vector_store %arg9[%swap3A_1725, %swap3A_1726, %swap3A_1727], %mul3A_1723 {strides = array<i32>} : memref<2x16x256xf32, #tpu.memory_space<vmem>>, vector<16xf32>,
      %gather3A_1729 = tpu.vector_load_idx %arg8[%broadcast_in_dim3A, %broadcast_in_dim3A_1637, %get3A_29] : memref<2x16x2048xf32, #tpu.memory_space<vmem>>[vector<16xi32>, vector<16xi32>, vector<16xi32>], vector<16xf32>,
      %mul3A_1730 = arith.mulf %gather3A_1729, %get3A_61 : vector<16xf32>
      %swap3A_1731 = arith.constant 13 : i32
      %swap3A_1732 = arith.index_cast %rem3A_126 : i32 to index
      %swap3A_1733 = arith.index_cast %swap3A_1731 : i32 to index
      %swap3A_1734 = arith.constant 208 : index
      %swap3A_1735 = tpu.vector_load %arg9[%swap3A_1732, %swap3A_1733, %swap3A_1734] {strides = array<i32>} : memref<2x16x256xf32, #tpu.memory_space<vmem>>, vector<16xf32>,
      tpu.vector_store %arg9[%swap3A_1732, %swap3A_1733, %swap3A_1734], %mul3A_1730 {strides = array<i32>} : memref<2x16x256xf32, #tpu.memory_space<vmem>>, vector<16xf32>,
      %gather3A_1736 = tpu.vector_load_idx %arg8[%broadcast_in_dim3A, %broadcast_in_dim3A_1637, %get3A_31] : memref<2x16x2048xf32, #tpu.memory_space<vmem>>[vector<16xi32>, vector<16xi32>, vector<16xi32>], vector<16xf32>,
      %mul3A_1737 = arith.mulf %gather3A_1736, %get3A_63 : vector<16xf32>
      %swap3A_1738 = arith.constant 13 : i32
      %swap3A_1739 = arith.index_cast %rem3A_126 : i32 to index
      %swap3A_1740 = arith.index_cast %swap3A_1738 : i32 to index
      %swap3A_1741 = arith.constant 224 : index
      %swap3A_1742 = tpu.vector_load %arg9[%swap3A_1739, %swap3A_1740, %swap3A_1741] {strides = array<i32>} : memref<2x16x256xf32, #tpu.memory_space<vmem>>, vector<16xf32>,
      tpu.vector_store %arg9[%swap3A_1739, %swap3A_1740, %swap3A_1741], %mul3A_1737 {strides = array<i32>} : memref<2x16x256xf32, #tpu.memory_space<vmem>>, vector<16xf32>,
      %gather3A_1743 = tpu.vector_load_idx %arg8[%broadcast_in_dim3A, %broadcast_in_dim3A_1637, %get3A_33] : memref<2x16x2048xf32, #tpu.memory_space<vmem>>[vector<16xi32>, vector<16xi32>, vector<16xi32>], vector<16xf32>,
      %mul3A_1744 = arith.mulf %gather3A_1743, %get3A_65 : vector<16xf32>
      %swap3A_1745 = arith.constant 13 : i32
      %swap3A_1746 = arith.index_cast %rem3A_126 : i32 to index
      %swap3A_1747 = arith.index_cast %swap3A_1745 : i32 to index
      %swap3A_1748 = arith.constant 240 : index
      %swap3A_1749 = tpu.vector_load %arg9[%swap3A_1746, %swap3A_1747, %swap3A_1748] {strides = array<i32>} : memref<2x16x256xf32, #tpu.memory_space<vmem>>, vector<16xf32>,
      tpu.vector_store %arg9[%swap3A_1746, %swap3A_1747, %swap3A_1748], %mul3A_1744 {strides = array<i32>} : memref<2x16x256xf32, #tpu.memory_space<vmem>>, vector<16xf32>,
      %broadcast_in_dim3A_1750 = arith.constant 14 : i32
      %broadcast_in_dim3A_1751 = vector.broadcast %broadcast_in_dim3A_1750 : i32 to vector<16xi32>
      %gather3A_1752 = tpu.vector_load_idx %arg8[%broadcast_in_dim3A, %broadcast_in_dim3A_1751, %get3A_3] : memref<2x16x2048xf32, #tpu.memory_space<vmem>>[vector<16xi32>, vector<16xi32>, vector<16xi32>], vector<16xf32>,
      %mul3A_1753 = arith.mulf %gather3A_1752, %get3A_35 : vector<16xf32>
      %swap3A_1754 = arith.constant 14 : i32
      %swap3A_1755 = arith.index_cast %rem3A_126 : i32 to index
      %swap3A_1756 = arith.index_cast %swap3A_1754 : i32 to index
      %swap3A_1757 = arith.constant 0 : index
      %swap3A_1758 = tpu.vector_load %arg9[%swap3A_1755, %swap3A_1756, %swap3A_1757] {strides = array<i32>} : memref<2x16x256xf32, #tpu.memory_space<vmem>>, vector<16xf32>,
      tpu.vector_store %arg9[%swap3A_1755, %swap3A_1756, %swap3A_1757], %mul3A_1753 {strides = array<i32>} : memref<2x16x256xf32, #tpu.memory_space<vmem>>, vector<16xf32>,
      %gather3A_1759 = tpu.vector_load_idx %arg8[%broadcast_in_dim3A, %broadcast_in_dim3A_1751, %get3A_5] : memref<2x16x2048xf32, #tpu.memory_space<vmem>>[vector<16xi32>, vector<16xi32>, vector<16xi32>], vector<16xf32>,
      %mul3A_1760 = arith.mulf %gather3A_1759, %get3A_37 : vector<16xf32>
      %swap3A_1761 = arith.constant 14 : i32
      %swap3A_1762 = arith.index_cast %rem3A_126 : i32 to index
      %swap3A_1763 = arith.index_cast %swap3A_1761 : i32 to index
      %swap3A_1764 = arith.constant 16 : index
      %swap3A_1765 = tpu.vector_load %arg9[%swap3A_1762, %swap3A_1763, %swap3A_1764] {strides = array<i32>} : memref<2x16x256xf32, #tpu.memory_space<vmem>>, vector<16xf32>,
      tpu.vector_store %arg9[%swap3A_1762, %swap3A_1763, %swap3A_1764], %mul3A_1760 {strides = array<i32>} : memref<2x16x256xf32, #tpu.memory_space<vmem>>, vector<16xf32>,
      %gather3A_1766 = tpu.vector_load_idx %arg8[%broadcast_in_dim3A, %broadcast_in_dim3A_1751, %get3A_7] : memref<2x16x2048xf32, #tpu.memory_space<vmem>>[vector<16xi32>, vector<16xi32>, vector<16xi32>], vector<16xf32>,
      %mul3A_1767 = arith.mulf %gather3A_1766, %get3A_39 : vector<16xf32>
      %swap3A_1768 = arith.constant 14 : i32
      %swap3A_1769 = arith.index_cast %rem3A_126 : i32 to index
      %swap3A_1770 = arith.index_cast %swap3A_1768 : i32 to index
      %swap3A_1771 = arith.constant 32 : index
      %swap3A_1772 = tpu.vector_load %arg9[%swap3A_1769, %swap3A_1770, %swap3A_1771] {strides = array<i32>} : memref<2x16x256xf32, #tpu.memory_space<vmem>>, vector<16xf32>,
      tpu.vector_store %arg9[%swap3A_1769, %swap3A_1770, %swap3A_1771], %mul3A_1767 {strides = array<i32>} : memref<2x16x256xf32, #tpu.memory_space<vmem>>, vector<16xf32>,
      %gather3A_1773 = tpu.vector_load_idx %arg8[%broadcast_in_dim3A, %broadcast_in_dim3A_1751, %get3A_9] : memref<2x16x2048xf32, #tpu.memory_space<vmem>>[vector<16xi32>, vector<16xi32>, vector<16xi32>], vector<16xf32>,
      %mul3A_1774 = arith.mulf %gather3A_1773, %get3A_41 : vector<16xf32>
      %swap3A_1775 = arith.constant 14 : i32
      %swap3A_1776 = arith.index_cast %rem3A_126 : i32 to index
      %swap3A_1777 = arith.index_cast %swap3A_1775 : i32 to index
      %swap3A_1778 = arith.constant 48 : index
      %swap3A_1779 = tpu.vector_load %arg9[%swap3A_1776, %swap3A_1777, %swap3A_1778] {strides = array<i32>} : memref<2x16x256xf32, #tpu.memory_space<vmem>>, vector<16xf32>,
      tpu.vector_store %arg9[%swap3A_1776, %swap3A_1777, %swap3A_1778], %mul3A_1774 {strides = array<i32>} : memref<2x16x256xf32, #tpu.memory_space<vmem>>, vector<16xf32>,
      %gather3A_1780 = tpu.vector_load_idx %arg8[%broadcast_in_dim3A, %broadcast_in_dim3A_1751, %get3A_11] : memref<2x16x2048xf32, #tpu.memory_space<vmem>>[vector<16xi32>, vector<16xi32>, vector<16xi32>], vector<16xf32>,
      %mul3A_1781 = arith.mulf %gather3A_1780, %get3A_43 : vector<16xf32>
      %swap3A_1782 = arith.constant 14 : i32
      %swap3A_1783 = arith.index_cast %rem3A_126 : i32 to index
      %swap3A_1784 = arith.index_cast %swap3A_1782 : i32 to index
      %swap3A_1785 = arith.constant 64 : index
      %swap3A_1786 = tpu.vector_load %arg9[%swap3A_1783, %swap3A_1784, %swap3A_1785] {strides = array<i32>} : memref<2x16x256xf32, #tpu.memory_space<vmem>>, vector<16xf32>,
      tpu.vector_store %arg9[%swap3A_1783, %swap3A_1784, %swap3A_1785], %mul3A_1781 {strides = array<i32>} : memref<2x16x256xf32, #tpu.memory_space<vmem>>, vector<16xf32>,
      %gather3A_1787 = tpu.vector_load_idx %arg8[%broadcast_in_dim3A, %broadcast_in_dim3A_1751, %get3A_13] : memref<2x16x2048xf32, #tpu.memory_space<vmem>>[vector<16xi32>, vector<16xi32>, vector<16xi32>], vector<16xf32>,
      %mul3A_1788 = arith.mulf %gather3A_1787, %get3A_45 : vector<16xf32>
      %swap3A_1789 = arith.constant 14 : i32
      %swap3A_1790 = arith.index_cast %rem3A_126 : i32 to index
      %swap3A_1791 = arith.index_cast %swap3A_1789 : i32 to index
      %swap3A_1792 = arith.constant 80 : index
      %swap3A_1793 = tpu.vector_load %arg9[%swap3A_1790, %swap3A_1791, %swap3A_1792] {strides = array<i32>} : memref<2x16x256xf32, #tpu.memory_space<vmem>>, vector<16xf32>,
      tpu.vector_store %arg9[%swap3A_1790, %swap3A_1791, %swap3A_1792], %mul3A_1788 {strides = array<i32>} : memref<2x16x256xf32, #tpu.memory_space<vmem>>, vector<16xf32>,
      %gather3A_1794 = tpu.vector_load_idx %arg8[%broadcast_in_dim3A, %broadcast_in_dim3A_1751, %get3A_15] : memref<2x16x2048xf32, #tpu.memory_space<vmem>>[vector<16xi32>, vector<16xi32>, vector<16xi32>], vector<16xf32>,
      %mul3A_1795 = arith.mulf %gather3A_1794, %get3A_47 : vector<16xf32>
      %swap3A_1796 = arith.constant 14 : i32
      %swap3A_1797 = arith.index_cast %rem3A_126 : i32 to index
      %swap3A_1798 = arith.index_cast %swap3A_1796 : i32 to index
      %swap3A_1799 = arith.constant 96 : index
      %swap3A_1800 = tpu.vector_load %arg9[%swap3A_1797, %swap3A_1798, %swap3A_1799] {strides = array<i32>} : memref<2x16x256xf32, #tpu.memory_space<vmem>>, vector<16xf32>,
      tpu.vector_store %arg9[%swap3A_1797, %swap3A_1798, %swap3A_1799], %mul3A_1795 {strides = array<i32>} : memref<2x16x256xf32, #tpu.memory_space<vmem>>, vector<16xf32>,
      %gather3A_1801 = tpu.vector_load_idx %arg8[%broadcast_in_dim3A, %broadcast_in_dim3A_1751, %get3A_17] : memref<2x16x2048xf32, #tpu.memory_space<vmem>>[vector<16xi32>, vector<16xi32>, vector<16xi32>], vector<16xf32>,
      %mul3A_1802 = arith.mulf %gather3A_1801, %get3A_49 : vector<16xf32>
      %swap3A_1803 = arith.constant 14 : i32
      %swap3A_1804 = arith.index_cast %rem3A_126 : i32 to index
      %swap3A_1805 = arith.index_cast %swap3A_1803 : i32 to index
      %swap3A_1806 = arith.constant 112 : index
      %swap3A_1807 = tpu.vector_load %arg9[%swap3A_1804, %swap3A_1805, %swap3A_1806] {strides = array<i32>} : memref<2x16x256xf32, #tpu.memory_space<vmem>>, vector<16xf32>,
      tpu.vector_store %arg9[%swap3A_1804, %swap3A_1805, %swap3A_1806], %mul3A_1802 {strides = array<i32>} : memref<2x16x256xf32, #tpu.memory_space<vmem>>, vector<16xf32>,
      %gather3A_1808 = tpu.vector_load_idx %arg8[%broadcast_in_dim3A, %broadcast_in_dim3A_1751, %get3A_19] : memref<2x16x2048xf32, #tpu.memory_space<vmem>>[vector<16xi32>, vector<16xi32>, vector<16xi32>], vector<16xf32>,
      %mul3A_1809 = arith.mulf %gather3A_1808, %get3A_51 : vector<16xf32>
      %swap3A_1810 = arith.constant 14 : i32
      %swap3A_1811 = arith.index_cast %rem3A_126 : i32 to index
      %swap3A_1812 = arith.index_cast %swap3A_1810 : i32 to index
      %swap3A_1813 = arith.constant 128 : index
      %swap3A_1814 = tpu.vector_load %arg9[%swap3A_1811, %swap3A_1812, %swap3A_1813] {strides = array<i32>} : memref<2x16x256xf32, #tpu.memory_space<vmem>>, vector<16xf32>,
      tpu.vector_store %arg9[%swap3A_1811, %swap3A_1812, %swap3A_1813], %mul3A_1809 {strides = array<i32>} : memref<2x16x256xf32, #tpu.memory_space<vmem>>, vector<16xf32>,
      %gather3A_1815 = tpu.vector_load_idx %arg8[%broadcast_in_dim3A, %broadcast_in_dim3A_1751, %get3A_21] : memref<2x16x2048xf32, #tpu.memory_space<vmem>>[vector<16xi32>, vector<16xi32>, vector<16xi32>], vector<16xf32>,
      %mul3A_1816 = arith.mulf %gather3A_1815, %get3A_53 : vector<16xf32>
      %swap3A_1817 = arith.constant 14 : i32
      %swap3A_1818 = arith.index_cast %rem3A_126 : i32 to index
      %swap3A_1819 = arith.index_cast %swap3A_1817 : i32 to index
      %swap3A_1820 = arith.constant 144 : index
      %swap3A_1821 = tpu.vector_load %arg9[%swap3A_1818, %swap3A_1819, %swap3A_1820] {strides = array<i32>} : memref<2x16x256xf32, #tpu.memory_space<vmem>>, vector<16xf32>,
      tpu.vector_store %arg9[%swap3A_1818, %swap3A_1819, %swap3A_1820], %mul3A_1816 {strides = array<i32>} : memref<2x16x256xf32, #tpu.memory_space<vmem>>, vector<16xf32>,
      %gather3A_1822 = tpu.vector_load_idx %arg8[%broadcast_in_dim3A, %broadcast_in_dim3A_1751, %get3A_23] : memref<2x16x2048xf32, #tpu.memory_space<vmem>>[vector<16xi32>, vector<16xi32>, vector<16xi32>], vector<16xf32>,
      %mul3A_1823 = arith.mulf %gather3A_1822, %get3A_55 : vector<16xf32>
      %swap3A_1824 = arith.constant 14 : i32
      %swap3A_1825 = arith.index_cast %rem3A_126 : i32 to index
      %swap3A_1826 = arith.index_cast %swap3A_1824 : i32 to index
      %swap3A_1827 = arith.constant 160 : index
      %swap3A_1828 = tpu.vector_load %arg9[%swap3A_1825, %swap3A_1826, %swap3A_1827] {strides = array<i32>} : memref<2x16x256xf32, #tpu.memory_space<vmem>>, vector<16xf32>,
      tpu.vector_store %arg9[%swap3A_1825, %swap3A_1826, %swap3A_1827], %mul3A_1823 {strides = array<i32>} : memref<2x16x256xf32, #tpu.memory_space<vmem>>, vector<16xf32>,
      %gather3A_1829 = tpu.vector_load_idx %arg8[%broadcast_in_dim3A, %broadcast_in_dim3A_1751, %get3A_25] : memref<2x16x2048xf32, #tpu.memory_space<vmem>>[vector<16xi32>, vector<16xi32>, vector<16xi32>], vector<16xf32>,
      %mul3A_1830 = arith.mulf %gather3A_1829, %get3A_57 : vector<16xf32>
      %swap3A_1831 = arith.constant 14 : i32
      %swap3A_1832 = arith.index_cast %rem3A_126 : i32 to index
      %swap3A_1833 = arith.index_cast %swap3A_1831 : i32 to index
      %swap3A_1834 = arith.constant 176 : index
      %swap3A_1835 = tpu.vector_load %arg9[%swap3A_1832, %swap3A_1833, %swap3A_1834] {strides = array<i32>} : memref<2x16x256xf32, #tpu.memory_space<vmem>>, vector<16xf32>,
      tpu.vector_store %arg9[%swap3A_1832, %swap3A_1833, %swap3A_1834], %mul3A_1830 {strides = array<i32>} : memref<2x16x256xf32, #tpu.memory_space<vmem>>, vector<16xf32>,
      %gather3A_1836 = tpu.vector_load_idx %arg8[%broadcast_in_dim3A, %broadcast_in_dim3A_1751, %get3A_27] : memref<2x16x2048xf32, #tpu.memory_space<vmem>>[vector<16xi32>, vector<16xi32>, vector<16xi32>], vector<16xf32>,
      %mul3A_1837 = arith.mulf %gather3A_1836, %get3A_59 : vector<16xf32>
      %swap3A_1838 = arith.constant 14 : i32
      %swap3A_1839 = arith.index_cast %rem3A_126 : i32 to index
      %swap3A_1840 = arith.index_cast %swap3A_1838 : i32 to index
      %swap3A_1841 = arith.constant 192 : index
      %swap3A_1842 = tpu.vector_load %arg9[%swap3A_1839, %swap3A_1840, %swap3A_1841] {strides = array<i32>} : memref<2x16x256xf32, #tpu.memory_space<vmem>>, vector<16xf32>,
      tpu.vector_store %arg9[%swap3A_1839, %swap3A_1840, %swap3A_1841], %mul3A_1837 {strides = array<i32>} : memref<2x16x256xf32, #tpu.memory_space<vmem>>, vector<16xf32>,
      %gather3A_1843 = tpu.vector_load_idx %arg8[%broadcast_in_dim3A, %broadcast_in_dim3A_1751, %get3A_29] : memref<2x16x2048xf32, #tpu.memory_space<vmem>>[vector<16xi32>, vector<16xi32>, vector<16xi32>], vector<16xf32>,
      %mul3A_1844 = arith.mulf %gather3A_1843, %get3A_61 : vector<16xf32>
      %swap3A_1845 = arith.constant 14 : i32
      %swap3A_1846 = arith.index_cast %rem3A_126 : i32 to index
      %swap3A_1847 = arith.index_cast %swap3A_1845 : i32 to index
      %swap3A_1848 = arith.constant 208 : index
      %swap3A_1849 = tpu.vector_load %arg9[%swap3A_1846, %swap3A_1847, %swap3A_1848] {strides = array<i32>} : memref<2x16x256xf32, #tpu.memory_space<vmem>>, vector<16xf32>,
      tpu.vector_store %arg9[%swap3A_1846, %swap3A_1847, %swap3A_1848], %mul3A_1844 {strides = array<i32>} : memref<2x16x256xf32, #tpu.memory_space<vmem>>, vector<16xf32>,
      %gather3A_1850 = tpu.vector_load_idx %arg8[%broadcast_in_dim3A, %broadcast_in_dim3A_1751, %get3A_31] : memref<2x16x2048xf32, #tpu.memory_space<vmem>>[vector<16xi32>, vector<16xi32>, vector<16xi32>], vector<16xf32>,
      %mul3A_1851 = arith.mulf %gather3A_1850, %get3A_63 : vector<16xf32>
      %swap3A_1852 = arith.constant 14 : i32
      %swap3A_1853 = arith.index_cast %rem3A_126 : i32 to index
      %swap3A_1854 = arith.index_cast %swap3A_1852 : i32 to index
      %swap3A_1855 = arith.constant 224 : index
      %swap3A_1856 = tpu.vector_load %arg9[%swap3A_1853, %swap3A_1854, %swap3A_1855] {strides = array<i32>} : memref<2x16x256xf32, #tpu.memory_space<vmem>>, vector<16xf32>,
      tpu.vector_store %arg9[%swap3A_1853, %swap3A_1854, %swap3A_1855], %mul3A_1851 {strides = array<i32>} : memref<2x16x256xf32, #tpu.memory_space<vmem>>, vector<16xf32>,
      %gather3A_1857 = tpu.vector_load_idx %arg8[%broadcast_in_dim3A, %broadcast_in_dim3A_1751, %get3A_33] : memref<2x16x2048xf32, #tpu.memory_space<vmem>>[vector<16xi32>, vector<16xi32>, vector<16xi32>], vector<16xf32>,
      %mul3A_1858 = arith.mulf %gather3A_1857, %get3A_65 : vector<16xf32>
      %swap3A_1859 = arith.constant 14 : i32
      %swap3A_1860 = arith.index_cast %rem3A_126 : i32 to index
      %swap3A_1861 = arith.index_cast %swap3A_1859 : i32 to index
      %swap3A_1862 = arith.constant 240 : index
      %swap3A_1863 = tpu.vector_load %arg9[%swap3A_1860, %swap3A_1861, %swap3A_1862] {strides = array<i32>} : memref<2x16x256xf32, #tpu.memory_space<vmem>>, vector<16xf32>,
      tpu.vector_store %arg9[%swap3A_1860, %swap3A_1861, %swap3A_1862], %mul3A_1858 {strides = array<i32>} : memref<2x16x256xf32, #tpu.memory_space<vmem>>, vector<16xf32>,
      %broadcast_in_dim3A_1864 = arith.constant 15 : i32
      %broadcast_in_dim3A_1865 = vector.broadcast %broadcast_in_dim3A_1864 : i32 to vector<16xi32>
      %gather3A_1866 = tpu.vector_load_idx %arg8[%broadcast_in_dim3A, %broadcast_in_dim3A_1865, %get3A_3] : memref<2x16x2048xf32, #tpu.memory_space<vmem>>[vector<16xi32>, vector<16xi32>, vector<16xi32>], vector<16xf32>,
      %mul3A_1867 = arith.mulf %gather3A_1866, %get3A_35 : vector<16xf32>
      %swap3A_1868 = arith.constant 15 : i32
      %swap3A_1869 = arith.index_cast %rem3A_126 : i32 to index
      %swap3A_1870 = arith.index_cast %swap3A_1868 : i32 to index
      %swap3A_1871 = arith.constant 0 : index
      %swap3A_1872 = tpu.vector_load %arg9[%swap3A_1869, %swap3A_1870, %swap3A_1871] {strides = array<i32>} : memref<2x16x256xf32, #tpu.memory_space<vmem>>, vector<16xf32>,
      tpu.vector_store %arg9[%swap3A_1869, %swap3A_1870, %swap3A_1871], %mul3A_1867 {strides = array<i32>} : memref<2x16x256xf32, #tpu.memory_space<vmem>>, vector<16xf32>,
      %gather3A_1873 = tpu.vector_load_idx %arg8[%broadcast_in_dim3A, %broadcast_in_dim3A_1865, %get3A_5] : memref<2x16x2048xf32, #tpu.memory_space<vmem>>[vector<16xi32>, vector<16xi32>, vector<16xi32>], vector<16xf32>,
      %mul3A_1874 = arith.mulf %gather3A_1873, %get3A_37 : vector<16xf32>
      %swap3A_1875 = arith.constant 15 : i32
      %swap3A_1876 = arith.index_cast %rem3A_126 : i32 to index
      %swap3A_1877 = arith.index_cast %swap3A_1875 : i32 to index
      %swap3A_1878 = arith.constant 16 : index
      %swap3A_1879 = tpu.vector_load %arg9[%swap3A_1876, %swap3A_1877, %swap3A_1878] {strides = array<i32>} : memref<2x16x256xf32, #tpu.memory_space<vmem>>, vector<16xf32>,
      tpu.vector_store %arg9[%swap3A_1876, %swap3A_1877, %swap3A_1878], %mul3A_1874 {strides = array<i32>} : memref<2x16x256xf32, #tpu.memory_space<vmem>>, vector<16xf32>,
      %gather3A_1880 = tpu.vector_load_idx %arg8[%broadcast_in_dim3A, %broadcast_in_dim3A_1865, %get3A_7] : memref<2x16x2048xf32, #tpu.memory_space<vmem>>[vector<16xi32>, vector<16xi32>, vector<16xi32>], vector<16xf32>,
      %mul3A_1881 = arith.mulf %gather3A_1880, %get3A_39 : vector<16xf32>
      %swap3A_1882 = arith.constant 15 : i32
      %swap3A_1883 = arith.index_cast %rem3A_126 : i32 to index
      %swap3A_1884 = arith.index_cast %swap3A_1882 : i32 to index
      %swap3A_1885 = arith.constant 32 : index
      %swap3A_1886 = tpu.vector_load %arg9[%swap3A_1883, %swap3A_1884, %swap3A_1885] {strides = array<i32>} : memref<2x16x256xf32, #tpu.memory_space<vmem>>, vector<16xf32>,
      tpu.vector_store %arg9[%swap3A_1883, %swap3A_1884, %swap3A_1885], %mul3A_1881 {strides = array<i32>} : memref<2x16x256xf32, #tpu.memory_space<vmem>>, vector<16xf32>,
      %gather3A_1887 = tpu.vector_load_idx %arg8[%broadcast_in_dim3A, %broadcast_in_dim3A_1865, %get3A_9] : memref<2x16x2048xf32, #tpu.memory_space<vmem>>[vector<16xi32>, vector<16xi32>, vector<16xi32>], vector<16xf32>,
      %mul3A_1888 = arith.mulf %gather3A_1887, %get3A_41 : vector<16xf32>
      %swap3A_1889 = arith.constant 15 : i32
      %swap3A_1890 = arith.index_cast %rem3A_126 : i32 to index
      %swap3A_1891 = arith.index_cast %swap3A_1889 : i32 to index
      %swap3A_1892 = arith.constant 48 : index
      %swap3A_1893 = tpu.vector_load %arg9[%swap3A_1890, %swap3A_1891, %swap3A_1892] {strides = array<i32>} : memref<2x16x256xf32, #tpu.memory_space<vmem>>, vector<16xf32>,
      tpu.vector_store %arg9[%swap3A_1890, %swap3A_1891, %swap3A_1892], %mul3A_1888 {strides = array<i32>} : memref<2x16x256xf32, #tpu.memory_space<vmem>>, vector<16xf32>,
      %gather3A_1894 = tpu.vector_load_idx %arg8[%broadcast_in_dim3A, %broadcast_in_dim3A_1865, %get3A_11] : memref<2x16x2048xf32, #tpu.memory_space<vmem>>[vector<16xi32>, vector<16xi32>, vector<16xi32>], vector<16xf32>,
      %mul3A_1895 = arith.mulf %gather3A_1894, %get3A_43 : vector<16xf32>
      %swap3A_1896 = arith.constant 15 : i32
      %swap3A_1897 = arith.index_cast %rem3A_126 : i32 to index
      %swap3A_1898 = arith.index_cast %swap3A_1896 : i32 to index
      %swap3A_1899 = arith.constant 64 : index
      %swap3A_1900 = tpu.vector_load %arg9[%swap3A_1897, %swap3A_1898, %swap3A_1899] {strides = array<i32>} : memref<2x16x256xf32, #tpu.memory_space<vmem>>, vector<16xf32>,
      tpu.vector_store %arg9[%swap3A_1897, %swap3A_1898, %swap3A_1899], %mul3A_1895 {strides = array<i32>} : memref<2x16x256xf32, #tpu.memory_space<vmem>>, vector<16xf32>,
      %gather3A_1901 = tpu.vector_load_idx %arg8[%broadcast_in_dim3A, %broadcast_in_dim3A_1865, %get3A_13] : memref<2x16x2048xf32, #tpu.memory_space<vmem>>[vector<16xi32>, vector<16xi32>, vector<16xi32>], vector<16xf32>,
      %mul3A_1902 = arith.mulf %gather3A_1901, %get3A_45 : vector<16xf32>
      %swap3A_1903 = arith.constant 15 : i32
      %swap3A_1904 = arith.index_cast %rem3A_126 : i32 to index
      %swap3A_1905 = arith.index_cast %swap3A_1903 : i32 to index
      %swap3A_1906 = arith.constant 80 : index
      %swap3A_1907 = tpu.vector_load %arg9[%swap3A_1904, %swap3A_1905, %swap3A_1906] {strides = array<i32>} : memref<2x16x256xf32, #tpu.memory_space<vmem>>, vector<16xf32>,
      tpu.vector_store %arg9[%swap3A_1904, %swap3A_1905, %swap3A_1906], %mul3A_1902 {strides = array<i32>} : memref<2x16x256xf32, #tpu.memory_space<vmem>>, vector<16xf32>,
      %gather3A_1908 = tpu.vector_load_idx %arg8[%broadcast_in_dim3A, %broadcast_in_dim3A_1865, %get3A_15] : memref<2x16x2048xf32, #tpu.memory_space<vmem>>[vector<16xi32>, vector<16xi32>, vector<16xi32>], vector<16xf32>,
      %mul3A_1909 = arith.mulf %gather3A_1908, %get3A_47 : vector<16xf32>
      %swap3A_1910 = arith.constant 15 : i32
      %swap3A_1911 = arith.index_cast %rem3A_126 : i32 to index
      %swap3A_1912 = arith.index_cast %swap3A_1910 : i32 to index
      %swap3A_1913 = arith.constant 96 : index
      %swap3A_1914 = tpu.vector_load %arg9[%swap3A_1911, %swap3A_1912, %swap3A_1913] {strides = array<i32>} : memref<2x16x256xf32, #tpu.memory_space<vmem>>, vector<16xf32>,
      tpu.vector_store %arg9[%swap3A_1911, %swap3A_1912, %swap3A_1913], %mul3A_1909 {strides = array<i32>} : memref<2x16x256xf32, #tpu.memory_space<vmem>>, vector<16xf32>,
      %gather3A_1915 = tpu.vector_load_idx %arg8[%broadcast_in_dim3A, %broadcast_in_dim3A_1865, %get3A_17] : memref<2x16x2048xf32, #tpu.memory_space<vmem>>[vector<16xi32>, vector<16xi32>, vector<16xi32>], vector<16xf32>,
      %mul3A_1916 = arith.mulf %gather3A_1915, %get3A_49 : vector<16xf32>
      %swap3A_1917 = arith.constant 15 : i32
      %swap3A_1918 = arith.index_cast %rem3A_126 : i32 to index
      %swap3A_1919 = arith.index_cast %swap3A_1917 : i32 to index
      %swap3A_1920 = arith.constant 112 : index
      %swap3A_1921 = tpu.vector_load %arg9[%swap3A_1918, %swap3A_1919, %swap3A_1920] {strides = array<i32>} : memref<2x16x256xf32, #tpu.memory_space<vmem>>, vector<16xf32>,
      tpu.vector_store %arg9[%swap3A_1918, %swap3A_1919, %swap3A_1920], %mul3A_1916 {strides = array<i32>} : memref<2x16x256xf32, #tpu.memory_space<vmem>>, vector<16xf32>,
      %gather3A_1922 = tpu.vector_load_idx %arg8[%broadcast_in_dim3A, %broadcast_in_dim3A_1865, %get3A_19] : memref<2x16x2048xf32, #tpu.memory_space<vmem>>[vector<16xi32>, vector<16xi32>, vector<16xi32>], vector<16xf32>,
      %mul3A_1923 = arith.mulf %gather3A_1922, %get3A_51 : vector<16xf32>
      %swap3A_1924 = arith.constant 15 : i32
      %swap3A_1925 = arith.index_cast %rem3A_126 : i32 to index
      %swap3A_1926 = arith.index_cast %swap3A_1924 : i32 to index
      %swap3A_1927 = arith.constant 128 : index
      %swap3A_1928 = tpu.vector_load %arg9[%swap3A_1925, %swap3A_1926, %swap3A_1927] {strides = array<i32>} : memref<2x16x256xf32, #tpu.memory_space<vmem>>, vector<16xf32>,
      tpu.vector_store %arg9[%swap3A_1925, %swap3A_1926, %swap3A_1927], %mul3A_1923 {strides = array<i32>} : memref<2x16x256xf32, #tpu.memory_space<vmem>>, vector<16xf32>,
      %gather3A_1929 = tpu.vector_load_idx %arg8[%broadcast_in_dim3A, %broadcast_in_dim3A_1865, %get3A_21] : memref<2x16x2048xf32, #tpu.memory_space<vmem>>[vector<16xi32>, vector<16xi32>, vector<16xi32>], vector<16xf32>,
      %mul3A_1930 = arith.mulf %gather3A_1929, %get3A_53 : vector<16xf32>
      %swap3A_1931 = arith.constant 15 : i32
      %swap3A_1932 = arith.index_cast %rem3A_126 : i32 to index
      %swap3A_1933 = arith.index_cast %swap3A_1931 : i32 to index
      %swap3A_1934 = arith.constant 144 : index
      %swap3A_1935 = tpu.vector_load %arg9[%swap3A_1932, %swap3A_1933, %swap3A_1934] {strides = array<i32>} : memref<2x16x256xf32, #tpu.memory_space<vmem>>, vector<16xf32>,
      tpu.vector_store %arg9[%swap3A_1932, %swap3A_1933, %swap3A_1934], %mul3A_1930 {strides = array<i32>} : memref<2x16x256xf32, #tpu.memory_space<vmem>>, vector<16xf32>,
      %gather3A_1936 = tpu.vector_load_idx %arg8[%broadcast_in_dim3A, %broadcast_in_dim3A_1865, %get3A_23] : memref<2x16x2048xf32, #tpu.memory_space<vmem>>[vector<16xi32>, vector<16xi32>, vector<16xi32>], vector<16xf32>,
      %mul3A_1937 = arith.mulf %gather3A_1936, %get3A_55 : vector<16xf32>
      %swap3A_1938 = arith.constant 15 : i32
      %swap3A_1939 = arith.index_cast %rem3A_126 : i32 to index
      %swap3A_1940 = arith.index_cast %swap3A_1938 : i32 to index
      %swap3A_1941 = arith.constant 160 : index
      %swap3A_1942 = tpu.vector_load %arg9[%swap3A_1939, %swap3A_1940, %swap3A_1941] {strides = array<i32>} : memref<2x16x256xf32, #tpu.memory_space<vmem>>, vector<16xf32>,
      tpu.vector_store %arg9[%swap3A_1939, %swap3A_1940, %swap3A_1941], %mul3A_1937 {strides = array<i32>} : memref<2x16x256xf32, #tpu.memory_space<vmem>>, vector<16xf32>,
      %gather3A_1943 = tpu.vector_load_idx %arg8[%broadcast_in_dim3A, %broadcast_in_dim3A_1865, %get3A_25] : memref<2x16x2048xf32, #tpu.memory_space<vmem>>[vector<16xi32>, vector<16xi32>, vector<16xi32>], vector<16xf32>,
      %mul3A_1944 = arith.mulf %gather3A_1943, %get3A_57 : vector<16xf32>
      %swap3A_1945 = arith.constant 15 : i32
      %swap3A_1946 = arith.index_cast %rem3A_126 : i32 to index
      %swap3A_1947 = arith.index_cast %swap3A_1945 : i32 to index
      %swap3A_1948 = arith.constant 176 : index
      %swap3A_1949 = tpu.vector_load %arg9[%swap3A_1946, %swap3A_1947, %swap3A_1948] {strides = array<i32>} : memref<2x16x256xf32, #tpu.memory_space<vmem>>, vector<16xf32>,
      tpu.vector_store %arg9[%swap3A_1946, %swap3A_1947, %swap3A_1948], %mul3A_1944 {strides = array<i32>} : memref<2x16x256xf32, #tpu.memory_space<vmem>>, vector<16xf32>,
      %gather3A_1950 = tpu.vector_load_idx %arg8[%broadcast_in_dim3A, %broadcast_in_dim3A_1865, %get3A_27] : memref<2x16x2048xf32, #tpu.memory_space<vmem>>[vector<16xi32>, vector<16xi32>, vector<16xi32>], vector<16xf32>,
      %mul3A_1951 = arith.mulf %gather3A_1950, %get3A_59 : vector<16xf32>
      %swap3A_1952 = arith.constant 15 : i32
      %swap3A_1953 = arith.index_cast %rem3A_126 : i32 to index
      %swap3A_1954 = arith.index_cast %swap3A_1952 : i32 to index
      %swap3A_1955 = arith.constant 192 : index
      %swap3A_1956 = tpu.vector_load %arg9[%swap3A_1953, %swap3A_1954, %swap3A_1955] {strides = array<i32>} : memref<2x16x256xf32, #tpu.memory_space<vmem>>, vector<16xf32>,
      tpu.vector_store %arg9[%swap3A_1953, %swap3A_1954, %swap3A_1955], %mul3A_1951 {strides = array<i32>} : memref<2x16x256xf32, #tpu.memory_space<vmem>>, vector<16xf32>,
      %gather3A_1957 = tpu.vector_load_idx %arg8[%broadcast_in_dim3A, %broadcast_in_dim3A_1865, %get3A_29] : memref<2x16x2048xf32, #tpu.memory_space<vmem>>[vector<16xi32>, vector<16xi32>, vector<16xi32>], vector<16xf32>,
      %mul3A_1958 = arith.mulf %gather3A_1957, %get3A_61 : vector<16xf32>
      %swap3A_1959 = arith.constant 15 : i32
      %swap3A_1960 = arith.index_cast %rem3A_126 : i32 to index
      %swap3A_1961 = arith.index_cast %swap3A_1959 : i32 to index
      %swap3A_1962 = arith.constant 208 : index
      %swap3A_1963 = tpu.vector_load %arg9[%swap3A_1960, %swap3A_1961, %swap3A_1962] {strides = array<i32>} : memref<2x16x256xf32, #tpu.memory_space<vmem>>, vector<16xf32>,
      tpu.vector_store %arg9[%swap3A_1960, %swap3A_1961, %swap3A_1962], %mul3A_1958 {strides = array<i32>} : memref<2x16x256xf32, #tpu.memory_space<vmem>>, vector<16xf32>,
      %gather3A_1964 = tpu.vector_load_idx %arg8[%broadcast_in_dim3A, %broadcast_in_dim3A_1865, %get3A_31] : memref<2x16x2048xf32, #tpu.memory_space<vmem>>[vector<16xi32>, vector<16xi32>, vector<16xi32>], vector<16xf32>,
      %mul3A_1965 = arith.mulf %gather3A_1964, %get3A_63 : vector<16xf32>
      %swap3A_1966 = arith.constant 15 : i32
      %swap3A_1967 = arith.index_cast %rem3A_126 : i32 to index
      %swap3A_1968 = arith.index_cast %swap3A_1966 : i32 to index
      %swap3A_1969 = arith.constant 224 : index
      %swap3A_1970 = tpu.vector_load %arg9[%swap3A_1967, %swap3A_1968, %swap3A_1969] {strides = array<i32>} : memref<2x16x256xf32, #tpu.memory_space<vmem>>, vector<16xf32>,
      tpu.vector_store %arg9[%swap3A_1967, %swap3A_1968, %swap3A_1969], %mul3A_1965 {strides = array<i32>} : memref<2x16x256xf32, #tpu.memory_space<vmem>>, vector<16xf32>,
      %gather3A_1971 = tpu.vector_load_idx %arg8[%broadcast_in_dim3A, %broadcast_in_dim3A_1865, %get3A_33] : memref<2x16x2048xf32, #tpu.memory_space<vmem>>[vector<16xi32>, vector<16xi32>, vector<16xi32>], vector<16xf32>,
      %mul3A_1972 = arith.mulf %gather3A_1971, %get3A_65 : vector<16xf32>
      %swap3A_1973 = arith.constant 15 : i32
      %swap3A_1974 = arith.index_cast %rem3A_126 : i32 to index
      %swap3A_1975 = arith.index_cast %swap3A_1973 : i32 to index
      %swap3A_1976 = arith.constant 240 : index
      %swap3A_1977 = tpu.vector_load %arg9[%swap3A_1974, %swap3A_1975, %swap3A_1976] {strides = array<i32>} : memref<2x16x256xf32, #tpu.memory_space<vmem>>, vector<16xf32>,
      tpu.vector_store %arg9[%swap3A_1974, %swap3A_1975, %swap3A_1976], %mul3A_1972 {strides = array<i32>} : memref<2x16x256xf32, #tpu.memory_space<vmem>>, vector<16xf32>,
      %mul3A_1978 = arith.constant 16 : i32
      %mul3A_1979 = arith.muli %scan3A_124, %mul3A_1978 : i32
      %add3A_1980 = arith.addi %mul3A_2, %mul3A_1979 : i32
      %dma_start3A_1981 = arith.constant 0 : i32
      %dma_start3A_1982 = arith.constant 0 : i32
      %dma_start3A_1983 = tpu.memref_slice %arg9[%rem3A_126, %dma_start3A_1981, %dma_start3A_1982] : memref<2x16x256xf32, #tpu.memory_space<vmem>> -> memref<1x16x256xf32, #tpu.memory_space<vmem>>
      %dma_start3A_1984 = tpu.memref_squeeze %dma_start3A_1983 : memref<1x16x256xf32, #tpu.memory_space<vmem>> -> memref<16x256xf32, #tpu.memory_space<vmem>>
      %dma_start3A_1985 = arith.constant 0 : i32
      %dma_start3A_1986 = tpu.memref_slice %arg5[%add3A_1980, %dma_start3A_1985] : memref<8192x256xf32, #tpu.memory_space<hbm>> -> memref<16x256xf32, #tpu.memory_space<hbm>>
      %dma_start3A_1987 = tpu.memref_slice %arg11[%rem3A_126] : memref<2x!tpu.dma_semaphore, #tpu.memory_space<semaphore_mem>> -> memref<1x!tpu.dma_semaphore, #tpu.memory_space<semaphore_mem>>
      %dma_start3A_1988 = tpu.memref_squeeze %dma_start3A_1987 : memref<1x!tpu.dma_semaphore, #tpu.memory_space<semaphore_mem>> -> memref<!tpu.dma_semaphore, #tpu.memory_space<semaphore_mem>>
      %dma_start3A_1989 = arith.constant 0 : i32
      %dma_start3A_1990 = tpu.memref_slice %arg5[%add3A_1980, %dma_start3A_1989] : memref<8192x256xf32, #tpu.memory_space<hbm>> -> memref<16x256xf32, #tpu.memory_space<hbm>>
      %dma_start3A_1991 = arith.constant 0 : i32
      %dma_start3A_1992 = arith.constant 0 : i32
      %dma_start3A_1993 = tpu.memref_slice %arg9[%rem3A_126, %dma_start3A_1991, %dma_start3A_1992] : memref<2x16x256xf32, #tpu.memory_space<vmem>> -> memref<1x16x256xf32, #tpu.memory_space<vmem>>
      %dma_start3A_1994 = tpu.memref_squeeze %dma_start3A_1993 : memref<1x16x256xf32, #tpu.memory_space<vmem>> -> memref<16x256xf32, #tpu.memory_space<vmem>>
      tpu.enqueue_dma source(%dma_start3A_1994 : memref<16x256xf32, #tpu.memory_space<vmem>>) target(%dma_start3A_1990 : memref<16x256xf32, #tpu.memory_space<hbm>>) target_semaphore(%dma_start3A_1988 : memref<!tpu.dma_semaphore, #tpu.memory_space<semaphore_mem>>)
      %scan3A_1995 = arith.constant 0 : i32
      scf.yield %scan3A_1995 : i32
    }
    %scan3A_88 = arith.constant 16 : i32
    %add3A_89 = arith.constant 224 : i32
    %add3A_90 = arith.addi %mul3A_2, %add3A_89 : i32
    %dma_wait3A = arith.constant 0 : i32
    %dma_wait3A_91 = arith.constant 0 : i32
    %dma_wait3A_92 = arith.constant 0 : i32
    %dma_wait3A_93 = arith.constant 0 : i32
    %dma_wait3A_94 = tpu.memref_slice %arg9[%dma_wait3A, %dma_wait3A_92, %dma_wait3A_93] : memref<2x16x256xf32, #tpu.memory_space<vmem>> -> memref<1x16x256xf32, #tpu.memory_space<vmem>>
    %dma_wait3A_95 = tpu.memref_squeeze %dma_wait3A_94 : memref<1x16x256xf32, #tpu.memory_space<vmem>> -> memref<16x256xf32, #tpu.memory_space<vmem>>
    %dma_wait3A_96 = arith.constant 0 : i32
    %dma_wait3A_97 = tpu.memref_slice %arg5[%add3A_90, %dma_wait3A_96] : memref<8192x256xf32, #tpu.memory_space<hbm>> -> memref<16x256xf32, #tpu.memory_space<hbm>>
    %dma_wait3A_98 = tpu.memref_slice %arg11[%dma_wait3A_91] : memref<2x!tpu.dma_semaphore, #tpu.memory_space<semaphore_mem>> -> memref<1x!tpu.dma_semaphore, #tpu.memory_space<semaphore_mem>>
    %dma_wait3A_99 = tpu.memref_squeeze %dma_wait3A_98 : memref<1x!tpu.dma_semaphore, #tpu.memory_space<semaphore_mem>> -> memref<!tpu.dma_semaphore, #tpu.memory_space<semaphore_mem>>
    %dma_wait3A_100 = arith.constant 0 : i32
    %dma_wait3A_101 = tpu.memref_slice %arg5[%add3A_90, %dma_wait3A_100] : memref<8192x256xf32, #tpu.memory_space<hbm>> -> memref<16x256xf32, #tpu.memory_space<hbm>>
    %dma_wait3A_102 = arith.constant 0 : i32
    %dma_wait3A_103 = arith.constant 0 : i32
    %dma_wait3A_104 = tpu.memref_slice %arg9[%dma_wait3A, %dma_wait3A_102, %dma_wait3A_103] : memref<2x16x256xf32, #tpu.memory_space<vmem>> -> memref<1x16x256xf32, #tpu.memory_space<vmem>>
    %dma_wait3A_105 = tpu.memref_squeeze %dma_wait3A_104 : memref<1x16x256xf32, #tpu.memory_space<vmem>> -> memref<16x256xf32, #tpu.memory_space<vmem>>
    tpu.wait_dma2 semaphore(%dma_wait3A_99 : memref<!tpu.dma_semaphore, #tpu.memory_space<semaphore_mem>>) src(%dma_wait3A_105 : memref<16x256xf32, #tpu.memory_space<vmem>>) dst(%dma_wait3A_101 : memref<16x256xf32, #tpu.memory_space<hbm>>)
    %add3A_106 = arith.constant 240 : i32
    %add3A_107 = arith.addi %mul3A_2, %add3A_106 : i32
    %dma_wait3A_108 = arith.constant 1 : i32
    %dma_wait3A_109 = arith.constant 1 : i32
    %dma_wait3A_110 = arith.constant 0 : i32
    %dma_wait3A_111 = arith.constant 0 : i32
    %dma_wait3A_112 = tpu.memref_slice %arg9[%dma_wait3A_108, %dma_wait3A_110, %dma_wait3A_111] : memref<2x16x256xf32, #tpu.memory_space<vmem>> -> memref<1x16x256xf32, #tpu.memory_space<vmem>>
    %dma_wait3A_113 = tpu.memref_squeeze %dma_wait3A_112 : memref<1x16x256xf32, #tpu.memory_space<vmem>> -> memref<16x256xf32, #tpu.memory_space<vmem>>
    %dma_wait3A_114 = arith.constant 0 : i32
    %dma_wait3A_115 = tpu.memref_slice %arg5[%add3A_107, %dma_wait3A_114] : memref<8192x256xf32, #tpu.memory_space<hbm>> -> memref<16x256xf32, #tpu.memory_space<hbm>>
    %dma_wait3A_116 = tpu.memref_slice %arg11[%dma_wait3A_109] : memref<2x!tpu.dma_semaphore, #tpu.memory_space<semaphore_mem>> -> memref<1x!tpu.dma_semaphore, #tpu.memory_space<semaphore_mem>>
    %dma_wait3A_117 = tpu.memref_squeeze %dma_wait3A_116 : memref<1x!tpu.dma_semaphore, #tpu.memory_space<semaphore_mem>> -> memref<!tpu.dma_semaphore, #tpu.memory_space<semaphore_mem>>
    %dma_wait3A_118 = arith.constant 0 : i32
    %dma_wait3A_119 = tpu.memref_slice %arg5[%add3A_107, %dma_wait3A_118] : memref<8192x256xf32, #tpu.memory_space<hbm>> -> memref<16x256xf32, #tpu.memory_space<hbm>>
    %dma_wait3A_120 = arith.constant 0 : i32
    %dma_wait3A_121 = arith.constant 0 : i32
    %dma_wait3A_122 = tpu.memref_slice %arg9[%dma_wait3A_108, %dma_wait3A_120, %dma_wait3A_121] : memref<2x16x256xf32, #tpu.memory_space<vmem>> -> memref<1x16x256xf32, #tpu.memory_space<vmem>>
    %dma_wait3A_123 = tpu.memref_squeeze %dma_wait3A_122 : memref<1x16x256xf32, #tpu.memory_space<vmem>> -> memref<16x256xf32, #tpu.memory_space<vmem>>
    tpu.wait_dma2 semaphore(%dma_wait3A_117 : memref<!tpu.dma_semaphore, #tpu.memory_space<semaphore_mem>>) src(%dma_wait3A_123 : memref<16x256xf32, #tpu.memory_space<vmem>>) dst(%dma_wait3A_119 : memref<16x256xf32, #tpu.memory_space<hbm>>)
    return
  }
}

module attributes {stable_mosaic.version = 14 : i64} {
  func.func @_select_body(%arg0: memref<128x16xf32, #tpu.memory_space<vmem>>, %arg1: memref<128x16xf32, #tpu.memory_space<vmem>>, %arg2: memref<128x16xf32, #tpu.memory_space<vmem>>, %arg3: memref<2048x256xbf16, #tpu.memory_space<vmem>>, %arg4: memref<1x256xi32, #tpu.memory_space<vmem>>, %arg5: memref<1x256xf32, #tpu.memory_space<vmem>>) attributes {dimension_semantics = [], scalar_prefetch = 0 : i64, scratch_operands = 0 : i64, tpu.core_type = #tpu.core_type<tc>} {
    %get3A = arith.constant 0 : index
    %get3A_0 = arith.constant 0 : index
    %get3A_1 = vector.load %arg0[%get3A, %get3A_0] : memref<128x16xf32, #tpu.memory_space<vmem>>, vector<128x16xf32>
    %get3A_2 = arith.constant 0 : index
    %get3A_3 = arith.constant 0 : index
    %get3A_4 = vector.load %arg1[%get3A_2, %get3A_3] : memref<128x16xf32, #tpu.memory_space<vmem>>, vector<128x16xf32>
    %get3A_5 = arith.constant 0 : index
    %get3A_6 = arith.constant 0 : index
    %get3A_7 = vector.load %arg2[%get3A_5, %get3A_6] : memref<128x16xf32, #tpu.memory_space<vmem>>, vector<128x16xf32>
    %mul3A = arith.constant 2.500000e-01 : f32
    %mul3A_8 = vector.broadcast %mul3A : f32 to vector<128x16xf32>
    %mul3A_9 = arith.mulf %mul3A_8, %get3A_7 : vector<128x16xf32>
    %add3A = arith.addf %get3A_4, %mul3A_9 : vector<128x16xf32>
    %mul3A_10 = arith.constant 1.000000e-01 : f32
    %mul3A_11 = vector.broadcast %mul3A_10 : f32 to vector<128x16xf32>
    %mul3A_12 = arith.mulf %mul3A_11, %add3A : vector<128x16xf32>
    %add3A_13 = arith.addf %get3A_1, %mul3A_12 : vector<128x16xf32>
    %add3A_14 = arith.constant 5.000000e-01 : f32
    %add3A_15 = vector.broadcast %add3A_14 : f32 to vector<128x16xf32>
    %add3A_16 = arith.addf %add3A_13, %add3A_15 : vector<128x16xf32>
    %jit3A = arith.constant 0.000000e+00 : f32
    %jit3A_17 = arith.constant 1.000000e+00 : f32
    %max3A = vector.broadcast %jit3A : f32 to vector<128x16xf32>
    %max3A_18 = arith.maximumf %max3A, %add3A_16 : vector<128x16xf32>
    %min3A = vector.broadcast %jit3A_17 : f32 to vector<128x16xf32>
    %min3A_19 = arith.minimumf %min3A, %max3A_18 : vector<128x16xf32>
    %bitcast_convert_type3A = tpu.bitcast %min3A_19 : vector<128x16xf32> -> vector<128x16xi32>
    %lt3A = arith.constant 0 : i32
    %lt3A_20 = vector.broadcast %lt3A : i32 to vector<128x16xi32>
    %lt3A_21 = arith.cmpi slt, %bitcast_convert_type3A, %lt3A_20 : vector<128x16xi32>
    %jit3A_22 = arith.constant 0 : i32
    %broadcast_in_dim3A = vector.broadcast %jit3A_22 : i32 to vector<128x16xi32>
    %select_n3A = arith.select %lt3A_21, %broadcast_in_dim3A, %bitcast_convert_type3A : vector<128x16xi1>, vector<128x16xi32>
    %scan3A = arith.constant 0 : i32
    %scan3A_23 = arith.constant 0 : i32
    %scan3A_24 = arith.constant 31 : i32
    %scan3A_25 = arith.addi %scan3A_23, %scan3A_24 : i32
    %scan3A_26 = arith.constant 1 : i32
    %scan3A_27 = scf.for %scan3A_601 = %scan3A_23 to %scan3A_25 step %scan3A_26 iter_args(%scan3A_602 = %scan3A) -> (i32)  : i32 {
      %sub3A = arith.constant 30 : i32
      %sub3A_603 = arith.subi %sub3A, %scan3A_601 : i32
      %shift_left3A = arith.constant 1 : i32
      %shift_left3A_604 = arith.shli %shift_left3A, %sub3A_603 : i32
      %or3A = arith.ori %scan3A_602, %shift_left3A_604 : i32
      %ge3A_605 = vector.broadcast %or3A : i32 to vector<128x16xi32>
      %ge3A_606 = arith.cmpi sge, %select_n3A, %ge3A_605 : vector<128x16xi32>
      %convert_element_type3A_607 = arith.extui %ge3A_606 : vector<128x16xi1> to vector<128x16xi32>
      %reduce_sum3A_608 = vector.shape_cast %convert_element_type3A_607 : vector<128x16xi32> to vector<1x128x16xi32>
      %reduce_sum3A_609 = arith.constant dense<0> : vector<1xi32>
      %reduce_sum3A_610 = vector.multi_reduction <add>, %reduce_sum3A_608, %reduce_sum3A_609 [1, 2] : vector<1x128x16xi32> to vector<1xi32>
      %reduce_sum3A_611 = vector.shape_cast %reduce_sum3A_610 : vector<1xi32> to vector<1x1x1xi32>
      %reduce_sum3A_612 = vector.extract %reduce_sum3A_611[0, 0, 0] : i32 from vector<1x1x1xi32>
      %ge3A_613 = arith.constant 256 : i32
      %ge3A_614 = arith.cmpi sge, %reduce_sum3A_612, %ge3A_613 : i32
      %select_n3A_615 = arith.select %ge3A_614, %or3A, %scan3A_602 : i32
      scf.yield %select_n3A_615 : i32
    }
    %scan3A_28 = arith.constant 31 : i32
    %ge3A = vector.broadcast %scan3A_27 : i32 to vector<128x16xi32>
    %ge3A_29 = arith.cmpi sge, %select_n3A, %ge3A : vector<128x16xi32>
    %convert_element_type3A = arith.extui %ge3A_29 : vector<128x16xi1> to vector<128x16xi32>
    %convert_element_type3A_30 = arith.sitofp %convert_element_type3A : vector<128x16xi32> to vector<128x16xf32>
    %iota3A = tpu.iota {dimensions = array<i32: 0>} : vector<128x128xi32>
    %iota3A_31 = tpu.iota {dimensions = array<i32: 1>} : vector<128x128xi32>
    %le3A = arith.cmpi sle, %iota3A_31, %iota3A : vector<128x128xi32>
    %convert_element_type3A_32 = arith.extui %le3A : vector<128x128xi1> to vector<128x128xi32>
    %convert_element_type3A_33 = arith.sitofp %convert_element_type3A_32 : vector<128x128xi32> to vector<128x128xf32>
    %dot_general3A = arith.constant dense<0.000000e+00> : vector<128x16xf32>
    %dot_general3A_34 = tpu.matmul %convert_element_type3A_33, %convert_element_type3A_30, %dot_general3A {dimension_numbers = #tpu.dot_dimension_numbers<[1], [0], [0], [1], [0, 0, 1, 1], [], []>, transpose_lhs_hint = false} : vector<128x128xf32>, vector<128x16xf32>, vector<128x16xf32> -> vector<128x16xf32>
    %slice3A = vector.extract_strided_slice %dot_general3A_34 {offsets = [127, 0], sizes = [1, 16], strides = [1, 1]} : vector<128x16xf32> to vector<1x16xf32>
    %iota3A_35 = tpu.iota {dimensions = array<i32: 0>} : vector<16x16xi32>
    %iota3A_36 = tpu.iota {dimensions = array<i32: 1>} : vector<16x16xi32>
    %lt3A_37 = arith.cmpi slt, %iota3A_35, %iota3A_36 : vector<16x16xi32>
    %convert_element_type3A_38 = arith.extui %lt3A_37 : vector<16x16xi1> to vector<16x16xi32>
    %convert_element_type3A_39 = arith.sitofp %convert_element_type3A_38 : vector<16x16xi32> to vector<16x16xf32>
    %dot_general3A_40 = arith.constant dense<0.000000e+00> : vector<1x16xf32>
    %dot_general3A_41 = tpu.matmul %slice3A, %convert_element_type3A_39, %dot_general3A_40 {dimension_numbers = #tpu.dot_dimension_numbers<[1], [0], [0], [1], [0, 0, 1, 1], [], []>, transpose_lhs_hint = false} : vector<1x16xf32>, vector<16x16xf32>, vector<1x16xf32> -> vector<1x16xf32>
    %add3A_42 = vector.broadcast %dot_general3A_41 : vector<1x16xf32> to vector<128x16xf32>
    %add3A_43 = arith.addf %dot_general3A_34, %add3A_42 : vector<128x16xf32>
    %mul3A_44 = arith.mulf %add3A_43, %convert_element_type3A_30 : vector<128x16xf32>
    %iota3A_45 = tpu.iota {dimensions = array<i32: 1>} : vector<128x256xi32>
    %convert_element_type3A_46 = arith.sitofp %iota3A_45 : vector<128x256xi32> to vector<128x256xf32>
    %iota3A_47 = tpu.iota {dimensions = array<i32: 0>} : vector<128x256xi32>
    %convert_element_type3A_48 = arith.sitofp %iota3A_47 : vector<128x256xi32> to vector<128x256xf32>
    %broadcast_in_dim3A_49 = arith.constant 0.000000e+00 : f32
    %broadcast_in_dim3A_50 = vector.broadcast %broadcast_in_dim3A_49 : f32 to vector<1x256xf32>
    %broadcast_in_dim3A_51 = arith.constant 0.000000e+00 : f32
    %broadcast_in_dim3A_52 = vector.broadcast %broadcast_in_dim3A_51 : f32 to vector<1x256xf32>
    %slice3A_53 = vector.extract_strided_slice %mul3A_44 {offsets = [0, 0], sizes = [128, 1], strides = [1, 1]} : vector<128x16xf32> to vector<128x1xf32>
    %broadcast_in_dim3A_54 = vector.shape_cast %slice3A_53 : vector<128x1xf32> to vector<128x1xf32>
    %broadcast_in_dim3A_55 = vector.broadcast %broadcast_in_dim3A_54 : vector<128x1xf32> to vector<128x256xf32>
    %slice3A_56 = vector.extract_strided_slice %min3A_19 {offsets = [0, 0], sizes = [128, 1], strides = [1, 1]} : vector<128x16xf32> to vector<128x1xf32>
    %broadcast_in_dim3A_57 = vector.shape_cast %slice3A_56 : vector<128x1xf32> to vector<128x1xf32>
    %broadcast_in_dim3A_58 = vector.broadcast %broadcast_in_dim3A_57 : vector<128x1xf32> to vector<128x256xf32>
    %add3A_59 = arith.constant 1.000000e+00 : f32
    %add3A_60 = vector.broadcast %add3A_59 : f32 to vector<128x256xf32>
    %add3A_61 = arith.addf %convert_element_type3A_46, %add3A_60 : vector<128x256xf32>
    %eq3A = arith.cmpf oeq, %broadcast_in_dim3A_55, %add3A_61 : vector<128x256xf32>
    %jit3A_62 = arith.constant 0.000000e+00 : f32
    %broadcast_in_dim3A_63 = vector.broadcast %jit3A_62 : f32 to vector<128x256xf32>
    %select_n3A_64 = arith.select %eq3A, %broadcast_in_dim3A_58, %broadcast_in_dim3A_63 : vector<128x256xi1>, vector<128x256xf32>
    %convert_element_type3A_65 = arith.truncf %select_n3A_64 : vector<128x256xf32> to vector<128x256xbf16>
    %swap3A = arith.constant 0 : index
    %swap3A_66 = arith.constant 0 : index
    %swap3A_67 = vector.load %arg3[%swap3A, %swap3A_66] : memref<2048x256xbf16, #tpu.memory_space<vmem>>, vector<128x256xbf16>
    tpu.vector_store %arg3[%swap3A, %swap3A_66], %convert_element_type3A_65 {strides = array<i32>} : memref<2048x256xbf16, #tpu.memory_space<vmem>>, vector<128x256xbf16>,
    %add3A_68 = arith.constant 0.000000e+00 : f32
    %add3A_69 = vector.broadcast %add3A_68 : f32 to vector<128x256xf32>
    %add3A_70 = arith.addf %convert_element_type3A_48, %add3A_69 : vector<128x256xf32>
    %jit3A_71 = arith.constant 0.000000e+00 : f32
    %broadcast_in_dim3A_72 = vector.broadcast %jit3A_71 : f32 to vector<128x256xf32>
    %select_n3A_73 = arith.select %eq3A, %add3A_70, %broadcast_in_dim3A_72 : vector<128x256xi1>, vector<128x256xf32>
    %reduce_sum3A = arith.constant dense<0.000000e+00> : vector<256xf32>
    %reduce_sum3A_74 = vector.multi_reduction <add>, %select_n3A_73, %reduce_sum3A [0] : vector<128x256xf32> to vector<256xf32>
    %broadcast_in_dim3A_75 = vector.shape_cast %reduce_sum3A_74 : vector<256xf32> to vector<1x256xf32>
    %add3A_76 = arith.addf %broadcast_in_dim3A_50, %broadcast_in_dim3A_75 : vector<1x256xf32>
    %jit3A_77 = arith.constant 0.000000e+00 : f32
    %broadcast_in_dim3A_78 = vector.broadcast %jit3A_77 : f32 to vector<128x256xf32>
    %select_n3A_79 = arith.select %eq3A, %broadcast_in_dim3A_58, %broadcast_in_dim3A_78 : vector<128x256xi1>, vector<128x256xf32>
    %reduce_sum3A_80 = arith.constant dense<0.000000e+00> : vector<256xf32>
    %reduce_sum3A_81 = vector.multi_reduction <add>, %select_n3A_79, %reduce_sum3A_80 [0] : vector<128x256xf32> to vector<256xf32>
    %broadcast_in_dim3A_82 = vector.shape_cast %reduce_sum3A_81 : vector<256xf32> to vector<1x256xf32>
    %add3A_83 = arith.addf %broadcast_in_dim3A_52, %broadcast_in_dim3A_82 : vector<1x256xf32>
    %slice3A_84 = vector.extract_strided_slice %mul3A_44 {offsets = [0, 1], sizes = [128, 1], strides = [1, 1]} : vector<128x16xf32> to vector<128x1xf32>
    %broadcast_in_dim3A_85 = vector.shape_cast %slice3A_84 : vector<128x1xf32> to vector<128x1xf32>
    %broadcast_in_dim3A_86 = vector.broadcast %broadcast_in_dim3A_85 : vector<128x1xf32> to vector<128x256xf32>
    %slice3A_87 = vector.extract_strided_slice %min3A_19 {offsets = [0, 1], sizes = [128, 1], strides = [1, 1]} : vector<128x16xf32> to vector<128x1xf32>
    %broadcast_in_dim3A_88 = vector.shape_cast %slice3A_87 : vector<128x1xf32> to vector<128x1xf32>
    %broadcast_in_dim3A_89 = vector.broadcast %broadcast_in_dim3A_88 : vector<128x1xf32> to vector<128x256xf32>
    %add3A_90 = arith.constant 1.000000e+00 : f32
    %add3A_91 = vector.broadcast %add3A_90 : f32 to vector<128x256xf32>
    %add3A_92 = arith.addf %convert_element_type3A_46, %add3A_91 : vector<128x256xf32>
    %eq3A_93 = arith.cmpf oeq, %broadcast_in_dim3A_86, %add3A_92 : vector<128x256xf32>
    %jit3A_94 = arith.constant 0.000000e+00 : f32
    %broadcast_in_dim3A_95 = vector.broadcast %jit3A_94 : f32 to vector<128x256xf32>
    %select_n3A_96 = arith.select %eq3A_93, %broadcast_in_dim3A_89, %broadcast_in_dim3A_95 : vector<128x256xi1>, vector<128x256xf32>
    %convert_element_type3A_97 = arith.truncf %select_n3A_96 : vector<128x256xf32> to vector<128x256xbf16>
    %swap3A_98 = arith.constant 128 : index
    %swap3A_99 = arith.constant 0 : index
    %swap3A_100 = vector.load %arg3[%swap3A_98, %swap3A_99] : memref<2048x256xbf16, #tpu.memory_space<vmem>>, vector<128x256xbf16>
    tpu.vector_store %arg3[%swap3A_98, %swap3A_99], %convert_element_type3A_97 {strides = array<i32>} : memref<2048x256xbf16, #tpu.memory_space<vmem>>, vector<128x256xbf16>,
    %add3A_101 = arith.constant 1.280000e+02 : f32
    %add3A_102 = vector.broadcast %add3A_101 : f32 to vector<128x256xf32>
    %add3A_103 = arith.addf %convert_element_type3A_48, %add3A_102 : vector<128x256xf32>
    %jit3A_104 = arith.constant 0.000000e+00 : f32
    %broadcast_in_dim3A_105 = vector.broadcast %jit3A_104 : f32 to vector<128x256xf32>
    %select_n3A_106 = arith.select %eq3A_93, %add3A_103, %broadcast_in_dim3A_105 : vector<128x256xi1>, vector<128x256xf32>
    %reduce_sum3A_107 = arith.constant dense<0.000000e+00> : vector<256xf32>
    %reduce_sum3A_108 = vector.multi_reduction <add>, %select_n3A_106, %reduce_sum3A_107 [0] : vector<128x256xf32> to vector<256xf32>
    %broadcast_in_dim3A_109 = vector.shape_cast %reduce_sum3A_108 : vector<256xf32> to vector<1x256xf32>
    %add3A_110 = arith.addf %add3A_76, %broadcast_in_dim3A_109 : vector<1x256xf32>
    %jit3A_111 = arith.constant 0.000000e+00 : f32
    %broadcast_in_dim3A_112 = vector.broadcast %jit3A_111 : f32 to vector<128x256xf32>
    %select_n3A_113 = arith.select %eq3A_93, %broadcast_in_dim3A_89, %broadcast_in_dim3A_112 : vector<128x256xi1>, vector<128x256xf32>
    %reduce_sum3A_114 = arith.constant dense<0.000000e+00> : vector<256xf32>
    %reduce_sum3A_115 = vector.multi_reduction <add>, %select_n3A_113, %reduce_sum3A_114 [0] : vector<128x256xf32> to vector<256xf32>
    %broadcast_in_dim3A_116 = vector.shape_cast %reduce_sum3A_115 : vector<256xf32> to vector<1x256xf32>
    %add3A_117 = arith.addf %add3A_83, %broadcast_in_dim3A_116 : vector<1x256xf32>
    %slice3A_118 = vector.extract_strided_slice %mul3A_44 {offsets = [0, 2], sizes = [128, 1], strides = [1, 1]} : vector<128x16xf32> to vector<128x1xf32>
    %broadcast_in_dim3A_119 = vector.shape_cast %slice3A_118 : vector<128x1xf32> to vector<128x1xf32>
    %broadcast_in_dim3A_120 = vector.broadcast %broadcast_in_dim3A_119 : vector<128x1xf32> to vector<128x256xf32>
    %slice3A_121 = vector.extract_strided_slice %min3A_19 {offsets = [0, 2], sizes = [128, 1], strides = [1, 1]} : vector<128x16xf32> to vector<128x1xf32>
    %broadcast_in_dim3A_122 = vector.shape_cast %slice3A_121 : vector<128x1xf32> to vector<128x1xf32>
    %broadcast_in_dim3A_123 = vector.broadcast %broadcast_in_dim3A_122 : vector<128x1xf32> to vector<128x256xf32>
    %add3A_124 = arith.constant 1.000000e+00 : f32
    %add3A_125 = vector.broadcast %add3A_124 : f32 to vector<128x256xf32>
    %add3A_126 = arith.addf %convert_element_type3A_46, %add3A_125 : vector<128x256xf32>
    %eq3A_127 = arith.cmpf oeq, %broadcast_in_dim3A_120, %add3A_126 : vector<128x256xf32>
    %jit3A_128 = arith.constant 0.000000e+00 : f32
    %broadcast_in_dim3A_129 = vector.broadcast %jit3A_128 : f32 to vector<128x256xf32>
    %select_n3A_130 = arith.select %eq3A_127, %broadcast_in_dim3A_123, %broadcast_in_dim3A_129 : vector<128x256xi1>, vector<128x256xf32>
    %convert_element_type3A_131 = arith.truncf %select_n3A_130 : vector<128x256xf32> to vector<128x256xbf16>
    %swap3A_132 = arith.constant 256 : index
    %swap3A_133 = arith.constant 0 : index
    %swap3A_134 = vector.load %arg3[%swap3A_132, %swap3A_133] : memref<2048x256xbf16, #tpu.memory_space<vmem>>, vector<128x256xbf16>
    tpu.vector_store %arg3[%swap3A_132, %swap3A_133], %convert_element_type3A_131 {strides = array<i32>} : memref<2048x256xbf16, #tpu.memory_space<vmem>>, vector<128x256xbf16>,
    %add3A_135 = arith.constant 2.560000e+02 : f32
    %add3A_136 = vector.broadcast %add3A_135 : f32 to vector<128x256xf32>
    %add3A_137 = arith.addf %convert_element_type3A_48, %add3A_136 : vector<128x256xf32>
    %jit3A_138 = arith.constant 0.000000e+00 : f32
    %broadcast_in_dim3A_139 = vector.broadcast %jit3A_138 : f32 to vector<128x256xf32>
    %select_n3A_140 = arith.select %eq3A_127, %add3A_137, %broadcast_in_dim3A_139 : vector<128x256xi1>, vector<128x256xf32>
    %reduce_sum3A_141 = arith.constant dense<0.000000e+00> : vector<256xf32>
    %reduce_sum3A_142 = vector.multi_reduction <add>, %select_n3A_140, %reduce_sum3A_141 [0] : vector<128x256xf32> to vector<256xf32>
    %broadcast_in_dim3A_143 = vector.shape_cast %reduce_sum3A_142 : vector<256xf32> to vector<1x256xf32>
    %add3A_144 = arith.addf %add3A_110, %broadcast_in_dim3A_143 : vector<1x256xf32>
    %jit3A_145 = arith.constant 0.000000e+00 : f32
    %broadcast_in_dim3A_146 = vector.broadcast %jit3A_145 : f32 to vector<128x256xf32>
    %select_n3A_147 = arith.select %eq3A_127, %broadcast_in_dim3A_123, %broadcast_in_dim3A_146 : vector<128x256xi1>, vector<128x256xf32>
    %reduce_sum3A_148 = arith.constant dense<0.000000e+00> : vector<256xf32>
    %reduce_sum3A_149 = vector.multi_reduction <add>, %select_n3A_147, %reduce_sum3A_148 [0] : vector<128x256xf32> to vector<256xf32>
    %broadcast_in_dim3A_150 = vector.shape_cast %reduce_sum3A_149 : vector<256xf32> to vector<1x256xf32>
    %add3A_151 = arith.addf %add3A_117, %broadcast_in_dim3A_150 : vector<1x256xf32>
    %slice3A_152 = vector.extract_strided_slice %mul3A_44 {offsets = [0, 3], sizes = [128, 1], strides = [1, 1]} : vector<128x16xf32> to vector<128x1xf32>
    %broadcast_in_dim3A_153 = vector.shape_cast %slice3A_152 : vector<128x1xf32> to vector<128x1xf32>
    %broadcast_in_dim3A_154 = vector.broadcast %broadcast_in_dim3A_153 : vector<128x1xf32> to vector<128x256xf32>
    %slice3A_155 = vector.extract_strided_slice %min3A_19 {offsets = [0, 3], sizes = [128, 1], strides = [1, 1]} : vector<128x16xf32> to vector<128x1xf32>
    %broadcast_in_dim3A_156 = vector.shape_cast %slice3A_155 : vector<128x1xf32> to vector<128x1xf32>
    %broadcast_in_dim3A_157 = vector.broadcast %broadcast_in_dim3A_156 : vector<128x1xf32> to vector<128x256xf32>
    %add3A_158 = arith.constant 1.000000e+00 : f32
    %add3A_159 = vector.broadcast %add3A_158 : f32 to vector<128x256xf32>
    %add3A_160 = arith.addf %convert_element_type3A_46, %add3A_159 : vector<128x256xf32>
    %eq3A_161 = arith.cmpf oeq, %broadcast_in_dim3A_154, %add3A_160 : vector<128x256xf32>
    %jit3A_162 = arith.constant 0.000000e+00 : f32
    %broadcast_in_dim3A_163 = vector.broadcast %jit3A_162 : f32 to vector<128x256xf32>
    %select_n3A_164 = arith.select %eq3A_161, %broadcast_in_dim3A_157, %broadcast_in_dim3A_163 : vector<128x256xi1>, vector<128x256xf32>
    %convert_element_type3A_165 = arith.truncf %select_n3A_164 : vector<128x256xf32> to vector<128x256xbf16>
    %swap3A_166 = arith.constant 384 : index
    %swap3A_167 = arith.constant 0 : index
    %swap3A_168 = vector.load %arg3[%swap3A_166, %swap3A_167] : memref<2048x256xbf16, #tpu.memory_space<vmem>>, vector<128x256xbf16>
    tpu.vector_store %arg3[%swap3A_166, %swap3A_167], %convert_element_type3A_165 {strides = array<i32>} : memref<2048x256xbf16, #tpu.memory_space<vmem>>, vector<128x256xbf16>,
    %add3A_169 = arith.constant 3.840000e+02 : f32
    %add3A_170 = vector.broadcast %add3A_169 : f32 to vector<128x256xf32>
    %add3A_171 = arith.addf %convert_element_type3A_48, %add3A_170 : vector<128x256xf32>
    %jit3A_172 = arith.constant 0.000000e+00 : f32
    %broadcast_in_dim3A_173 = vector.broadcast %jit3A_172 : f32 to vector<128x256xf32>
    %select_n3A_174 = arith.select %eq3A_161, %add3A_171, %broadcast_in_dim3A_173 : vector<128x256xi1>, vector<128x256xf32>
    %reduce_sum3A_175 = arith.constant dense<0.000000e+00> : vector<256xf32>
    %reduce_sum3A_176 = vector.multi_reduction <add>, %select_n3A_174, %reduce_sum3A_175 [0] : vector<128x256xf32> to vector<256xf32>
    %broadcast_in_dim3A_177 = vector.shape_cast %reduce_sum3A_176 : vector<256xf32> to vector<1x256xf32>
    %add3A_178 = arith.addf %add3A_144, %broadcast_in_dim3A_177 : vector<1x256xf32>
    %jit3A_179 = arith.constant 0.000000e+00 : f32
    %broadcast_in_dim3A_180 = vector.broadcast %jit3A_179 : f32 to vector<128x256xf32>
    %select_n3A_181 = arith.select %eq3A_161, %broadcast_in_dim3A_157, %broadcast_in_dim3A_180 : vector<128x256xi1>, vector<128x256xf32>
    %reduce_sum3A_182 = arith.constant dense<0.000000e+00> : vector<256xf32>
    %reduce_sum3A_183 = vector.multi_reduction <add>, %select_n3A_181, %reduce_sum3A_182 [0] : vector<128x256xf32> to vector<256xf32>
    %broadcast_in_dim3A_184 = vector.shape_cast %reduce_sum3A_183 : vector<256xf32> to vector<1x256xf32>
    %add3A_185 = arith.addf %add3A_151, %broadcast_in_dim3A_184 : vector<1x256xf32>
    %slice3A_186 = vector.extract_strided_slice %mul3A_44 {offsets = [0, 4], sizes = [128, 1], strides = [1, 1]} : vector<128x16xf32> to vector<128x1xf32>
    %broadcast_in_dim3A_187 = vector.shape_cast %slice3A_186 : vector<128x1xf32> to vector<128x1xf32>
    %broadcast_in_dim3A_188 = vector.broadcast %broadcast_in_dim3A_187 : vector<128x1xf32> to vector<128x256xf32>
    %slice3A_189 = vector.extract_strided_slice %min3A_19 {offsets = [0, 4], sizes = [128, 1], strides = [1, 1]} : vector<128x16xf32> to vector<128x1xf32>
    %broadcast_in_dim3A_190 = vector.shape_cast %slice3A_189 : vector<128x1xf32> to vector<128x1xf32>
    %broadcast_in_dim3A_191 = vector.broadcast %broadcast_in_dim3A_190 : vector<128x1xf32> to vector<128x256xf32>
    %add3A_192 = arith.constant 1.000000e+00 : f32
    %add3A_193 = vector.broadcast %add3A_192 : f32 to vector<128x256xf32>
    %add3A_194 = arith.addf %convert_element_type3A_46, %add3A_193 : vector<128x256xf32>
    %eq3A_195 = arith.cmpf oeq, %broadcast_in_dim3A_188, %add3A_194 : vector<128x256xf32>
    %jit3A_196 = arith.constant 0.000000e+00 : f32
    %broadcast_in_dim3A_197 = vector.broadcast %jit3A_196 : f32 to vector<128x256xf32>
    %select_n3A_198 = arith.select %eq3A_195, %broadcast_in_dim3A_191, %broadcast_in_dim3A_197 : vector<128x256xi1>, vector<128x256xf32>
    %convert_element_type3A_199 = arith.truncf %select_n3A_198 : vector<128x256xf32> to vector<128x256xbf16>
    %swap3A_200 = arith.constant 512 : index
    %swap3A_201 = arith.constant 0 : index
    %swap3A_202 = vector.load %arg3[%swap3A_200, %swap3A_201] : memref<2048x256xbf16, #tpu.memory_space<vmem>>, vector<128x256xbf16>
    tpu.vector_store %arg3[%swap3A_200, %swap3A_201], %convert_element_type3A_199 {strides = array<i32>} : memref<2048x256xbf16, #tpu.memory_space<vmem>>, vector<128x256xbf16>,
    %add3A_203 = arith.constant 5.120000e+02 : f32
    %add3A_204 = vector.broadcast %add3A_203 : f32 to vector<128x256xf32>
    %add3A_205 = arith.addf %convert_element_type3A_48, %add3A_204 : vector<128x256xf32>
    %jit3A_206 = arith.constant 0.000000e+00 : f32
    %broadcast_in_dim3A_207 = vector.broadcast %jit3A_206 : f32 to vector<128x256xf32>
    %select_n3A_208 = arith.select %eq3A_195, %add3A_205, %broadcast_in_dim3A_207 : vector<128x256xi1>, vector<128x256xf32>
    %reduce_sum3A_209 = arith.constant dense<0.000000e+00> : vector<256xf32>
    %reduce_sum3A_210 = vector.multi_reduction <add>, %select_n3A_208, %reduce_sum3A_209 [0] : vector<128x256xf32> to vector<256xf32>
    %broadcast_in_dim3A_211 = vector.shape_cast %reduce_sum3A_210 : vector<256xf32> to vector<1x256xf32>
    %add3A_212 = arith.addf %add3A_178, %broadcast_in_dim3A_211 : vector<1x256xf32>
    %jit3A_213 = arith.constant 0.000000e+00 : f32
    %broadcast_in_dim3A_214 = vector.broadcast %jit3A_213 : f32 to vector<128x256xf32>
    %select_n3A_215 = arith.select %eq3A_195, %broadcast_in_dim3A_191, %broadcast_in_dim3A_214 : vector<128x256xi1>, vector<128x256xf32>
    %reduce_sum3A_216 = arith.constant dense<0.000000e+00> : vector<256xf32>
    %reduce_sum3A_217 = vector.multi_reduction <add>, %select_n3A_215, %reduce_sum3A_216 [0] : vector<128x256xf32> to vector<256xf32>
    %broadcast_in_dim3A_218 = vector.shape_cast %reduce_sum3A_217 : vector<256xf32> to vector<1x256xf32>
    %add3A_219 = arith.addf %add3A_185, %broadcast_in_dim3A_218 : vector<1x256xf32>
    %slice3A_220 = vector.extract_strided_slice %mul3A_44 {offsets = [0, 5], sizes = [128, 1], strides = [1, 1]} : vector<128x16xf32> to vector<128x1xf32>
    %broadcast_in_dim3A_221 = vector.shape_cast %slice3A_220 : vector<128x1xf32> to vector<128x1xf32>
    %broadcast_in_dim3A_222 = vector.broadcast %broadcast_in_dim3A_221 : vector<128x1xf32> to vector<128x256xf32>
    %slice3A_223 = vector.extract_strided_slice %min3A_19 {offsets = [0, 5], sizes = [128, 1], strides = [1, 1]} : vector<128x16xf32> to vector<128x1xf32>
    %broadcast_in_dim3A_224 = vector.shape_cast %slice3A_223 : vector<128x1xf32> to vector<128x1xf32>
    %broadcast_in_dim3A_225 = vector.broadcast %broadcast_in_dim3A_224 : vector<128x1xf32> to vector<128x256xf32>
    %add3A_226 = arith.constant 1.000000e+00 : f32
    %add3A_227 = vector.broadcast %add3A_226 : f32 to vector<128x256xf32>
    %add3A_228 = arith.addf %convert_element_type3A_46, %add3A_227 : vector<128x256xf32>
    %eq3A_229 = arith.cmpf oeq, %broadcast_in_dim3A_222, %add3A_228 : vector<128x256xf32>
    %jit3A_230 = arith.constant 0.000000e+00 : f32
    %broadcast_in_dim3A_231 = vector.broadcast %jit3A_230 : f32 to vector<128x256xf32>
    %select_n3A_232 = arith.select %eq3A_229, %broadcast_in_dim3A_225, %broadcast_in_dim3A_231 : vector<128x256xi1>, vector<128x256xf32>
    %convert_element_type3A_233 = arith.truncf %select_n3A_232 : vector<128x256xf32> to vector<128x256xbf16>
    %swap3A_234 = arith.constant 640 : index
    %swap3A_235 = arith.constant 0 : index
    %swap3A_236 = vector.load %arg3[%swap3A_234, %swap3A_235] : memref<2048x256xbf16, #tpu.memory_space<vmem>>, vector<128x256xbf16>
    tpu.vector_store %arg3[%swap3A_234, %swap3A_235], %convert_element_type3A_233 {strides = array<i32>} : memref<2048x256xbf16, #tpu.memory_space<vmem>>, vector<128x256xbf16>,
    %add3A_237 = arith.constant 6.400000e+02 : f32
    %add3A_238 = vector.broadcast %add3A_237 : f32 to vector<128x256xf32>
    %add3A_239 = arith.addf %convert_element_type3A_48, %add3A_238 : vector<128x256xf32>
    %jit3A_240 = arith.constant 0.000000e+00 : f32
    %broadcast_in_dim3A_241 = vector.broadcast %jit3A_240 : f32 to vector<128x256xf32>
    %select_n3A_242 = arith.select %eq3A_229, %add3A_239, %broadcast_in_dim3A_241 : vector<128x256xi1>, vector<128x256xf32>
    %reduce_sum3A_243 = arith.constant dense<0.000000e+00> : vector<256xf32>
    %reduce_sum3A_244 = vector.multi_reduction <add>, %select_n3A_242, %reduce_sum3A_243 [0] : vector<128x256xf32> to vector<256xf32>
    %broadcast_in_dim3A_245 = vector.shape_cast %reduce_sum3A_244 : vector<256xf32> to vector<1x256xf32>
    %add3A_246 = arith.addf %add3A_212, %broadcast_in_dim3A_245 : vector<1x256xf32>
    %jit3A_247 = arith.constant 0.000000e+00 : f32
    %broadcast_in_dim3A_248 = vector.broadcast %jit3A_247 : f32 to vector<128x256xf32>
    %select_n3A_249 = arith.select %eq3A_229, %broadcast_in_dim3A_225, %broadcast_in_dim3A_248 : vector<128x256xi1>, vector<128x256xf32>
    %reduce_sum3A_250 = arith.constant dense<0.000000e+00> : vector<256xf32>
    %reduce_sum3A_251 = vector.multi_reduction <add>, %select_n3A_249, %reduce_sum3A_250 [0] : vector<128x256xf32> to vector<256xf32>
    %broadcast_in_dim3A_252 = vector.shape_cast %reduce_sum3A_251 : vector<256xf32> to vector<1x256xf32>
    %add3A_253 = arith.addf %add3A_219, %broadcast_in_dim3A_252 : vector<1x256xf32>
    %slice3A_254 = vector.extract_strided_slice %mul3A_44 {offsets = [0, 6], sizes = [128, 1], strides = [1, 1]} : vector<128x16xf32> to vector<128x1xf32>
    %broadcast_in_dim3A_255 = vector.shape_cast %slice3A_254 : vector<128x1xf32> to vector<128x1xf32>
    %broadcast_in_dim3A_256 = vector.broadcast %broadcast_in_dim3A_255 : vector<128x1xf32> to vector<128x256xf32>
    %slice3A_257 = vector.extract_strided_slice %min3A_19 {offsets = [0, 6], sizes = [128, 1], strides = [1, 1]} : vector<128x16xf32> to vector<128x1xf32>
    %broadcast_in_dim3A_258 = vector.shape_cast %slice3A_257 : vector<128x1xf32> to vector<128x1xf32>
    %broadcast_in_dim3A_259 = vector.broadcast %broadcast_in_dim3A_258 : vector<128x1xf32> to vector<128x256xf32>
    %add3A_260 = arith.constant 1.000000e+00 : f32
    %add3A_261 = vector.broadcast %add3A_260 : f32 to vector<128x256xf32>
    %add3A_262 = arith.addf %convert_element_type3A_46, %add3A_261 : vector<128x256xf32>
    %eq3A_263 = arith.cmpf oeq, %broadcast_in_dim3A_256, %add3A_262 : vector<128x256xf32>
    %jit3A_264 = arith.constant 0.000000e+00 : f32
    %broadcast_in_dim3A_265 = vector.broadcast %jit3A_264 : f32 to vector<128x256xf32>
    %select_n3A_266 = arith.select %eq3A_263, %broadcast_in_dim3A_259, %broadcast_in_dim3A_265 : vector<128x256xi1>, vector<128x256xf32>
    %convert_element_type3A_267 = arith.truncf %select_n3A_266 : vector<128x256xf32> to vector<128x256xbf16>
    %swap3A_268 = arith.constant 768 : index
    %swap3A_269 = arith.constant 0 : index
    %swap3A_270 = vector.load %arg3[%swap3A_268, %swap3A_269] : memref<2048x256xbf16, #tpu.memory_space<vmem>>, vector<128x256xbf16>
    tpu.vector_store %arg3[%swap3A_268, %swap3A_269], %convert_element_type3A_267 {strides = array<i32>} : memref<2048x256xbf16, #tpu.memory_space<vmem>>, vector<128x256xbf16>,
    %add3A_271 = arith.constant 7.680000e+02 : f32
    %add3A_272 = vector.broadcast %add3A_271 : f32 to vector<128x256xf32>
    %add3A_273 = arith.addf %convert_element_type3A_48, %add3A_272 : vector<128x256xf32>
    %jit3A_274 = arith.constant 0.000000e+00 : f32
    %broadcast_in_dim3A_275 = vector.broadcast %jit3A_274 : f32 to vector<128x256xf32>
    %select_n3A_276 = arith.select %eq3A_263, %add3A_273, %broadcast_in_dim3A_275 : vector<128x256xi1>, vector<128x256xf32>
    %reduce_sum3A_277 = arith.constant dense<0.000000e+00> : vector<256xf32>
    %reduce_sum3A_278 = vector.multi_reduction <add>, %select_n3A_276, %reduce_sum3A_277 [0] : vector<128x256xf32> to vector<256xf32>
    %broadcast_in_dim3A_279 = vector.shape_cast %reduce_sum3A_278 : vector<256xf32> to vector<1x256xf32>
    %add3A_280 = arith.addf %add3A_246, %broadcast_in_dim3A_279 : vector<1x256xf32>
    %jit3A_281 = arith.constant 0.000000e+00 : f32
    %broadcast_in_dim3A_282 = vector.broadcast %jit3A_281 : f32 to vector<128x256xf32>
    %select_n3A_283 = arith.select %eq3A_263, %broadcast_in_dim3A_259, %broadcast_in_dim3A_282 : vector<128x256xi1>, vector<128x256xf32>
    %reduce_sum3A_284 = arith.constant dense<0.000000e+00> : vector<256xf32>
    %reduce_sum3A_285 = vector.multi_reduction <add>, %select_n3A_283, %reduce_sum3A_284 [0] : vector<128x256xf32> to vector<256xf32>
    %broadcast_in_dim3A_286 = vector.shape_cast %reduce_sum3A_285 : vector<256xf32> to vector<1x256xf32>
    %add3A_287 = arith.addf %add3A_253, %broadcast_in_dim3A_286 : vector<1x256xf32>
    %slice3A_288 = vector.extract_strided_slice %mul3A_44 {offsets = [0, 7], sizes = [128, 1], strides = [1, 1]} : vector<128x16xf32> to vector<128x1xf32>
    %broadcast_in_dim3A_289 = vector.shape_cast %slice3A_288 : vector<128x1xf32> to vector<128x1xf32>
    %broadcast_in_dim3A_290 = vector.broadcast %broadcast_in_dim3A_289 : vector<128x1xf32> to vector<128x256xf32>
    %slice3A_291 = vector.extract_strided_slice %min3A_19 {offsets = [0, 7], sizes = [128, 1], strides = [1, 1]} : vector<128x16xf32> to vector<128x1xf32>
    %broadcast_in_dim3A_292 = vector.shape_cast %slice3A_291 : vector<128x1xf32> to vector<128x1xf32>
    %broadcast_in_dim3A_293 = vector.broadcast %broadcast_in_dim3A_292 : vector<128x1xf32> to vector<128x256xf32>
    %add3A_294 = arith.constant 1.000000e+00 : f32
    %add3A_295 = vector.broadcast %add3A_294 : f32 to vector<128x256xf32>
    %add3A_296 = arith.addf %convert_element_type3A_46, %add3A_295 : vector<128x256xf32>
    %eq3A_297 = arith.cmpf oeq, %broadcast_in_dim3A_290, %add3A_296 : vector<128x256xf32>
    %jit3A_298 = arith.constant 0.000000e+00 : f32
    %broadcast_in_dim3A_299 = vector.broadcast %jit3A_298 : f32 to vector<128x256xf32>
    %select_n3A_300 = arith.select %eq3A_297, %broadcast_in_dim3A_293, %broadcast_in_dim3A_299 : vector<128x256xi1>, vector<128x256xf32>
    %convert_element_type3A_301 = arith.truncf %select_n3A_300 : vector<128x256xf32> to vector<128x256xbf16>
    %swap3A_302 = arith.constant 896 : index
    %swap3A_303 = arith.constant 0 : index
    %swap3A_304 = vector.load %arg3[%swap3A_302, %swap3A_303] : memref<2048x256xbf16, #tpu.memory_space<vmem>>, vector<128x256xbf16>
    tpu.vector_store %arg3[%swap3A_302, %swap3A_303], %convert_element_type3A_301 {strides = array<i32>} : memref<2048x256xbf16, #tpu.memory_space<vmem>>, vector<128x256xbf16>,
    %add3A_305 = arith.constant 8.960000e+02 : f32
    %add3A_306 = vector.broadcast %add3A_305 : f32 to vector<128x256xf32>
    %add3A_307 = arith.addf %convert_element_type3A_48, %add3A_306 : vector<128x256xf32>
    %jit3A_308 = arith.constant 0.000000e+00 : f32
    %broadcast_in_dim3A_309 = vector.broadcast %jit3A_308 : f32 to vector<128x256xf32>
    %select_n3A_310 = arith.select %eq3A_297, %add3A_307, %broadcast_in_dim3A_309 : vector<128x256xi1>, vector<128x256xf32>
    %reduce_sum3A_311 = arith.constant dense<0.000000e+00> : vector<256xf32>
    %reduce_sum3A_312 = vector.multi_reduction <add>, %select_n3A_310, %reduce_sum3A_311 [0] : vector<128x256xf32> to vector<256xf32>
    %broadcast_in_dim3A_313 = vector.shape_cast %reduce_sum3A_312 : vector<256xf32> to vector<1x256xf32>
    %add3A_314 = arith.addf %add3A_280, %broadcast_in_dim3A_313 : vector<1x256xf32>
    %jit3A_315 = arith.constant 0.000000e+00 : f32
    %broadcast_in_dim3A_316 = vector.broadcast %jit3A_315 : f32 to vector<128x256xf32>
    %select_n3A_317 = arith.select %eq3A_297, %broadcast_in_dim3A_293, %broadcast_in_dim3A_316 : vector<128x256xi1>, vector<128x256xf32>
    %reduce_sum3A_318 = arith.constant dense<0.000000e+00> : vector<256xf32>
    %reduce_sum3A_319 = vector.multi_reduction <add>, %select_n3A_317, %reduce_sum3A_318 [0] : vector<128x256xf32> to vector<256xf32>
    %broadcast_in_dim3A_320 = vector.shape_cast %reduce_sum3A_319 : vector<256xf32> to vector<1x256xf32>
    %add3A_321 = arith.addf %add3A_287, %broadcast_in_dim3A_320 : vector<1x256xf32>
    %slice3A_322 = vector.extract_strided_slice %mul3A_44 {offsets = [0, 8], sizes = [128, 1], strides = [1, 1]} : vector<128x16xf32> to vector<128x1xf32>
    %broadcast_in_dim3A_323 = vector.shape_cast %slice3A_322 : vector<128x1xf32> to vector<128x1xf32>
    %broadcast_in_dim3A_324 = vector.broadcast %broadcast_in_dim3A_323 : vector<128x1xf32> to vector<128x256xf32>
    %slice3A_325 = vector.extract_strided_slice %min3A_19 {offsets = [0, 8], sizes = [128, 1], strides = [1, 1]} : vector<128x16xf32> to vector<128x1xf32>
    %broadcast_in_dim3A_326 = vector.shape_cast %slice3A_325 : vector<128x1xf32> to vector<128x1xf32>
    %broadcast_in_dim3A_327 = vector.broadcast %broadcast_in_dim3A_326 : vector<128x1xf32> to vector<128x256xf32>
    %add3A_328 = arith.constant 1.000000e+00 : f32
    %add3A_329 = vector.broadcast %add3A_328 : f32 to vector<128x256xf32>
    %add3A_330 = arith.addf %convert_element_type3A_46, %add3A_329 : vector<128x256xf32>
    %eq3A_331 = arith.cmpf oeq, %broadcast_in_dim3A_324, %add3A_330 : vector<128x256xf32>
    %jit3A_332 = arith.constant 0.000000e+00 : f32
    %broadcast_in_dim3A_333 = vector.broadcast %jit3A_332 : f32 to vector<128x256xf32>
    %select_n3A_334 = arith.select %eq3A_331, %broadcast_in_dim3A_327, %broadcast_in_dim3A_333 : vector<128x256xi1>, vector<128x256xf32>
    %convert_element_type3A_335 = arith.truncf %select_n3A_334 : vector<128x256xf32> to vector<128x256xbf16>
    %swap3A_336 = arith.constant 1024 : index
    %swap3A_337 = arith.constant 0 : index
    %swap3A_338 = vector.load %arg3[%swap3A_336, %swap3A_337] : memref<2048x256xbf16, #tpu.memory_space<vmem>>, vector<128x256xbf16>
    tpu.vector_store %arg3[%swap3A_336, %swap3A_337], %convert_element_type3A_335 {strides = array<i32>} : memref<2048x256xbf16, #tpu.memory_space<vmem>>, vector<128x256xbf16>,
    %add3A_339 = arith.constant 1.024000e+03 : f32
    %add3A_340 = vector.broadcast %add3A_339 : f32 to vector<128x256xf32>
    %add3A_341 = arith.addf %convert_element_type3A_48, %add3A_340 : vector<128x256xf32>
    %jit3A_342 = arith.constant 0.000000e+00 : f32
    %broadcast_in_dim3A_343 = vector.broadcast %jit3A_342 : f32 to vector<128x256xf32>
    %select_n3A_344 = arith.select %eq3A_331, %add3A_341, %broadcast_in_dim3A_343 : vector<128x256xi1>, vector<128x256xf32>
    %reduce_sum3A_345 = arith.constant dense<0.000000e+00> : vector<256xf32>
    %reduce_sum3A_346 = vector.multi_reduction <add>, %select_n3A_344, %reduce_sum3A_345 [0] : vector<128x256xf32> to vector<256xf32>
    %broadcast_in_dim3A_347 = vector.shape_cast %reduce_sum3A_346 : vector<256xf32> to vector<1x256xf32>
    %add3A_348 = arith.addf %add3A_314, %broadcast_in_dim3A_347 : vector<1x256xf32>
    %jit3A_349 = arith.constant 0.000000e+00 : f32
    %broadcast_in_dim3A_350 = vector.broadcast %jit3A_349 : f32 to vector<128x256xf32>
    %select_n3A_351 = arith.select %eq3A_331, %broadcast_in_dim3A_327, %broadcast_in_dim3A_350 : vector<128x256xi1>, vector<128x256xf32>
    %reduce_sum3A_352 = arith.constant dense<0.000000e+00> : vector<256xf32>
    %reduce_sum3A_353 = vector.multi_reduction <add>, %select_n3A_351, %reduce_sum3A_352 [0] : vector<128x256xf32> to vector<256xf32>
    %broadcast_in_dim3A_354 = vector.shape_cast %reduce_sum3A_353 : vector<256xf32> to vector<1x256xf32>
    %add3A_355 = arith.addf %add3A_321, %broadcast_in_dim3A_354 : vector<1x256xf32>
    %slice3A_356 = vector.extract_strided_slice %mul3A_44 {offsets = [0, 9], sizes = [128, 1], strides = [1, 1]} : vector<128x16xf32> to vector<128x1xf32>
    %broadcast_in_dim3A_357 = vector.shape_cast %slice3A_356 : vector<128x1xf32> to vector<128x1xf32>
    %broadcast_in_dim3A_358 = vector.broadcast %broadcast_in_dim3A_357 : vector<128x1xf32> to vector<128x256xf32>
    %slice3A_359 = vector.extract_strided_slice %min3A_19 {offsets = [0, 9], sizes = [128, 1], strides = [1, 1]} : vector<128x16xf32> to vector<128x1xf32>
    %broadcast_in_dim3A_360 = vector.shape_cast %slice3A_359 : vector<128x1xf32> to vector<128x1xf32>
    %broadcast_in_dim3A_361 = vector.broadcast %broadcast_in_dim3A_360 : vector<128x1xf32> to vector<128x256xf32>
    %add3A_362 = arith.constant 1.000000e+00 : f32
    %add3A_363 = vector.broadcast %add3A_362 : f32 to vector<128x256xf32>
    %add3A_364 = arith.addf %convert_element_type3A_46, %add3A_363 : vector<128x256xf32>
    %eq3A_365 = arith.cmpf oeq, %broadcast_in_dim3A_358, %add3A_364 : vector<128x256xf32>
    %jit3A_366 = arith.constant 0.000000e+00 : f32
    %broadcast_in_dim3A_367 = vector.broadcast %jit3A_366 : f32 to vector<128x256xf32>
    %select_n3A_368 = arith.select %eq3A_365, %broadcast_in_dim3A_361, %broadcast_in_dim3A_367 : vector<128x256xi1>, vector<128x256xf32>
    %convert_element_type3A_369 = arith.truncf %select_n3A_368 : vector<128x256xf32> to vector<128x256xbf16>
    %swap3A_370 = arith.constant 1152 : index
    %swap3A_371 = arith.constant 0 : index
    %swap3A_372 = vector.load %arg3[%swap3A_370, %swap3A_371] : memref<2048x256xbf16, #tpu.memory_space<vmem>>, vector<128x256xbf16>
    tpu.vector_store %arg3[%swap3A_370, %swap3A_371], %convert_element_type3A_369 {strides = array<i32>} : memref<2048x256xbf16, #tpu.memory_space<vmem>>, vector<128x256xbf16>,
    %add3A_373 = arith.constant 1.152000e+03 : f32
    %add3A_374 = vector.broadcast %add3A_373 : f32 to vector<128x256xf32>
    %add3A_375 = arith.addf %convert_element_type3A_48, %add3A_374 : vector<128x256xf32>
    %jit3A_376 = arith.constant 0.000000e+00 : f32
    %broadcast_in_dim3A_377 = vector.broadcast %jit3A_376 : f32 to vector<128x256xf32>
    %select_n3A_378 = arith.select %eq3A_365, %add3A_375, %broadcast_in_dim3A_377 : vector<128x256xi1>, vector<128x256xf32>
    %reduce_sum3A_379 = arith.constant dense<0.000000e+00> : vector<256xf32>
    %reduce_sum3A_380 = vector.multi_reduction <add>, %select_n3A_378, %reduce_sum3A_379 [0] : vector<128x256xf32> to vector<256xf32>
    %broadcast_in_dim3A_381 = vector.shape_cast %reduce_sum3A_380 : vector<256xf32> to vector<1x256xf32>
    %add3A_382 = arith.addf %add3A_348, %broadcast_in_dim3A_381 : vector<1x256xf32>
    %jit3A_383 = arith.constant 0.000000e+00 : f32
    %broadcast_in_dim3A_384 = vector.broadcast %jit3A_383 : f32 to vector<128x256xf32>
    %select_n3A_385 = arith.select %eq3A_365, %broadcast_in_dim3A_361, %broadcast_in_dim3A_384 : vector<128x256xi1>, vector<128x256xf32>
    %reduce_sum3A_386 = arith.constant dense<0.000000e+00> : vector<256xf32>
    %reduce_sum3A_387 = vector.multi_reduction <add>, %select_n3A_385, %reduce_sum3A_386 [0] : vector<128x256xf32> to vector<256xf32>
    %broadcast_in_dim3A_388 = vector.shape_cast %reduce_sum3A_387 : vector<256xf32> to vector<1x256xf32>
    %add3A_389 = arith.addf %add3A_355, %broadcast_in_dim3A_388 : vector<1x256xf32>
    %slice3A_390 = vector.extract_strided_slice %mul3A_44 {offsets = [0, 10], sizes = [128, 1], strides = [1, 1]} : vector<128x16xf32> to vector<128x1xf32>
    %broadcast_in_dim3A_391 = vector.shape_cast %slice3A_390 : vector<128x1xf32> to vector<128x1xf32>
    %broadcast_in_dim3A_392 = vector.broadcast %broadcast_in_dim3A_391 : vector<128x1xf32> to vector<128x256xf32>
    %slice3A_393 = vector.extract_strided_slice %min3A_19 {offsets = [0, 10], sizes = [128, 1], strides = [1, 1]} : vector<128x16xf32> to vector<128x1xf32>
    %broadcast_in_dim3A_394 = vector.shape_cast %slice3A_393 : vector<128x1xf32> to vector<128x1xf32>
    %broadcast_in_dim3A_395 = vector.broadcast %broadcast_in_dim3A_394 : vector<128x1xf32> to vector<128x256xf32>
    %add3A_396 = arith.constant 1.000000e+00 : f32
    %add3A_397 = vector.broadcast %add3A_396 : f32 to vector<128x256xf32>
    %add3A_398 = arith.addf %convert_element_type3A_46, %add3A_397 : vector<128x256xf32>
    %eq3A_399 = arith.cmpf oeq, %broadcast_in_dim3A_392, %add3A_398 : vector<128x256xf32>
    %jit3A_400 = arith.constant 0.000000e+00 : f32
    %broadcast_in_dim3A_401 = vector.broadcast %jit3A_400 : f32 to vector<128x256xf32>
    %select_n3A_402 = arith.select %eq3A_399, %broadcast_in_dim3A_395, %broadcast_in_dim3A_401 : vector<128x256xi1>, vector<128x256xf32>
    %convert_element_type3A_403 = arith.truncf %select_n3A_402 : vector<128x256xf32> to vector<128x256xbf16>
    %swap3A_404 = arith.constant 1280 : index
    %swap3A_405 = arith.constant 0 : index
    %swap3A_406 = vector.load %arg3[%swap3A_404, %swap3A_405] : memref<2048x256xbf16, #tpu.memory_space<vmem>>, vector<128x256xbf16>
    tpu.vector_store %arg3[%swap3A_404, %swap3A_405], %convert_element_type3A_403 {strides = array<i32>} : memref<2048x256xbf16, #tpu.memory_space<vmem>>, vector<128x256xbf16>,
    %add3A_407 = arith.constant 1.280000e+03 : f32
    %add3A_408 = vector.broadcast %add3A_407 : f32 to vector<128x256xf32>
    %add3A_409 = arith.addf %convert_element_type3A_48, %add3A_408 : vector<128x256xf32>
    %jit3A_410 = arith.constant 0.000000e+00 : f32
    %broadcast_in_dim3A_411 = vector.broadcast %jit3A_410 : f32 to vector<128x256xf32>
    %select_n3A_412 = arith.select %eq3A_399, %add3A_409, %broadcast_in_dim3A_411 : vector<128x256xi1>, vector<128x256xf32>
    %reduce_sum3A_413 = arith.constant dense<0.000000e+00> : vector<256xf32>
    %reduce_sum3A_414 = vector.multi_reduction <add>, %select_n3A_412, %reduce_sum3A_413 [0] : vector<128x256xf32> to vector<256xf32>
    %broadcast_in_dim3A_415 = vector.shape_cast %reduce_sum3A_414 : vector<256xf32> to vector<1x256xf32>
    %add3A_416 = arith.addf %add3A_382, %broadcast_in_dim3A_415 : vector<1x256xf32>
    %jit3A_417 = arith.constant 0.000000e+00 : f32
    %broadcast_in_dim3A_418 = vector.broadcast %jit3A_417 : f32 to vector<128x256xf32>
    %select_n3A_419 = arith.select %eq3A_399, %broadcast_in_dim3A_395, %broadcast_in_dim3A_418 : vector<128x256xi1>, vector<128x256xf32>
    %reduce_sum3A_420 = arith.constant dense<0.000000e+00> : vector<256xf32>
    %reduce_sum3A_421 = vector.multi_reduction <add>, %select_n3A_419, %reduce_sum3A_420 [0] : vector<128x256xf32> to vector<256xf32>
    %broadcast_in_dim3A_422 = vector.shape_cast %reduce_sum3A_421 : vector<256xf32> to vector<1x256xf32>
    %add3A_423 = arith.addf %add3A_389, %broadcast_in_dim3A_422 : vector<1x256xf32>
    %slice3A_424 = vector.extract_strided_slice %mul3A_44 {offsets = [0, 11], sizes = [128, 1], strides = [1, 1]} : vector<128x16xf32> to vector<128x1xf32>
    %broadcast_in_dim3A_425 = vector.shape_cast %slice3A_424 : vector<128x1xf32> to vector<128x1xf32>
    %broadcast_in_dim3A_426 = vector.broadcast %broadcast_in_dim3A_425 : vector<128x1xf32> to vector<128x256xf32>
    %slice3A_427 = vector.extract_strided_slice %min3A_19 {offsets = [0, 11], sizes = [128, 1], strides = [1, 1]} : vector<128x16xf32> to vector<128x1xf32>
    %broadcast_in_dim3A_428 = vector.shape_cast %slice3A_427 : vector<128x1xf32> to vector<128x1xf32>
    %broadcast_in_dim3A_429 = vector.broadcast %broadcast_in_dim3A_428 : vector<128x1xf32> to vector<128x256xf32>
    %add3A_430 = arith.constant 1.000000e+00 : f32
    %add3A_431 = vector.broadcast %add3A_430 : f32 to vector<128x256xf32>
    %add3A_432 = arith.addf %convert_element_type3A_46, %add3A_431 : vector<128x256xf32>
    %eq3A_433 = arith.cmpf oeq, %broadcast_in_dim3A_426, %add3A_432 : vector<128x256xf32>
    %jit3A_434 = arith.constant 0.000000e+00 : f32
    %broadcast_in_dim3A_435 = vector.broadcast %jit3A_434 : f32 to vector<128x256xf32>
    %select_n3A_436 = arith.select %eq3A_433, %broadcast_in_dim3A_429, %broadcast_in_dim3A_435 : vector<128x256xi1>, vector<128x256xf32>
    %convert_element_type3A_437 = arith.truncf %select_n3A_436 : vector<128x256xf32> to vector<128x256xbf16>
    %swap3A_438 = arith.constant 1408 : index
    %swap3A_439 = arith.constant 0 : index
    %swap3A_440 = vector.load %arg3[%swap3A_438, %swap3A_439] : memref<2048x256xbf16, #tpu.memory_space<vmem>>, vector<128x256xbf16>
    tpu.vector_store %arg3[%swap3A_438, %swap3A_439], %convert_element_type3A_437 {strides = array<i32>} : memref<2048x256xbf16, #tpu.memory_space<vmem>>, vector<128x256xbf16>,
    %add3A_441 = arith.constant 1.408000e+03 : f32
    %add3A_442 = vector.broadcast %add3A_441 : f32 to vector<128x256xf32>
    %add3A_443 = arith.addf %convert_element_type3A_48, %add3A_442 : vector<128x256xf32>
    %jit3A_444 = arith.constant 0.000000e+00 : f32
    %broadcast_in_dim3A_445 = vector.broadcast %jit3A_444 : f32 to vector<128x256xf32>
    %select_n3A_446 = arith.select %eq3A_433, %add3A_443, %broadcast_in_dim3A_445 : vector<128x256xi1>, vector<128x256xf32>
    %reduce_sum3A_447 = arith.constant dense<0.000000e+00> : vector<256xf32>
    %reduce_sum3A_448 = vector.multi_reduction <add>, %select_n3A_446, %reduce_sum3A_447 [0] : vector<128x256xf32> to vector<256xf32>
    %broadcast_in_dim3A_449 = vector.shape_cast %reduce_sum3A_448 : vector<256xf32> to vector<1x256xf32>
    %add3A_450 = arith.addf %add3A_416, %broadcast_in_dim3A_449 : vector<1x256xf32>
    %jit3A_451 = arith.constant 0.000000e+00 : f32
    %broadcast_in_dim3A_452 = vector.broadcast %jit3A_451 : f32 to vector<128x256xf32>
    %select_n3A_453 = arith.select %eq3A_433, %broadcast_in_dim3A_429, %broadcast_in_dim3A_452 : vector<128x256xi1>, vector<128x256xf32>
    %reduce_sum3A_454 = arith.constant dense<0.000000e+00> : vector<256xf32>
    %reduce_sum3A_455 = vector.multi_reduction <add>, %select_n3A_453, %reduce_sum3A_454 [0] : vector<128x256xf32> to vector<256xf32>
    %broadcast_in_dim3A_456 = vector.shape_cast %reduce_sum3A_455 : vector<256xf32> to vector<1x256xf32>
    %add3A_457 = arith.addf %add3A_423, %broadcast_in_dim3A_456 : vector<1x256xf32>
    %slice3A_458 = vector.extract_strided_slice %mul3A_44 {offsets = [0, 12], sizes = [128, 1], strides = [1, 1]} : vector<128x16xf32> to vector<128x1xf32>
    %broadcast_in_dim3A_459 = vector.shape_cast %slice3A_458 : vector<128x1xf32> to vector<128x1xf32>
    %broadcast_in_dim3A_460 = vector.broadcast %broadcast_in_dim3A_459 : vector<128x1xf32> to vector<128x256xf32>
    %slice3A_461 = vector.extract_strided_slice %min3A_19 {offsets = [0, 12], sizes = [128, 1], strides = [1, 1]} : vector<128x16xf32> to vector<128x1xf32>
    %broadcast_in_dim3A_462 = vector.shape_cast %slice3A_461 : vector<128x1xf32> to vector<128x1xf32>
    %broadcast_in_dim3A_463 = vector.broadcast %broadcast_in_dim3A_462 : vector<128x1xf32> to vector<128x256xf32>
    %add3A_464 = arith.constant 1.000000e+00 : f32
    %add3A_465 = vector.broadcast %add3A_464 : f32 to vector<128x256xf32>
    %add3A_466 = arith.addf %convert_element_type3A_46, %add3A_465 : vector<128x256xf32>
    %eq3A_467 = arith.cmpf oeq, %broadcast_in_dim3A_460, %add3A_466 : vector<128x256xf32>
    %jit3A_468 = arith.constant 0.000000e+00 : f32
    %broadcast_in_dim3A_469 = vector.broadcast %jit3A_468 : f32 to vector<128x256xf32>
    %select_n3A_470 = arith.select %eq3A_467, %broadcast_in_dim3A_463, %broadcast_in_dim3A_469 : vector<128x256xi1>, vector<128x256xf32>
    %convert_element_type3A_471 = arith.truncf %select_n3A_470 : vector<128x256xf32> to vector<128x256xbf16>
    %swap3A_472 = arith.constant 1536 : index
    %swap3A_473 = arith.constant 0 : index
    %swap3A_474 = vector.load %arg3[%swap3A_472, %swap3A_473] : memref<2048x256xbf16, #tpu.memory_space<vmem>>, vector<128x256xbf16>
    tpu.vector_store %arg3[%swap3A_472, %swap3A_473], %convert_element_type3A_471 {strides = array<i32>} : memref<2048x256xbf16, #tpu.memory_space<vmem>>, vector<128x256xbf16>,
    %add3A_475 = arith.constant 1.536000e+03 : f32
    %add3A_476 = vector.broadcast %add3A_475 : f32 to vector<128x256xf32>
    %add3A_477 = arith.addf %convert_element_type3A_48, %add3A_476 : vector<128x256xf32>
    %jit3A_478 = arith.constant 0.000000e+00 : f32
    %broadcast_in_dim3A_479 = vector.broadcast %jit3A_478 : f32 to vector<128x256xf32>
    %select_n3A_480 = arith.select %eq3A_467, %add3A_477, %broadcast_in_dim3A_479 : vector<128x256xi1>, vector<128x256xf32>
    %reduce_sum3A_481 = arith.constant dense<0.000000e+00> : vector<256xf32>
    %reduce_sum3A_482 = vector.multi_reduction <add>, %select_n3A_480, %reduce_sum3A_481 [0] : vector<128x256xf32> to vector<256xf32>
    %broadcast_in_dim3A_483 = vector.shape_cast %reduce_sum3A_482 : vector<256xf32> to vector<1x256xf32>
    %add3A_484 = arith.addf %add3A_450, %broadcast_in_dim3A_483 : vector<1x256xf32>
    %jit3A_485 = arith.constant 0.000000e+00 : f32
    %broadcast_in_dim3A_486 = vector.broadcast %jit3A_485 : f32 to vector<128x256xf32>
    %select_n3A_487 = arith.select %eq3A_467, %broadcast_in_dim3A_463, %broadcast_in_dim3A_486 : vector<128x256xi1>, vector<128x256xf32>
    %reduce_sum3A_488 = arith.constant dense<0.000000e+00> : vector<256xf32>
    %reduce_sum3A_489 = vector.multi_reduction <add>, %select_n3A_487, %reduce_sum3A_488 [0] : vector<128x256xf32> to vector<256xf32>
    %broadcast_in_dim3A_490 = vector.shape_cast %reduce_sum3A_489 : vector<256xf32> to vector<1x256xf32>
    %add3A_491 = arith.addf %add3A_457, %broadcast_in_dim3A_490 : vector<1x256xf32>
    %slice3A_492 = vector.extract_strided_slice %mul3A_44 {offsets = [0, 13], sizes = [128, 1], strides = [1, 1]} : vector<128x16xf32> to vector<128x1xf32>
    %broadcast_in_dim3A_493 = vector.shape_cast %slice3A_492 : vector<128x1xf32> to vector<128x1xf32>
    %broadcast_in_dim3A_494 = vector.broadcast %broadcast_in_dim3A_493 : vector<128x1xf32> to vector<128x256xf32>
    %slice3A_495 = vector.extract_strided_slice %min3A_19 {offsets = [0, 13], sizes = [128, 1], strides = [1, 1]} : vector<128x16xf32> to vector<128x1xf32>
    %broadcast_in_dim3A_496 = vector.shape_cast %slice3A_495 : vector<128x1xf32> to vector<128x1xf32>
    %broadcast_in_dim3A_497 = vector.broadcast %broadcast_in_dim3A_496 : vector<128x1xf32> to vector<128x256xf32>
    %add3A_498 = arith.constant 1.000000e+00 : f32
    %add3A_499 = vector.broadcast %add3A_498 : f32 to vector<128x256xf32>
    %add3A_500 = arith.addf %convert_element_type3A_46, %add3A_499 : vector<128x256xf32>
    %eq3A_501 = arith.cmpf oeq, %broadcast_in_dim3A_494, %add3A_500 : vector<128x256xf32>
    %jit3A_502 = arith.constant 0.000000e+00 : f32
    %broadcast_in_dim3A_503 = vector.broadcast %jit3A_502 : f32 to vector<128x256xf32>
    %select_n3A_504 = arith.select %eq3A_501, %broadcast_in_dim3A_497, %broadcast_in_dim3A_503 : vector<128x256xi1>, vector<128x256xf32>
    %convert_element_type3A_505 = arith.truncf %select_n3A_504 : vector<128x256xf32> to vector<128x256xbf16>
    %swap3A_506 = arith.constant 1664 : index
    %swap3A_507 = arith.constant 0 : index
    %swap3A_508 = vector.load %arg3[%swap3A_506, %swap3A_507] : memref<2048x256xbf16, #tpu.memory_space<vmem>>, vector<128x256xbf16>
    tpu.vector_store %arg3[%swap3A_506, %swap3A_507], %convert_element_type3A_505 {strides = array<i32>} : memref<2048x256xbf16, #tpu.memory_space<vmem>>, vector<128x256xbf16>,
    %add3A_509 = arith.constant 1.664000e+03 : f32
    %add3A_510 = vector.broadcast %add3A_509 : f32 to vector<128x256xf32>
    %add3A_511 = arith.addf %convert_element_type3A_48, %add3A_510 : vector<128x256xf32>
    %jit3A_512 = arith.constant 0.000000e+00 : f32
    %broadcast_in_dim3A_513 = vector.broadcast %jit3A_512 : f32 to vector<128x256xf32>
    %select_n3A_514 = arith.select %eq3A_501, %add3A_511, %broadcast_in_dim3A_513 : vector<128x256xi1>, vector<128x256xf32>
    %reduce_sum3A_515 = arith.constant dense<0.000000e+00> : vector<256xf32>
    %reduce_sum3A_516 = vector.multi_reduction <add>, %select_n3A_514, %reduce_sum3A_515 [0] : vector<128x256xf32> to vector<256xf32>
    %broadcast_in_dim3A_517 = vector.shape_cast %reduce_sum3A_516 : vector<256xf32> to vector<1x256xf32>
    %add3A_518 = arith.addf %add3A_484, %broadcast_in_dim3A_517 : vector<1x256xf32>
    %jit3A_519 = arith.constant 0.000000e+00 : f32
    %broadcast_in_dim3A_520 = vector.broadcast %jit3A_519 : f32 to vector<128x256xf32>
    %select_n3A_521 = arith.select %eq3A_501, %broadcast_in_dim3A_497, %broadcast_in_dim3A_520 : vector<128x256xi1>, vector<128x256xf32>
    %reduce_sum3A_522 = arith.constant dense<0.000000e+00> : vector<256xf32>
    %reduce_sum3A_523 = vector.multi_reduction <add>, %select_n3A_521, %reduce_sum3A_522 [0] : vector<128x256xf32> to vector<256xf32>
    %broadcast_in_dim3A_524 = vector.shape_cast %reduce_sum3A_523 : vector<256xf32> to vector<1x256xf32>
    %add3A_525 = arith.addf %add3A_491, %broadcast_in_dim3A_524 : vector<1x256xf32>
    %slice3A_526 = vector.extract_strided_slice %mul3A_44 {offsets = [0, 14], sizes = [128, 1], strides = [1, 1]} : vector<128x16xf32> to vector<128x1xf32>
    %broadcast_in_dim3A_527 = vector.shape_cast %slice3A_526 : vector<128x1xf32> to vector<128x1xf32>
    %broadcast_in_dim3A_528 = vector.broadcast %broadcast_in_dim3A_527 : vector<128x1xf32> to vector<128x256xf32>
    %slice3A_529 = vector.extract_strided_slice %min3A_19 {offsets = [0, 14], sizes = [128, 1], strides = [1, 1]} : vector<128x16xf32> to vector<128x1xf32>
    %broadcast_in_dim3A_530 = vector.shape_cast %slice3A_529 : vector<128x1xf32> to vector<128x1xf32>
    %broadcast_in_dim3A_531 = vector.broadcast %broadcast_in_dim3A_530 : vector<128x1xf32> to vector<128x256xf32>
    %add3A_532 = arith.constant 1.000000e+00 : f32
    %add3A_533 = vector.broadcast %add3A_532 : f32 to vector<128x256xf32>
    %add3A_534 = arith.addf %convert_element_type3A_46, %add3A_533 : vector<128x256xf32>
    %eq3A_535 = arith.cmpf oeq, %broadcast_in_dim3A_528, %add3A_534 : vector<128x256xf32>
    %jit3A_536 = arith.constant 0.000000e+00 : f32
    %broadcast_in_dim3A_537 = vector.broadcast %jit3A_536 : f32 to vector<128x256xf32>
    %select_n3A_538 = arith.select %eq3A_535, %broadcast_in_dim3A_531, %broadcast_in_dim3A_537 : vector<128x256xi1>, vector<128x256xf32>
    %convert_element_type3A_539 = arith.truncf %select_n3A_538 : vector<128x256xf32> to vector<128x256xbf16>
    %swap3A_540 = arith.constant 1792 : index
    %swap3A_541 = arith.constant 0 : index
    %swap3A_542 = vector.load %arg3[%swap3A_540, %swap3A_541] : memref<2048x256xbf16, #tpu.memory_space<vmem>>, vector<128x256xbf16>
    tpu.vector_store %arg3[%swap3A_540, %swap3A_541], %convert_element_type3A_539 {strides = array<i32>} : memref<2048x256xbf16, #tpu.memory_space<vmem>>, vector<128x256xbf16>,
    %add3A_543 = arith.constant 1.792000e+03 : f32
    %add3A_544 = vector.broadcast %add3A_543 : f32 to vector<128x256xf32>
    %add3A_545 = arith.addf %convert_element_type3A_48, %add3A_544 : vector<128x256xf32>
    %jit3A_546 = arith.constant 0.000000e+00 : f32
    %broadcast_in_dim3A_547 = vector.broadcast %jit3A_546 : f32 to vector<128x256xf32>
    %select_n3A_548 = arith.select %eq3A_535, %add3A_545, %broadcast_in_dim3A_547 : vector<128x256xi1>, vector<128x256xf32>
    %reduce_sum3A_549 = arith.constant dense<0.000000e+00> : vector<256xf32>
    %reduce_sum3A_550 = vector.multi_reduction <add>, %select_n3A_548, %reduce_sum3A_549 [0] : vector<128x256xf32> to vector<256xf32>
    %broadcast_in_dim3A_551 = vector.shape_cast %reduce_sum3A_550 : vector<256xf32> to vector<1x256xf32>
    %add3A_552 = arith.addf %add3A_518, %broadcast_in_dim3A_551 : vector<1x256xf32>
    %jit3A_553 = arith.constant 0.000000e+00 : f32
    %broadcast_in_dim3A_554 = vector.broadcast %jit3A_553 : f32 to vector<128x256xf32>
    %select_n3A_555 = arith.select %eq3A_535, %broadcast_in_dim3A_531, %broadcast_in_dim3A_554 : vector<128x256xi1>, vector<128x256xf32>
    %reduce_sum3A_556 = arith.constant dense<0.000000e+00> : vector<256xf32>
    %reduce_sum3A_557 = vector.multi_reduction <add>, %select_n3A_555, %reduce_sum3A_556 [0] : vector<128x256xf32> to vector<256xf32>
    %broadcast_in_dim3A_558 = vector.shape_cast %reduce_sum3A_557 : vector<256xf32> to vector<1x256xf32>
    %add3A_559 = arith.addf %add3A_525, %broadcast_in_dim3A_558 : vector<1x256xf32>
    %slice3A_560 = vector.extract_strided_slice %mul3A_44 {offsets = [0, 15], sizes = [128, 1], strides = [1, 1]} : vector<128x16xf32> to vector<128x1xf32>
    %broadcast_in_dim3A_561 = vector.shape_cast %slice3A_560 : vector<128x1xf32> to vector<128x1xf32>
    %broadcast_in_dim3A_562 = vector.broadcast %broadcast_in_dim3A_561 : vector<128x1xf32> to vector<128x256xf32>
    %slice3A_563 = vector.extract_strided_slice %min3A_19 {offsets = [0, 15], sizes = [128, 1], strides = [1, 1]} : vector<128x16xf32> to vector<128x1xf32>
    %broadcast_in_dim3A_564 = vector.shape_cast %slice3A_563 : vector<128x1xf32> to vector<128x1xf32>
    %broadcast_in_dim3A_565 = vector.broadcast %broadcast_in_dim3A_564 : vector<128x1xf32> to vector<128x256xf32>
    %add3A_566 = arith.constant 1.000000e+00 : f32
    %add3A_567 = vector.broadcast %add3A_566 : f32 to vector<128x256xf32>
    %add3A_568 = arith.addf %convert_element_type3A_46, %add3A_567 : vector<128x256xf32>
    %eq3A_569 = arith.cmpf oeq, %broadcast_in_dim3A_562, %add3A_568 : vector<128x256xf32>
    %jit3A_570 = arith.constant 0.000000e+00 : f32
    %broadcast_in_dim3A_571 = vector.broadcast %jit3A_570 : f32 to vector<128x256xf32>
    %select_n3A_572 = arith.select %eq3A_569, %broadcast_in_dim3A_565, %broadcast_in_dim3A_571 : vector<128x256xi1>, vector<128x256xf32>
    %convert_element_type3A_573 = arith.truncf %select_n3A_572 : vector<128x256xf32> to vector<128x256xbf16>
    %swap3A_574 = arith.constant 1920 : index
    %swap3A_575 = arith.constant 0 : index
    %swap3A_576 = vector.load %arg3[%swap3A_574, %swap3A_575] : memref<2048x256xbf16, #tpu.memory_space<vmem>>, vector<128x256xbf16>
    tpu.vector_store %arg3[%swap3A_574, %swap3A_575], %convert_element_type3A_573 {strides = array<i32>} : memref<2048x256xbf16, #tpu.memory_space<vmem>>, vector<128x256xbf16>,
    %add3A_577 = arith.constant 1.920000e+03 : f32
    %add3A_578 = vector.broadcast %add3A_577 : f32 to vector<128x256xf32>
    %add3A_579 = arith.addf %convert_element_type3A_48, %add3A_578 : vector<128x256xf32>
    %jit3A_580 = arith.constant 0.000000e+00 : f32
    %broadcast_in_dim3A_581 = vector.broadcast %jit3A_580 : f32 to vector<128x256xf32>
    %select_n3A_582 = arith.select %eq3A_569, %add3A_579, %broadcast_in_dim3A_581 : vector<128x256xi1>, vector<128x256xf32>
    %reduce_sum3A_583 = arith.constant dense<0.000000e+00> : vector<256xf32>
    %reduce_sum3A_584 = vector.multi_reduction <add>, %select_n3A_582, %reduce_sum3A_583 [0] : vector<128x256xf32> to vector<256xf32>
    %broadcast_in_dim3A_585 = vector.shape_cast %reduce_sum3A_584 : vector<256xf32> to vector<1x256xf32>
    %add3A_586 = arith.addf %add3A_552, %broadcast_in_dim3A_585 : vector<1x256xf32>
    %jit3A_587 = arith.constant 0.000000e+00 : f32
    %broadcast_in_dim3A_588 = vector.broadcast %jit3A_587 : f32 to vector<128x256xf32>
    %select_n3A_589 = arith.select %eq3A_569, %broadcast_in_dim3A_565, %broadcast_in_dim3A_588 : vector<128x256xi1>, vector<128x256xf32>
    %reduce_sum3A_590 = arith.constant dense<0.000000e+00> : vector<256xf32>
    %reduce_sum3A_591 = vector.multi_reduction <add>, %select_n3A_589, %reduce_sum3A_590 [0] : vector<128x256xf32> to vector<256xf32>
    %broadcast_in_dim3A_592 = vector.shape_cast %reduce_sum3A_591 : vector<256xf32> to vector<1x256xf32>
    %add3A_593 = arith.addf %add3A_559, %broadcast_in_dim3A_592 : vector<1x256xf32>
    %convert_element_type3A_594 = arith.fptosi %add3A_586 : vector<1x256xf32> to vector<1x256xi32>
    %swap3A_595 = arith.constant 0 : index
    %swap3A_596 = arith.constant 0 : index
    %swap3A_597 = vector.load %arg4[%swap3A_595, %swap3A_596] : memref<1x256xi32, #tpu.memory_space<vmem>>, vector<1x256xi32>
    tpu.vector_store %arg4[%swap3A_595, %swap3A_596], %convert_element_type3A_594 {strides = array<i32>} : memref<1x256xi32, #tpu.memory_space<vmem>>, vector<1x256xi32>,
    %swap3A_598 = arith.constant 0 : index
    %swap3A_599 = arith.constant 0 : index
    %swap3A_600 = vector.load %arg5[%swap3A_598, %swap3A_599] : memref<1x256xf32, #tpu.memory_space<vmem>>, vector<1x256xf32>
    tpu.vector_store %arg5[%swap3A_598, %swap3A_599], %add3A_593 {strides = array<i32>} : memref<1x256xf32, #tpu.memory_space<vmem>>, vector<1x256xf32>,
    return
  }
}

</mosaic_0001>

<sc_bundles>
// kernel: kernel.4.cloned.1.call-start
scs
__scs_entry_jumppad:
0x0: {  	(pc) =	sbr.rel $0x88, $3  }
0x1: {  	(tag) =	ssettag $0x0;
	lr =	simm.s32 $0x1  }
0x2: {  	[smem:$0x3F9D] =	sst lr;
	_ =	strace $0xD0000000  }
0x3: {  	_ = 	snop  }
0x4: {  	_ = 	snop  }
0x5: {  	_ = 	snop  }
0x6: {  	_ = 	snop  }
0x7: {  	_ = 	snop  }
__scs_overlays_trampoline_lowered:
0x8: {  	[smem:$0x3FAC] =	sst s0  }
0x9: {  	[smem:$0x3FAD] =	sst s1  }
0xa: {  	[smem:$0x3FAE] =	sst s2  }
0xb: {  	[smem:$0x3FAF] =	sst s3  }
0xc: {  	[smem:$0x3FB0] =	sst s4  }
0xd: {  	[smem:$0x3FB1] =	sst s5  }
0xe: {  	[smem:$0x3FB2] =	sst s6  }
0xf: {  	[smem:$0x3FB3] =	sst s7  }
0x10: {  	[smem:$0x3FB4] =	sst s8  }
0x11: {  	[smem:$0x3FB5] =	sst s9;
	s0 =	simm.s32 @!p0 $0x0  }
0x12: {  	s1 =	sld [smem:$0x3F9B];
	s0 =	simm.s32 @p0 $0x1  }
0x13: {  	[smem:$0x3FB6] =	sst s0;
	s0 =	simm.s32 @!p1 $0x0  }
0x14: {  	s2 =	sld [smem:$0x3F9A];
	s0 =	simm.s32 @p1 $0x1  }
0x15: {  	[smem:$0x3FB7] =	sst s0;
	s0 =	simm.s32 @!p2 $0x0  }
0x16: {  	s3 =	sld [smem:$0x3FDB];
	s0 =	simm.s32 @p2 $0x1  }
0x17: {  	s4 =	simm.s32 $0x1BF5;
	[smem:$0x3FB9] =	sst s0  }
0x18: {  	s0 =	sld [smem:$0x3F9C];
	_ =	swait.ge [sflag:s4], $0x0  }
0x19: {  	s7 =	sld [smem:$0x3F9D]  }
0x1a: {  	s8 =	sadd.s32 $0xFFFFE003, lr  }
0x1b: {  	s9 =	sadd.s32 $0xFFFFFEF7, lr;
	s5 =	simm.s32 $0xFFFFFFFF;
	p2 =	slt.u32 s8, $0xFFFFF086  }
0x1c: {  	p1 =	slt.u32 s9, $0xF7A;
	s5 =	simm.s32 @!p2 $0x0  }
0x1d: {  	s5 =	simm.s32 @p1 $0x1;
	p0 =	seq.s32 s7, s2  }
0x1e: {  	s7 =	smul.u32 @!p0 $0xF7A, s2;
	p2 =	seq.s32 @!p0 s5, $0x0  }
0x1f: {  	s9 =	smul.u32 $0xF7A, s1;
	s8 =	simm.s32 @!p0 $0x1BF5;
	p2 =	por !p2, p0  }
0x20: {  	[sflag:s8] =	ssyncset.s32 @!p0 $0xFFFFF086;
	s6 =	sadd.s32 @!p0 s3, s7;
	s7 =	simm.s32 @!p0 $0x108  }
0x21: {  	s3 =	sadd.s32 s3, s9;
	s6 =	sadd.s32 @!p0 $0x88, s6;
	s7 =	simm.s32 @p2 $0x1082  }
0x22: {  	[simem:s7], [sflag:s8] =	dma.local @!p0 [hbm:s6], $0xF7A  }
0x23: {  	s9 =	sor.u32 $0xD0000000, s2;
	s6 =	simm.s32 $0x108;
	_ =	swait.ge @!p0 [sflag:s8], $0x0  }
0x24: {  	s3 =	sadd.s32 $0x88, s3;
	s6 =	simm.s32 @!p1 $0x1082;
	[sflag:s4] =	ssyncset.s32 $0xFFFFF086  }
0x25: {  	[simem:s6], [sflag:s4] =	dma.local [hbm:s3], $0xF7A  }
0x26: {  	[smem:$0x3F9D] =	sst s1;
	(tag) =	ssettag s2;
	_ =	strace s9  }
0x27: {  	s1 =	sld [smem:$0x3FAD]  }
0x28: {  	s2 =	sld [smem:$0x3FAE]  }
0x29: {  	s4 =	sld [smem:$0x3FB0]  }
0x2a: {  	p0 =	seq.s32 s5, $0x0;
	s5 =	sld [smem:$0x3FB1]  }
0x2b: {  	s6 =	sld [smem:$0x3FB2]  }
0x2c: {  	s7 =	sld [smem:$0x3FB3]  }
0x2d: {  	s3 =	simm.s32 $0x108;
	s8 =	sld [smem:$0x3FB4]  }
0x2e: {  	s3 =	simm.s32 @!p0 $0x1082;
	s9 =	sld [smem:$0x3FB5]  }
0x2f: {  	lr =	sadd.s32 s0, s3;
	s0 =	sld [smem:$0x3FAC]  }
0x30: {  	s3 =	sld [smem:$0x3FAF]  }
0x31: {  	[smem:$0x3FB8] =	sst s10  }
0x32: {  	s10 =	sld [smem:$0x3FB6];
	_ =	sdelay $0x3  }
0x33: {  	p0 =	seq.s32 s10, $0x1;
	s10 =	sld [smem:$0x3FB8];
	_ =	sdelay $0x3  }
0x34: {  	[smem:$0x3FB8] =	sst s10  }
0x35: {  	s10 =	sld [smem:$0x3FB7];
	_ =	sdelay $0x3  }
0x36: {  	p1 =	seq.s32 s10, $0x1;
	s10 =	sld [smem:$0x3FB8];
	_ =	sdelay $0x3  }
0x37: {  	[smem:$0x3FB8] =	sst s10  }
0x38: {  	s10 =	sld [smem:$0x3FB9]  }
0x39: {  	_ = 	snop;
	(pc) =	sbr.ind lr, $3  }
0x3a: {  	_ = 	snop  }
0x3b: {  	_ = 	snop  }
0x3c: {  	p2 =	seq.s32 s10, $0x1;
	s10 =	sld [smem:$0x3FB8]  }
0x3d: {  	_ =	shalt  }
0x3e: {  	_ =	shalt  }
0x3f: {  	_ =	shalt  }
0x40: {  	_ =	shalt  }
0x41: {  	_ =	shalt  }
0x42: {  	_ =	shalt  }
0x43: {  	_ =	shalt  }
0x44: {  	_ =	shalt  }
0x45: {  	_ =	shalt  }
0x46: {  	_ =	shalt  }
0x47: {  	_ =	shalt  }
0x48: {  	_ =	shalt  }
0x49: {  	_ =	shalt  }
0x4a: {  	_ =	shalt  }
0x4b: {  	_ =	shalt  }
0x4c: {  	_ =	shalt  }
0x4d: {  	_ =	shalt  }
0x4e: {  	_ =	shalt  }
0x4f: {  	_ =	shalt  }
0x50: {  	_ =	shalt  }
0x51: {  	_ =	shalt  }
0x52: {  	_ =	shalt  }
0x53: {  	_ =	shalt  }
0x54: {  	_ =	shalt  }
0x55: {  	_ =	shalt  }
0x56: {  	_ =	shalt  }
0x57: {  	_ =	shalt  }
0x58: {  	_ =	shalt  }
0x59: {  	_ =	shalt  }
0x5a: {  	_ =	shalt  }
0x5b: {  	_ =	shalt  }
0x5c: {  	_ =	shalt  }
0x5d: {  	_ =	shalt  }
0x5e: {  	_ =	shalt  }
0x5f: {  	_ =	shalt  }
0x60: {  	_ =	shalt  }
0x61: {  	_ =	shalt  }
0x62: {  	_ =	shalt  }
0x63: {  	_ =	shalt  }
0x64: {  	_ =	shalt  }
0x65: {  	_ =	shalt  }
0x66: {  	_ =	shalt  }
0x67: {  	_ =	shalt  }
0x68: {  	_ =	shalt  }
0x69: {  	_ =	shalt  }
0x6a: {  	_ =	shalt  }
0x6b: {  	_ =	shalt  }
0x6c: {  	_ =	shalt  }
0x6d: {  	_ =	shalt  }
0x6e: {  	_ =	shalt  }
0x6f: {  	_ =	shalt  }
0x70: {  	_ =	shalt  }
0x71: {  	_ =	shalt  }
0x72: {  	_ =	shalt  }
0x73: {  	_ =	shalt  }
0x74: {  	_ =	shalt  }
0x75: {  	_ =	shalt  }
0x76: {  	_ =	shalt  }
0x77: {  	_ =	shalt  }
0x78: {  	_ =	shalt  }
0x79: {  	_ =	shalt  }
0x7a: {  	_ =	shalt  }
0x7b: {  	_ =	shalt  }
0x7c: {  	_ =	shalt  }
0x7d: {  	_ =	shalt  }
0x7e: {  	_ =	shalt  }
0x7f: {  	_ =	shalt  }
0x80: {  	_ =	shalt  }
0x81: {  	_ =	shalt  }
0x82: {  	_ =	shalt  }
0x83: {  	_ =	shalt  }
0x84: {  	_ =	shalt  }
0x85: {  	_ =	shalt  }
0x86: {  	_ =	shalt  }
0x87: {  	_ =	shalt  }
.Lfunc_end0:
.L_simem_size_0:
called_computation_lowered:
.L_overlay_start_0:
0x88: {  	s2 =	sld [smem:$0x3FD9]  }
0x89: {  	s3 =	sld [smem:$0x3FFE];
	_ =	sdelay $0x1  }
0x8a: {  	s1 =	srdreg.scid  }
0x8b: {  	s0 =	sand.u32 $0x1, s1  }
0x8c: {  	s17 =	sshll.u32 s0, $0xA;
	s2 =	sadd.s32 s3, s2  }
0x8d: {  	s2 =	sadd.s32 s2, s17  }
0x8e: {  	[smem:$0x3FC4] =	sst s2  }
0x8f: {  	_ = 	snop  }
0x90: {  	s2 =	sld [smem:$0x3FC9]  }
0x91: {  	s18 =	sld [smem:$0x3FD0];
	(tm) =	ssettm $0x1  }
0x92: {  	s4 =	sld [smem:$0x3FFB];
	_ =	sdelay $0x3  }
0x93: {  	_ =	strace s4  }
0x94: {  	s4 =	sld [smem:$0x3FFC];
	_ =	sdelay $0x3  }
0x95: {  	_ =	strace s4  }
0x96: {  	s4 =	sld [smem:$0x3FFD];
	_ =	sdelay $0x3  }
0x97: {  	_ =	strace s4  }
0x98: {  	_ =	strace $0x8FFFFFFF  }
0x99: {  	s19 =	sld [smem:$0x3FDB];
	_ =	sdelay $0x1  }
0x9a: {  	s5 =	simm.s32 $_scs_section_size  }
0x9b: {  	s6 =	simm.s32 $_size__tile_overlayer_lowered;
	s7 =	simm.s32 $_tile_overlayer_lowered  }
0x9c: {  	s22 =	simm.s32 $0x1BFF;
	s21 =	sshll.u32 s7, $0x1;
	s4 =	sadd.s32 s5, s19  }
0x9d: {  	s8 =	simm.s32 $0x0;
	s20 =	sshll.u32 s6, $0x1;
	s6 =	sadd.s32 s21, s4  }
0x9e: {  	[timem:s8], [sflag:s22] =	dma.local [hbm:s6], s20  }
0x9f: {  	_ =	swait.ge [sflag:s22], s20  }
0xa0: {  	s5 =	ssub.s32 $0x0, s20;
	[sflag:s22] =	ssyncset.done $0x0  }
0xa1: {  	[sflag:s22] =	ssyncadd.s32 s5;
	_ =	sdelay $0x1  }
0xa2: {  	s23 =	simm.s32 $0x1B8B  }
0xa3: {  	_ =	swait.ge [sflag:s23], $0x1  }
0xa4: {  	[sflag:s23] =	ssyncset.done $0x0  }
0xa5: {  	s25 =	simm.s32 $0x1B8E;
	s24 =	sld [smem:$0x3FFE];
	[sflag:s23] =	ssyncadd.s32 $0xFFFFFFFF  }
0xa6: {  	s26 =	simm.s32 $execute0_lowered;
	[smem:$0x3FD2] =	sst s25  }
0xa7: {  	s6 =	sshll.u32 s26, $0x1;
	_ =	strace $0x80000046;
	[dreg:$0x1] =	wrdreg $0xFFFFFFFF  }
0xa8: {  	s28 =	simm.s32 $_size_execute0_lowered;
	s4 =	sadd.s32 s4, s6;
	[dreg:$0x0] =	wrdreg $0x0  }
0xa9: {  	s6 =	sshll.u32 s28, $0x1;
	[dreg:$0x2] =	wrdreg s4  }
0xaa: {  	[dreg:$0x3] =	wrdreg s6  }
0xab: {  	[dreg:$0x4] =	wrdreg $0xC0  }
0xac: {  	_ =	task [dreg:s8], $0x5FFFF  }
0xad: {  	[dreg:$0x1] =	wrdreg $0xFFFFFFFF  }
0xae: {  	[dreg:$0x0] =	wrdreg $0x60  }
0xaf: {  	[dreg:$0x2] =	wrdreg s2  }
0xb0: {  	[dreg:$0x3] =	wrdreg s24  }
0xb1: {  	[dreg:$0x4] =	wrdreg s18  }
0xb2: {  	[dreg:$0x5] =	wrdreg $0x9  }
0xb3: {  	_ =	task.clear_ibuf [dreg:s8], $0x6FFFF;
	_ =	strace $0x90000046  }
0xb4: {  	s29 =	simm.s32 $0x9;
	_ =	strace $0x80000048  }
0xb5: {  	_ =	swait.ge [sflag:s29], $0x1  }
0xb6: {  	[sflag:s29] =	ssyncadd.s32 $0xFFFFFFFF  }
0xb7: {  	_ =	strace $0x90000048  }
0xb8: {  	_ =	sfence  }
0xb9: {  	s30 =	sld [smem:$0x0];
	_ =	sdelay $0x2  }
0xba: {  	s31 =	sshll.u32 s1, $0xD;
	s1 =	sshrl.u32 s1, $0x2  }
0xbb: {  	s3 =	sand.u32 $0x4000, s31;
	s1 =	sadd.s32 s1, s30  }
0xbc: {  	s0 =	sor.u32 s3, s0;
	s1 =	sshll.u32 s1, $0x11  }
0xbd: {  	s0 =	sor.u32 s1, s0  }
0xbe: {  	s0 =	sadd.s32 $0x8F2B, s0  }
0xbf: {  	[sflag:s0] =	ssyncadd.remote.s32 $0x1  }
0xc0: {  	_ =	sfence.sel $0xFFFF  }
0xc1: {  	[dreg:$0x0] =	wrdreg $0xFFFFFFFF;
	(pc) =	sbr.abs _section_cstart, $3  }
0xc2: {  	[dreg:$0x1] =	wrdreg $0xFFFFFFFF  }
0xc3: {  	_ =	task.clear_ibuf [dreg:s8], $0x2FFFF;
	_ =	strace $0x9FFFFFFF  }
0xc4: {  	(tm) =	ssettm $0x7FFFFFFF  }
0xc5: {  	_ =	shalt  }
tec
execute0_lowered:
.L_overlay_start_1:
0x0: {  	(tag) =	ssettag $0x1  }
0x1: {  	s6 =	rddreg [dreg:$0x0]  }
0x2: {  	s4 =	rddreg [dreg:$0x1]  }
0x3: {  	s7 =	rddreg [dreg:$0x2]  }
0x4: {  	s0 =	rddreg [dreg:$0x3];
	s1 =	simm.s32 $0x0;
	s2 =	srdreg.scid  }
0x5: {  	s13 =	simm.s32 $0x4;
	s14 =	simm.s32 $0x0;
	[smem:$0x7FF] =	sst s1  }
0x6: {  	s8 =	sand.u32 $0x1, s2;
	s3 =	sadd.s32 $0xA00, s4;
	s2 =	stileid.u32  }
0x7: {  	s4 =	sadd.s32 $0xC00, s4;
	_ =	strace $0x80000047;
	s5 =	ssub.s32 $0x2, s8  }
0x8: {  	s10 =	sshll.u32 s2, $0x11;
	s11 =	sshll.u32 s8, $0x10;
	s12 =	sshll.u32 s2, $0xE  }
0x9: {  	s8 =	sshll.u32 s8, $0xD;
	s9 =	sshrl.u32 s5, $0x1;
	s31 =	sor.u32 s11, s10  }
0xa: {  	s7 =	sadd.s32 s12, s7;
	s12 =	simm.s32 $0x3;
	s9 =	ssub.s32 s5, s9  }
0xb: {  	s5 =	sadd.s32 s6, s31;
	s6 =	sadd.s32 s10, s6;
	s7 =	sadd.s32 s8, s7  }
0xc: {  	s10 =	sadd.s32 s11, s6;
	s6 =	smax.u32 s9, $0x1;
	s9 =	simm.s32 $0x5  }
0xd: {  	s11 =	simm.s32 $0x200;
	s8 =	sadd.s32 $0x1000, s10;
	s10 =	simm.s32 $0x100  }
.LBB2_1:
0xe: {  	[tilespmem:s1], [sflag:$0x5] =	stream.linear.gather [hbm4b:s3+s1], $0x100, $0x38;
	[tilespmem:$0x12200] =	vst v63  }
0xf: {  	_ =	swait.ge [sflag:s9], $0x100  }
0x10: {  	[sflag:s9] =	ssyncset.done $0x0  }
0x11: {  	[sflag:s9] =	ssyncadd.s32 $0xFFFFFF00  }
0x12: {  	[tilespmem:s10], [sflag:$0x5] =	stream.linear.gather [hbm4b:s4+s1], $0x100, $0x38;
	[tilespmem:$0x12200] =	vst v63  }
0x13: {  	_ =	swait.ge [sflag:s9], $0x100  }
0x14: {  	[sflag:s9] =	ssyncset.done $0x0  }
0x15: {  	[sflag:s9] =	ssyncadd.s32 $0xFFFFFF00  }
0x16: {  	v0 =	vld [tilespmem:$0x0]  }
0x17: {  	v1 =	vld [tilespmem:$0x10]  }
0x18: {  	v2 =	vld [tilespmem:$0x20]  }
0x19: {  	v3 =	vld [tilespmem:$0x30]  }
0x1a: {  	v4 =	vld [tilespmem:$0x40]  }
0x1b: {  	v5 =	vld [tilespmem:$0x50];
	v8 =	vand.u32 $0x7F, v0  }
0x1c: {  	v7 =	vld [tilespmem:$0x60];
	v9 =	vand.u32 $0x7F, v1;
	[tilespmem:$0x1FDE0] =	vst v8  }
0x1d: {  	v53 =	vld [tilespmem:$0x70];
	v10 =	vand.u32 $0x7F, v2;
	[tilespmem:$0x1FE10] =	vst v9  }
0x1e: {  	v55 =	vld [tilespmem:$0x80];
	v11 =	vand.u32 $0x7F, v3;
	[tilespmem:$0x1FE30] =	vst v10  }
0x1f: {  	v57 =	vld [tilespmem:$0x90];
	v12 =	vand.u32 $0x7F, v4;
	[tilespmem:$0x1FE50] =	vst v11  }
0x20: {  	v59 =	vld [tilespmem:$0xA0];
	v13 =	vand.u32 $0x7F, v5;
	[tilespmem:$0x1FE80] =	vst v12  }
0x21: {  	v61 =	vld [tilespmem:$0xB0];
	v14 =	vand.u32 $0x7F, v7;
	[tilespmem:$0x1FEA0] =	vst v13  }
0x22: {  	v63 =	vld [tilespmem:$0xC0];
	v16 =	vand.u32 $0x7F, v53;
	[tilespmem:$0x1FEC0] =	vst v14  }
0x23: {  	v22 =	vld [tilespmem:$0xD0];
	v17 =	vand.u32 $0x7F, v55;
	[tilespmem:$0x1FEE0] =	vst v16  }
0x24: {  	v24 =	vld [tilespmem:$0xE0];
	v18 =	vand.u32 $0x7F, v57;
	[tilespmem:$0x1FF00] =	vst v17  }
0x25: {  	v26 =	vld [tilespmem:$0xF0];
	v56 =	vshll.u32 v3, $0x3;
	v3 =	vand.u32 $0x7F, v59;
	[tilespmem:$0x1FF20] =	vst v18  }
0x26: {  	v54 =	vshll.u32 v2, $0x3;
	v2 =	vand.u32 $0x7F, v61;
	[tilespmem:$0x1FF40] =	vst v3  }
0x27: {  	v19 =	vand.u32 $0x7F, v63;
	[tilespmem:$0x1FF60] =	vst v2  }
0x28: {  	v58 =	vshll.u32 v4, $0x3;
	v4 =	vand.u32 $0x7F, v22;
	[tilespmem:$0x1FF80] =	vst v19  }
0x29: {  	v60 =	vshll.u32 v5, $0x3;
	v5 =	vand.u32 $0x7F, v24;
	[tilespmem:$0x1FFA0] =	vst v4  }
0x2a: {  	v6 =	vshll.u32 v0, $0x3;
	v52 =	vshll.u32 v1, $0x3;
	v1 =	vand.u32 $0x7F, v26;
	[tilespmem:$0x1FFC0] =	vst v5  }
0x2b: {  	v51 =	vand.u32 $0xFFFFFC00, v6;
	[tilespmem:$0x1FFE0] =	vst v1  }
0x2c: {  	v0 =	vand.u32 $0xFFFFFC00, v52;
	[tilespmem:$0x1F600] =	vst v51  }
0x2d: {  	v33 =	vor.u32 $0x80, v8;
	[tilespmem:$0x1F610] =	vst v0  }
0x2e: {  	v34 =	vor.u32 $0x80, v9;
	[tilespmem:$0x1F700] =	vst v33  }
0x2f: {  	v35 =	vor.u32 $0x80, v10;
	[tilespmem:$0x1F710] =	vst v34  }
0x30: {  	v36 =	vor.u32 $0x80, v11;
	[tilespmem:$0x1F720] =	vst v35  }
0x31: {  	v37 =	vor.u32 $0x80, v12;
	[tilespmem:$0x1F730] =	vst v36  }
0x32: {  	v38 =	vor.u32 $0x80, v13;
	[tilespmem:$0x1F740] =	vst v37  }
0x33: {  	v39 =	vor.u32 $0x80, v14;
	[tilespmem:$0x1F750] =	vst v38  }
0x34: {  	v40 =	vor.u32 $0x80, v16;
	[tilespmem:$0x1F760] =	vst v39  }
0x35: {  	v41 =	vor.u32 $0x80, v17;
	[tilespmem:$0x1F770] =	vst v40  }
0x36: {  	v42 =	vor.u32 $0x80, v18;
	[tilespmem:$0x1F780] =	vst v41  }
0x37: {  	v43 =	vor.u32 $0x80, v3;
	[tilespmem:$0x1F790] =	vst v42  }
0x38: {  	v44 =	vor.u32 $0x80, v2;
	[tilespmem:$0x1F7A0] =	vst v43  }
0x39: {  	v45 =	vor.u32 $0x80, v19;
	[tilespmem:$0x1F7B0] =	vst v44  }
0x3a: {  	v46 =	vor.u32 $0x80, v4;
	[tilespmem:$0x1F7C0] =	vst v45  }
0x3b: {  	v47 =	vor.u32 $0x80, v5;
	[tilespmem:$0x1F7D0] =	vst v46  }
0x3c: {  	v48 =	vor.u32 $0x80, v1;
	[tilespmem:$0x1F7E0] =	vst v47  }
0x3d: {  	v49 =	vor.u32 $0x100, v8;
	[tilespmem:$0x1F7F0] =	vst v48  }
0x3e: {  	v50 =	vor.u32 $0x100, v9;
	[tilespmem:$0x1F800] =	vst v49  }
0x3f: {  	v52 =	vor.u32 $0x100, v11;
	[tilespmem:$0x1F810] =	vst v50  }
0x40: {  	v21 =	vshll.u32 v53, $0x3;
	v53 =	vor.u32 $0x100, v12;
	[tilespmem:$0x1F830] =	vst v52  }
0x41: {  	v23 =	vshll.u32 v55, $0x3;
	v55 =	vor.u32 $0x100, v14;
	[tilespmem:$0x1F840] =	vst v53  }
0x42: {  	v25 =	vshll.u32 v57, $0x3;
	v57 =	vor.u32 $0x100, v17;
	[tilespmem:$0x1F860] =	vst v55  }
0x43: {  	v27 =	vshll.u32 v59, $0x3;
	v59 =	vor.u32 $0x100, v3;
	[tilespmem:$0x1F880] =	vst v57  }
0x44: {  	v28 =	vshll.u32 v61, $0x3;
	v61 =	vor.u32 $0x100, v19;
	[tilespmem:$0x1F8A0] =	vst v59  }
0x45: {  	v29 =	vshll.u32 v63, $0x3;
	v63 =	vor.u32 $0x100, v5;
	[tilespmem:$0x1F8C0] =	vst v61  }
0x46: {  	v6 =	vor.u32 $0x100, v1;
	[tilespmem:$0x1F8E0] =	vst v63  }
0x47: {  	v62 =	vshll.u32 v7, $0x3;
	v7 =	vor.u32 $0x180, v8;
	[tilespmem:$0x1F8F0] =	vst v6  }
0x48: {  	v15 =	vor.u32 $0x180, v9;
	[tilespmem:$0x1F900] =	vst v7  }
0x49: {  	v20 =	vor.u32 $0x180, v10;
	[tilespmem:$0x1F910] =	vst v15  }
0x4a: {  	v30 =	vshll.u32 v22, $0x3;
	v22 =	vor.u32 $0x180, v12;
	[tilespmem:$0x1F920] =	vst v20  }
0x4b: {  	v31 =	vshll.u32 v24, $0x3;
	v24 =	vor.u32 $0x180, v14;
	[tilespmem:$0x1F940] =	vst v22  }
0x4c: {  	v32 =	vshll.u32 v26, $0x3;
	v26 =	vor.u32 $0x180, v17;
	[tilespmem:$0x1F960] =	vst v24  }
0x4d: {  	v0 =	vand.u32 $0xFFFFFC00, v54;
	[tilespmem:$0x1F980] =	vst v26  }
0x4e: {  	v51 =	vor.u32 $0x100, v10;
	[tilespmem:$0x1F620] =	vst v0  }
0x4f: {  	v54 =	vor.u32 $0x100, v13;
	[tilespmem:$0x1F820] =	vst v51  }
0x50: {  	v33 =	vor.u32 $0x180, v1;
	[tilespmem:$0x1F850] =	vst v54  }
0x51: {  	v34 =	vor.u32 $0x200, v8;
	[tilespmem:$0x1F9F0] =	vst v33  }
0x52: {  	v35 =	vor.u32 $0x200, v9;
	[tilespmem:$0x1FA00] =	vst v34  }
0x53: {  	v36 =	vor.u32 $0x200, v10;
	[tilespmem:$0x1FA10] =	vst v35  }
0x54: {  	v37 =	vor.u32 $0x200, v11;
	[tilespmem:$0x1FA20] =	vst v36  }
0x55: {  	v38 =	vor.u32 $0x200, v12;
	[tilespmem:$0x1FA30] =	vst v37  }
0x56: {  	v39 =	vor.u32 $0x200, v13;
	[tilespmem:$0x1FA40] =	vst v38  }
0x57: {  	v40 =	vor.u32 $0x200, v14;
	[tilespmem:$0x1FA50] =	vst v39  }
0x58: {  	v42 =	vor.u32 $0x200, v16;
	[tilespmem:$0x1FA60] =	vst v40  }
0x59: {  	v43 =	vor.u32 $0x200, v17;
	[tilespmem:$0x1FA80] =	vst v42  }
0x5a: {  	v44 =	vor.u32 $0x200, v18;
	[tilespmem:$0x1FA90] =	vst v43  }
0x5b: {  	v46 =	vor.u32 $0x200, v3;
	[tilespmem:$0x1FAA0] =	vst v44  }
0x5c: {  	v47 =	vor.u32 $0x200, v2;
	[tilespmem:$0x1FAC0] =	vst v46  }
0x5d: {  	v48 =	vor.u32 $0x200, v19;
	[tilespmem:$0x1FAD0] =	vst v47  }
0x5e: {  	v50 =	vor.u32 $0x200, v4;
	[tilespmem:$0x1FAE0] =	vst v48  }
0x5f: {  	v52 =	vor.u32 $0x200, v1;
	[tilespmem:$0x1FB00] =	vst v50  }
0x60: {  	v55 =	vor.u32 $0x280, v9;
	[tilespmem:$0x1FB20] =	vst v52  }
0x61: {  	v59 =	vor.u32 $0x280, v12;
	[tilespmem:$0x1FB50] =	vst v55  }
0x62: {  	v63 =	vor.u32 $0x280, v16;
	[tilespmem:$0x1FB90] =	vst v59  }
0x63: {  	v6 =	vor.u32 $0x280, v17;
	[tilespmem:$0x1FBD0] =	vst v63  }
0x64: {  	v15 =	vor.u32 $0x280, v18;
	[tilespmem:$0x1FBE0] =	vst v6  }
0x65: {  	v20 =	vor.u32 $0x280, v3;
	[tilespmem:$0x1FC00] =	vst v15  }
0x66: {  	v24 =	vor.u32 $0x280, v4;
	[tilespmem:$0x1FC10] =	vst v20  }
0x67: {  	v0 =	vand.u32 $0xFFFFFC00, v56;
	[tilespmem:$0x1FC50] =	vst v24  }
0x68: {  	v56 =	vor.u32 $0x100, v16;
	[tilespmem:$0x1F630] =	vst v0  }
0x69: {  	v51 =	vor.u32 $0x200, v5;
	[tilespmem:$0x1F870] =	vst v56  }
0x6a: {  	v54 =	vor.u32 $0x280, v8;
	[tilespmem:$0x1FB10] =	vst v51  }
0x6b: {  	v33 =	vor.u32 $0x300, v12;
	[tilespmem:$0x1FB40] =	vst v54  }
0x6c: {  	v35 =	vor.u32 $0x300, v13;
	[tilespmem:$0x1FCE0] =	vst v33  }
0x6d: {  	v36 =	vor.u32 $0x300, v14;
	[tilespmem:$0x1FD00] =	vst v35  }
0x6e: {  	v37 =	vor.u32 $0x300, v16;
	[tilespmem:$0x1FD10] =	vst v36  }
0x6f: {  	v39 =	vor.u32 $0x300, v17;
	[tilespmem:$0x1FD20] =	vst v37  }
0x70: {  	v40 =	vor.u32 $0x300, v18;
	[tilespmem:$0x1FD40] =	vst v39  }
0x71: {  	v43 =	vor.u32 $0x300, v2;
	[tilespmem:$0x1FD50] =	vst v40  }
0x72: {  	v44 =	vor.u32 $0x300, v19;
	[tilespmem:$0x1FD80] =	vst v43  }
0x73: {  	v47 =	vor.u32 $0x300, v5;
	[tilespmem:$0x1FD90] =	vst v44  }
0x74: {  	v48 =	vor.u32 $0x300, v1;
	[tilespmem:$0x1FDC0] =	vst v47  }
0x75: {  	v52 =	vor.u32 $0x380, v10;
	[tilespmem:$0x1FDD0] =	vst v48  }
0x76: {  	v55 =	vor.u32 $0x380, v12;
	[tilespmem:$0x1FE40] =	vst v52  }
0x77: {  	v59 =	vor.u32 $0x380, v17;
	[tilespmem:$0x1FE90] =	vst v55  }
0x78: {  	v63 =	vor.u32 $0x380, v5;
	[tilespmem:$0x1FF10] =	vst v59  }
0x79: {  	v0 =	vand.u32 $0xFFFFFC00, v58;
	[tilespmem:$0x1FFD0] =	vst v63  }
0x7a: {  	v58 =	vor.u32 $0x100, v18;
	[tilespmem:$0x1F640] =	vst v0  }
0x7b: {  	v56 =	vor.u32 $0x280, v10;
	[tilespmem:$0x1F890] =	vst v58  }
0x7c: {  	v51 =	vor.u32 $0x380, v9;
	[tilespmem:$0x1FB60] =	vst v56  }
0x7d: {  	v0 =	vand.u32 $0xFFFFFC00, v60;
	[tilespmem:$0x1FE20] =	vst v51  }
0x7e: {  	v60 =	vor.u32 $0x100, v2;
	[tilespmem:$0x1F650] =	vst v0  }
0x7f: {  	v41 =	vld [tilespmem:$0x100];
	v58 =	vor.u32 $0x280, v11;
	[tilespmem:$0x1F8B0] =	vst v60  }
0x80: {  	v45 =	vld [tilespmem:$0x110];
	v56 =	vor.u32 $0x380, v13;
	[tilespmem:$0x1FB80] =	vst v58  }
0x81: {  	v49 =	vld [tilespmem:$0x120];
	v0 =	vand.u32 $0xFFFFFC00, v62;
	[tilespmem:$0x1FEB0] =	vst v56  }
0x82: {  	v53 =	vld [tilespmem:$0x130];
	v62 =	vor.u32 $0x100, v4;
	[tilespmem:$0x1F660] =	vst v0  }
0x83: {  	v57 =	vld [tilespmem:$0x140];
	[tilespmem:$0x1F8D0] =	vst v62  }
0x84: {  	[tilespmem:$0x1FA70] =	vst v41  }
0x85: {  	v61 =	vld [tilespmem:$0x150];
	[tilespmem:$0x1FAB0] =	vst v45  }
0x86: {  	v7 =	vld [tilespmem:$0x160];
	[tilespmem:$0x1FAF0] =	vst v49  }
0x87: {  	v22 =	vld [tilespmem:$0x170];
	[tilespmem:$0x1FB30] =	vst v53  }
0x88: {  	v26 =	vld [tilespmem:$0x180];
	v60 =	vor.u32 $0x280, v13;
	[tilespmem:$0x1FB70] =	vst v57  }
0x89: {  	[tilespmem:$0x1FBA0] =	vst v60  }
0x8a: {  	[tilespmem:$0x1FBB0] =	vst v61  }
0x8b: {  	[tilespmem:$0x1FBF0] =	vst v7  }
0x8c: {  	[tilespmem:$0x1FC30] =	vst v22  }
0x8d: {  	v34 =	vld [tilespmem:$0x1A0];
	v58 =	vor.u32 $0x380, v16;
	[tilespmem:$0x1FC70] =	vst v26  }
0x8e: {  	v38 =	vld [tilespmem:$0x1B0];
	v0 =	vand.u32 $0xFFFFFC00, v21;
	[tilespmem:$0x1FEF0] =	vst v58  }
0x8f: {  	v21 =	vor.u32 $0x180, v11;
	[tilespmem:$0x1F670] =	vst v0  }
0x90: {  	v42 =	vld [tilespmem:$0x1C0];
	v62 =	vor.u32 $0x280, v14;
	[tilespmem:$0x1F930] =	vst v21  }
0x91: {  	[tilespmem:$0x1FBC0] =	vst v62  }
0x92: {  	v46 =	vld [tilespmem:$0x1D0];
	[tilespmem:$0x1FCF0] =	vst v34  }
0x93: {  	v41 =	vor.u32 $0x300, v3;
	[tilespmem:$0x1FD30] =	vst v38  }
0x94: {  	v50 =	vld [tilespmem:$0x1E0];
	[tilespmem:$0x1FD60] =	vst v41  }
0x95: {  	v45 =	vor.u32 $0x300, v4;
	[tilespmem:$0x1FD70] =	vst v42  }
0x96: {  	[tilespmem:$0x1FDA0] =	vst v45  }
0x97: {  	v49 =	vor.u32 $0x380, v8;
	[tilespmem:$0x1FDB0] =	vst v46  }
0x98: {  	[tilespmem:$0x1FDF0] =	vst v49  }
0x99: {  	v53 =	vor.u32 $0x380, v11;
	[tilespmem:$0x1FE00] =	vst v50  }
0x9a: {  	v57 =	vor.u32 $0x380, v14;
	[tilespmem:$0x1FE60] =	vst v53  }
0x9b: {  	v60 =	vor.u32 $0x380, v18;
	[tilespmem:$0x1FED0] =	vst v57  }
0x9c: {  	v54 =	vld [tilespmem:$0x1F0];
	v61 =	vor.u32 $0x380, v19;
	[tilespmem:$0x1FF30] =	vst v60  }
0x9d: {  	v0 =	vand.u32 $0xFFFFFC00, v23;
	[tilespmem:$0x1FF90] =	vst v61  }
0x9e: {  	v23 =	vor.u32 $0x180, v13;
	[tilespmem:$0x1F680] =	vst v0  }
0x9f: {  	v21 =	vor.u32 $0x280, v2;
	[tilespmem:$0x1F950] =	vst v23  }
0xa0: {  	[tilespmem:$0x1FC20] =	vst v21  }
0xa1: {  	v62 =	vor.u32 $0x380, v4;
	[tilespmem:$0x1FE70] =	vst v54  }
0xa2: {  	v0 =	vand.u32 $0xFFFFFC00, v25;
	[tilespmem:$0x1FFB0] =	vst v62  }
0xa3: {  	v25 =	vor.u32 $0x180, v16;
	[tilespmem:$0x1F690] =	vst v0  }
0xa4: {  	v23 =	vor.u32 $0x280, v19;
	[tilespmem:$0x1F970] =	vst v25  }
0xa5: {  	v0 =	vand.u32 $0xFFFFFC00, v27;
	[tilespmem:$0x1FC40] =	vst v23  }
0xa6: {  	v27 =	vor.u32 $0x180, v18;
	[tilespmem:$0x1F6A0] =	vst v0  }
0xa7: {  	v25 =	vor.u32 $0x280, v5;
	[tilespmem:$0x1F990] =	vst v27  }
0xa8: {  	v0 =	vand.u32 $0xFFFFFC00, v28;
	[tilespmem:$0x1FC60] =	vst v25  }
0xa9: {  	v28 =	vor.u32 $0x180, v3;
	[tilespmem:$0x1F6B0] =	vst v0  }
0xaa: {  	v27 =	vor.u32 $0x280, v1;
	[tilespmem:$0x1F9A0] =	vst v28  }
0xab: {  	v3 =	vor.u32 $0x380, v3;
	[tilespmem:$0x1FC80] =	vst v27  }
0xac: {  	v1 =	vor.u32 $0x380, v1;
	[tilespmem:$0x1FF50] =	vst v3  }
0xad: {  	v0 =	vand.u32 $0xFFFFFC00, v29;
	[tilespmem:$0x1FFF0] =	vst v1  }
0xae: {  	v29 =	vor.u32 $0x180, v2;
	[tilespmem:$0x1F6C0] =	vst v0  }
0xaf: {  	v28 =	vor.u32 $0x300, v8;
	[tilespmem:$0x1F9B0] =	vst v29  }
0xb0: {  	v2 =	vor.u32 $0x380, v2;
	[tilespmem:$0x1FC90] =	vst v28  }
0xb1: {  	v0 =	vand.u32 $0xFFFFFC00, v30;
	[tilespmem:$0x1FF70] =	vst v2  }
0xb2: {  	v30 =	vor.u32 $0x180, v19;
	[tilespmem:$0x1F6D0] =	vst v0  }
0xb3: {  	v29 =	vor.u32 $0x300, v9;
	[tilespmem:$0x1F9C0] =	vst v30  }
0xb4: {  	v0 =	vand.u32 $0xFFFFFC00, v31;
	[tilespmem:$0x1FCA0] =	vst v29;
	v30 =	vld [tilespmem:$0x190];
	[tilespmem:s11], [sflag:$0x1] =	stream.linear.gather [hbm4b:s5+s1], $0x8000, $0x38  }
0xb5: {  	v31 =	vor.u32 $0x180, v4;
	[tilespmem:$0x1F6E0] =	vst v0  }
0xb6: {  	v0 =	vand.u32 $0xFFFFFC00, v32;
	[tilespmem:$0x1F9D0] =	vst v31  }
0xb7: {  	v32 =	vor.u32 $0x180, v5;
	[tilespmem:$0x1F6F0] =	vst v0  }
0xb8: {  	v31 =	vor.u32 $0x300, v10;
	[tilespmem:$0x1F9E0] =	vst v32  }
0xb9: {  	[tilespmem:$0x1FCC0] =	vst v31;
	v32 =	vor.u32 $0x300, v11  }
0xba: {  	[tilespmem:$0x1FCD0] =	vst v32  }
0xbb: {  	s15 =	smov.u32 s8;
	s16 =	smov.u32 s7;
	s19 =	simm.s32 $0x0;
	[tilespmem:$0x1FCB0] =	vst v30  }
.LBB2_2:
0xbc: {  	s17 =	sadd.s32 $0x1, s19;
	p0 =	seq.s32 s19, $0xF  }
0xbd: {  	s20 =	sand.u32 @!p0 $0x1, s17  }
0xbe: {  	s18 =	sand.u32 $0x1, s19;
	s22 =	simm.s32 @!p0 $0x0;
	s21 =	sshll.u32 @!p0 s20, $0xF  }
0xbf: {  	s29 =	sadd.s32 $0x1, s18;
	s20 =	sadd.s32 @!p0 $0x1, s20;
	s21 =	sor.u32 @!p0 $0x200, s21  }
0xc0: {  	[tilespmem:s21], [sflag:s20] =	stream.linear.gather @!p0 [hbm4b:s15+s22], $0x8000, $0x38;
	[tilespmem:$0x12200] =	vst v63  }
0xc1: {  	_ =	swait.ge [sflag:s29], $0x8000  }
0xc2: {  	v1 =	vld [tilespmem:$0x1F600]  }
0xc3: {  	v39 =	vld [tilespmem:$0x1FDE0];
	_ =	sdelay $0x2  }
0xc4: {  	s30 =	sshll.u32 s18, $0xF  }
0xc5: {  	p0 =	slt.u32 s19, $0x2;
	[sflag:s29] =	ssyncset.done $0x0;
	v9 =	vadd.s32 s30, v1  }
0xc6: {  	s19 =	sadd.s32 @!p0 $0x3, s18;
	[sflag:s29] =	ssyncadd.s32 $0xFFFF8000;
	v8 =	vor.u32 v39, v9  }
0xc7: {  	_ =	swait.ge @!p0 [sflag:s19], $0x1000  }
0xc8: {  	v40 =	vld [tilespmem:$0x1F610]  }
0xc9: {  	[sflag:s19] =	ssyncset.done @!p0 $0x0;
	v0 =	vld [tilespmem:$0x1FE10]  }
0xca: {  	v43 =	vld [tilespmem:$0x1FA70];
	[sflag:s19] =	ssyncadd.s32 @!p0 $0xFFFFF000  }
0xcb: {  	v10 =	vld.idx.msk [tilespmem:v8+s11+$0x0], $0xffff;
	_ =	sdelay $0x1  }
0xcc: {  	v8 =	vadd.s32 s30, v40  }
0xcd: {  	v11 =	vor.u32 v0, v8;
	_ =	sdelay $0x1  }
0xce: {  	v41 =	vld [tilespmem:$0x1F620];
	v10 =	vmul.f32 v10, v43  }
0xcf: {  	s31 =	sshll.u32 s18, $0xC;
	v42 =	vld [tilespmem:$0x1FE30]  }
0xd0: {  	v47 =	vld [tilespmem:$0x1FAB0];
	[tilespmem:s31+$0x10200] =	vst v10  }
0xd1: {  	v10 =	vld.idx.msk [tilespmem:v11+s11+$0x0], $0xffff;
	_ =	sdelay $0x1  }
0xd2: {  	v11 =	vadd.s32 s30, v41  }
0xd3: {  	v12 =	vor.u32 v42, v11;
	_ =	sdelay $0x1  }
0xd4: {  	v44 =	vld [tilespmem:$0x1F630];
	v10 =	vmul.f32 v10, v47  }
0xd5: {  	v45 =	vld [tilespmem:$0x1FE50]  }
0xd6: {  	v51 =	vld [tilespmem:$0x1FAF0];
	[tilespmem:s31+$0x10210] =	vst v10  }
0xd7: {  	v10 =	vld.idx.msk [tilespmem:v12+s11+$0x0], $0xffff;
	_ =	sdelay $0x1  }
0xd8: {  	v13 =	vadd.s32 s30, v44  }
0xd9: {  	v46 =	vor.u32 v45, v13;
	_ =	sdelay $0x1  }
0xda: {  	v48 =	vld [tilespmem:$0x1F640];
	v10 =	vmul.f32 v10, v51  }
0xdb: {  	v49 =	vld [tilespmem:$0x1FE80]  }
0xdc: {  	v55 =	vld [tilespmem:$0x1FB30];
	[tilespmem:s31+$0x10220] =	vst v10  }
0xdd: {  	v10 =	vld.idx.msk [tilespmem:v46+s11+$0x0], $0xffff;
	_ =	sdelay $0x1  }
0xde: {  	v17 =	vadd.s32 s30, v48  }
0xdf: {  	v50 =	vor.u32 v49, v17;
	_ =	sdelay $0x1  }
0xe0: {  	v53 =	vld [tilespmem:$0x1F650];
	v10 =	vmul.f32 v10, v55  }
0xe1: {  	v54 =	vld [tilespmem:$0x1FEA0]  }
0xe2: {  	v59 =	vld [tilespmem:$0x1FB70];
	[tilespmem:s31+$0x10230] =	vst v10  }
0xe3: {  	v12 =	vld.idx.msk [tilespmem:v50+s11+$0x0], $0xffff;
	_ =	sdelay $0x1  }
0xe4: {  	v10 =	vadd.s32 s30, v53  }
0xe5: {  	v14 =	vor.u32 v54, v10;
	_ =	sdelay $0x1  }
0xe6: {  	v56 =	vld [tilespmem:$0x1F660];
	v12 =	vmul.f32 v12, v59  }
0xe7: {  	v57 =	vld [tilespmem:$0x1FEC0]  }
0xe8: {  	v63 =	vld [tilespmem:$0x1FBB0];
	[tilespmem:s31+$0x10240] =	vst v12  }
0xe9: {  	v12 =	vld.idx.msk [tilespmem:v14+s11+$0x0], $0xffff;
	_ =	sdelay $0x1  }
0xea: {  	v19 =	vadd.s32 s30, v56  }
0xeb: {  	v58 =	vor.u32 v57, v19;
	_ =	sdelay $0x1  }
0xec: {  	v61 =	vld [tilespmem:$0x1F670];
	v12 =	vmul.f32 v12, v63  }
0xed: {  	v62 =	vld [tilespmem:$0x1FEE0]  }
0xee: {  	v7 =	vld [tilespmem:$0x1FBF0];
	[tilespmem:s31+$0x10250] =	vst v12  }
0xef: {  	v12 =	vld.idx.msk [tilespmem:v58+s11+$0x0], $0xffff;
	_ =	sdelay $0x1  }
0xf0: {  	v21 =	vadd.s32 s30, v61  }
0xf1: {  	v3 =	vor.u32 v62, v21;
	_ =	sdelay $0x1  }
0xf2: {  	v4 =	vld [tilespmem:$0x1F680];
	v12 =	vmul.f32 v12, v7  }
0xf3: {  	v5 =	vld [tilespmem:$0x1FF00]  }
0xf4: {  	v15 =	vld [tilespmem:$0x1FC30];
	[tilespmem:s31+$0x10260] =	vst v12  }
0xf5: {  	v12 =	vld.idx.msk [tilespmem:v3+s11+$0x0], $0xffff;
	_ =	sdelay $0x1  }
0xf6: {  	v25 =	vadd.s32 s30, v4  }
0xf7: {  	v6 =	vor.u32 v5, v25;
	_ =	sdelay $0x1  }
0xf8: {  	v18 =	vld [tilespmem:$0x1F690];
	v12 =	vmul.f32 v12, v15  }
0xf9: {  	v20 =	vld [tilespmem:$0x1FF20]  }
0xfa: {  	v23 =	vld [tilespmem:$0x1FC70];
	[tilespmem:s31+$0x10270] =	vst v12  }
0xfb: {  	v14 =	vld.idx.msk [tilespmem:v6+s11+$0x0], $0xffff;
	_ =	sdelay $0x1  }
0xfc: {  	v12 =	vadd.s32 s30, v18  }
0xfd: {  	v27 =	vor.u32 v20, v12;
	_ =	sdelay $0x1  }
0xfe: {  	v22 =	vld [tilespmem:$0x1F6A0];
	v14 =	vmul.f32 v14, v23  }
0xff: {  	v24 =	vld [tilespmem:$0x1FF40]  }
0x100: {  	v31 =	vld [tilespmem:$0x1FCB0];
	[tilespmem:s31+$0x10600] =	vst v14  }
0x101: {  	v14 =	vld.idx.msk [tilespmem:v27+s11+$0x0], $0xffff;
	_ =	sdelay $0x1  }
0x102: {  	v27 =	vadd.s32 s30, v22  }
0x103: {  	v29 =	vor.u32 v24, v27;
	_ =	sdelay $0x1  }
0x104: {  	v26 =	vld [tilespmem:$0x1F6B0];
	v14 =	vmul.f32 v14, v31  }
0x105: {  	v28 =	vld [tilespmem:$0x1FF60]  }
0x106: {  	v35 =	vld [tilespmem:$0x1FCF0];
	[tilespmem:s31+$0x10610] =	vst v14  }
0x107: {  	v14 =	vld.idx.msk [tilespmem:v29+s11+$0x0], $0xffff;
	_ =	sdelay $0x1  }
0x108: {  	v29 =	vadd.s32 s30, v26  }
0x109: {  	v32 =	vor.u32 v28, v29;
	_ =	sdelay $0x1  }
0x10a: {  	v30 =	vld [tilespmem:$0x1F6C0];
	v14 =	vmul.f32 v14, v35  }
0x10b: {  	v33 =	vld [tilespmem:$0x1FF80]  }
0x10c: {  	v40 =	vld [tilespmem:$0x1FD30];
	[tilespmem:s31+$0x10620] =	vst v14  }
0x10d: {  	v32 =	vld.idx.msk [tilespmem:v32+s11+$0x0], $0xffff;
	_ =	sdelay $0x1  }
0x10e: {  	v14 =	vadd.s32 s30, v30  }
0x10f: {  	v33 =	vor.u32 v33, v14;
	_ =	sdelay $0x1  }
0x110: {  	v3 =	vld [tilespmem:$0x1F6D0];
	v32 =	vmul.f32 v32, v40  }
0x111: {  	v34 =	vld [tilespmem:$0x1FFA0]  }
0x112: {  	v45 =	vld [tilespmem:$0x1FD70];
	[tilespmem:s31+$0x10630] =	vst v32  }
0x113: {  	v33 =	vld.idx.msk [tilespmem:v33+s11+$0x0], $0xffff;
	_ =	sdelay $0x1  }
0x114: {  	v32 =	vadd.s32 s30, v3  }
0x115: {  	v34 =	vor.u32 v34, v32;
	_ =	sdelay $0x1  }
0x116: {  	v36 =	vld [tilespmem:$0x1F6E0];
	v33 =	vmul.f32 v33, v45  }
0x117: {  	v37 =	vld [tilespmem:$0x1FFC0]  }
0x118: {  	v50 =	vld [tilespmem:$0x1FDB0];
	[tilespmem:s31+$0x10640] =	vst v33  }
0x119: {  	v34 =	vld.idx.msk [tilespmem:v34+s11+$0x0], $0xffff;
	_ =	sdelay $0x1  }
0x11a: {  	v33 =	vadd.s32 s30, v36  }
0x11b: {  	v16 =	vor.u32 v37, v33;
	_ =	sdelay $0x1  }
0x11c: {  	v38 =	vld [tilespmem:$0x1F6F0];
	v34 =	vmul.f32 v34, v50  }
0x11d: {  	v39 =	vld [tilespmem:$0x1FFE0]  }
0x11e: {  	v2 =	vld [tilespmem:$0x1FE00];
	[tilespmem:s31+$0x10650] =	vst v34  }
0x11f: {  	v16 =	vld.idx.msk [tilespmem:v16+s11+$0x0], $0xffff;
	_ =	sdelay $0x1  }
0x120: {  	v34 =	vadd.s32 s30, v38  }
0x121: {  	v36 =	vor.u32 v39, v34;
	_ =	sdelay $0x1  }
0x122: {  	v16 =	vmul.f32 v16, v2  }
0x123: {  	v41 =	vld [tilespmem:$0x1F700]  }
0x124: {  	v1 =	vld [tilespmem:$0x1FE70];
	[tilespmem:s31+$0x10660] =	vst v16  }
0x125: {  	v16 =	vld.idx.msk [tilespmem:v36+s11+$0x0], $0xffff;
	_ =	sdelay $0x2  }
0x126: {  	v42 =	vor.u32 v41, v9;
	_ =	sdelay $0x1  }
0x127: {  	v16 =	vmul.f32 v16, v1  }
0x128: {  	v44 =	vld [tilespmem:$0x1F710]  }
0x129: {  	[tilespmem:s31+$0x10670] =	vst v16  }
0x12a: {  	v16 =	vld.idx.msk [tilespmem:v42+s11+$0x0], $0xffff;
	_ =	sdelay $0x2  }
0x12b: {  	v46 =	vor.u32 v44, v8;
	_ =	sdelay $0x1  }
0x12c: {  	v16 =	vmul.f32 v16, v43  }
0x12d: {  	v48 =	vld [tilespmem:$0x1F720]  }
0x12e: {  	[tilespmem:s31+$0x10280] =	vst v16  }
0x12f: {  	v16 =	vld.idx.msk [tilespmem:v46+s11+$0x0], $0xffff;
	_ =	sdelay $0x2  }
0x130: {  	v49 =	vor.u32 v48, v11;
	_ =	sdelay $0x1  }
0x131: {  	v16 =	vmul.f32 v16, v47  }
0x132: {  	v39 =	vld [tilespmem:$0x1F730]  }
0x133: {  	[tilespmem:s31+$0x10290] =	vst v16  }
0x134: {  	v16 =	vld.idx.msk [tilespmem:v49+s11+$0x0], $0xffff;
	_ =	sdelay $0x2  }
0x135: {  	v52 =	vor.u32 v39, v13;
	_ =	sdelay $0x1  }
0x136: {  	v16 =	vmul.f32 v16, v51  }
0x137: {  	v53 =	vld [tilespmem:$0x1F740]  }
0x138: {  	[tilespmem:s31+$0x102A0] =	vst v16  }
0x139: {  	v16 =	vld.idx.msk [tilespmem:v52+s11+$0x0], $0xffff;
	_ =	sdelay $0x2  }
0x13a: {  	v54 =	vor.u32 v53, v17;
	_ =	sdelay $0x1  }
0x13b: {  	v16 =	vmul.f32 v16, v55  }
0x13c: {  	v4 =	vld [tilespmem:$0x1F750]  }
0x13d: {  	[tilespmem:s31+$0x102B0] =	vst v16  }
0x13e: {  	v16 =	vld.idx.msk [tilespmem:v54+s11+$0x0], $0xffff;
	_ =	sdelay $0x2  }
0x13f: {  	v56 =	vor.u32 v4, v10;
	_ =	sdelay $0x1  }
0x140: {  	v16 =	vmul.f32 v16, v59  }
0x141: {  	v57 =	vld [tilespmem:$0x1F760]  }
0x142: {  	[tilespmem:s31+$0x102C0] =	vst v16  }
0x143: {  	v16 =	vld.idx.msk [tilespmem:v56+s11+$0x0], $0xffff;
	_ =	sdelay $0x2  }
0x144: {  	v58 =	vor.u32 v57, v19;
	_ =	sdelay $0x1  }
0x145: {  	v16 =	vmul.f32 v16, v63  }
0x146: {  	v5 =	vld [tilespmem:$0x1F770]  }
0x147: {  	[tilespmem:s31+$0x102D0] =	vst v16  }
0x148: {  	v16 =	vld.idx.msk [tilespmem:v58+s11+$0x0], $0xffff;
	_ =	sdelay $0x2  }
0x149: {  	v60 =	vor.u32 v5, v21;
	_ =	sdelay $0x1  }
0x14a: {  	v16 =	vmul.f32 v16, v7  }
0x14b: {  	v61 =	vld [tilespmem:$0x1F780]  }
0x14c: {  	[tilespmem:s31+$0x102E0] =	vst v16  }
0x14d: {  	v16 =	vld.idx.msk [tilespmem:v60+s11+$0x0], $0xffff;
	_ =	sdelay $0x2  }
0x14e: {  	v62 =	vor.u32 v61, v25;
	_ =	sdelay $0x1  }
0x14f: {  	v16 =	vmul.f32 v16, v15  }
0x150: {  	v6 =	vld [tilespmem:$0x1F790]  }
0x151: {  	[tilespmem:s31+$0x102F0] =	vst v16  }
0x152: {  	v16 =	vld.idx.msk [tilespmem:v62+s11+$0x0], $0xffff;
	_ =	sdelay $0x2  }
0x153: {  	v0 =	vor.u32 v6, v12;
	_ =	sdelay $0x1  }
0x154: {  	v16 =	vmul.f32 v16, v23  }
0x155: {  	v20 =	vld [tilespmem:$0x1F7A0]  }
0x156: {  	[tilespmem:s31+$0x10680] =	vst v16  }
0x157: {  	v16 =	vld.idx.msk [tilespmem:v0+s11+$0x0], $0xffff;
	_ =	sdelay $0x2  }
0x158: {  	v22 =	vor.u32 v20, v27;
	_ =	sdelay $0x1  }
0x159: {  	v16 =	vmul.f32 v16, v31  }
0x15a: {  	v18 =	vld [tilespmem:$0x1F7B0]  }
0x15b: {  	[tilespmem:s31+$0x10690] =	vst v16  }
0x15c: {  	v16 =	vld.idx.msk [tilespmem:v22+s11+$0x0], $0xffff;
	_ =	sdelay $0x2  }
0x15d: {  	v24 =	vor.u32 v18, v29;
	_ =	sdelay $0x1  }
0x15e: {  	v16 =	vmul.f32 v16, v35  }
0x15f: {  	v26 =	vld [tilespmem:$0x1F7C0]  }
0x160: {  	[tilespmem:s31+$0x106A0] =	vst v16  }
0x161: {  	v16 =	vld.idx.msk [tilespmem:v24+s11+$0x0], $0xffff;
	_ =	sdelay $0x2  }
0x162: {  	v28 =	vor.u32 v26, v14;
	_ =	sdelay $0x1  }
0x163: {  	v16 =	vmul.f32 v16, v40  }
0x164: {  	v20 =	vld [tilespmem:$0x1F7D0]  }
0x165: {  	[tilespmem:s31+$0x106B0] =	vst v16  }
0x166: {  	v16 =	vld.idx.msk [tilespmem:v28+s11+$0x0], $0xffff;
	_ =	sdelay $0x2  }
0x167: {  	v30 =	vor.u32 v20, v32;
	_ =	sdelay $0x1  }
0x168: {  	v16 =	vmul.f32 v16, v45  }
0x169: {  	v38 =	vld [tilespmem:$0x1F7E0]  }
0x16a: {  	[tilespmem:s31+$0x106C0] =	vst v16  }
0x16b: {  	v16 =	vld.idx.msk [tilespmem:v30+s11+$0x0], $0xffff;
	_ =	sdelay $0x2  }
0x16c: {  	v41 =	vor.u32 v38, v33;
	_ =	sdelay $0x1  }
0x16d: {  	v16 =	vmul.f32 v16, v50  }
0x16e: {  	v22 =	vld [tilespmem:$0x1F7F0]  }
0x16f: {  	[tilespmem:s31+$0x106D0] =	vst v16  }
0x170: {  	v16 =	vld.idx.msk [tilespmem:v41+s11+$0x0], $0xffff;
	_ =	sdelay $0x2  }
0x171: {  	v42 =	vor.u32 v22, v34;
	_ =	sdelay $0x1  }
0x172: {  	v16 =	vmul.f32 v16, v2  }
0x173: {  	v44 =	vld [tilespmem:$0x1F800]  }
0x174: {  	[tilespmem:s31+$0x106E0] =	vst v16  }
0x175: {  	v16 =	vld.idx.msk [tilespmem:v42+s11+$0x0], $0xffff;
	_ =	sdelay $0x2  }
0x176: {  	v46 =	vor.u32 v44, v9;
	_ =	sdelay $0x1  }
0x177: {  	v16 =	vmul.f32 v16, v1  }
0x178: {  	v24 =	vld [tilespmem:$0x1F810]  }
0x179: {  	[tilespmem:s31+$0x106F0] =	vst v16  }
0x17a: {  	v16 =	vld.idx.msk [tilespmem:v46+s11+$0x0], $0xffff;
	_ =	sdelay $0x2  }
0x17b: {  	v48 =	vor.u32 v24, v8;
	_ =	sdelay $0x1  }
0x17c: {  	v16 =	vmul.f32 v16, v43  }
0x17d: {  	v49 =	vld [tilespmem:$0x1F820]  }
0x17e: {  	[tilespmem:s31+$0x10300] =	vst v16  }
0x17f: {  	v16 =	vld.idx.msk [tilespmem:v48+s11+$0x0], $0xffff;
	_ =	sdelay $0x2  }
0x180: {  	v52 =	vor.u32 v49, v11;
	_ =	sdelay $0x1  }
0x181: {  	v16 =	vmul.f32 v16, v47  }
0x182: {  	v26 =	vld [tilespmem:$0x1F830]  }
0x183: {  	[tilespmem:s31+$0x10310] =	vst v16  }
0x184: {  	v16 =	vld.idx.msk [tilespmem:v52+s11+$0x0], $0xffff;
	_ =	sdelay $0x2  }
0x185: {  	v53 =	vor.u32 v26, v13;
	_ =	sdelay $0x1  }
0x186: {  	v16 =	vmul.f32 v16, v51  }
0x187: {  	v54 =	vld [tilespmem:$0x1F840]  }
0x188: {  	[tilespmem:s31+$0x10320] =	vst v16  }
0x189: {  	v16 =	vld.idx.msk [tilespmem:v53+s11+$0x0], $0xffff;
	_ =	sdelay $0x2  }
0x18a: {  	v56 =	vor.u32 v54, v17;
	_ =	sdelay $0x1  }
0x18b: {  	v16 =	vmul.f32 v16, v55  }
0x18c: {  	v28 =	vld [tilespmem:$0x1F850]  }
0x18d: {  	[tilespmem:s31+$0x10330] =	vst v16  }
0x18e: {  	v16 =	vld.idx.msk [tilespmem:v56+s11+$0x0], $0xffff;
	_ =	sdelay $0x2  }
0x18f: {  	v57 =	vor.u32 v28, v10;
	_ =	sdelay $0x1  }
0x190: {  	v16 =	vmul.f32 v16, v59  }
0x191: {  	v58 =	vld [tilespmem:$0x1F860]  }
0x192: {  	[tilespmem:s31+$0x10340] =	vst v16  }
0x193: {  	v16 =	vld.idx.msk [tilespmem:v57+s11+$0x0], $0xffff;
	_ =	sdelay $0x2  }
0x194: {  	v60 =	vor.u32 v58, v19;
	_ =	sdelay $0x1  }
0x195: {  	v16 =	vmul.f32 v16, v63  }
0x196: {  	v30 =	vld [tilespmem:$0x1F870]  }
0x197: {  	[tilespmem:s31+$0x10350] =	vst v16  }
0x198: {  	v16 =	vld.idx.msk [tilespmem:v60+s11+$0x0], $0xffff;
	_ =	sdelay $0x2  }
0x199: {  	v61 =	vor.u32 v30, v21;
	_ =	sdelay $0x1  }
0x19a: {  	v16 =	vmul.f32 v16, v7  }
0x19b: {  	v62 =	vld [tilespmem:$0x1F880]  }
0x19c: {  	[tilespmem:s31+$0x10360] =	vst v16  }
0x19d: {  	v16 =	vld.idx.msk [tilespmem:v61+s11+$0x0], $0xffff;
	_ =	sdelay $0x2  }
0x19e: {  	v0 =	vor.u32 v62, v25;
	_ =	sdelay $0x1  }
0x19f: {  	v16 =	vmul.f32 v16, v15  }
0x1a0: {  	v37 =	vld [tilespmem:$0x1F890]  }
0x1a1: {  	[tilespmem:s31+$0x10370] =	vst v16  }
0x1a2: {  	v16 =	vld.idx.msk [tilespmem:v0+s11+$0x0], $0xffff;
	_ =	sdelay $0x2  }
0x1a3: {  	v41 =	vor.u32 v37, v12;
	_ =	sdelay $0x1  }
0x1a4: {  	v16 =	vmul.f32 v16, v23  }
0x1a5: {  	v42 =	vld [tilespmem:$0x1F8A0]  }
0x1a6: {  	[tilespmem:s31+$0x10700] =	vst v16  }
0x1a7: {  	v16 =	vld.idx.msk [tilespmem:v41+s11+$0x0], $0xffff;
	_ =	sdelay $0x2  }
0x1a8: {  	v44 =	vor.u32 v42, v27;
	_ =	sdelay $0x1  }
0x1a9: {  	v16 =	vmul.f32 v16, v31  }
0x1aa: {  	v38 =	vld [tilespmem:$0x1F8B0]  }
0x1ab: {  	[tilespmem:s31+$0x10710] =	vst v16  }
0x1ac: {  	v16 =	vld.idx.msk [tilespmem:v44+s11+$0x0], $0xffff;
	_ =	sdelay $0x2  }
0x1ad: {  	v46 =	vor.u32 v38, v29;
	_ =	sdelay $0x1  }
0x1ae: {  	v16 =	vmul.f32 v16, v35  }
0x1af: {  	v48 =	vld [tilespmem:$0x1F8C0]  }
0x1b0: {  	[tilespmem:s31+$0x10720] =	vst v16  }
0x1b1: {  	v16 =	vld.idx.msk [tilespmem:v46+s11+$0x0], $0xffff;
	_ =	sdelay $0x2  }
0x1b2: {  	v49 =	vor.u32 v48, v14;
	_ =	sdelay $0x1  }
0x1b3: {  	v16 =	vmul.f32 v16, v40  }
0x1b4: {  	v41 =	vld [tilespmem:$0x1F8D0]  }
0x1b5: {  	[tilespmem:s31+$0x10730] =	vst v16  }
0x1b6: {  	v16 =	vld.idx.msk [tilespmem:v49+s11+$0x0], $0xffff;
	_ =	sdelay $0x2  }
0x1b7: {  	v52 =	vor.u32 v41, v32;
	_ =	sdelay $0x1  }
0x1b8: {  	v16 =	vmul.f32 v16, v45  }
0x1b9: {  	v53 =	vld [tilespmem:$0x1F8E0]  }
0x1ba: {  	[tilespmem:s31+$0x10740] =	vst v16  }
0x1bb: {  	v16 =	vld.idx.msk [tilespmem:v52+s11+$0x0], $0xffff;
	_ =	sdelay $0x2  }
0x1bc: {  	v54 =	vor.u32 v53, v33;
	_ =	sdelay $0x1  }
0x1bd: {  	v16 =	vmul.f32 v16, v50  }
0x1be: {  	v42 =	vld [tilespmem:$0x1F8F0]  }
0x1bf: {  	[tilespmem:s31+$0x10750] =	vst v16  }
0x1c0: {  	v16 =	vld.idx.msk [tilespmem:v54+s11+$0x0], $0xffff;
	_ =	sdelay $0x2  }
0x1c1: {  	v56 =	vor.u32 v42, v34;
	_ =	sdelay $0x1  }
0x1c2: {  	v16 =	vmul.f32 v16, v2  }
0x1c3: {  	v57 =	vld [tilespmem:$0x1F900]  }
0x1c4: {  	[tilespmem:s31+$0x10760] =	vst v16  }
0x1c5: {  	v16 =	vld.idx.msk [tilespmem:v56+s11+$0x0], $0xffff;
	_ =	sdelay $0x2  }
0x1c6: {  	v58 =	vor.u32 v57, v9;
	_ =	sdelay $0x1  }
0x1c7: {  	v16 =	vmul.f32 v16, v1  }
0x1c8: {  	v44 =	vld [tilespmem:$0x1F910]  }
0x1c9: {  	[tilespmem:s31+$0x10770] =	vst v16  }
0x1ca: {  	v16 =	vld.idx.msk [tilespmem:v58+s11+$0x0], $0xffff;
	_ =	sdelay $0x2  }
0x1cb: {  	v60 =	vor.u32 v44, v8;
	_ =	sdelay $0x1  }
0x1cc: {  	v16 =	vmul.f32 v16, v43  }
0x1cd: {  	v61 =	vld [tilespmem:$0x1F920]  }
0x1ce: {  	[tilespmem:s31+$0x10380] =	vst v16  }
0x1cf: {  	v16 =	vld.idx.msk [tilespmem:v60+s11+$0x0], $0xffff;
	_ =	sdelay $0x2  }
0x1d0: {  	v62 =	vor.u32 v61, v11;
	_ =	sdelay $0x1  }
0x1d1: {  	v16 =	vmul.f32 v16, v47  }
0x1d2: {  	v46 =	vld [tilespmem:$0x1F930]  }
0x1d3: {  	[tilespmem:s31+$0x10390] =	vst v16  }
0x1d4: {  	v16 =	vld.idx.msk [tilespmem:v62+s11+$0x0], $0xffff;
	_ =	sdelay $0x2  }
0x1d5: {  	v0 =	vor.u32 v46, v13;
	_ =	sdelay $0x1  }
0x1d6: {  	v16 =	vmul.f32 v16, v51  }
0x1d7: {  	v48 =	vld [tilespmem:$0x1F940]  }
0x1d8: {  	[tilespmem:s31+$0x103A0] =	vst v16  }
0x1d9: {  	v16 =	vld.idx.msk [tilespmem:v0+s11+$0x0], $0xffff;
	_ =	sdelay $0x2  }
0x1da: {  	v49 =	vor.u32 v48, v17;
	_ =	sdelay $0x1  }
0x1db: {  	v16 =	vmul.f32 v16, v55  }
0x1dc: {  	v48 =	vld [tilespmem:$0x1F950]  }
0x1dd: {  	[tilespmem:s31+$0x103B0] =	vst v16  }
0x1de: {  	v16 =	vld.idx.msk [tilespmem:v49+s11+$0x0], $0xffff;
	_ =	sdelay $0x2  }
0x1df: {  	v52 =	vor.u32 v48, v10;
	_ =	sdelay $0x1  }
0x1e0: {  	v16 =	vmul.f32 v16, v59  }
0x1e1: {  	v53 =	vld [tilespmem:$0x1F960]  }
0x1e2: {  	[tilespmem:s31+$0x103C0] =	vst v16  }
0x1e3: {  	v16 =	vld.idx.msk [tilespmem:v52+s11+$0x0], $0xffff;
	_ =	sdelay $0x2  }
0x1e4: {  	v54 =	vor.u32 v53, v19;
	_ =	sdelay $0x1  }
0x1e5: {  	v16 =	vmul.f32 v16, v63  }
0x1e6: {  	v49 =	vld [tilespmem:$0x1F970]  }
0x1e7: {  	[tilespmem:s31+$0x103D0] =	vst v16  }
0x1e8: {  	v16 =	vld.idx.msk [tilespmem:v54+s11+$0x0], $0xffff;
	_ =	sdelay $0x2  }
0x1e9: {  	v56 =	vor.u32 v49, v21;
	_ =	sdelay $0x1  }
0x1ea: {  	v16 =	vmul.f32 v16, v7  }
0x1eb: {  	v57 =	vld [tilespmem:$0x1F980]  }
0x1ec: {  	[tilespmem:s31+$0x103E0] =	vst v16  }
0x1ed: {  	v16 =	vld.idx.msk [tilespmem:v56+s11+$0x0], $0xffff;
	_ =	sdelay $0x2  }
0x1ee: {  	v58 =	vor.u32 v57, v25;
	_ =	sdelay $0x1  }
0x1ef: {  	v16 =	vmul.f32 v16, v15  }
0x1f0: {  	v52 =	vld [tilespmem:$0x1F990]  }
0x1f1: {  	[tilespmem:s31+$0x103F0] =	vst v16  }
0x1f2: {  	v16 =	vld.idx.msk [tilespmem:v58+s11+$0x0], $0xffff;
	_ =	sdelay $0x2  }
0x1f3: {  	v60 =	vor.u32 v52, v12;
	_ =	sdelay $0x1  }
0x1f4: {  	v16 =	vmul.f32 v16, v23  }
0x1f5: {  	v61 =	vld [tilespmem:$0x1F9A0]  }
0x1f6: {  	[tilespmem:s31+$0x10780] =	vst v16  }
0x1f7: {  	v16 =	vld.idx.msk [tilespmem:v60+s11+$0x0], $0xffff;
	_ =	sdelay $0x2  }
0x1f8: {  	v62 =	vor.u32 v61, v27;
	_ =	sdelay $0x1  }
0x1f9: {  	v16 =	vmul.f32 v16, v31  }
0x1fa: {  	v53 =	vld [tilespmem:$0x1F9B0]  }
0x1fb: {  	[tilespmem:s31+$0x10790] =	vst v16  }
0x1fc: {  	v16 =	vld.idx.msk [tilespmem:v62+s11+$0x0], $0xffff;
	_ =	sdelay $0x2  }
0x1fd: {  	v0 =	vor.u32 v53, v29;
	_ =	sdelay $0x1  }
0x1fe: {  	v16 =	vmul.f32 v16, v35  }
0x1ff: {  	v36 =	vld [tilespmem:$0x1F9C0]  }
0x200: {  	[tilespmem:s31+$0x107A0] =	vst v16  }
0x201: {  	v16 =	vld.idx.msk [tilespmem:v0+s11+$0x0], $0xffff;
	_ =	sdelay $0x2  }
0x202: {  	v54 =	vor.u32 v36, v14;
	_ =	sdelay $0x1  }
0x203: {  	v16 =	vmul.f32 v16, v40;
	_ =	sdelay $0x1  }
0x204: {  	[tilespmem:s31+$0x107B0] =	vst v16  }
0x205: {  	v16 =	vld.idx.msk [tilespmem:v54+s11+$0x0], $0xffff  }
0x206: {  	v54 =	vld [tilespmem:$0x1F9D0];
	_ =	sdelay $0x4  }
0x207: {  	v56 =	vor.u32 v54, v32;
	_ =	sdelay $0x1  }
0x208: {  	v16 =	vmul.f32 v16, v45  }
0x209: {  	v57 =	vld [tilespmem:$0x1F9E0]  }
0x20a: {  	[tilespmem:s31+$0x107C0] =	vst v16  }
0x20b: {  	v16 =	vld.idx.msk [tilespmem:v56+s11+$0x0], $0xffff;
	_ =	sdelay $0x2  }
0x20c: {  	v58 =	vor.u32 v57, v33;
	_ =	sdelay $0x1  }
0x20d: {  	v16 =	vmul.f32 v16, v50  }
0x20e: {  	v56 =	vld [tilespmem:$0x1F9F0]  }
0x20f: {  	[tilespmem:s31+$0x107D0] =	vst v16  }
0x210: {  	v16 =	vld.idx.msk [tilespmem:v58+s11+$0x0], $0xffff;
	_ =	sdelay $0x2  }
0x211: {  	v60 =	vor.u32 v56, v34;
	_ =	sdelay $0x1  }
0x212: {  	v16 =	vmul.f32 v16, v2  }
0x213: {  	v61 =	vld [tilespmem:$0x1FA00]  }
0x214: {  	[tilespmem:s31+$0x107E0] =	vst v16  }
0x215: {  	v16 =	vld.idx.msk [tilespmem:v60+s11+$0x0], $0xffff;
	_ =	sdelay $0x2  }
0x216: {  	v62 =	vor.u32 v61, v9;
	_ =	sdelay $0x1  }
0x217: {  	v16 =	vmul.f32 v16, v1  }
0x218: {  	v57 =	vld [tilespmem:$0x1FA10]  }
0x219: {  	[tilespmem:s31+$0x107F0] =	vst v16  }
0x21a: {  	v16 =	vld.idx.msk [tilespmem:v62+s11+$0x0], $0xffff;
	_ =	sdelay $0x2  }
0x21b: {  	v0 =	vor.u32 v57, v8;
	_ =	sdelay $0x1  }
0x21c: {  	v16 =	vmul.f32 v16, v43  }
0x21d: {  	v36 =	vld [tilespmem:$0x1FA20]  }
0x21e: {  	[tilespmem:s31+$0x10400] =	vst v16  }
0x21f: {  	v16 =	vld.idx.msk [tilespmem:v0+s11+$0x0], $0xffff;
	_ =	sdelay $0x2  }
0x220: {  	v58 =	vor.u32 v36, v11;
	_ =	sdelay $0x1  }
0x221: {  	v16 =	vmul.f32 v16, v47;
	_ =	sdelay $0x1  }
0x222: {  	[tilespmem:s31+$0x10410] =	vst v16  }
0x223: {  	v16 =	vld.idx.msk [tilespmem:v58+s11+$0x0], $0xffff  }
0x224: {  	v58 =	vld [tilespmem:$0x1FA30];
	_ =	sdelay $0x4  }
0x225: {  	v60 =	vor.u32 v58, v13;
	_ =	sdelay $0x1  }
0x226: {  	v16 =	vmul.f32 v16, v51  }
0x227: {  	v61 =	vld [tilespmem:$0x1FA40]  }
0x228: {  	[tilespmem:s31+$0x10420] =	vst v16  }
0x229: {  	v16 =	vld.idx.msk [tilespmem:v60+s11+$0x0], $0xffff;
	_ =	sdelay $0x2  }
0x22a: {  	v62 =	vor.u32 v61, v17;
	_ =	sdelay $0x1  }
0x22b: {  	v16 =	vmul.f32 v16, v55  }
0x22c: {  	v60 =	vld [tilespmem:$0x1FA50]  }
0x22d: {  	[tilespmem:s31+$0x10430] =	vst v16  }
0x22e: {  	v16 =	vld.idx.msk [tilespmem:v62+s11+$0x0], $0xffff;
	_ =	sdelay $0x2  }
0x22f: {  	v0 =	vor.u32 v60, v10;
	_ =	sdelay $0x1  }
0x230: {  	v16 =	vmul.f32 v16, v59  }
0x231: {  	v61 =	vld [tilespmem:$0x1FA60]  }
0x232: {  	[tilespmem:s31+$0x10440] =	vst v16  }
0x233: {  	v16 =	vld.idx.msk [tilespmem:v0+s11+$0x0], $0xffff;
	_ =	sdelay $0x2  }
0x234: {  	v62 =	vor.u32 v61, v19;
	_ =	sdelay $0x1  }
0x235: {  	v16 =	vmul.f32 v16, v63  }
0x236: {  	v61 =	vld [tilespmem:$0x1FA80]  }
0x237: {  	[tilespmem:s31+$0x10450] =	vst v16  }
0x238: {  	v16 =	vld.idx.msk [tilespmem:v62+s11+$0x0], $0xffff;
	_ =	sdelay $0x2  }
0x239: {  	v0 =	vor.u32 v61, v21;
	_ =	sdelay $0x1  }
0x23a: {  	v16 =	vmul.f32 v16, v7  }
0x23b: {  	v36 =	vld [tilespmem:$0x1FA90]  }
0x23c: {  	[tilespmem:s31+$0x10460] =	vst v16  }
0x23d: {  	v16 =	vld.idx.msk [tilespmem:v0+s11+$0x0], $0xffff;
	_ =	sdelay $0x2  }
0x23e: {  	v62 =	vor.u32 v36, v25;
	_ =	sdelay $0x1  }
0x23f: {  	v16 =	vmul.f32 v16, v15;
	_ =	sdelay $0x1  }
0x240: {  	[tilespmem:s31+$0x10470] =	vst v16  }
0x241: {  	v16 =	vld.idx.msk [tilespmem:v62+s11+$0x0], $0xffff  }
0x242: {  	v62 =	vld [tilespmem:$0x1FAA0];
	_ =	sdelay $0x4  }
0x243: {  	v0 =	vor.u32 v62, v12;
	_ =	sdelay $0x1  }
0x244: {  	v16 =	vmul.f32 v16, v23  }
0x245: {  	v36 =	vld [tilespmem:$0x1FAC0]  }
0x246: {  	[tilespmem:s31+$0x10800] =	vst v16  }
0x247: {  	v16 =	vld.idx.msk [tilespmem:v0+s11+$0x0], $0xffff;
	_ =	sdelay $0x2  }
0x248: {  	v0 =	vor.u32 v36, v27;
	_ =	sdelay $0x1  }
0x249: {  	v16 =	vmul.f32 v16, v31  }
0x24a: {  	v36 =	vld [tilespmem:$0x1FAD0]  }
0x24b: {  	[tilespmem:s31+$0x10810] =	vst v16  }
0x24c: {  	v16 =	vld.idx.msk [tilespmem:v0+s11+$0x0], $0xffff;
	_ =	sdelay $0x2  }
0x24d: {  	v0 =	vor.u32 v36, v29;
	_ =	sdelay $0x1  }
0x24e: {  	v16 =	vmul.f32 v16, v35  }
0x24f: {  	v36 =	vld [tilespmem:$0x1FAE0]  }
0x250: {  	[tilespmem:s31+$0x10820] =	vst v16  }
0x251: {  	v16 =	vld.idx.msk [tilespmem:v0+s11+$0x0], $0xffff;
	_ =	sdelay $0x2  }
0x252: {  	v0 =	vor.u32 v36, v14;
	_ =	sdelay $0x1  }
0x253: {  	v16 =	vmul.f32 v16, v40  }
0x254: {  	v36 =	vld [tilespmem:$0x1FB00]  }
0x255: {  	[tilespmem:s31+$0x10830] =	vst v16  }
0x256: {  	v16 =	vld.idx.msk [tilespmem:v0+s11+$0x0], $0xffff;
	_ =	sdelay $0x2  }
0x257: {  	v0 =	vor.u32 v36, v32;
	_ =	sdelay $0x1  }
0x258: {  	v16 =	vmul.f32 v16, v45  }
0x259: {  	v36 =	vld [tilespmem:$0x1FB10]  }
0x25a: {  	[tilespmem:s31+$0x10840] =	vst v16  }
0x25b: {  	v16 =	vld.idx.msk [tilespmem:v0+s11+$0x0], $0xffff;
	_ =	sdelay $0x2  }
0x25c: {  	v0 =	vor.u32 v36, v33;
	_ =	sdelay $0x1  }
0x25d: {  	v16 =	vmul.f32 v16, v50  }
0x25e: {  	v36 =	vld [tilespmem:$0x1FB20]  }
0x25f: {  	[tilespmem:s31+$0x10850] =	vst v16  }
0x260: {  	v16 =	vld.idx.msk [tilespmem:v0+s11+$0x0], $0xffff;
	_ =	sdelay $0x2  }
0x261: {  	v0 =	vor.u32 v36, v34;
	_ =	sdelay $0x1  }
0x262: {  	v16 =	vmul.f32 v16, v2  }
0x263: {  	v36 =	vld [tilespmem:$0x1FB40]  }
0x264: {  	[tilespmem:s31+$0x10860] =	vst v16  }
0x265: {  	v16 =	vld.idx.msk [tilespmem:v0+s11+$0x0], $0xffff;
	_ =	sdelay $0x2  }
0x266: {  	v0 =	vor.u32 v36, v9;
	_ =	sdelay $0x1  }
0x267: {  	v16 =	vmul.f32 v16, v1  }
0x268: {  	v36 =	vld [tilespmem:$0x1FB50]  }
0x269: {  	[tilespmem:s31+$0x10870] =	vst v16  }
0x26a: {  	v16 =	vld.idx.msk [tilespmem:v0+s11+$0x0], $0xffff;
	_ =	sdelay $0x2  }
0x26b: {  	v0 =	vor.u32 v36, v8;
	_ =	sdelay $0x1  }
0x26c: {  	v16 =	vmul.f32 v16, v43  }
0x26d: {  	v36 =	vld [tilespmem:$0x1FB60]  }
0x26e: {  	[tilespmem:s31+$0x10480] =	vst v16  }
0x26f: {  	v16 =	vld.idx.msk [tilespmem:v0+s11+$0x0], $0xffff;
	_ =	sdelay $0x2  }
0x270: {  	v0 =	vor.u32 v36, v11;
	_ =	sdelay $0x1  }
0x271: {  	v16 =	vmul.f32 v16, v47  }
0x272: {  	v36 =	vld [tilespmem:$0x1FB80]  }
0x273: {  	[tilespmem:s31+$0x10490] =	vst v16  }
0x274: {  	v16 =	vld.idx.msk [tilespmem:v0+s11+$0x0], $0xffff;
	_ =	sdelay $0x2  }
0x275: {  	v0 =	vor.u32 v36, v13;
	_ =	sdelay $0x1  }
0x276: {  	v16 =	vmul.f32 v16, v51  }
0x277: {  	v36 =	vld [tilespmem:$0x1FB90]  }
0x278: {  	[tilespmem:s31+$0x104A0] =	vst v16  }
0x279: {  	v16 =	vld.idx.msk [tilespmem:v0+s11+$0x0], $0xffff;
	_ =	sdelay $0x2  }
0x27a: {  	v0 =	vor.u32 v36, v17;
	_ =	sdelay $0x1  }
0x27b: {  	v16 =	vmul.f32 v16, v55;
	_ =	sdelay $0x1  }
0x27c: {  	v36 =	vld [tilespmem:$0x1FBA0];
	[tilespmem:s31+$0x104B0] =	vst v16  }
0x27d: {  	v16 =	vld.idx.msk [tilespmem:v0+s11+$0x0], $0xffff;
	_ =	sdelay $0x4  }
0x27e: {  	v0 =	vor.u32 v36, v10;
	v16 =	vmul.f32 v16, v59;
	_ =	sdelay $0x1  }
0x27f: {  	[tilespmem:s31+$0x104C0] =	vst v16  }
0x280: {  	v36 =	vld [tilespmem:$0x1FBC0];
	_ =	sdelay $0x1  }
0x281: {  	v16 =	vld.idx.msk [tilespmem:v0+s11+$0x0], $0xffff;
	_ =	sdelay $0x2  }
0x282: {  	v0 =	vor.u32 v36, v19;
	_ =	sdelay $0x1  }
0x283: {  	v16 =	vmul.f32 v16, v63  }
0x284: {  	v36 =	vld [tilespmem:$0x1FBD0]  }
0x285: {  	[tilespmem:s31+$0x104D0] =	vst v16  }
0x286: {  	v16 =	vld.idx.msk [tilespmem:v0+s11+$0x0], $0xffff;
	_ =	sdelay $0x2  }
0x287: {  	v0 =	vor.u32 v36, v21;
	_ =	sdelay $0x1  }
0x288: {  	v16 =	vmul.f32 v16, v7  }
0x289: {  	v36 =	vld [tilespmem:$0x1FBE0]  }
0x28a: {  	[tilespmem:s31+$0x104E0] =	vst v16  }
0x28b: {  	v16 =	vld.idx.msk [tilespmem:v0+s11+$0x0], $0xffff;
	_ =	sdelay $0x2  }
0x28c: {  	v0 =	vor.u32 v36, v25;
	_ =	sdelay $0x1  }
0x28d: {  	v16 =	vmul.f32 v16, v15  }
0x28e: {  	v36 =	vld [tilespmem:$0x1FC00]  }
0x28f: {  	[tilespmem:s31+$0x104F0] =	vst v16  }
0x290: {  	v16 =	vld.idx.msk [tilespmem:v0+s11+$0x0], $0xffff;
	_ =	sdelay $0x2  }
0x291: {  	v0 =	vor.u32 v36, v12;
	_ =	sdelay $0x1  }
0x292: {  	v16 =	vmul.f32 v16, v23  }
0x293: {  	v36 =	vld [tilespmem:$0x1FC10]  }
0x294: {  	[tilespmem:s31+$0x10880] =	vst v16  }
0x295: {  	v16 =	vld.idx.msk [tilespmem:v0+s11+$0x0], $0xffff;
	_ =	sdelay $0x2  }
0x296: {  	v0 =	vor.u32 v36, v27;
	_ =	sdelay $0x1  }
0x297: {  	v16 =	vmul.f32 v16, v31  }
0x298: {  	v36 =	vld [tilespmem:$0x1FC20]  }
0x299: {  	[tilespmem:s31+$0x10890] =	vst v16  }
0x29a: {  	v16 =	vld.idx.msk [tilespmem:v0+s11+$0x0], $0xffff;
	_ =	sdelay $0x2  }
0x29b: {  	v0 =	vor.u32 v36, v29;
	_ =	sdelay $0x1  }
0x29c: {  	v16 =	vmul.f32 v16, v35  }
0x29d: {  	v36 =	vld [tilespmem:$0x1FC40]  }
0x29e: {  	[tilespmem:s31+$0x108A0] =	vst v16  }
0x29f: {  	v16 =	vld.idx.msk [tilespmem:v0+s11+$0x0], $0xffff;
	_ =	sdelay $0x2  }
0x2a0: {  	v0 =	vor.u32 v36, v14;
	_ =	sdelay $0x1  }
0x2a1: {  	v16 =	vmul.f32 v16, v40  }
0x2a2: {  	v36 =	vld [tilespmem:$0x1FC50]  }
0x2a3: {  	[tilespmem:s31+$0x108B0] =	vst v16  }
0x2a4: {  	v16 =	vld.idx.msk [tilespmem:v0+s11+$0x0], $0xffff;
	_ =	sdelay $0x2  }
0x2a5: {  	v0 =	vor.u32 v36, v32;
	_ =	sdelay $0x1  }
0x2a6: {  	v16 =	vmul.f32 v16, v45  }
0x2a7: {  	v36 =	vld [tilespmem:$0x1FC60]  }
0x2a8: {  	[tilespmem:s31+$0x108C0] =	vst v16  }
0x2a9: {  	v16 =	vld.idx.msk [tilespmem:v0+s11+$0x0], $0xffff;
	_ =	sdelay $0x2  }
0x2aa: {  	v0 =	vor.u32 v36, v33;
	_ =	sdelay $0x1  }
0x2ab: {  	v16 =	vmul.f32 v16, v50  }
0x2ac: {  	v36 =	vld [tilespmem:$0x1FC80]  }
0x2ad: {  	[tilespmem:s31+$0x108D0] =	vst v16  }
0x2ae: {  	v16 =	vld.idx.msk [tilespmem:v0+s11+$0x0], $0xffff;
	_ =	sdelay $0x2  }
0x2af: {  	v0 =	vor.u32 v36, v34;
	_ =	sdelay $0x1  }
0x2b0: {  	v16 =	vmul.f32 v16, v2  }
0x2b1: {  	v36 =	vld [tilespmem:$0x1FC90]  }
0x2b2: {  	[tilespmem:s31+$0x108E0] =	vst v16  }
0x2b3: {  	v16 =	vld.idx.msk [tilespmem:v0+s11+$0x0], $0xffff;
	_ =	sdelay $0x2  }
0x2b4: {  	v0 =	vor.u32 v36, v9;
	_ =	sdelay $0x1  }
0x2b5: {  	v16 =	vmul.f32 v16, v1  }
0x2b6: {  	v36 =	vld [tilespmem:$0x1FCA0]  }
0x2b7: {  	[tilespmem:s31+$0x108F0] =	vst v16  }
0x2b8: {  	v16 =	vld.idx.msk [tilespmem:v0+s11+$0x0], $0xffff;
	_ =	sdelay $0x2  }
0x2b9: {  	v0 =	vor.u32 v36, v8;
	_ =	sdelay $0x1  }
0x2ba: {  	v16 =	vmul.f32 v16, v43  }
0x2bb: {  	v36 =	vld [tilespmem:$0x1FCC0]  }
0x2bc: {  	[tilespmem:s31+$0x10500] =	vst v16  }
0x2bd: {  	v16 =	vld.idx.msk [tilespmem:v0+s11+$0x0], $0xffff;
	_ =	sdelay $0x2  }
0x2be: {  	v0 =	vor.u32 v36, v11;
	_ =	sdelay $0x1  }
0x2bf: {  	v16 =	vmul.f32 v16, v47  }
0x2c0: {  	v36 =	vld [tilespmem:$0x1FCD0]  }
0x2c1: {  	[tilespmem:s31+$0x10510] =	vst v16  }
0x2c2: {  	v16 =	vld.idx.msk [tilespmem:v0+s11+$0x0], $0xffff;
	_ =	sdelay $0x2  }
0x2c3: {  	v0 =	vor.u32 v36, v13;
	_ =	sdelay $0x1  }
0x2c4: {  	v16 =	vmul.f32 v16, v51  }
0x2c5: {  	v36 =	vld [tilespmem:$0x1FCE0]  }
0x2c6: {  	[tilespmem:s31+$0x10520] =	vst v16  }
0x2c7: {  	v16 =	vld.idx.msk [tilespmem:v0+s11+$0x0], $0xffff;
	_ =	sdelay $0x2  }
0x2c8: {  	v0 =	vor.u32 v36, v17;
	_ =	sdelay $0x1  }
0x2c9: {  	v16 =	vmul.f32 v16, v55  }
0x2ca: {  	v36 =	vld [tilespmem:$0x1FD00]  }
0x2cb: {  	[tilespmem:s31+$0x10530] =	vst v16  }
0x2cc: {  	v16 =	vld.idx.msk [tilespmem:v0+s11+$0x0], $0xffff;
	_ =	sdelay $0x2  }
0x2cd: {  	v0 =	vor.u32 v36, v10;
	_ =	sdelay $0x1  }
0x2ce: {  	v16 =	vmul.f32 v16, v59  }
0x2cf: {  	v36 =	vld [tilespmem:$0x1FD10]  }
0x2d0: {  	[tilespmem:s31+$0x10540] =	vst v16  }
0x2d1: {  	v16 =	vld.idx.msk [tilespmem:v0+s11+$0x0], $0xffff;
	_ =	sdelay $0x2  }
0x2d2: {  	v0 =	vor.u32 v36, v19;
	_ =	sdelay $0x1  }
0x2d3: {  	v16 =	vmul.f32 v16, v63  }
0x2d4: {  	v36 =	vld [tilespmem:$0x1FD20]  }
0x2d5: {  	[tilespmem:s31+$0x10550] =	vst v16  }
0x2d6: {  	v16 =	vld.idx.msk [tilespmem:v0+s11+$0x0], $0xffff;
	_ =	sdelay $0x2  }
0x2d7: {  	v0 =	vor.u32 v36, v21;
	_ =	sdelay $0x1  }
0x2d8: {  	v16 =	vmul.f32 v16, v7  }
0x2d9: {  	v36 =	vld [tilespmem:$0x1FD40]  }
0x2da: {  	[tilespmem:s31+$0x10560] =	vst v16  }
0x2db: {  	v16 =	vld.idx.msk [tilespmem:v0+s11+$0x0], $0xffff;
	_ =	sdelay $0x2  }
0x2dc: {  	v0 =	vor.u32 v36, v25;
	_ =	sdelay $0x1  }
0x2dd: {  	v16 =	vmul.f32 v16, v15  }
0x2de: {  	v36 =	vld [tilespmem:$0x1FD50]  }
0x2df: {  	[tilespmem:s31+$0x10570] =	vst v16  }
0x2e0: {  	v16 =	vld.idx.msk [tilespmem:v0+s11+$0x0], $0xffff;
	_ =	sdelay $0x2  }
0x2e1: {  	v0 =	vor.u32 v36, v12;
	_ =	sdelay $0x1  }
0x2e2: {  	v16 =	vmul.f32 v16, v23  }
0x2e3: {  	v36 =	vld [tilespmem:$0x1FD60]  }
0x2e4: {  	[tilespmem:s31+$0x10900] =	vst v16  }
0x2e5: {  	v16 =	vld.idx.msk [tilespmem:v0+s11+$0x0], $0xffff;
	_ =	sdelay $0x2  }
0x2e6: {  	v0 =	vor.u32 v36, v27;
	_ =	sdelay $0x1  }
0x2e7: {  	v16 =	vmul.f32 v16, v31  }
0x2e8: {  	v36 =	vld [tilespmem:$0x1FD80]  }
0x2e9: {  	[tilespmem:s31+$0x10910] =	vst v16  }
0x2ea: {  	v16 =	vld.idx.msk [tilespmem:v0+s11+$0x0], $0xffff;
	_ =	sdelay $0x2  }
0x2eb: {  	v0 =	vor.u32 v36, v29;
	_ =	sdelay $0x1  }
0x2ec: {  	v16 =	vmul.f32 v16, v35  }
0x2ed: {  	v36 =	vld [tilespmem:$0x1FD90]  }
0x2ee: {  	[tilespmem:s31+$0x10920] =	vst v16  }
0x2ef: {  	v16 =	vld.idx.msk [tilespmem:v0+s11+$0x0], $0xffff;
	_ =	sdelay $0x2  }
0x2f0: {  	v0 =	vor.u32 v36, v14;
	_ =	sdelay $0x1  }
0x2f1: {  	v16 =	vmul.f32 v16, v40  }
0x2f2: {  	v36 =	vld [tilespmem:$0x1FDA0]  }
0x2f3: {  	[tilespmem:s31+$0x10930] =	vst v16  }
0x2f4: {  	v16 =	vld.idx.msk [tilespmem:v0+s11+$0x0], $0xffff;
	_ =	sdelay $0x2  }
0x2f5: {  	v0 =	vor.u32 v36, v32;
	_ =	sdelay $0x1  }
0x2f6: {  	v16 =	vmul.f32 v16, v45  }
0x2f7: {  	v36 =	vld [tilespmem:$0x1FDC0]  }
0x2f8: {  	[tilespmem:s31+$0x10940] =	vst v16  }
0x2f9: {  	v16 =	vld.idx.msk [tilespmem:v0+s11+$0x0], $0xffff;
	_ =	sdelay $0x2  }
0x2fa: {  	v0 =	vor.u32 v36, v33;
	_ =	sdelay $0x1  }
0x2fb: {  	v16 =	vmul.f32 v16, v50;
	_ =	sdelay $0x1  }
0x2fc: {  	[tilespmem:s31+$0x10950] =	vst v16  }
0x2fd: {  	v16 =	vld.idx.msk [tilespmem:v0+s11+$0x0], $0xffff  }
0x2fe: {  	v0 =	vld [tilespmem:$0x1FDD0];
	_ =	sdelay $0x4  }
0x2ff: {  	v36 =	vor.u32 v0, v34;
	_ =	sdelay $0x1  }
0x300: {  	v16 =	vmul.f32 v16, v2;
	_ =	sdelay $0x1  }
0x301: {  	[tilespmem:s31+$0x10960] =	vst v16  }
0x302: {  	v16 =	vld.idx.msk [tilespmem:v36+s11+$0x0], $0xffff  }
0x303: {  	v36 =	vld [tilespmem:$0x1FDF0];
	_ =	sdelay $0x4  }
0x304: {  	v9 =	vor.u32 v36, v9;
	_ =	sdelay $0x1  }
0x305: {  	v16 =	vmul.f32 v16, v1  }
0x306: {  	v36 =	vld [tilespmem:$0x1FE20]  }
0x307: {  	[tilespmem:s31+$0x10970] =	vst v16  }
0x308: {  	v9 =	vld.idx.msk [tilespmem:v9+s11+$0x0], $0xffff;
	_ =	sdelay $0x2  }
0x309: {  	v8 =	vor.u32 v36, v8;
	_ =	sdelay $0x1  }
0x30a: {  	v9 =	vmul.f32 v9, v43  }
0x30b: {  	v36 =	vld [tilespmem:$0x1FE40]  }
0x30c: {  	[tilespmem:s31+$0x10580] =	vst v9  }
0x30d: {  	v8 =	vld.idx.msk [tilespmem:v8+s11+$0x0], $0xffff;
	_ =	sdelay $0x2  }
0x30e: {  	v9 =	vor.u32 v36, v11;
	_ =	sdelay $0x1  }
0x30f: {  	v8 =	vmul.f32 v8, v47  }
0x310: {  	v16 =	vld [tilespmem:$0x1FE60]  }
0x311: {  	[tilespmem:s31+$0x10590] =	vst v8  }
0x312: {  	v8 =	vld.idx.msk [tilespmem:v9+s11+$0x0], $0xffff;
	_ =	sdelay $0x2  }
0x313: {  	v9 =	vor.u32 v16, v13;
	_ =	sdelay $0x1  }
0x314: {  	v8 =	vmul.f32 v8, v51  }
0x315: {  	v36 =	vld [tilespmem:$0x1FE90]  }
0x316: {  	[tilespmem:s31+$0x105A0] =	vst v8  }
0x317: {  	v8 =	vld.idx.msk [tilespmem:v9+s11+$0x0], $0xffff;
	_ =	sdelay $0x2  }
0x318: {  	v9 =	vor.u32 v36, v17;
	_ =	sdelay $0x1  }
0x319: {  	v8 =	vmul.f32 v8, v55  }
0x31a: {  	v13 =	vld [tilespmem:$0x1FEB0]  }
0x31b: {  	[tilespmem:s31+$0x105B0] =	vst v8  }
0x31c: {  	v8 =	vld.idx.msk [tilespmem:v9+s11+$0x0], $0xffff;
	_ =	sdelay $0x2  }
0x31d: {  	v9 =	vor.u32 v13, v10;
	_ =	sdelay $0x1  }
0x31e: {  	v8 =	vmul.f32 v8, v59  }
0x31f: {  	v16 =	vld [tilespmem:$0x1FED0]  }
0x320: {  	[tilespmem:s31+$0x105C0] =	vst v8  }
0x321: {  	v8 =	vld.idx.msk [tilespmem:v9+s11+$0x0], $0xffff;
	_ =	sdelay $0x2  }
0x322: {  	v9 =	vor.u32 v16, v19;
	_ =	sdelay $0x1  }
0x323: {  	v8 =	vmul.f32 v8, v63  }
0x324: {  	v17 =	vld [tilespmem:$0x1FEF0]  }
0x325: {  	[tilespmem:s31+$0x105D0] =	vst v8  }
0x326: {  	v8 =	vld.idx.msk [tilespmem:v9+s11+$0x0], $0xffff;
	_ =	sdelay $0x2  }
0x327: {  	v9 =	vor.u32 v17, v21;
	_ =	sdelay $0x1  }
0x328: {  	v8 =	vmul.f32 v8, v7  }
0x329: {  	v19 =	vld [tilespmem:$0x1FF10]  }
0x32a: {  	[tilespmem:s31+$0x105E0] =	vst v8  }
0x32b: {  	v8 =	vld.idx.msk [tilespmem:v9+s11+$0x0], $0xffff;
	_ =	sdelay $0x2  }
0x32c: {  	v9 =	vor.u32 v19, v25;
	_ =	sdelay $0x1  }
0x32d: {  	v8 =	vmul.f32 v8, v15  }
0x32e: {  	v21 =	vld [tilespmem:$0x1FF30]  }
0x32f: {  	[tilespmem:s31+$0x105F0] =	vst v8  }
0x330: {  	v8 =	vld.idx.msk [tilespmem:v9+s11+$0x0], $0xffff;
	_ =	sdelay $0x2  }
0x331: {  	v9 =	vor.u32 v21, v12;
	_ =	sdelay $0x1  }
0x332: {  	v8 =	vmul.f32 v8, v23  }
0x333: {  	v25 =	vld [tilespmem:$0x1FF50]  }
0x334: {  	[tilespmem:s31+$0x10980] =	vst v8  }
0x335: {  	v8 =	vld.idx.msk [tilespmem:v9+s11+$0x0], $0xffff;
	_ =	sdelay $0x2  }
0x336: {  	v9 =	vor.u32 v25, v27;
	_ =	sdelay $0x1  }
0x337: {  	v8 =	vmul.f32 v8, v31  }
0x338: {  	v27 =	vld [tilespmem:$0x1FF70]  }
0x339: {  	[tilespmem:s31+$0x10990] =	vst v8  }
0x33a: {  	v8 =	vld.idx.msk [tilespmem:v9+s11+$0x0], $0xffff;
	_ =	sdelay $0x2  }
0x33b: {  	v9 =	vor.u32 v27, v29;
	_ =	sdelay $0x1  }
0x33c: {  	v8 =	vmul.f32 v8, v35  }
0x33d: {  	v36 =	vld [tilespmem:$0x1FF90]  }
0x33e: {  	[tilespmem:s31+$0x109A0] =	vst v8  }
0x33f: {  	v8 =	vld.idx.msk [tilespmem:v9+s11+$0x0], $0xffff;
	_ =	sdelay $0x2  }
0x340: {  	v9 =	vor.u32 v36, v14;
	_ =	sdelay $0x1  }
0x341: {  	v8 =	vmul.f32 v8, v40  }
0x342: {  	v12 =	vld [tilespmem:$0x1FFB0]  }
0x343: {  	[tilespmem:s31+$0x109B0] =	vst v8  }
0x344: {  	v8 =	vld.idx.msk [tilespmem:v9+s11+$0x0], $0xffff;
	_ =	sdelay $0x2  }
0x345: {  	v9 =	vor.u32 v12, v32;
	_ =	sdelay $0x1  }
0x346: {  	v8 =	vmul.f32 v8, v45  }
0x347: {  	v13 =	vld [tilespmem:$0x1FFD0]  }
0x348: {  	[tilespmem:s31+$0x109C0] =	vst v8  }
0x349: {  	v8 =	vld.idx.msk [tilespmem:v9+s11+$0x0], $0xffff;
	_ =	sdelay $0x2  }
0x34a: {  	v9 =	vor.u32 v13, v33;
	_ =	sdelay $0x1  }
0x34b: {  	v8 =	vmul.f32 v8, v50  }
0x34c: {  	v14 =	vld [tilespmem:$0x1FFF0]  }
0x34d: {  	[tilespmem:s31+$0x109D0] =	vst v8  }
0x34e: {  	v8 =	vld.idx.msk [tilespmem:v9+s11+$0x0], $0xffff;
	_ =	sdelay $0x2  }
0x34f: {  	v9 =	vor.u32 v14, v34;
	_ =	sdelay $0x1  }
0x350: {  	v17 =	vld [tilespmem:$0x1F600];
	v8 =	vmul.f32 v8, v2  }
0x351: {  	v19 =	vld [tilespmem:$0x1FDE0]  }
0x352: {  	[tilespmem:s31+$0x109E0] =	vst v8  }
0x353: {  	v16 =	vmov s30;
	v9 =	vld.idx.msk [tilespmem:v9+s11+$0x0], $0xffff  }
0x354: {  	v16 =	vor.u32 $0x4000, v16  }
0x355: {  	v8 =	vadd.s32 v17, v16  }
0x356: {  	v10 =	vor.u32 v19, v8;
	_ =	sdelay $0x1  }
0x357: {  	v21 =	vld [tilespmem:$0x1F610];
	v9 =	vmul.f32 v9, v1  }
0x358: {  	v25 =	vld [tilespmem:$0x1FE10]  }
0x359: {  	[tilespmem:s31+$0x109F0] =	vst v9  }
0x35a: {  	v10 =	vld.idx.msk [tilespmem:v10+s11+$0x0], $0xffff;
	_ =	sdelay $0x1  }
0x35b: {  	v9 =	vadd.s32 v21, v16  }
0x35c: {  	v11 =	vor.u32 v25, v9;
	_ =	sdelay $0x1  }
0x35d: {  	v27 =	vld [tilespmem:$0x1F620];
	v10 =	vmul.f32 v10, v43  }
0x35e: {  	v29 =	vld [tilespmem:$0x1FE30]  }
0x35f: {  	[tilespmem:s31+$0x10A00] =	vst v10  }
0x360: {  	v10 =	vld.idx.msk [tilespmem:v11+s11+$0x0], $0xffff;
	_ =	sdelay $0x1  }
0x361: {  	v11 =	vadd.s32 v27, v16  }
0x362: {  	v12 =	vor.u32 v29, v11;
	_ =	sdelay $0x1  }
0x363: {  	v32 =	vld [tilespmem:$0x1F630];
	v10 =	vmul.f32 v10, v47  }
0x364: {  	v33 =	vld [tilespmem:$0x1FE50]  }
0x365: {  	[tilespmem:s31+$0x10A10] =	vst v10  }
0x366: {  	v10 =	vld.idx.msk [tilespmem:v12+s11+$0x0], $0xffff;
	_ =	sdelay $0x1  }
0x367: {  	v13 =	vadd.s32 v32, v16  }
0x368: {  	v12 =	vor.u32 v33, v13;
	_ =	sdelay $0x1  }
0x369: {  	v34 =	vld [tilespmem:$0x1F640];
	v10 =	vmul.f32 v10, v51  }
0x36a: {  	v36 =	vld [tilespmem:$0x1FE80]  }
0x36b: {  	[tilespmem:s31+$0x10A20] =	vst v10  }
0x36c: {  	v10 =	vld.idx.msk [tilespmem:v12+s11+$0x0], $0xffff;
	_ =	sdelay $0x1  }
0x36d: {  	v17 =	vadd.s32 v34, v16  }
0x36e: {  	v12 =	vor.u32 v36, v17;
	_ =	sdelay $0x1  }
0x36f: {  	v14 =	vld [tilespmem:$0x1F650];
	v10 =	vmul.f32 v10, v55  }
0x370: {  	v19 =	vld [tilespmem:$0x1FEA0]  }
0x371: {  	[tilespmem:s31+$0x10A30] =	vst v10  }
0x372: {  	v12 =	vld.idx.msk [tilespmem:v12+s11+$0x0], $0xffff;
	_ =	sdelay $0x1  }
0x373: {  	v10 =	vadd.s32 v14, v16  }
0x374: {  	v14 =	vor.u32 v19, v10;
	_ =	sdelay $0x1  }
0x375: {  	v21 =	vld [tilespmem:$0x1F660];
	v12 =	vmul.f32 v12, v59  }
0x376: {  	v25 =	vld [tilespmem:$0x1FEC0]  }
0x377: {  	[tilespmem:s31+$0x10A40] =	vst v12  }
0x378: {  	v12 =	vld.idx.msk [tilespmem:v14+s11+$0x0], $0xffff;
	_ =	sdelay $0x1  }
0x379: {  	v19 =	vadd.s32 v21, v16  }
0x37a: {  	v14 =	vor.u32 v25, v19;
	_ =	sdelay $0x1  }
0x37b: {  	v27 =	vld [tilespmem:$0x1F670];
	v12 =	vmul.f32 v12, v63  }
0x37c: {  	v29 =	vld [tilespmem:$0x1FEE0]  }
0x37d: {  	[tilespmem:s31+$0x10A50] =	vst v12  }
0x37e: {  	v12 =	vld.idx.msk [tilespmem:v14+s11+$0x0], $0xffff;
	_ =	sdelay $0x1  }
0x37f: {  	v21 =	vadd.s32 v27, v16  }
0x380: {  	v14 =	vor.u32 v29, v21;
	_ =	sdelay $0x1  }
0x381: {  	v32 =	vld [tilespmem:$0x1F680];
	v12 =	vmul.f32 v12, v7  }
0x382: {  	v33 =	vld [tilespmem:$0x1FF00]  }
0x383: {  	[tilespmem:s31+$0x10A60] =	vst v12  }
0x384: {  	v12 =	vld.idx.msk [tilespmem:v14+s11+$0x0], $0xffff;
	_ =	sdelay $0x1  }
0x385: {  	v25 =	vadd.s32 v32, v16  }
0x386: {  	v14 =	vor.u32 v33, v25;
	_ =	sdelay $0x1  }
0x387: {  	v34 =	vld [tilespmem:$0x1F690];
	v12 =	vmul.f32 v12, v15  }
0x388: {  	v36 =	vld [tilespmem:$0x1FF20]  }
0x389: {  	[tilespmem:s31+$0x10A70] =	vst v12  }
0x38a: {  	v14 =	vld.idx.msk [tilespmem:v14+s11+$0x0], $0xffff;
	_ =	sdelay $0x1  }
0x38b: {  	v12 =	vadd.s32 v34, v16  }
0x38c: {  	v27 =	vor.u32 v36, v12;
	_ =	sdelay $0x1  }
0x38d: {  	v32 =	vld [tilespmem:$0x1F6A0];
	v14 =	vmul.f32 v14, v23  }
0x38e: {  	v33 =	vld [tilespmem:$0x1FF40]  }
0x38f: {  	[tilespmem:s31+$0x10E00] =	vst v14  }
0x390: {  	v14 =	vld.idx.msk [tilespmem:v27+s11+$0x0], $0xffff;
	_ =	sdelay $0x1  }
0x391: {  	v27 =	vadd.s32 v32, v16  }
0x392: {  	v29 =	vor.u32 v33, v27;
	_ =	sdelay $0x1  }
0x393: {  	v34 =	vld [tilespmem:$0x1F6B0];
	v14 =	vmul.f32 v14, v31  }
0x394: {  	v36 =	vld [tilespmem:$0x1FF60]  }
0x395: {  	[tilespmem:s31+$0x10E10] =	vst v14  }
0x396: {  	v14 =	vld.idx.msk [tilespmem:v29+s11+$0x0], $0xffff;
	_ =	sdelay $0x1  }
0x397: {  	v29 =	vadd.s32 v34, v16  }
0x398: {  	v32 =	vor.u32 v36, v29;
	_ =	sdelay $0x1  }
0x399: {  	v34 =	vld [tilespmem:$0x1F6C0];
	v14 =	vmul.f32 v14, v35  }
0x39a: {  	v36 =	vld [tilespmem:$0x1FF80]  }
0x39b: {  	[tilespmem:s31+$0x10E20] =	vst v14  }
0x39c: {  	v32 =	vld.idx.msk [tilespmem:v32+s11+$0x0], $0xffff;
	_ =	sdelay $0x1  }
0x39d: {  	v14 =	vadd.s32 v34, v16  }
0x39e: {  	v33 =	vor.u32 v36, v14;
	_ =	sdelay $0x1  }
0x39f: {  	v32 =	vmul.f32 v32, v40  }
0x3a0: {  	v36 =	vld [tilespmem:$0x1FFA0]  }
0x3a1: {  	[tilespmem:s31+$0x10E30] =	vst v32  }
0x3a2: {  	v33 =	vld.idx.msk [tilespmem:v33+s11+$0x0], $0xffff;
	_ =	sdelay $0x1  }
0x3a3: {  	v32 =	vadd.s32 v3, v16  }
0x3a4: {  	v3 =	vor.u32 v36, v32;
	_ =	sdelay $0x1  }
0x3a5: {  	v33 =	vmul.f32 v33, v45;
	_ =	sdelay $0x1  }
0x3a6: {  	[tilespmem:s31+$0x10E40] =	vst v33  }
0x3a7: {  	v34 =	vld.idx.msk [tilespmem:v3+s11+$0x0], $0xffff;
	_ =	sdelay $0x1  }
0x3a8: {  	v33 =	vld [tilespmem:$0x1F6E0]  }
0x3a9: {  	v36 =	vld [tilespmem:$0x1FFC0];
	_ =	sdelay $0x1  }
0x3aa: {  	v34 =	vmul.f32 v34, v50;
	_ =	sdelay $0x1  }
0x3ab: {  	v33 =	vadd.s32 v33, v16;
	[tilespmem:s31+$0x10E50] =	vst v34;
	v34 =	vld [tilespmem:$0x1F6F0]  }
0x3ac: {  	v3 =	vor.u32 v36, v33;
	_ =	sdelay $0x3  }
0x3ad: {  	v34 =	vadd.s32 v34, v16;
	v16 =	vld [tilespmem:$0x1FFE0]  }
0x3ae: {  	v36 =	vld.idx.msk [tilespmem:v3+s11+$0x0], $0xffff;
	_ =	sdelay $0x3  }
0x3af: {  	v16 =	vor.u32 v16, v34  }
0x3b0: {  	v36 =	vmul.f32 v36, v2;
	_ =	sdelay $0x1  }
0x3b1: {  	[tilespmem:s31+$0x10E60] =	vst v36;
	v36 =	vld [tilespmem:$0x1F700];
	_ =	sdelay $0x1  }
0x3b2: {  	v16 =	vld.idx.msk [tilespmem:v16+s11+$0x0], $0xffff;
	_ =	sdelay $0x2  }
0x3b3: {  	v3 =	vor.u32 v36, v8;
	_ =	sdelay $0x1  }
0x3b4: {  	v16 =	vmul.f32 v16, v1  }
0x3b5: {  	v36 =	vld [tilespmem:$0x1F710]  }
0x3b6: {  	[tilespmem:s31+$0x10E70] =	vst v16  }
0x3b7: {  	v16 =	vld.idx.msk [tilespmem:v3+s11+$0x0], $0xffff;
	_ =	sdelay $0x2  }
0x3b8: {  	v3 =	vor.u32 v36, v9;
	_ =	sdelay $0x1  }
0x3b9: {  	v16 =	vmul.f32 v16, v43  }
0x3ba: {  	v36 =	vld [tilespmem:$0x1F720]  }
0x3bb: {  	[tilespmem:s31+$0x10A80] =	vst v16  }
0x3bc: {  	v16 =	vld.idx.msk [tilespmem:v3+s11+$0x0], $0xffff;
	_ =	sdelay $0x2  }
0x3bd: {  	v3 =	vor.u32 v36, v11;
	_ =	sdelay $0x1  }
0x3be: {  	v16 =	vmul.f32 v16, v47;
	_ =	sdelay $0x1  }
0x3bf: {  	[tilespmem:s31+$0x10A90] =	vst v16  }
0x3c0: {  	v16 =	vld.idx.msk [tilespmem:v3+s11+$0x0], $0xffff;
	_ =	sdelay $0x2  }
0x3c1: {  	v3 =	vor.u32 v39, v13;
	_ =	sdelay $0x1  }
0x3c2: {  	v16 =	vmul.f32 v16, v51  }
0x3c3: {  	v39 =	vld [tilespmem:$0x1F740]  }
0x3c4: {  	[tilespmem:s31+$0x10AA0] =	vst v16  }
0x3c5: {  	v16 =	vld.idx.msk [tilespmem:v3+s11+$0x0], $0xffff;
	_ =	sdelay $0x2  }
0x3c6: {  	v3 =	vor.u32 v39, v17;
	_ =	sdelay $0x1  }
0x3c7: {  	v16 =	vmul.f32 v16, v55;
	_ =	sdelay $0x1  }
0x3c8: {  	[tilespmem:s31+$0x10AB0] =	vst v16  }
0x3c9: {  	v16 =	vld.idx.msk [tilespmem:v3+s11+$0x0], $0xffff;
	_ =	sdelay $0x2  }
0x3ca: {  	v4 =	vor.u32 v4, v10;
	_ =	sdelay $0x1  }
0x3cb: {  	v16 =	vmul.f32 v16, v59  }
0x3cc: {  	v39 =	vld [tilespmem:$0x1F760]  }
0x3cd: {  	[tilespmem:s31+$0x10AC0] =	vst v16  }
0x3ce: {  	v16 =	vld.idx.msk [tilespmem:v4+s11+$0x0], $0xffff;
	_ =	sdelay $0x2  }
0x3cf: {  	v4 =	vor.u32 v39, v19;
	_ =	sdelay $0x1  }
0x3d0: {  	v16 =	vmul.f32 v16, v63;
	_ =	sdelay $0x1  }
0x3d1: {  	[tilespmem:s31+$0x10AD0] =	vst v16  }
0x3d2: {  	v16 =	vld.idx.msk [tilespmem:v4+s11+$0x0], $0xffff;
	_ =	sdelay $0x2  }
0x3d3: {  	v5 =	vor.u32 v5, v21;
	_ =	sdelay $0x1  }
0x3d4: {  	v16 =	vmul.f32 v16, v7  }
0x3d5: {  	v39 =	vld [tilespmem:$0x1F780]  }
0x3d6: {  	[tilespmem:s31+$0x10AE0] =	vst v16  }
0x3d7: {  	v16 =	vld.idx.msk [tilespmem:v5+s11+$0x0], $0xffff;
	_ =	sdelay $0x2  }
0x3d8: {  	v5 =	vor.u32 v39, v25;
	_ =	sdelay $0x1  }
0x3d9: {  	v16 =	vmul.f32 v16, v15;
	_ =	sdelay $0x1  }
0x3da: {  	[tilespmem:s31+$0x10AF0] =	vst v16  }
0x3db: {  	v16 =	vld.idx.msk [tilespmem:v5+s11+$0x0], $0xffff;
	_ =	sdelay $0x2  }
0x3dc: {  	v6 =	vor.u32 v6, v12;
	_ =	sdelay $0x1  }
0x3dd: {  	v16 =	vmul.f32 v16, v23  }
0x3de: {  	v39 =	vld [tilespmem:$0x1F7A0]  }
0x3df: {  	[tilespmem:s31+$0x10E80] =	vst v16  }
0x3e0: {  	v16 =	vld.idx.msk [tilespmem:v6+s11+$0x0], $0xffff;
	_ =	sdelay $0x2  }
0x3e1: {  	v5 =	vor.u32 v39, v27;
	_ =	sdelay $0x1  }
0x3e2: {  	v16 =	vmul.f32 v16, v31;
	_ =	sdelay $0x1  }
0x3e3: {  	[tilespmem:s31+$0x10E90] =	vst v16  }
0x3e4: {  	v16 =	vld.idx.msk [tilespmem:v5+s11+$0x0], $0xffff;
	_ =	sdelay $0x2  }
0x3e5: {  	v6 =	vor.u32 v18, v29;
	_ =	sdelay $0x1  }
0x3e6: {  	v16 =	vmul.f32 v16, v35  }
0x3e7: {  	v39 =	vld [tilespmem:$0x1F7C0]  }
0x3e8: {  	[tilespmem:s31+$0x10EA0] =	vst v16  }
0x3e9: {  	v16 =	vld.idx.msk [tilespmem:v6+s11+$0x0], $0xffff;
	_ =	sdelay $0x2  }
0x3ea: {  	v5 =	vor.u32 v39, v14;
	_ =	sdelay $0x1  }
0x3eb: {  	v16 =	vmul.f32 v16, v40;
	_ =	sdelay $0x1  }
0x3ec: {  	[tilespmem:s31+$0x10EB0] =	vst v16  }
0x3ed: {  	v16 =	vld.idx.msk [tilespmem:v5+s11+$0x0], $0xffff;
	_ =	sdelay $0x2  }
0x3ee: {  	v6 =	vor.u32 v20, v32;
	_ =	sdelay $0x1  }
0x3ef: {  	v16 =	vmul.f32 v16, v45  }
0x3f0: {  	v18 =	vld [tilespmem:$0x1F7E0]  }
0x3f1: {  	[tilespmem:s31+$0x10EC0] =	vst v16  }
0x3f2: {  	v16 =	vld.idx.msk [tilespmem:v6+s11+$0x0], $0xffff;
	_ =	sdelay $0x2  }
0x3f3: {  	v20 =	vor.u32 v18, v33;
	_ =	sdelay $0x1  }
0x3f4: {  	v16 =	vmul.f32 v16, v50;
	_ =	sdelay $0x1  }
0x3f5: {  	[tilespmem:s31+$0x10ED0] =	vst v16  }
0x3f6: {  	v16 =	vld.idx.msk [tilespmem:v20+s11+$0x0], $0xffff;
	_ =	sdelay $0x2  }
0x3f7: {  	v22 =	vor.u32 v22, v34;
	_ =	sdelay $0x1  }
0x3f8: {  	v16 =	vmul.f32 v16, v2  }
0x3f9: {  	v39 =	vld [tilespmem:$0x1F800]  }
0x3fa: {  	[tilespmem:s31+$0x10EE0] =	vst v16  }
0x3fb: {  	v16 =	vld.idx.msk [tilespmem:v22+s11+$0x0], $0xffff;
	_ =	sdelay $0x2  }
0x3fc: {  	v6 =	vor.u32 v39, v8;
	_ =	sdelay $0x1  }
0x3fd: {  	v16 =	vmul.f32 v16, v1;
	_ =	sdelay $0x1  }
0x3fe: {  	[tilespmem:s31+$0x10EF0] =	vst v16  }
0x3ff: {  	v16 =	vld.idx.msk [tilespmem:v6+s11+$0x0], $0xffff;
	_ =	sdelay $0x2  }
0x400: {  	v20 =	vor.u32 v24, v9;
	_ =	sdelay $0x1  }
0x401: {  	v16 =	vmul.f32 v16, v43  }
0x402: {  	v22 =	vld [tilespmem:$0x1F820]  }
0x403: {  	[tilespmem:s31+$0x10B00] =	vst v16  }
0x404: {  	v16 =	vld.idx.msk [tilespmem:v20+s11+$0x0], $0xffff;
	_ =	sdelay $0x2  }
0x405: {  	v24 =	vor.u32 v22, v11;
	_ =	sdelay $0x1  }
0x406: {  	v16 =	vmul.f32 v16, v47;
	_ =	sdelay $0x1  }
0x407: {  	[tilespmem:s31+$0x10B10] =	vst v16  }
0x408: {  	v16 =	vld.idx.msk [tilespmem:v24+s11+$0x0], $0xffff;
	_ =	sdelay $0x2  }
0x409: {  	v26 =	vor.u32 v26, v13;
	_ =	sdelay $0x1  }
0x40a: {  	v16 =	vmul.f32 v16, v51  }
0x40b: {  	v39 =	vld [tilespmem:$0x1F840]  }
0x40c: {  	[tilespmem:s31+$0x10B20] =	vst v16  }
0x40d: {  	v16 =	vld.idx.msk [tilespmem:v26+s11+$0x0], $0xffff;
	_ =	sdelay $0x2  }
0x40e: {  	v5 =	vor.u32 v39, v17;
	_ =	sdelay $0x1  }
0x40f: {  	v16 =	vmul.f32 v16, v55;
	_ =	sdelay $0x1  }
0x410: {  	[tilespmem:s31+$0x10B30] =	vst v16  }
0x411: {  	v16 =	vld.idx.msk [tilespmem:v5+s11+$0x0], $0xffff;
	_ =	sdelay $0x2  }
0x412: {  	v6 =	vor.u32 v28, v10;
	_ =	sdelay $0x1  }
0x413: {  	v16 =	vmul.f32 v16, v59  }
0x414: {  	v20 =	vld [tilespmem:$0x1F860]  }
0x415: {  	[tilespmem:s31+$0x10B40] =	vst v16  }
0x416: {  	v16 =	vld.idx.msk [tilespmem:v6+s11+$0x0], $0xffff;
	_ =	sdelay $0x2  }
0x417: {  	v22 =	vor.u32 v20, v19;
	_ =	sdelay $0x1  }
0x418: {  	v16 =	vmul.f32 v16, v63;
	_ =	sdelay $0x1  }
0x419: {  	[tilespmem:s31+$0x10B50] =	vst v16  }
0x41a: {  	v16 =	vld.idx.msk [tilespmem:v22+s11+$0x0], $0xffff;
	_ =	sdelay $0x2  }
0x41b: {  	v24 =	vor.u32 v30, v21;
	_ =	sdelay $0x1  }
0x41c: {  	v16 =	vmul.f32 v16, v7  }
0x41d: {  	v26 =	vld [tilespmem:$0x1F880]  }
0x41e: {  	[tilespmem:s31+$0x10B60] =	vst v16  }
0x41f: {  	v16 =	vld.idx.msk [tilespmem:v24+s11+$0x0], $0xffff;
	_ =	sdelay $0x2  }
0x420: {  	v28 =	vor.u32 v26, v25;
	_ =	sdelay $0x1  }
0x421: {  	v16 =	vmul.f32 v16, v15;
	_ =	sdelay $0x1  }
0x422: {  	[tilespmem:s31+$0x10B70] =	vst v16  }
0x423: {  	v16 =	vld.idx.msk [tilespmem:v28+s11+$0x0], $0xffff;
	_ =	sdelay $0x2  }
0x424: {  	v30 =	vor.u32 v37, v12;
	_ =	sdelay $0x1  }
0x425: {  	v16 =	vmul.f32 v16, v23  }
0x426: {  	v39 =	vld [tilespmem:$0x1F8A0]  }
0x427: {  	[tilespmem:s31+$0x10F00] =	vst v16  }
0x428: {  	v16 =	vld.idx.msk [tilespmem:v30+s11+$0x0], $0xffff;
	_ =	sdelay $0x2  }
0x429: {  	v5 =	vor.u32 v39, v27;
	_ =	sdelay $0x1  }
0x42a: {  	v16 =	vmul.f32 v16, v31;
	_ =	sdelay $0x1  }
0x42b: {  	[tilespmem:s31+$0x10F10] =	vst v16  }
0x42c: {  	v16 =	vld.idx.msk [tilespmem:v5+s11+$0x0], $0xffff;
	_ =	sdelay $0x2  }
0x42d: {  	v6 =	vor.u32 v38, v29;
	_ =	sdelay $0x1  }
0x42e: {  	v16 =	vmul.f32 v16, v35  }
0x42f: {  	v20 =	vld [tilespmem:$0x1F8C0]  }
0x430: {  	[tilespmem:s31+$0x10F20] =	vst v16  }
0x431: {  	v16 =	vld.idx.msk [tilespmem:v6+s11+$0x0], $0xffff;
	_ =	sdelay $0x2  }
0x432: {  	v22 =	vor.u32 v20, v14;
	_ =	sdelay $0x1  }
0x433: {  	v16 =	vmul.f32 v16, v40;
	_ =	sdelay $0x1  }
0x434: {  	[tilespmem:s31+$0x10F30] =	vst v16  }
0x435: {  	v16 =	vld.idx.msk [tilespmem:v22+s11+$0x0], $0xffff;
	_ =	sdelay $0x2  }
0x436: {  	v24 =	vor.u32 v41, v32;
	_ =	sdelay $0x1  }
0x437: {  	v16 =	vmul.f32 v16, v45  }
0x438: {  	v26 =	vld [tilespmem:$0x1F8E0]  }
0x439: {  	[tilespmem:s31+$0x10F40] =	vst v16  }
0x43a: {  	v16 =	vld.idx.msk [tilespmem:v24+s11+$0x0], $0xffff;
	_ =	sdelay $0x2  }
0x43b: {  	v28 =	vor.u32 v26, v33;
	_ =	sdelay $0x1  }
0x43c: {  	v16 =	vmul.f32 v16, v50;
	_ =	sdelay $0x1  }
0x43d: {  	[tilespmem:s31+$0x10F50] =	vst v16  }
0x43e: {  	v16 =	vld.idx.msk [tilespmem:v28+s11+$0x0], $0xffff;
	_ =	sdelay $0x2  }
0x43f: {  	v30 =	vor.u32 v42, v34;
	_ =	sdelay $0x1  }
0x440: {  	v16 =	vmul.f32 v16, v2  }
0x441: {  	v39 =	vld [tilespmem:$0x1F900]  }
0x442: {  	[tilespmem:s31+$0x10F60] =	vst v16  }
0x443: {  	v16 =	vld.idx.msk [tilespmem:v30+s11+$0x0], $0xffff;
	_ =	sdelay $0x2  }
0x444: {  	v41 =	vor.u32 v39, v8;
	_ =	sdelay $0x1  }
0x445: {  	v16 =	vmul.f32 v16, v1;
	_ =	sdelay $0x1  }
0x446: {  	[tilespmem:s31+$0x10F70] =	vst v16  }
0x447: {  	v16 =	vld.idx.msk [tilespmem:v41+s11+$0x0], $0xffff;
	_ =	sdelay $0x2  }
0x448: {  	v42 =	vor.u32 v44, v9;
	_ =	sdelay $0x1  }
0x449: {  	v16 =	vmul.f32 v16, v43  }
0x44a: {  	v44 =	vld [tilespmem:$0x1F920]  }
0x44b: {  	[tilespmem:s31+$0x10B80] =	vst v16  }
0x44c: {  	v16 =	vld.idx.msk [tilespmem:v42+s11+$0x0], $0xffff;
	_ =	sdelay $0x2  }
0x44d: {  	v5 =	vor.u32 v44, v11;
	_ =	sdelay $0x1  }
0x44e: {  	v16 =	vmul.f32 v16, v47;
	_ =	sdelay $0x1  }
0x44f: {  	[tilespmem:s31+$0x10B90] =	vst v16  }
0x450: {  	v16 =	vld.idx.msk [tilespmem:v5+s11+$0x0], $0xffff;
	_ =	sdelay $0x2  }
0x451: {  	v6 =	vor.u32 v46, v13;
	_ =	sdelay $0x1  }
0x452: {  	v16 =	vmul.f32 v16, v51  }
0x453: {  	v20 =	vld [tilespmem:$0x1F940]  }
0x454: {  	[tilespmem:s31+$0x10BA0] =	vst v16  }
0x455: {  	v16 =	vld.idx.msk [tilespmem:v6+s11+$0x0], $0xffff;
	_ =	sdelay $0x2  }
0x456: {  	v22 =	vor.u32 v20, v17;
	_ =	sdelay $0x1  }
0x457: {  	v16 =	vmul.f32 v16, v55;
	_ =	sdelay $0x1  }
0x458: {  	[tilespmem:s31+$0x10BB0] =	vst v16  }
0x459: {  	v16 =	vld.idx.msk [tilespmem:v22+s11+$0x0], $0xffff;
	_ =	sdelay $0x2  }
0x45a: {  	v24 =	vor.u32 v48, v10;
	_ =	sdelay $0x1  }
0x45b: {  	v16 =	vmul.f32 v16, v59  }
0x45c: {  	v26 =	vld [tilespmem:$0x1F960]  }
0x45d: {  	[tilespmem:s31+$0x10BC0] =	vst v16  }
0x45e: {  	v16 =	vld.idx.msk [tilespmem:v24+s11+$0x0], $0xffff;
	_ =	sdelay $0x2  }
0x45f: {  	v28 =	vor.u32 v26, v19;
	_ =	sdelay $0x1  }
0x460: {  	v16 =	vmul.f32 v16, v63;
	_ =	sdelay $0x1  }
0x461: {  	[tilespmem:s31+$0x10BD0] =	vst v16  }
0x462: {  	v16 =	vld.idx.msk [tilespmem:v28+s11+$0x0], $0xffff;
	_ =	sdelay $0x2  }
0x463: {  	v30 =	vor.u32 v49, v21;
	_ =	sdelay $0x1  }
0x464: {  	v16 =	vmul.f32 v16, v7  }
0x465: {  	v39 =	vld [tilespmem:$0x1F980]  }
0x466: {  	[tilespmem:s31+$0x10BE0] =	vst v16  }
0x467: {  	v16 =	vld.idx.msk [tilespmem:v30+s11+$0x0], $0xffff;
	_ =	sdelay $0x2  }
0x468: {  	v41 =	vor.u32 v39, v25;
	_ =	sdelay $0x1  }
0x469: {  	v16 =	vmul.f32 v16, v15;
	_ =	sdelay $0x1  }
0x46a: {  	[tilespmem:s31+$0x10BF0] =	vst v16  }
0x46b: {  	v16 =	vld.idx.msk [tilespmem:v41+s11+$0x0], $0xffff;
	_ =	sdelay $0x2  }
0x46c: {  	v42 =	vor.u32 v52, v12;
	_ =	sdelay $0x1  }
0x46d: {  	v16 =	vmul.f32 v16, v23  }
0x46e: {  	v44 =	vld [tilespmem:$0x1F9A0]  }
0x46f: {  	[tilespmem:s31+$0x10F80] =	vst v16  }
0x470: {  	v16 =	vld.idx.msk [tilespmem:v42+s11+$0x0], $0xffff;
	_ =	sdelay $0x2  }
0x471: {  	v46 =	vor.u32 v44, v27;
	_ =	sdelay $0x1  }
0x472: {  	v16 =	vmul.f32 v16, v31;
	_ =	sdelay $0x1  }
0x473: {  	[tilespmem:s31+$0x10F90] =	vst v16  }
0x474: {  	v16 =	vld.idx.msk [tilespmem:v46+s11+$0x0], $0xffff;
	_ =	sdelay $0x2  }
0x475: {  	v48 =	vor.u32 v53, v29;
	_ =	sdelay $0x1  }
0x476: {  	v16 =	vmul.f32 v16, v35  }
0x477: {  	v49 =	vld [tilespmem:$0x1F9C0]  }
0x478: {  	[tilespmem:s31+$0x10FA0] =	vst v16  }
0x479: {  	v16 =	vld.idx.msk [tilespmem:v48+s11+$0x0], $0xffff;
	_ =	sdelay $0x2  }
0x47a: {  	v52 =	vor.u32 v49, v14;
	_ =	sdelay $0x1  }
0x47b: {  	v16 =	vmul.f32 v16, v40;
	_ =	sdelay $0x1  }
0x47c: {  	[tilespmem:s31+$0x10FB0] =	vst v16  }
0x47d: {  	v16 =	vld.idx.msk [tilespmem:v52+s11+$0x0], $0xffff;
	_ =	sdelay $0x2  }
0x47e: {  	v53 =	vor.u32 v54, v32;
	_ =	sdelay $0x1  }
0x47f: {  	v16 =	vmul.f32 v16, v45  }
0x480: {  	v54 =	vld [tilespmem:$0x1F9E0]  }
0x481: {  	[tilespmem:s31+$0x10FC0] =	vst v16  }
0x482: {  	v16 =	vld.idx.msk [tilespmem:v53+s11+$0x0], $0xffff;
	_ =	sdelay $0x2  }
0x483: {  	v5 =	vor.u32 v54, v33;
	_ =	sdelay $0x1  }
0x484: {  	v16 =	vmul.f32 v16, v50;
	_ =	sdelay $0x1  }
0x485: {  	[tilespmem:s31+$0x10FD0] =	vst v16  }
0x486: {  	v16 =	vld.idx.msk [tilespmem:v5+s11+$0x0], $0xffff;
	_ =	sdelay $0x2  }
0x487: {  	v6 =	vor.u32 v56, v34;
	_ =	sdelay $0x1  }
0x488: {  	v16 =	vmul.f32 v16, v2  }
0x489: {  	v20 =	vld [tilespmem:$0x1FA00]  }
0x48a: {  	[tilespmem:s31+$0x10FE0] =	vst v16  }
0x48b: {  	v16 =	vld.idx.msk [tilespmem:v6+s11+$0x0], $0xffff;
	_ =	sdelay $0x2  }
0x48c: {  	v22 =	vor.u32 v20, v8;
	_ =	sdelay $0x1  }
0x48d: {  	v16 =	vmul.f32 v16, v1;
	_ =	sdelay $0x1  }
0x48e: {  	[tilespmem:s31+$0x10FF0] =	vst v16  }
0x48f: {  	v16 =	vld.idx.msk [tilespmem:v22+s11+$0x0], $0xffff;
	_ =	sdelay $0x2  }
0x490: {  	v24 =	vor.u32 v57, v9;
	_ =	sdelay $0x1  }
0x491: {  	v16 =	vmul.f32 v16, v43  }
0x492: {  	v26 =	vld [tilespmem:$0x1FA20]  }
0x493: {  	[tilespmem:s31+$0x10C00] =	vst v16  }
0x494: {  	v16 =	vld.idx.msk [tilespmem:v24+s11+$0x0], $0xffff;
	_ =	sdelay $0x2  }
0x495: {  	v28 =	vor.u32 v26, v11;
	_ =	sdelay $0x1  }
0x496: {  	v16 =	vmul.f32 v16, v47;
	_ =	sdelay $0x1  }
0x497: {  	[tilespmem:s31+$0x10C10] =	vst v16  }
0x498: {  	v16 =	vld.idx.msk [tilespmem:v28+s11+$0x0], $0xffff;
	_ =	sdelay $0x2  }
0x499: {  	v30 =	vor.u32 v58, v13;
	_ =	sdelay $0x1  }
0x49a: {  	v16 =	vmul.f32 v16, v51  }
0x49b: {  	v39 =	vld [tilespmem:$0x1FA40]  }
0x49c: {  	[tilespmem:s31+$0x10C20] =	vst v16  }
0x49d: {  	v16 =	vld.idx.msk [tilespmem:v30+s11+$0x0], $0xffff;
	_ =	sdelay $0x2  }
0x49e: {  	v41 =	vor.u32 v39, v17;
	_ =	sdelay $0x1  }
0x49f: {  	v16 =	vmul.f32 v16, v55;
	_ =	sdelay $0x1  }
0x4a0: {  	[tilespmem:s31+$0x10C30] =	vst v16  }
0x4a1: {  	v16 =	vld.idx.msk [tilespmem:v41+s11+$0x0], $0xffff;
	_ =	sdelay $0x2  }
0x4a2: {  	v42 =	vor.u32 v60, v10;
	_ =	sdelay $0x1  }
0x4a3: {  	v16 =	vmul.f32 v16, v59  }
0x4a4: {  	v44 =	vld [tilespmem:$0x1FA60]  }
0x4a5: {  	[tilespmem:s31+$0x10C40] =	vst v16  }
0x4a6: {  	v16 =	vld.idx.msk [tilespmem:v42+s11+$0x0], $0xffff;
	_ =	sdelay $0x2  }
0x4a7: {  	v46 =	vor.u32 v44, v19;
	_ =	sdelay $0x1  }
0x4a8: {  	v16 =	vmul.f32 v16, v63;
	_ =	sdelay $0x1  }
0x4a9: {  	[tilespmem:s31+$0x10C50] =	vst v16  }
0x4aa: {  	v16 =	vld.idx.msk [tilespmem:v46+s11+$0x0], $0xffff;
	_ =	sdelay $0x2  }
0x4ab: {  	v48 =	vor.u32 v61, v21;
	_ =	sdelay $0x1  }
0x4ac: {  	v16 =	vmul.f32 v16, v7  }
0x4ad: {  	v49 =	vld [tilespmem:$0x1FA90]  }
0x4ae: {  	[tilespmem:s31+$0x10C60] =	vst v16  }
0x4af: {  	v16 =	vld.idx.msk [tilespmem:v48+s11+$0x0], $0xffff;
	_ =	sdelay $0x2  }
0x4b0: {  	v52 =	vor.u32 v49, v25;
	_ =	sdelay $0x1  }
0x4b1: {  	v16 =	vmul.f32 v16, v15;
	_ =	sdelay $0x1  }
0x4b2: {  	[tilespmem:s31+$0x10C70] =	vst v16  }
0x4b3: {  	v16 =	vld.idx.msk [tilespmem:v52+s11+$0x0], $0xffff;
	_ =	sdelay $0x2  }
0x4b4: {  	v53 =	vor.u32 v62, v12;
	_ =	sdelay $0x1  }
0x4b5: {  	v16 =	vmul.f32 v16, v23  }
0x4b6: {  	v54 =	vld [tilespmem:$0x1FAC0]  }
0x4b7: {  	[tilespmem:s31+$0x11000] =	vst v16  }
0x4b8: {  	v16 =	vld.idx.msk [tilespmem:v53+s11+$0x0], $0xffff;
	_ =	sdelay $0x2  }
0x4b9: {  	v56 =	vor.u32 v54, v27;
	_ =	sdelay $0x1  }
0x4ba: {  	v16 =	vmul.f32 v16, v31  }
0x4bb: {  	v57 =	vld [tilespmem:$0x1FAD0]  }
0x4bc: {  	[tilespmem:s31+$0x11010] =	vst v16  }
0x4bd: {  	v16 =	vld.idx.msk [tilespmem:v56+s11+$0x0], $0xffff;
	_ =	sdelay $0x2  }
0x4be: {  	v58 =	vor.u32 v57, v29;
	_ =	sdelay $0x1  }
0x4bf: {  	v16 =	vmul.f32 v16, v35  }
0x4c0: {  	v60 =	vld [tilespmem:$0x1FAE0]  }
0x4c1: {  	[tilespmem:s31+$0x11020] =	vst v16  }
0x4c2: {  	v16 =	vld.idx.msk [tilespmem:v58+s11+$0x0], $0xffff;
	_ =	sdelay $0x2  }
0x4c3: {  	v61 =	vor.u32 v60, v14;
	_ =	sdelay $0x1  }
0x4c4: {  	v16 =	vmul.f32 v16, v40  }
0x4c5: {  	v62 =	vld [tilespmem:$0x1FB00]  }
0x4c6: {  	[tilespmem:s31+$0x11030] =	vst v16  }
0x4c7: {  	v16 =	vld.idx.msk [tilespmem:v61+s11+$0x0], $0xffff;
	_ =	sdelay $0x2  }
0x4c8: {  	v6 =	vor.u32 v62, v32;
	_ =	sdelay $0x1  }
0x4c9: {  	v16 =	vmul.f32 v16, v45  }
0x4ca: {  	v20 =	vld [tilespmem:$0x1FB10]  }
0x4cb: {  	[tilespmem:s31+$0x11040] =	vst v16  }
0x4cc: {  	v16 =	vld.idx.msk [tilespmem:v6+s11+$0x0], $0xffff;
	_ =	sdelay $0x2  }
0x4cd: {  	v22 =	vor.u32 v20, v33;
	_ =	sdelay $0x1  }
0x4ce: {  	v16 =	vmul.f32 v16, v50  }
0x4cf: {  	v24 =	vld [tilespmem:$0x1FB20]  }
0x4d0: {  	[tilespmem:s31+$0x11050] =	vst v16  }
0x4d1: {  	v16 =	vld.idx.msk [tilespmem:v22+s11+$0x0], $0xffff;
	_ =	sdelay $0x2  }
0x4d2: {  	v26 =	vor.u32 v24, v34;
	_ =	sdelay $0x1  }
0x4d3: {  	v16 =	vmul.f32 v16, v2  }
0x4d4: {  	v28 =	vld [tilespmem:$0x1FB40]  }
0x4d5: {  	[tilespmem:s31+$0x11060] =	vst v16  }
0x4d6: {  	v16 =	vld.idx.msk [tilespmem:v26+s11+$0x0], $0xffff;
	_ =	sdelay $0x2  }
0x4d7: {  	v30 =	vor.u32 v28, v8;
	_ =	sdelay $0x1  }
0x4d8: {  	v16 =	vmul.f32 v16, v1  }
0x4d9: {  	v41 =	vld [tilespmem:$0x1FB50]  }
0x4da: {  	[tilespmem:s31+$0x11070] =	vst v16  }
0x4db: {  	v16 =	vld.idx.msk [tilespmem:v30+s11+$0x0], $0xffff;
	_ =	sdelay $0x2  }
0x4dc: {  	v42 =	vor.u32 v41, v9;
	_ =	sdelay $0x1  }
0x4dd: {  	v16 =	vmul.f32 v16, v43  }
0x4de: {  	v44 =	vld [tilespmem:$0x1FB60]  }
0x4df: {  	[tilespmem:s31+$0x10C80] =	vst v16  }
0x4e0: {  	v16 =	vld.idx.msk [tilespmem:v42+s11+$0x0], $0xffff;
	_ =	sdelay $0x2  }
0x4e1: {  	v46 =	vor.u32 v44, v11;
	_ =	sdelay $0x1  }
0x4e2: {  	v16 =	vmul.f32 v16, v47  }
0x4e3: {  	v48 =	vld [tilespmem:$0x1FB80]  }
0x4e4: {  	[tilespmem:s31+$0x10C90] =	vst v16  }
0x4e5: {  	v16 =	vld.idx.msk [tilespmem:v46+s11+$0x0], $0xffff;
	_ =	sdelay $0x2  }
0x4e6: {  	v49 =	vor.u32 v48, v13;
	_ =	sdelay $0x1  }
0x4e7: {  	v16 =	vmul.f32 v16, v51  }
0x4e8: {  	v52 =	vld [tilespmem:$0x1FB90]  }
0x4e9: {  	[tilespmem:s31+$0x10CA0] =	vst v16  }
0x4ea: {  	v16 =	vld.idx.msk [tilespmem:v49+s11+$0x0], $0xffff;
	_ =	sdelay $0x2  }
0x4eb: {  	v53 =	vor.u32 v52, v17;
	_ =	sdelay $0x1  }
0x4ec: {  	v16 =	vmul.f32 v16, v55  }
0x4ed: {  	v54 =	vld [tilespmem:$0x1FBA0]  }
0x4ee: {  	[tilespmem:s31+$0x10CB0] =	vst v16  }
0x4ef: {  	v16 =	vld.idx.msk [tilespmem:v53+s11+$0x0], $0xffff;
	_ =	sdelay $0x2  }
0x4f0: {  	v56 =	vor.u32 v54, v10;
	_ =	sdelay $0x1  }
0x4f1: {  	v16 =	vmul.f32 v16, v59  }
0x4f2: {  	v57 =	vld [tilespmem:$0x1FBC0]  }
0x4f3: {  	[tilespmem:s31+$0x10CC0] =	vst v16  }
0x4f4: {  	v16 =	vld.idx.msk [tilespmem:v56+s11+$0x0], $0xffff;
	_ =	sdelay $0x2  }
0x4f5: {  	v58 =	vor.u32 v57, v19;
	_ =	sdelay $0x1  }
0x4f6: {  	v16 =	vmul.f32 v16, v63  }
0x4f7: {  	v60 =	vld [tilespmem:$0x1FBD0]  }
0x4f8: {  	[tilespmem:s31+$0x10CD0] =	vst v16  }
0x4f9: {  	v16 =	vld.idx.msk [tilespmem:v58+s11+$0x0], $0xffff;
	_ =	sdelay $0x2  }
0x4fa: {  	v61 =	vor.u32 v60, v21;
	_ =	sdelay $0x1  }
0x4fb: {  	v16 =	vmul.f32 v16, v7  }
0x4fc: {  	v62 =	vld [tilespmem:$0x1FBE0]  }
0x4fd: {  	[tilespmem:s31+$0x10CE0] =	vst v16  }
0x4fe: {  	v16 =	vld.idx.msk [tilespmem:v61+s11+$0x0], $0xffff;
	_ =	sdelay $0x2  }
0x4ff: {  	v6 =	vor.u32 v62, v25;
	_ =	sdelay $0x1  }
0x500: {  	v16 =	vmul.f32 v16, v15  }
0x501: {  	v20 =	vld [tilespmem:$0x1FC00]  }
0x502: {  	[tilespmem:s31+$0x10CF0] =	vst v16  }
0x503: {  	v16 =	vld.idx.msk [tilespmem:v6+s11+$0x0], $0xffff;
	_ =	sdelay $0x2  }
0x504: {  	v22 =	vor.u32 v20, v12;
	_ =	sdelay $0x1  }
0x505: {  	v16 =	vmul.f32 v16, v23  }
0x506: {  	v24 =	vld [tilespmem:$0x1FC10]  }
0x507: {  	[tilespmem:s31+$0x11080] =	vst v16  }
0x508: {  	v16 =	vld.idx.msk [tilespmem:v22+s11+$0x0], $0xffff;
	_ =	sdelay $0x2  }
0x509: {  	v26 =	vor.u32 v24, v27;
	_ =	sdelay $0x1  }
0x50a: {  	v16 =	vmul.f32 v16, v31  }
0x50b: {  	v28 =	vld [tilespmem:$0x1FC20]  }
0x50c: {  	[tilespmem:s31+$0x11090] =	vst v16  }
0x50d: {  	v16 =	vld.idx.msk [tilespmem:v26+s11+$0x0], $0xffff;
	_ =	sdelay $0x2  }
0x50e: {  	v30 =	vor.u32 v28, v29;
	_ =	sdelay $0x1  }
0x50f: {  	v16 =	vmul.f32 v16, v35  }
0x510: {  	v41 =	vld [tilespmem:$0x1FC40]  }
0x511: {  	[tilespmem:s31+$0x110A0] =	vst v16  }
0x512: {  	v16 =	vld.idx.msk [tilespmem:v30+s11+$0x0], $0xffff;
	_ =	sdelay $0x2  }
0x513: {  	v42 =	vor.u32 v41, v14;
	_ =	sdelay $0x1  }
0x514: {  	v16 =	vmul.f32 v16, v40  }
0x515: {  	v44 =	vld [tilespmem:$0x1FC50]  }
0x516: {  	[tilespmem:s31+$0x110B0] =	vst v16  }
0x517: {  	v16 =	vld.idx.msk [tilespmem:v42+s11+$0x0], $0xffff;
	_ =	sdelay $0x2  }
0x518: {  	v46 =	vor.u32 v44, v32;
	_ =	sdelay $0x1  }
0x519: {  	v16 =	vmul.f32 v16, v45  }
0x51a: {  	v48 =	vld [tilespmem:$0x1FC60]  }
0x51b: {  	[tilespmem:s31+$0x110C0] =	vst v16  }
0x51c: {  	v16 =	vld.idx.msk [tilespmem:v46+s11+$0x0], $0xffff;
	_ =	sdelay $0x2  }
0x51d: {  	v49 =	vor.u32 v48, v33;
	_ =	sdelay $0x1  }
0x51e: {  	v16 =	vmul.f32 v16, v50  }
0x51f: {  	v52 =	vld [tilespmem:$0x1FC80]  }
0x520: {  	[tilespmem:s31+$0x110D0] =	vst v16  }
0x521: {  	v16 =	vld.idx.msk [tilespmem:v49+s11+$0x0], $0xffff;
	_ =	sdelay $0x2  }
0x522: {  	v53 =	vor.u32 v52, v34;
	_ =	sdelay $0x1  }
0x523: {  	v16 =	vmul.f32 v16, v2  }
0x524: {  	v54 =	vld [tilespmem:$0x1FC90]  }
0x525: {  	[tilespmem:s31+$0x110E0] =	vst v16  }
0x526: {  	v16 =	vld.idx.msk [tilespmem:v53+s11+$0x0], $0xffff;
	_ =	sdelay $0x2  }
0x527: {  	v56 =	vor.u32 v54, v8;
	_ =	sdelay $0x1  }
0x528: {  	v16 =	vmul.f32 v16, v1  }
0x529: {  	v57 =	vld [tilespmem:$0x1FCA0]  }
0x52a: {  	[tilespmem:s31+$0x110F0] =	vst v16  }
0x52b: {  	v16 =	vld.idx.msk [tilespmem:v56+s11+$0x0], $0xffff;
	_ =	sdelay $0x2  }
0x52c: {  	v58 =	vor.u32 v57, v9;
	_ =	sdelay $0x1  }
0x52d: {  	v16 =	vmul.f32 v16, v43  }
0x52e: {  	v60 =	vld [tilespmem:$0x1FCC0]  }
0x52f: {  	[tilespmem:s31+$0x10D00] =	vst v16  }
0x530: {  	v16 =	vld.idx.msk [tilespmem:v58+s11+$0x0], $0xffff;
	_ =	sdelay $0x2  }
0x531: {  	v61 =	vor.u32 v60, v11;
	_ =	sdelay $0x1  }
0x532: {  	v16 =	vmul.f32 v16, v47  }
0x533: {  	v62 =	vld [tilespmem:$0x1FCD0]  }
0x534: {  	[tilespmem:s31+$0x10D10] =	vst v16  }
0x535: {  	v16 =	vld.idx.msk [tilespmem:v61+s11+$0x0], $0xffff;
	_ =	sdelay $0x2  }
0x536: {  	v6 =	vor.u32 v62, v13;
	_ =	sdelay $0x1  }
0x537: {  	v16 =	vmul.f32 v16, v51  }
0x538: {  	v20 =	vld [tilespmem:$0x1FCE0]  }
0x539: {  	[tilespmem:s31+$0x10D20] =	vst v16  }
0x53a: {  	v16 =	vld.idx.msk [tilespmem:v6+s11+$0x0], $0xffff;
	_ =	sdelay $0x2  }
0x53b: {  	v22 =	vor.u32 v20, v17;
	_ =	sdelay $0x1  }
0x53c: {  	v16 =	vmul.f32 v16, v55  }
0x53d: {  	v24 =	vld [tilespmem:$0x1FD00]  }
0x53e: {  	[tilespmem:s31+$0x10D30] =	vst v16  }
0x53f: {  	v16 =	vld.idx.msk [tilespmem:v22+s11+$0x0], $0xffff;
	_ =	sdelay $0x2  }
0x540: {  	v26 =	vor.u32 v24, v10;
	_ =	sdelay $0x1  }
0x541: {  	v16 =	vmul.f32 v16, v59  }
0x542: {  	v28 =	vld [tilespmem:$0x1FD10]  }
0x543: {  	[tilespmem:s31+$0x10D40] =	vst v16  }
0x544: {  	v16 =	vld.idx.msk [tilespmem:v26+s11+$0x0], $0xffff;
	_ =	sdelay $0x2  }
0x545: {  	v30 =	vor.u32 v28, v19;
	_ =	sdelay $0x1  }
0x546: {  	v16 =	vmul.f32 v16, v63  }
0x547: {  	v41 =	vld [tilespmem:$0x1FD20]  }
0x548: {  	[tilespmem:s31+$0x10D50] =	vst v16  }
0x549: {  	v16 =	vld.idx.msk [tilespmem:v30+s11+$0x0], $0xffff;
	_ =	sdelay $0x2  }
0x54a: {  	v42 =	vor.u32 v41, v21;
	_ =	sdelay $0x1  }
0x54b: {  	v16 =	vmul.f32 v16, v7  }
0x54c: {  	v44 =	vld [tilespmem:$0x1FD40]  }
0x54d: {  	[tilespmem:s31+$0x10D60] =	vst v16  }
0x54e: {  	v16 =	vld.idx.msk [tilespmem:v42+s11+$0x0], $0xffff;
	_ =	sdelay $0x2  }
0x54f: {  	v46 =	vor.u32 v44, v25;
	_ =	sdelay $0x1  }
0x550: {  	v16 =	vmul.f32 v16, v15  }
0x551: {  	v48 =	vld [tilespmem:$0x1FD50]  }
0x552: {  	[tilespmem:s31+$0x10D70] =	vst v16  }
0x553: {  	v16 =	vld.idx.msk [tilespmem:v46+s11+$0x0], $0xffff;
	_ =	sdelay $0x2  }
0x554: {  	v49 =	vor.u32 v48, v12;
	_ =	sdelay $0x1  }
0x555: {  	v16 =	vmul.f32 v16, v23  }
0x556: {  	v52 =	vld [tilespmem:$0x1FD60]  }
0x557: {  	[tilespmem:s31+$0x11100] =	vst v16  }
0x558: {  	v16 =	vld.idx.msk [tilespmem:v49+s11+$0x0], $0xffff;
	_ =	sdelay $0x2  }
0x559: {  	v53 =	vor.u32 v52, v27;
	_ =	sdelay $0x1  }
0x55a: {  	v16 =	vmul.f32 v16, v31  }
0x55b: {  	v54 =	vld [tilespmem:$0x1FD80]  }
0x55c: {  	[tilespmem:s31+$0x11110] =	vst v16  }
0x55d: {  	v16 =	vld.idx.msk [tilespmem:v53+s11+$0x0], $0xffff;
	_ =	sdelay $0x2  }
0x55e: {  	v56 =	vor.u32 v54, v29;
	_ =	sdelay $0x1  }
0x55f: {  	v16 =	vmul.f32 v16, v35  }
0x560: {  	v57 =	vld [tilespmem:$0x1FD90]  }
0x561: {  	[tilespmem:s31+$0x11120] =	vst v16  }
0x562: {  	v16 =	vld.idx.msk [tilespmem:v56+s11+$0x0], $0xffff;
	_ =	sdelay $0x2  }
0x563: {  	v58 =	vor.u32 v57, v14;
	_ =	sdelay $0x1  }
0x564: {  	v16 =	vmul.f32 v16, v40  }
0x565: {  	v60 =	vld [tilespmem:$0x1FDA0]  }
0x566: {  	[tilespmem:s31+$0x11130] =	vst v16  }
0x567: {  	v16 =	vld.idx.msk [tilespmem:v58+s11+$0x0], $0xffff;
	_ =	sdelay $0x2  }
0x568: {  	v61 =	vor.u32 v60, v32;
	_ =	sdelay $0x1  }
0x569: {  	v16 =	vmul.f32 v16, v45  }
0x56a: {  	v62 =	vld [tilespmem:$0x1FDC0]  }
0x56b: {  	[tilespmem:s31+$0x11140] =	vst v16  }
0x56c: {  	v16 =	vld.idx.msk [tilespmem:v61+s11+$0x0], $0xffff;
	_ =	sdelay $0x2  }
0x56d: {  	v6 =	vor.u32 v62, v33;
	_ =	sdelay $0x1  }
0x56e: {  	v16 =	vmul.f32 v16, v50;
	_ =	sdelay $0x1  }
0x56f: {  	[tilespmem:s31+$0x11150] =	vst v16  }
0x570: {  	v16 =	vld.idx.msk [tilespmem:v6+s11+$0x0], $0xffff;
	_ =	sdelay $0x2  }
0x571: {  	v20 =	vor.u32 v0, v34;
	_ =	sdelay $0x1  }
0x572: {  	v16 =	vmul.f32 v16, v2  }
0x573: {  	v22 =	vld [tilespmem:$0x1FDF0]  }
0x574: {  	[tilespmem:s31+$0x11160] =	vst v16  }
0x575: {  	v16 =	vld.idx.msk [tilespmem:v20+s11+$0x0], $0xffff;
	_ =	sdelay $0x2  }
0x576: {  	v8 =	vor.u32 v22, v8;
	_ =	sdelay $0x1  }
0x577: {  	v16 =	vmul.f32 v16, v1  }
0x578: {  	v24 =	vld [tilespmem:$0x1FE20]  }
0x579: {  	[tilespmem:s31+$0x11170] =	vst v16  }
0x57a: {  	v8 =	vld.idx.msk [tilespmem:v8+s11+$0x0], $0xffff;
	_ =	sdelay $0x2  }
0x57b: {  	v9 =	vor.u32 v24, v9;
	_ =	sdelay $0x1  }
0x57c: {  	v8 =	vmul.f32 v8, v43  }
0x57d: {  	v26 =	vld [tilespmem:$0x1FE40]  }
0x57e: {  	[tilespmem:s31+$0x10D80] =	vst v8  }
0x57f: {  	v8 =	vld.idx.msk [tilespmem:v9+s11+$0x0], $0xffff;
	_ =	sdelay $0x2  }
0x580: {  	v28 =	vor.u32 v26, v11;
	_ =	sdelay $0x1  }
0x581: {  	v8 =	vmul.f32 v8, v47  }
0x582: {  	v30 =	vld [tilespmem:$0x1FE60]  }
0x583: {  	[tilespmem:s31+$0x10D90] =	vst v8  }
0x584: {  	v8 =	vld.idx.msk [tilespmem:v28+s11+$0x0], $0xffff;
	_ =	sdelay $0x2  }
0x585: {  	v36 =	vor.u32 v30, v13;
	_ =	sdelay $0x1  }
0x586: {  	v8 =	vmul.f32 v8, v51  }
0x587: {  	v37 =	vld [tilespmem:$0x1FE90]  }
0x588: {  	[tilespmem:s31+$0x10DA0] =	vst v8  }
0x589: {  	v8 =	vld.idx.msk [tilespmem:v36+s11+$0x0], $0xffff;
	_ =	sdelay $0x2  }
0x58a: {  	v38 =	vor.u32 v37, v17;
	_ =	sdelay $0x1  }
0x58b: {  	v8 =	vmul.f32 v8, v55  }
0x58c: {  	v39 =	vld [tilespmem:$0x1FEB0]  }
0x58d: {  	[tilespmem:s31+$0x10DB0] =	vst v8  }
0x58e: {  	v8 =	vld.idx.msk [tilespmem:v38+s11+$0x0], $0xffff;
	_ =	sdelay $0x2  }
0x58f: {  	v41 =	vor.u32 v39, v10;
	_ =	sdelay $0x1  }
0x590: {  	v8 =	vmul.f32 v8, v59  }
0x591: {  	v42 =	vld [tilespmem:$0x1FED0]  }
0x592: {  	[tilespmem:s31+$0x10DC0] =	vst v8  }
0x593: {  	v8 =	vld.idx.msk [tilespmem:v41+s11+$0x0], $0xffff;
	_ =	sdelay $0x2  }
0x594: {  	v43 =	vor.u32 v42, v19;
	_ =	sdelay $0x1  }
0x595: {  	v8 =	vmul.f32 v8, v63  }
0x596: {  	v44 =	vld [tilespmem:$0x1FEF0]  }
0x597: {  	[tilespmem:s31+$0x10DD0] =	vst v8  }
0x598: {  	v8 =	vld.idx.msk [tilespmem:v43+s11+$0x0], $0xffff;
	_ =	sdelay $0x2  }
0x599: {  	v46 =	vor.u32 v44, v21;
	_ =	sdelay $0x1  }
0x59a: {  	v8 =	vmul.f32 v8, v7  }
0x59b: {  	v47 =	vld [tilespmem:$0x1FF10]  }
0x59c: {  	[tilespmem:s31+$0x10DE0] =	vst v8  }
0x59d: {  	v8 =	vld.idx.msk [tilespmem:v46+s11+$0x0], $0xffff;
	_ =	sdelay $0x2  }
0x59e: {  	v48 =	vor.u32 v47, v25;
	_ =	sdelay $0x1  }
0x59f: {  	v8 =	vmul.f32 v8, v15  }
0x5a0: {  	v49 =	vld [tilespmem:$0x1FF30]  }
0x5a1: {  	[tilespmem:s31+$0x10DF0] =	vst v8  }
0x5a2: {  	v8 =	vld.idx.msk [tilespmem:v48+s11+$0x0], $0xffff;
	_ =	sdelay $0x2  }
0x5a3: {  	v51 =	vor.u32 v49, v12;
	_ =	sdelay $0x1  }
0x5a4: {  	v8 =	vmul.f32 v8, v23  }
0x5a5: {  	v52 =	vld [tilespmem:$0x1FF50]  }
0x5a6: {  	[tilespmem:s31+$0x11180] =	vst v8  }
0x5a7: {  	v8 =	vld.idx.msk [tilespmem:v51+s11+$0x0], $0xffff;
	_ =	sdelay $0x2  }
0x5a8: {  	v53 =	vor.u32 v52, v27;
	_ =	sdelay $0x1  }
0x5a9: {  	v8 =	vmul.f32 v8, v31  }
0x5aa: {  	v54 =	vld [tilespmem:$0x1FF70]  }
0x5ab: {  	[tilespmem:s31+$0x11190] =	vst v8  }
0x5ac: {  	v8 =	vld.idx.msk [tilespmem:v53+s11+$0x0], $0xffff;
	_ =	sdelay $0x2  }
0x5ad: {  	v55 =	vor.u32 v54, v29;
	_ =	sdelay $0x1  }
0x5ae: {  	v8 =	vmul.f32 v8, v35  }
0x5af: {  	v56 =	vld [tilespmem:$0x1FF90]  }
0x5b0: {  	[tilespmem:s31+$0x111A0] =	vst v8  }
0x5b1: {  	v8 =	vld.idx.msk [tilespmem:v55+s11+$0x0], $0xffff;
	_ =	sdelay $0x2  }
0x5b2: {  	v57 =	vor.u32 v56, v14;
	_ =	sdelay $0x1  }
0x5b3: {  	v8 =	vmul.f32 v8, v40  }
0x5b4: {  	v58 =	vld [tilespmem:$0x1FFB0]  }
0x5b5: {  	[tilespmem:s31+$0x111B0] =	vst v8  }
0x5b6: {  	v8 =	vld.idx.msk [tilespmem:v57+s11+$0x0], $0xffff;
	_ =	sdelay $0x2  }
0x5b7: {  	v59 =	vor.u32 v58, v32;
	_ =	sdelay $0x1  }
0x5b8: {  	v8 =	vmul.f32 v8, v45  }
0x5b9: {  	v60 =	vld [tilespmem:$0x1FFD0]  }
0x5ba: {  	[tilespmem:s31+$0x111C0] =	vst v8  }
0x5bb: {  	v8 =	vld.idx.msk [tilespmem:v59+s11+$0x0], $0xffff;
	_ =	sdelay $0x2  }
0x5bc: {  	v61 =	vor.u32 v60, v33;
	_ =	sdelay $0x1  }
0x5bd: {  	v8 =	vmul.f32 v8, v50  }
0x5be: {  	v62 =	vld [tilespmem:$0x1FFF0]  }
0x5bf: {  	[tilespmem:s31+$0x111D0] =	vst v8  }
0x5c0: {  	v8 =	vld.idx.msk [tilespmem:v61+s11+$0x0], $0xffff;
	_ =	sdelay $0x2  }
0x5c1: {  	v63 =	vor.u32 v62, v34;
	_ =	sdelay $0x1  }
0x5c2: {  	v8 =	vmul.f32 v8, v2;
	_ =	sdelay $0x1  }
0x5c3: {  	[tilespmem:s31+$0x111E0] =	vst v8  }
0x5c4: {  	v8 =	vld.idx.msk [tilespmem:v63+s11+$0x0], $0xffff;
	_ =	sdelay $0x3  }
0x5c5: {  	p0 =	sne.s32 s17, $0x10  }
.Ltmp0:
0x5c6: {  	v8 =	vmul.f32 v8, v1;
	(pc) =	sbr.rel @p0 .LBB2_2-.Ltmp0, $4  }
0x5c7: {  	_ = 	snop  }
0x5c8: {  	s18 =	sadd.s32 $0x3, s18;
	s19 =	sor.u32 $0x10200, s31;
	[tilespmem:s31+$0x111F0] =	vst v8  }
0x5c9: {  	[hbm4b:s16+s1] =	stream.linear.scatter [tilespmem:s19], [sflag:s18], $0x1000, $0x38;
	[tilespmem:$0x12200] =	vst v63  }
0x5ca: {  	s15 =	sadd.s32 $0x1000, s15;
	s16 =	sadd.s32 $0x200, s16;
	s19 =	smov.u32 s17  }
0x5cb: {  	s14 =	sadd.s32 $0x1, s14  }
0x5cc: {  	_ =	swait.ge [sflag:s12], $0x1000;
	p0 =	sne.s32 s14, s6  }
.Ltmp1:
0x5cd: {  	[sflag:s12] =	ssyncset.done $0x0;
	(pc) =	sbr.rel @p0 .LBB2_1-.Ltmp1, $4  }
0x5ce: {  	[sflag:s12] =	ssyncadd.s32 $0xFFFFF000  }
0x5cf: {  	_ =	swait.ge [sflag:s13], $0x1000  }
0x5d0: {  	[sflag:s13] =	ssyncset.done $0x0  }
0x5d1: {  	[sflag:s13] =	ssyncadd.s32 $0xFFFFF000  }
0x5d2: {  	_ =	sfence.sel $0x180000  }
0x5d3: {  	[bflag:$0x0] =	sbarrier.arrive $0xFFFF  }
0x5d4: {  	p0 =	sne.s32 s2, $0x0;
	_ =	strace $0x90000047  }
0x5d5: {  	s0 =	sadd.s32 @!p0 $0x100000, s0;
	[bflag:$0x2] =	sbarrier.arrive $0xFFFF  }
0x5d6: {  	[sflag:s0] =	ssyncadd.tile.s32 @!p0 $0x1;
	_ =	shalt  }
.Lfunc_end2:
_tile_overlayer_lowered:
.L_overlay_start_2:
0x5d7: {  	(tag) =	ssettag $0x2  }
0x5d8: {  	s0 =	rddreg [dreg:$0x0];
	s2 =	stileid.u32  }
0x5d9: {  	s1 =	rddreg [dreg:$0x1];
	p0 =	sne.s32 s2, $0x0  }
0x5da: {  	s3 =	rddreg [dreg:$0x2];
	[bflag:$0x3] =	sbarrier.arrive $0xFFFF;
	s2 =	simm.s32 @!p0 $0x1C05  }
0x5db: {  	[timem:s3], [sflag:s2] =	dma.local @!p0 [hbm:s0], s1  }
0x5dc: {  	s0 =	simm.s32 @!p0 $0x5  }
0x5dd: {  	_ =	swait.ge @!p0 [sflag:s0], s1  }
0x5de: {  	s1 =	ssub.s32 @!p0 $0x0, s1;
	[sflag:s0] =	ssyncset.done @!p0 $0x0  }
0x5df: {  	[sflag:s0] =	ssyncadd.s32 @!p0 s1  }
0x5e0: {  	[bflag:$0x3] =	sbarrier.arrive $0xFFFF  }
0x5e1: {  	_ =	shalt  }

</sc_bundles>
